<compile_context>
chip_gen: v7x
topology: tpu7x:2x2x1
jax: 0.10.2.dev20260603
libtpu: 0.0.44.dev20260713+nightly
codegen_flags: <defaults>
</compile_context>

<pallas_src>
import functools

import jax
import jax.numpy as jnp
from jax import lax
from jax.experimental import pallas as pl
from jax.experimental.pallas import tpu as pltpu
from jax.experimental.pallas import tpu_sc as plsc

N = 10000
E = 320000
H = 128

NC, NS = 2, 16
NW = NC * NS

_EPS = 1e-5

_NP = 2
_EP = E // _NP


def _gelu(h):
    return 0.5 * h * (1.0 + lax.erf(h * 0.7071067811865476))


def _ln(h, g, b):
    m = jnp.mean(h, axis=-1, keepdims=True)
    v = jnp.mean((h - m) ** 2, axis=-1, keepdims=True)
    return (h - m) * lax.rsqrt(v + _EPS) * g + b


def _premul_body(x_ref, ws_ref, wd_ref, xs_ref, xd_ref):
    x = x_ref[...]
    xs_ref[...] = jnp.dot(x, ws_ref[...], preferred_element_type=jnp.float32)
    xd_ref[...] = jnp.dot(x, wd_ref[...], preferred_element_type=jnp.float32)


def _premul(x, ws, wd):
    bn = 2000
    return pl.pallas_call(
        _premul_body,
        grid=(N // bn,),
        in_specs=[
            pl.BlockSpec((bn, H), lambda i: (i, 0)),
            pl.BlockSpec((H, H), lambda i: (0, 0)),
            pl.BlockSpec((H, H), lambda i: (0, 0)),
        ],
        out_specs=[
            pl.BlockSpec((bn, H), lambda i: (i, 0)),
            pl.BlockSpec((bn, H), lambda i: (i, 0)),
        ],
        out_shape=[
            jax.ShapeDtypeStruct((N, H), jnp.float32),
            jax.ShapeDtypeStruct((N, H), jnp.float32),
        ],
    )(x, ws, wd)


_GCH = 128


def _gather_add(xs, xd, s_idx, r_idx):
    mesh = plsc.VectorSubcoreMesh(core_axis_name="c", subcore_axis_name="s")
    ep = s_idx.shape[0]
    epw = ep // NW
    gn = -(-epw // _GCH)

    @functools.partial(
        pl.kernel,
        mesh=mesh,
        out_type=jax.ShapeDtypeStruct((ep, H), jnp.float32),
        scratch_types=[
            pltpu.VMEM((epw,), jnp.int32),
            pltpu.VMEM((epw,), jnp.int32),
            [pltpu.VMEM((_GCH, H), jnp.float32)] * 2,
            [pltpu.VMEM((_GCH, H), jnp.float32)] * 2,
            [pltpu.SemaphoreType.DMA] * 2,
            [pltpu.SemaphoreType.DMA] * 2,
            [pltpu.SemaphoreType.DMA] * 2,
        ],
    )
    def k(xs_hbm, xd_hbm, s_hbm, r_hbm, g_hbm, sall, rall, rows_s, rows_r,
          sem_s, sem_r, sem_st):
        wid = lax.axis_index("s") * NC + lax.axis_index("c")
        base0 = wid * epw

        pltpu.sync_copy(s_hbm.at[pl.ds(base0, epw)], sall)
        pltpu.sync_copy(r_hbm.at[pl.ds(base0, epw)], rall)

        def off_of(j):
            return lax.min(j * _GCH, epw - _GCH)

        def fire(j, b):
            off = off_of(j)
            pltpu.async_copy(xs_hbm.at[sall.at[pl.ds(off, _GCH)]],
                             rows_s[b], sem_s[b])
            pltpu.async_copy(xd_hbm.at[rall.at[pl.ds(off, _GCH)]],
                             rows_r[b], sem_r[b])

        def proc(j, b):
            pltpu.make_async_copy(xs_hbm.at[sall.at[pl.ds(0, _GCH)]],
                                  rows_s[b], sem_s[b]).wait()
            pltpu.make_async_copy(xd_hbm.at[rall.at[pl.ds(0, _GCH)]],
                                  rows_r[b], sem_r[b]).wait()

            def add_row(rr, c2):
                for cc in range(H // 16):
                    sl = pl.ds(cc * 16, 16)
                    rows_s[b][rr, sl] = rows_s[b][rr, sl] + rows_r[b][rr, sl]
                return c2

            lax.fori_loop(0, _GCH, add_row, 0)
            pltpu.async_copy(rows_s[b],
                             g_hbm.at[pl.ds(base0 + off_of(j), _GCH), :],
                             sem_st[b])

        def drain_store(b):
            pltpu.make_async_copy(rows_s[b],
                                  g_hbm.at[pl.ds(base0, _GCH), :],
                                  sem_st[b]).wait()

        fire(0, 0)
        npairs = (gn - 1) // 2

        def outer(i, carry):
            for b in range(2):
                j = 2 * i + b
                if b == 0:
                    @pl.when(i > 0)
                    def _():
                        drain_store(1)
                else:
                    drain_store(0)
                fire(j + 1, 1 - b)
                proc(j, b)
            return carry

        lax.fori_loop(0, npairs, outer, 0)
        for j in range(2 * npairs, gn):
            drain_store((j + 1) % 2)
            if j + 1 < gn:
                fire(j + 1, (j + 1) % 2)
            proc(j, j % 2)
        drain_store((gn - 1) % 2)

    return k(xs, xd, s_idx, r_idx)


def _edge_mlp_body(ea_ref, g_ref, a1_ref, b1_ref, w2_ref, b2_ref, w3_ref,
                   b3_ref, lng_ref, lnb_ref, eo_ref, en_ref):
    ea = ea_ref[...]
    h = jnp.dot(ea, a1_ref[...], preferred_element_type=jnp.float32)
    h = _gelu(h + g_ref[...] + b1_ref[...])
    h = jnp.dot(h, w2_ref[...], preferred_element_type=jnp.float32)
    h = _gelu(h + b2_ref[...])
    h = jnp.dot(h, w3_ref[...], preferred_element_type=jnp.float32) + b3_ref[...]
    en = _ln(h, lng_ref[...], lnb_ref[...])
    en_ref[...] = en
    eo_ref[...] = ea + en


def _edge_mlp_body_aliased(ea_ref, g_ref, a1_ref, b1_ref, w2_ref, b2_ref,
                           w3_ref, b3_ref, lng_ref, lnb_ref, eoprev_ref,
                           eo_ref, en_ref):
    _edge_mlp_body(ea_ref, g_ref, a1_ref, b1_ref, w2_ref, b2_ref, w3_ref,
                   b3_ref, lng_ref, lnb_ref, eo_ref, en_ref)


def _edge_mlp(piece, ea, g, a1, b1, w2, b2, w3, b3, lng, lnb, eo_prev):
    be = 1600
    ep = g.shape[0]
    off = piece * ep // be
    rowg = pl.BlockSpec((be, H), lambda i: (i, 0))
    rowl = pl.BlockSpec((be, H), lambda i: (i, 0))
    rowe = pl.BlockSpec((be, H), lambda i: (i + off, 0))
    wspec = pl.BlockSpec((H, H), lambda i: (0, 0))
    vspec = pl.BlockSpec((1, H), lambda i: (0, 0))
    in_specs = [rowe, rowg, wspec, vspec, wspec, vspec, wspec, vspec, vspec,
                vspec]
    args = [ea, g, a1, b1, w2, b2, w3, b3, lng, lnb]
    if eo_prev is None:
        body = _edge_mlp_body
        aliases = {}
    else:
        body = _edge_mlp_body_aliased
        in_specs = in_specs + [pl.BlockSpec((8, H), lambda i: (0, 0))]
        args = args + [eo_prev]
        aliases = {10: 0}
    return pl.pallas_call(
        body,
        grid=(ep // be,),
        in_specs=in_specs,
        out_specs=[rowe, rowl],
        out_shape=[
            jax.ShapeDtypeStruct((E, H), jnp.float32),
            jax.ShapeDtypeStruct((ep, H), jnp.float32),
        ],
        input_output_aliases=aliases,
    )(*args)


_SCH = 128


_ZR = 25


def _scatter(en, ridx, sidx):
    mesh = plsc.VectorSubcoreMesh(core_axis_name="c", subcore_axis_name="s")
    ep = en.shape[0]
    ept = ep // NS
    sn = ept // _SCH
    tail = ept - sn * _SCH

    @functools.partial(
        pl.kernel,
        mesh=mesh,
        out_type=jax.ShapeDtypeStruct((2, N, H), jnp.float32),
        scratch_types=[
            [pltpu.VMEM((_SCH,), jnp.int32)] * 2,
            [pltpu.VMEM((_SCH, H), jnp.float32)] * 2,
            pltpu.VMEM((16,), jnp.int32),
            pltpu.VMEM((16, H), jnp.float32),
            pltpu.VMEM((_ZR, H), jnp.float32),
            pltpu.VMEM_SHARED((N, H), jnp.float32),
            [pltpu.SemaphoreType.DMA] * 2,
            [pltpu.SemaphoreType.DMA] * 2,
            [pltpu.SemaphoreType.DMA] * 2,
        ],
    )
    def k(en_hbm, r_hbm, s_hbm, out_hbm, idxbuf, rows, tibuf, trows, zbuf,
          agg, sem_i, sem_d, sem_sc):
        c = lax.axis_index("c")
        t = lax.axis_index("s")

        def zrow(rr, carry):
            for cc in range(H // 16):
                zbuf[rr, pl.ds(cc * 16, 16)] = jnp.zeros((16,), jnp.float32)
            return carry

        lax.fori_loop(0, _ZR, zrow, 0)
        nz = N // NS // _ZR
        for zz in range(nz):
            pltpu.sync_copy(
                zbuf, agg.at[pl.ds((t * nz + zz) * _ZR, _ZR), :])

        plsc.subcore_barrier()

        def fire(j, b):
            base = t * ept + j * _SCH

            @pl.when(c == 0)
            def _():
                pltpu.async_copy(r_hbm.at[pl.ds(base, _SCH)], idxbuf[b],
                                 sem_i[b])

            @pl.when(c == 1)
            def _():
                pltpu.async_copy(s_hbm.at[pl.ds(base, _SCH)], idxbuf[b],
                                 sem_i[b])

            pltpu.async_copy(en_hbm.at[pl.ds(base, _SCH), :], rows[b],
                             sem_d[b])

        def scat(b):
            pltpu.make_async_copy(r_hbm.at[pl.ds(0, _SCH)], idxbuf[b],
                                  sem_i[b]).wait()
            pltpu.make_async_copy(en_hbm.at[pl.ds(0, _SCH), :], rows[b],
                                  sem_d[b]).wait()
            pltpu.async_copy(rows[b], agg.at[idxbuf[b]], sem_sc[b], add=True)

        def drain_scat(b):
            pltpu.make_async_copy(rows[b], agg.at[idxbuf[b]],
                                  sem_sc[b]).wait()

        fire(0, 0)
        npairs = (sn - 1) // 2

        def outer(i, carry):
            for b in range(2):
                j = 2 * i + b
                if b == 0:
                    @pl.when(i > 0)
                    def _():
                        drain_scat(1)
                else:
                    drain_scat(0)
                fire(j + 1, 1 - b)
                scat(b)
            return carry

        lax.fori_loop(0, npairs, outer, 0)
        for j in range(2 * npairs, sn):
            drain_scat((j + 1) % 2)
            if j + 1 < sn:
                fire(j + 1, (j + 1) % 2)
            scat(j % 2)
        drain_scat((sn - 1) % 2)
        if tail:
            tbase = t * ept + sn * _SCH

            @pl.when(c == 0)
            def _():
                pltpu.sync_copy(r_hbm.at[pl.ds(tbase, tail)], tibuf)

            @pl.when(c == 1)
            def _():
                pltpu.sync_copy(s_hbm.at[pl.ds(tbase, tail)], tibuf)

            pltpu.sync_copy(en_hbm.at[pl.ds(tbase, tail), :], trows)
            pltpu.sync_copy(trows, agg.at[tibuf], add=True)
        plsc.subcore_barrier()

        @pl.when(t < 10)
        def _():
            sl = pl.ds(t * (N // 10), N // 10)
            pltpu.sync_copy(agg.at[sl, :], out_hbm.at[c, sl, :])

    return k(en, ridx, sidx)


def _node_mlp_body(*refs):
    x_ref = refs[0]
    np_ = _NP
    ar_refs = refs[1:1 + np_]
    as_refs = refs[1 + np_:1 + 2 * np_]
    (w1x_ref, w1r_ref, w1s_ref, b1_ref, w2_ref, b2_ref, w3_ref, b3_ref,
     lng_ref, lnb_ref, xo_ref) = refs[1 + 2 * np_:]
    x = x_ref[...]
    aggr = ar_refs[0][...]
    aggs = as_refs[0][...]
    for rr in ar_refs[1:]:
        aggr = aggr + rr[...]
    for rr in as_refs[1:]:
        aggs = aggs + rr[...]
    h = (jnp.dot(x, w1x_ref[...], preferred_element_type=jnp.float32)
         + jnp.dot(aggr, w1r_ref[...], preferred_element_type=jnp.float32)
         + jnp.dot(aggs, w1s_ref[...], preferred_element_type=jnp.float32))
    h = _gelu(h + b1_ref[...])
    h = jnp.dot(h, w2_ref[...], preferred_element_type=jnp.float32)
    h = _gelu(h + b2_ref[...])
    h = jnp.dot(h, w3_ref[...], preferred_element_type=jnp.float32) + b3_ref[...]
    xo_ref[...] = x + _ln(h, lng_ref[...], lnb_ref[...])


def _node_mlp(x, aggr_list, aggs_list, w1x, w1r, w1s, b1, w2, b2, w3, b3,
              lng, lnb):
    bn = 2000
    np_ = len(aggr_list)
    row = pl.BlockSpec((bn, H), lambda i: (i, 0))
    wspec = pl.BlockSpec((H, H), lambda i: (0, 0))
    vspec = pl.BlockSpec((1, H), lambda i: (0, 0))
    return pl.pallas_call(
        _node_mlp_body,
        grid=(N // bn,),
        in_specs=([row] + [row] * (2 * np_)
                  + [wspec, wspec, wspec, vspec, wspec, vspec, wspec, vspec,
                     vspec, vspec]),
        out_specs=row,
        out_shape=jax.ShapeDtypeStruct((N, H), jnp.float32),
    )(x, *aggr_list, *aggs_list, w1x, w1r, w1s, b1, w2, b2, w3, b3, lng, lnb)


def kernel(x, edge_attr, edge_index, params):
    p = params
    senders = edge_index[0]
    receivers = edge_index[1]

    eb_w1 = p["eb_W1"]
    a1, ws, wd = eb_w1[:H], eb_w1[H:2 * H], eb_w1[2 * H:]

    xs1, xd1 = _premul(x, ws, wd)

    r1 = lambda a: a.reshape(1, H)
    eb_args = (a1, r1(p["eb_b1"]), p["eb_W2"], r1(p["eb_b2"]),
               p["eb_W3"], r1(p["eb_b3"]), r1(p["eb_lng"]), r1(p["eb_lnb"]))

    s_p = [senders[i * _EP:(i + 1) * _EP] for i in range(_NP)]
    r_p = [receivers[i * _EP:(i + 1) * _EP] for i in range(_NP)]

    g_p = [_gather_add(xs1, xd1, s_p[i], r_p[i]) for i in range(_NP)]

    eo = None
    en_p = []
    for i in range(_NP):
        eo, en = _edge_mlp(i, edge_attr, g_p[i], *eb_args, eo_prev=eo)
        en_p.append(en)

    aggs = [_scatter(en_p[i], r_p[i], s_p[i]) for i in range(_NP)]

    nb_w1 = p["nb_W1"]
    half = nb_w1[H:]
    zpad = jnp.zeros((H // 2, H), jnp.float32)
    w1x = nb_w1[:H]
    w1r = jnp.concatenate([half, zpad], axis=0)
    w1s = jnp.concatenate([zpad, half], axis=0)

    x_out = _node_mlp(
        x, [a[0] for a in aggs], [a[1] for a in aggs], w1x, w1r, w1s,
        r1(p["nb_b1"]), p["nb_W2"], r1(p["nb_b2"]), p["nb_W3"],
        r1(p["nb_b3"]), r1(p["nb_lng"]), r1(p["nb_lnb"]))

    return (x_out, eo)

# --- scband reference (transcript-rebuilt; emitter-appended) ---
"""Pipeline reference for scband-gn-block-15599321219559 (READ-ONLY COPY).

The authoritative reference and input builder live on the scoring server;
editing this copy changes nothing except your own understanding.
"""

import jax, jax.numpy as jnp
import numpy as np

N_NODES = 10000
N_EDGES = 320000
H = 128

def _ln(h, g, b, eps=1e-5):
    m = jnp.mean(h, axis=-1, keepdims=True)
    v = jnp.var(h, axis=-1, keepdims=True)
    return (h - m) / jnp.sqrt(v + eps) * g + b

def _mlp(h, p, pre):
    h = jax.nn.gelu(h @ p[pre + "_W1"] + p[pre + "_b1"], approximate=False)
    h = jax.nn.gelu(h @ p[pre + "_W2"] + p[pre + "_b2"], approximate=False)
    h = h @ p[pre + "_W3"] + p[pre + "_b3"]
    return _ln(h, p[pre + "_lng"], p[pre + "_lnb"])

def _init_mlp(key, pre, in_size, hid, out):
    k1, k2, k3 = jax.random.split(key, 3)
    return {
        pre + "_W1": jax.random.normal(k1, (in_size, hid), jnp.float32) / np.sqrt(in_size),
        pre + "_b1": jnp.zeros((hid,), jnp.float32),
        pre + "_W2": jax.random.normal(k2, (hid, hid), jnp.float32) / np.sqrt(hid),
        pre + "_b2": jnp.zeros((hid,), jnp.float32),
        pre + "_W3": jax.random.normal(k3, (hid, out), jnp.float32) / np.sqrt(hid),
        pre + "_b3": jnp.zeros((out,), jnp.float32),
        pre + "_lng": jnp.ones((out,), jnp.float32),
        pre + "_lnb": jnp.zeros((out,), jnp.float32),
    }

def setup_inputs(seed: int = 0):
    key = jax.random.key(seed)
    k1, k2, k3, k4, k5 = jax.random.split(key, 5)
    x = jax.random.normal(k1, (N_NODES, H), jnp.float32)
    edge_attr = jax.random.normal(k2, (N_EDGES, H), jnp.float32)
    edge_index = jax.random.randint(k3, (2, N_EDGES), 0, N_NODES, jnp.int32)
    params = {}
    params.update(_init_mlp(k4, "eb", 3 * H, H, H))
    params.update(_init_mlp(k5, "nb", H + H // 2, H, H))
    return {"x": x, "edge_attr": edge_attr, "edge_index": edge_index, "params": params}

def reference(x, edge_attr, edge_index, params):
    senders = edge_index[0]
    receivers = edge_index[1]
    # EdgeBlock: concat(edge_attr, x[src], x[dst]) -> MLP (3H -> H) with LayerNorm
    eb_in = jnp.concatenate([edge_attr, x[senders], x[receivers]], axis=-1)
    edge_new = _mlp(eb_in, params, "eb")
    # NodeBlock: twice (bidirectional) message passing; edge feats chunked into
    # two H/2 halves, scatter-added to receivers and senders respectively
    c_recv, c_send = jnp.split(edge_new, 2, axis=-1)
    agg = jnp.zeros((x.shape[0], H // 2), x.dtype)
    agg = agg.at[receivers].add(c_recv)
    agg = agg.at[senders].add(c_send)
    nb_in = jnp.concatenate([x, agg], axis=-1)  # H + H//2
    x_new = _mlp(nb_in, params, "nb")
    # residual connections
    return (x + x_new, edge_attr + edge_new)

if __name__ == "__main__":
    import jax
    _d = setup_inputs()
    print(jax.jit(kernel)(*tuple(_d.values())))

</pallas_src>

<mosaic_0001>
#map = affine_map<(d0, d1) -> (0, 0)>
#map1 = affine_map<(d0, d1) -> (0)>
module attributes {stable_mosaic.version = 14 : i64} {
  func.func @k(%arg0: i32, %arg1: i32, %arg2: memref<10000x128xf32, #tpu.memory_space<hbm>>, %arg3: memref<10000x128xf32, #tpu.memory_space<hbm>>, %arg4: memref<160000xi32, #tpu.memory_space<hbm>>, %arg5: memref<160000xi32, #tpu.memory_space<hbm>>, %arg6: memref<160000x128xf32, #tpu.memory_space<hbm>>, %arg7: memref<5000xi32, #tpu.memory_space<vmem>>, %arg8: memref<5000xi32, #tpu.memory_space<vmem>>, %arg9: memref<128x128xf32, #tpu.memory_space<vmem>>, %arg10: memref<128x128xf32, #tpu.memory_space<vmem>>, %arg11: memref<128x128xf32, #tpu.memory_space<vmem>>, %arg12: memref<128x128xf32, #tpu.memory_space<vmem>>, %arg13: memref<!tpu.dma_semaphore, #tpu.memory_space<semaphore_mem>>, %arg14: memref<!tpu.dma_semaphore, #tpu.memory_space<semaphore_mem>>, %arg15: memref<!tpu.dma_semaphore, #tpu.memory_space<semaphore_mem>>, %arg16: memref<!tpu.dma_semaphore, #tpu.memory_space<semaphore_mem>>, %arg17: memref<!tpu.dma_semaphore, #tpu.memory_space<semaphore_mem>>, %arg18: memref<!tpu.dma_semaphore, #tpu.memory_space<semaphore_mem>>) attributes {dimension_semantics = [#tpu.dimension_semantics<core_parallel>, #tpu.dimension_semantics<subcore_parallel>], iteration_bounds = array<i64: 2, 16>, scalar_prefetch = 0 : i64, scratch_operands = 12 : i64, tpu.core_type = #tpu.core_type<sc_vector_subcore>, window_params = [{transform_indices = #map}, {transform_indices = #map}, {transform_indices = #map1}, {transform_indices = #map1}, {transform_indices = #map}]} {
    %mul3A = arith.constant 2 : i32
    %mul3A_0 = arith.muli %arg1, %mul3A : i32
    %add3A = arith.addi %mul3A_0, %arg0 : i32
    %mul3A_1 = arith.constant 5000 : i32
    %mul3A_2 = arith.muli %add3A, %mul3A_1 : i32
    "tpu.region"() ({
      %run_scoped3A = tpu.sem_alloc : memref<!tpu.dma_semaphore, #tpu.memory_space<semaphore_mem>>
      %dma_start3A_87 = tpu.memref_slice %arg4[%mul3A_2] : memref<160000xi32, #tpu.memory_space<hbm>> -> memref<5000xi32, #tpu.memory_space<hbm>>
      %dma_start3A_88 = tpu.memref_slice %arg4[%mul3A_2] : memref<160000xi32, #tpu.memory_space<hbm>> -> memref<5000xi32, #tpu.memory_space<hbm>>
      tpu.enqueue_dma source(%dma_start3A_88 : memref<5000xi32, #tpu.memory_space<hbm>>) target(%arg7 : memref<5000xi32, #tpu.memory_space<vmem>>) target_semaphore(%run_scoped3A : memref<!tpu.dma_semaphore, #tpu.memory_space<semaphore_mem>>)
      %dma_wait3A_89 = tpu.memref_slice %arg4[%mul3A_2] : memref<160000xi32, #tpu.memory_space<hbm>> -> memref<5000xi32, #tpu.memory_space<hbm>>
      %dma_wait3A_90 = tpu.memref_slice %arg4[%mul3A_2] : memref<160000xi32, #tpu.memory_space<hbm>> -> memref<5000xi32, #tpu.memory_space<hbm>>
      tpu.wait_dma2 semaphore(%run_scoped3A : memref<!tpu.dma_semaphore, #tpu.memory_space<semaphore_mem>>) src(%dma_wait3A_90 : memref<5000xi32, #tpu.memory_space<hbm>>) dst(%arg7 : memref<5000xi32, #tpu.memory_space<vmem>>)
      tpu.yield
    }) : () -> ()
    "tpu.region"() ({
      %run_scoped3A = tpu.sem_alloc : memref<!tpu.dma_semaphore, #tpu.memory_space<semaphore_mem>>
      %dma_start3A_87 = tpu.memref_slice %arg5[%mul3A_2] : memref<160000xi32, #tpu.memory_space<hbm>> -> memref<5000xi32, #tpu.memory_space<hbm>>
      %dma_start3A_88 = tpu.memref_slice %arg5[%mul3A_2] : memref<160000xi32, #tpu.memory_space<hbm>> -> memref<5000xi32, #tpu.memory_space<hbm>>
      tpu.enqueue_dma source(%dma_start3A_88 : memref<5000xi32, #tpu.memory_space<hbm>>) target(%arg8 : memref<5000xi32, #tpu.memory_space<vmem>>) target_semaphore(%run_scoped3A : memref<!tpu.dma_semaphore, #tpu.memory_space<semaphore_mem>>)
      %dma_wait3A_89 = tpu.memref_slice %arg5[%mul3A_2] : memref<160000xi32, #tpu.memory_space<hbm>> -> memref<5000xi32, #tpu.memory_space<hbm>>
      %dma_wait3A_90 = tpu.memref_slice %arg5[%mul3A_2] : memref<160000xi32, #tpu.memory_space<hbm>> -> memref<5000xi32, #tpu.memory_space<hbm>>
      tpu.wait_dma2 semaphore(%run_scoped3A : memref<!tpu.dma_semaphore, #tpu.memory_space<semaphore_mem>>) src(%dma_wait3A_90 : memref<5000xi32, #tpu.memory_space<hbm>>) dst(%arg8 : memref<5000xi32, #tpu.memory_space<vmem>>)
      tpu.yield
    }) : () -> ()
    %min3A = arith.constant 0 : i32
    %min3A_3 = arith.constant 4872 : i32
    %min3A_4 = arith.minsi %min3A, %min3A_3 : i32
    %dma_start3A = tpu.memref_slice %arg7[%min3A_4] : memref<5000xi32, #tpu.memory_space<vmem>> -> memref<128xi32, #tpu.memory_space<vmem>>
    %dma_start3A_5 = arith.constant 0 : i32
    %dma_start3A_6 = arith.constant 0 : i32
    %dma_start3A_7 = tpu.memref_slice %arg2[%dma_start3A_5, %dma_start3A_6] : memref<10000x128xf32, #tpu.memory_space<hbm>> -> memref<10000x128xf32, #tpu.memory_space<hbm>>
    tpu.enqueue_indirect_dma source(%dma_start3A_7 : memref<10000x128xf32, #tpu.memory_space<hbm>>) target(%arg9 : memref<128x128xf32, #tpu.memory_space<vmem>>) offsets(%dma_start3A : memref<128xi32, #tpu.memory_space<vmem>>) semaphore(%arg13 : memref<!tpu.dma_semaphore, #tpu.memory_space<semaphore_mem>>)
    %dma_start3A_8 = tpu.memref_slice %arg8[%min3A_4] : memref<5000xi32, #tpu.memory_space<vmem>> -> memref<128xi32, #tpu.memory_space<vmem>>
    %dma_start3A_9 = arith.constant 0 : i32
    %dma_start3A_10 = arith.constant 0 : i32
    %dma_start3A_11 = tpu.memref_slice %arg3[%dma_start3A_9, %dma_start3A_10] : memref<10000x128xf32, #tpu.memory_space<hbm>> -> memref<10000x128xf32, #tpu.memory_space<hbm>>
    tpu.enqueue_indirect_dma source(%dma_start3A_11 : memref<10000x128xf32, #tpu.memory_space<hbm>>) target(%arg11 : memref<128x128xf32, #tpu.memory_space<vmem>>) offsets(%dma_start3A_8 : memref<128xi32, #tpu.memory_space<vmem>>) semaphore(%arg15 : memref<!tpu.dma_semaphore, #tpu.memory_space<semaphore_mem>>)
    %scan3A = arith.constant 0 : i32
    %scan3A_12 = arith.constant 0 : i32
    %scan3A_13 = arith.constant 19 : i32
    %scan3A_14 = arith.addi %scan3A_12, %scan3A_13 : i32
    %scan3A_15 = arith.constant 1 : i32
    scf.for %scan3A_87 = %scan3A_12 to %scan3A_14 step %scan3A_15  : i32 {
      %mul3A_88 = arith.constant 2 : i32
      %mul3A_89 = arith.muli %mul3A_88, %scan3A_87 : i32
      %add3A_90 = arith.constant 0 : i32
      %add3A_91 = arith.addi %mul3A_89, %add3A_90 : i32
      %gt3A = arith.constant 0 : i32
      %gt3A_92 = arith.cmpi sgt, %scan3A_87, %gt3A : i32
      %convert_element_type3A = arith.extui %gt3A_92 : i1 to i32
      %cond3A = arith.constant 0 : i32
      %cond3A_93 = arith.cmpi ne, %convert_element_type3A, %cond3A : i32
      scf.if %cond3A_93 {
        %dma_wait3A_180 = arith.constant 0 : i32
        %dma_wait3A_181 = tpu.memref_slice %arg6[%mul3A_2, %dma_wait3A_180] : memref<160000x128xf32, #tpu.memory_space<hbm>> -> memref<128x128xf32, #tpu.memory_space<hbm>>
        %dma_wait3A_182 = arith.constant 0 : i32
        %dma_wait3A_183 = tpu.memref_slice %arg6[%mul3A_2, %dma_wait3A_182] : memref<160000x128xf32, #tpu.memory_space<hbm>> -> memref<128x128xf32, #tpu.memory_space<hbm>>
        tpu.wait_dma2 semaphore(%arg18 : memref<!tpu.dma_semaphore, #tpu.memory_space<semaphore_mem>>) src(%arg10 : memref<128x128xf32, #tpu.memory_space<vmem>>) dst(%dma_wait3A_183 : memref<128x128xf32, #tpu.memory_space<hbm>>)
      } else {
      }
      %add3A_94 = arith.constant 1 : i32
      %add3A_95 = arith.addi %add3A_91, %add3A_94 : i32
      %mul3A_96 = arith.constant 128 : i32
      %mul3A_97 = arith.muli %add3A_95, %mul3A_96 : i32
      %min3A_98 = arith.constant 4872 : i32
      %min3A_99 = arith.minsi %mul3A_97, %min3A_98 : i32
      %dma_start3A_100 = tpu.memref_slice %arg7[%min3A_99] : memref<5000xi32, #tpu.memory_space<vmem>> -> memref<128xi32, #tpu.memory_space<vmem>>
      %dma_start3A_101 = arith.constant 0 : i32
      %dma_start3A_102 = arith.constant 0 : i32
      %dma_start3A_103 = tpu.memref_slice %arg2[%dma_start3A_101, %dma_start3A_102] : memref<10000x128xf32, #tpu.memory_space<hbm>> -> memref<10000x128xf32, #tpu.memory_space<hbm>>
      tpu.enqueue_indirect_dma source(%dma_start3A_103 : memref<10000x128xf32, #tpu.memory_space<hbm>>) target(%arg10 : memref<128x128xf32, #tpu.memory_space<vmem>>) offsets(%dma_start3A_100 : memref<128xi32, #tpu.memory_space<vmem>>) semaphore(%arg14 : memref<!tpu.dma_semaphore, #tpu.memory_space<semaphore_mem>>)
      %dma_start3A_104 = tpu.memref_slice %arg8[%min3A_99] : memref<5000xi32, #tpu.memory_space<vmem>> -> memref<128xi32, #tpu.memory_space<vmem>>
      %dma_start3A_105 = arith.constant 0 : i32
      %dma_start3A_106 = arith.constant 0 : i32
      %dma_start3A_107 = tpu.memref_slice %arg3[%dma_start3A_105, %dma_start3A_106] : memref<10000x128xf32, #tpu.memory_space<hbm>> -> memref<10000x128xf32, #tpu.memory_space<hbm>>
      tpu.enqueue_indirect_dma source(%dma_start3A_107 : memref<10000x128xf32, #tpu.memory_space<hbm>>) target(%arg12 : memref<128x128xf32, #tpu.memory_space<vmem>>) offsets(%dma_start3A_104 : memref<128xi32, #tpu.memory_space<vmem>>) semaphore(%arg16 : memref<!tpu.dma_semaphore, #tpu.memory_space<semaphore_mem>>)
      %dma_wait3A_108 = arith.constant 0 : i32
      %dma_wait3A_109 = tpu.memref_slice %arg7[%dma_wait3A_108] : memref<5000xi32, #tpu.memory_space<vmem>> -> memref<128xi32, #tpu.memory_space<vmem>>
      %dma_wait3A_110 = arith.constant 0 : i32
      %dma_wait3A_111 = arith.constant 0 : i32
      %dma_wait3A_112 = tpu.memref_slice %arg2[%dma_wait3A_110, %dma_wait3A_111] : memref<10000x128xf32, #tpu.memory_space<hbm>> -> memref<10000x128xf32, #tpu.memory_space<hbm>>
      tpu.wait_indirect_dma semaphore(%arg13 : memref<!tpu.dma_semaphore, #tpu.memory_space<semaphore_mem>>) src(%dma_wait3A_112 : memref<10000x128xf32, #tpu.memory_space<hbm>>) dst(%arg9 : memref<128x128xf32, #tpu.memory_space<vmem>>)
      %dma_wait3A_113 = arith.constant 0 : i32
      %dma_wait3A_114 = tpu.memref_slice %arg8[%dma_wait3A_113] : memref<5000xi32, #tpu.memory_space<vmem>> -> memref<128xi32, #tpu.memory_space<vmem>>
      %dma_wait3A_115 = arith.constant 0 : i32
      %dma_wait3A_116 = arith.constant 0 : i32
      %dma_wait3A_117 = tpu.memref_slice %arg3[%dma_wait3A_115, %dma_wait3A_116] : memref<10000x128xf32, #tpu.memory_space<hbm>> -> memref<10000x128xf32, #tpu.memory_space<hbm>>
      tpu.wait_indirect_dma semaphore(%arg15 : memref<!tpu.dma_semaphore, #tpu.memory_space<semaphore_mem>>) src(%dma_wait3A_117 : memref<10000x128xf32, #tpu.memory_space<hbm>>) dst(%arg11 : memref<128x128xf32, #tpu.memory_space<vmem>>)
      %scan3A_118 = arith.constant 0 : i32
      %scan3A_119 = arith.constant 0 : i32
      %scan3A_120 = arith.constant 128 : i32
      %scan3A_121 = arith.addi %scan3A_119, %scan3A_120 : i32
      %scan3A_122 = arith.constant 1 : i32
      scf.for %scan3A_180 = %scan3A_119 to %scan3A_121 step %scan3A_122  : i32 {
        %get3A = arith.index_cast %scan3A_180 : i32 to index
        %get3A_181 = arith.constant 0 : index
        %get3A_182 = tpu.vector_load %arg9[%get3A, %get3A_181] {strides = array<i32>} : memref<128x128xf32, #tpu.memory_space<vmem>>, vector<1x16xf32>,
        %get3A_183 = vector.shape_cast %get3A_182 : vector<1x16xf32> to vector<16xf32>
        %get3A_184 = arith.index_cast %scan3A_180 : i32 to index
        %get3A_185 = arith.constant 0 : index
        %get3A_186 = tpu.vector_load %arg11[%get3A_184, %get3A_185] {strides = array<i32>} : memref<128x128xf32, #tpu.memory_space<vmem>>, vector<1x16xf32>,
        %get3A_187 = vector.shape_cast %get3A_186 : vector<1x16xf32> to vector<16xf32>
        %add3A_188 = arith.addf %get3A_183, %get3A_187 : vector<16xf32>
        %swap3A = arith.index_cast %scan3A_180 : i32 to index
        %swap3A_189 = arith.constant 0 : index
        %swap3A_190 = tpu.vector_load %arg9[%swap3A, %swap3A_189] {strides = array<i32>} : memref<128x128xf32, #tpu.memory_space<vmem>>, vector<1x16xf32>,
        %swap3A_191 = vector.shape_cast %swap3A_190 : vector<1x16xf32> to vector<16xf32>
        %swap3A_192 = vector.shape_cast %add3A_188 : vector<16xf32> to vector<1x16xf32>
        tpu.vector_store %arg9[%swap3A, %swap3A_189], %swap3A_192 {strides = array<i32>} : memref<128x128xf32, #tpu.memory_space<vmem>>, vector<1x16xf32>,
        %get3A_193 = arith.index_cast %scan3A_180 : i32 to index
        %get3A_194 = arith.constant 16 : index
        %get3A_195 = tpu.vector_load %arg9[%get3A_193, %get3A_194] {strides = array<i32>} : memref<128x128xf32, #tpu.memory_space<vmem>>, vector<1x16xf32>,
        %get3A_196 = vector.shape_cast %get3A_195 : vector<1x16xf32> to vector<16xf32>
        %get3A_197 = arith.index_cast %scan3A_180 : i32 to index
        %get3A_198 = arith.constant 16 : index
        %get3A_199 = tpu.vector_load %arg11[%get3A_197, %get3A_198] {strides = array<i32>} : memref<128x128xf32, #tpu.memory_space<vmem>>, vector<1x16xf32>,
        %get3A_200 = vector.shape_cast %get3A_199 : vector<1x16xf32> to vector<16xf32>
        %add3A_201 = arith.addf %get3A_196, %get3A_200 : vector<16xf32>
        %swap3A_202 = arith.index_cast %scan3A_180 : i32 to index
        %swap3A_203 = arith.constant 16 : index
        %swap3A_204 = tpu.vector_load %arg9[%swap3A_202, %swap3A_203] {strides = array<i32>} : memref<128x128xf32, #tpu.memory_space<vmem>>, vector<1x16xf32>,
        %swap3A_205 = vector.shape_cast %swap3A_204 : vector<1x16xf32> to vector<16xf32>
        %swap3A_206 = vector.shape_cast %add3A_201 : vector<16xf32> to vector<1x16xf32>
        tpu.vector_store %arg9[%swap3A_202, %swap3A_203], %swap3A_206 {strides = array<i32>} : memref<128x128xf32, #tpu.memory_space<vmem>>, vector<1x16xf32>,
        %get3A_207 = arith.index_cast %scan3A_180 : i32 to index
        %get3A_208 = arith.constant 32 : index
        %get3A_209 = tpu.vector_load %arg9[%get3A_207, %get3A_208] {strides = array<i32>} : memref<128x128xf32, #tpu.memory_space<vmem>>, vector<1x16xf32>,
        %get3A_210 = vector.shape_cast %get3A_209 : vector<1x16xf32> to vector<16xf32>
        %get3A_211 = arith.index_cast %scan3A_180 : i32 to index
        %get3A_212 = arith.constant 32 : index
        %get3A_213 = tpu.vector_load %arg11[%get3A_211, %get3A_212] {strides = array<i32>} : memref<128x128xf32, #tpu.memory_space<vmem>>, vector<1x16xf32>,
        %get3A_214 = vector.shape_cast %get3A_213 : vector<1x16xf32> to vector<16xf32>
        %add3A_215 = arith.addf %get3A_210, %get3A_214 : vector<16xf32>
        %swap3A_216 = arith.index_cast %scan3A_180 : i32 to index
        %swap3A_217 = arith.constant 32 : index
        %swap3A_218 = tpu.vector_load %arg9[%swap3A_216, %swap3A_217] {strides = array<i32>} : memref<128x128xf32, #tpu.memory_space<vmem>>, vector<1x16xf32>,
        %swap3A_219 = vector.shape_cast %swap3A_218 : vector<1x16xf32> to vector<16xf32>
        %swap3A_220 = vector.shape_cast %add3A_215 : vector<16xf32> to vector<1x16xf32>
        tpu.vector_store %arg9[%swap3A_216, %swap3A_217], %swap3A_220 {strides = array<i32>} : memref<128x128xf32, #tpu.memory_space<vmem>>, vector<1x16xf32>,
        %get3A_221 = arith.index_cast %scan3A_180 : i32 to index
        %get3A_222 = arith.constant 48 : index
        %get3A_223 = tpu.vector_load %arg9[%get3A_221, %get3A_222] {strides = array<i32>} : memref<128x128xf32, #tpu.memory_space<vmem>>, vector<1x16xf32>,
        %get3A_224 = vector.shape_cast %get3A_223 : vector<1x16xf32> to vector<16xf32>
        %get3A_225 = arith.index_cast %scan3A_180 : i32 to index
        %get3A_226 = arith.constant 48 : index
        %get3A_227 = tpu.vector_load %arg11[%get3A_225, %get3A_226] {strides = array<i32>} : memref<128x128xf32, #tpu.memory_space<vmem>>, vector<1x16xf32>,
        %get3A_228 = vector.shape_cast %get3A_227 : vector<1x16xf32> to vector<16xf32>
        %add3A_229 = arith.addf %get3A_224, %get3A_228 : vector<16xf32>
        %swap3A_230 = arith.index_cast %scan3A_180 : i32 to index
        %swap3A_231 = arith.constant 48 : index
        %swap3A_232 = tpu.vector_load %arg9[%swap3A_230, %swap3A_231] {strides = array<i32>} : memref<128x128xf32, #tpu.memory_space<vmem>>, vector<1x16xf32>,
        %swap3A_233 = vector.shape_cast %swap3A_232 : vector<1x16xf32> to vector<16xf32>
        %swap3A_234 = vector.shape_cast %add3A_229 : vector<16xf32> to vector<1x16xf32>
        tpu.vector_store %arg9[%swap3A_230, %swap3A_231], %swap3A_234 {strides = array<i32>} : memref<128x128xf32, #tpu.memory_space<vmem>>, vector<1x16xf32>,
        %get3A_235 = arith.index_cast %scan3A_180 : i32 to index
        %get3A_236 = arith.constant 64 : index
        %get3A_237 = tpu.vector_load %arg9[%get3A_235, %get3A_236] {strides = array<i32>} : memref<128x128xf32, #tpu.memory_space<vmem>>, vector<1x16xf32>,
        %get3A_238 = vector.shape_cast %get3A_237 : vector<1x16xf32> to vector<16xf32>
        %get3A_239 = arith.index_cast %scan3A_180 : i32 to index
        %get3A_240 = arith.constant 64 : index
        %get3A_241 = tpu.vector_load %arg11[%get3A_239, %get3A_240] {strides = array<i32>} : memref<128x128xf32, #tpu.memory_space<vmem>>, vector<1x16xf32>,
        %get3A_242 = vector.shape_cast %get3A_241 : vector<1x16xf32> to vector<16xf32>
        %add3A_243 = arith.addf %get3A_238, %get3A_242 : vector<16xf32>
        %swap3A_244 = arith.index_cast %scan3A_180 : i32 to index
        %swap3A_245 = arith.constant 64 : index
        %swap3A_246 = tpu.vector_load %arg9[%swap3A_244, %swap3A_245] {strides = array<i32>} : memref<128x128xf32, #tpu.memory_space<vmem>>, vector<1x16xf32>,
        %swap3A_247 = vector.shape_cast %swap3A_246 : vector<1x16xf32> to vector<16xf32>
        %swap3A_248 = vector.shape_cast %add3A_243 : vector<16xf32> to vector<1x16xf32>
        tpu.vector_store %arg9[%swap3A_244, %swap3A_245], %swap3A_248 {strides = array<i32>} : memref<128x128xf32, #tpu.memory_space<vmem>>, vector<1x16xf32>,
        %get3A_249 = arith.index_cast %scan3A_180 : i32 to index
        %get3A_250 = arith.constant 80 : index
        %get3A_251 = tpu.vector_load %arg9[%get3A_249, %get3A_250] {strides = array<i32>} : memref<128x128xf32, #tpu.memory_space<vmem>>, vector<1x16xf32>,
        %get3A_252 = vector.shape_cast %get3A_251 : vector<1x16xf32> to vector<16xf32>
        %get3A_253 = arith.index_cast %scan3A_180 : i32 to index
        %get3A_254 = arith.constant 80 : index
        %get3A_255 = tpu.vector_load %arg11[%get3A_253, %get3A_254] {strides = array<i32>} : memref<128x128xf32, #tpu.memory_space<vmem>>, vector<1x16xf32>,
        %get3A_256 = vector.shape_cast %get3A_255 : vector<1x16xf32> to vector<16xf32>
        %add3A_257 = arith.addf %get3A_252, %get3A_256 : vector<16xf32>
        %swap3A_258 = arith.index_cast %scan3A_180 : i32 to index
        %swap3A_259 = arith.constant 80 : index
        %swap3A_260 = tpu.vector_load %arg9[%swap3A_258, %swap3A_259] {strides = array<i32>} : memref<128x128xf32, #tpu.memory_space<vmem>>, vector<1x16xf32>,
        %swap3A_261 = vector.shape_cast %swap3A_260 : vector<1x16xf32> to vector<16xf32>
        %swap3A_262 = vector.shape_cast %add3A_257 : vector<16xf32> to vector<1x16xf32>
        tpu.vector_store %arg9[%swap3A_258, %swap3A_259], %swap3A_262 {strides = array<i32>} : memref<128x128xf32, #tpu.memory_space<vmem>>, vector<1x16xf32>,
        %get3A_263 = arith.index_cast %scan3A_180 : i32 to index
        %get3A_264 = arith.constant 96 : index
        %get3A_265 = tpu.vector_load %arg9[%get3A_263, %get3A_264] {strides = array<i32>} : memref<128x128xf32, #tpu.memory_space<vmem>>, vector<1x16xf32>,
        %get3A_266 = vector.shape_cast %get3A_265 : vector<1x16xf32> to vector<16xf32>
        %get3A_267 = arith.index_cast %scan3A_180 : i32 to index
        %get3A_268 = arith.constant 96 : index
        %get3A_269 = tpu.vector_load %arg11[%get3A_267, %get3A_268] {strides = array<i32>} : memref<128x128xf32, #tpu.memory_space<vmem>>, vector<1x16xf32>,
        %get3A_270 = vector.shape_cast %get3A_269 : vector<1x16xf32> to vector<16xf32>
        %add3A_271 = arith.addf %get3A_266, %get3A_270 : vector<16xf32>
        %swap3A_272 = arith.index_cast %scan3A_180 : i32 to index
        %swap3A_273 = arith.constant 96 : index
        %swap3A_274 = tpu.vector_load %arg9[%swap3A_272, %swap3A_273] {strides = array<i32>} : memref<128x128xf32, #tpu.memory_space<vmem>>, vector<1x16xf32>,
        %swap3A_275 = vector.shape_cast %swap3A_274 : vector<1x16xf32> to vector<16xf32>
        %swap3A_276 = vector.shape_cast %add3A_271 : vector<16xf32> to vector<1x16xf32>
        tpu.vector_store %arg9[%swap3A_272, %swap3A_273], %swap3A_276 {strides = array<i32>} : memref<128x128xf32, #tpu.memory_space<vmem>>, vector<1x16xf32>,
        %get3A_277 = arith.index_cast %scan3A_180 : i32 to index
        %get3A_278 = arith.constant 112 : index
        %get3A_279 = tpu.vector_load %arg9[%get3A_277, %get3A_278] {strides = array<i32>} : memref<128x128xf32, #tpu.memory_space<vmem>>, vector<1x16xf32>,
        %get3A_280 = vector.shape_cast %get3A_279 : vector<1x16xf32> to vector<16xf32>
        %get3A_281 = arith.index_cast %scan3A_180 : i32 to index
        %get3A_282 = arith.constant 112 : index
        %get3A_283 = tpu.vector_load %arg11[%get3A_281, %get3A_282] {strides = array<i32>} : memref<128x128xf32, #tpu.memory_space<vmem>>, vector<1x16xf32>,
        %get3A_284 = vector.shape_cast %get3A_283 : vector<1x16xf32> to vector<16xf32>
        %add3A_285 = arith.addf %get3A_280, %get3A_284 : vector<16xf32>
        %swap3A_286 = arith.index_cast %scan3A_180 : i32 to index
        %swap3A_287 = arith.constant 112 : index
        %swap3A_288 = tpu.vector_load %arg9[%swap3A_286, %swap3A_287] {strides = array<i32>} : memref<128x128xf32, #tpu.memory_space<vmem>>, vector<1x16xf32>,
        %swap3A_289 = vector.shape_cast %swap3A_288 : vector<1x16xf32> to vector<16xf32>
        %swap3A_290 = vector.shape_cast %add3A_285 : vector<16xf32> to vector<1x16xf32>
        tpu.vector_store %arg9[%swap3A_286, %swap3A_287], %swap3A_290 {strides = array<i32>} : memref<128x128xf32, #tpu.memory_space<vmem>>, vector<1x16xf32>,
      }
      %scan3A_123 = arith.constant 128 : i32
      %mul3A_124 = arith.constant 128 : i32
      %mul3A_125 = arith.muli %add3A_91, %mul3A_124 : i32
      %min3A_126 = arith.constant 4872 : i32
      %min3A_127 = arith.minsi %mul3A_125, %min3A_126 : i32
      %add3A_128 = arith.addi %mul3A_2, %min3A_127 : i32
      %dma_start3A_129 = arith.constant 0 : i32
      %dma_start3A_130 = tpu.memref_slice %arg6[%add3A_128, %dma_start3A_129] : memref<160000x128xf32, #tpu.memory_space<hbm>> -> memref<128x128xf32, #tpu.memory_space<hbm>>
      %dma_start3A_131 = arith.constant 0 : i32
      %dma_start3A_132 = tpu.memref_slice %arg6[%add3A_128, %dma_start3A_131] : memref<160000x128xf32, #tpu.memory_space<hbm>> -> memref<128x128xf32, #tpu.memory_space<hbm>>
      tpu.enqueue_dma source(%arg9 : memref<128x128xf32, #tpu.memory_space<vmem>>) target(%dma_start3A_132 : memref<128x128xf32, #tpu.memory_space<hbm>>) target_semaphore(%arg17 : memref<!tpu.dma_semaphore, #tpu.memory_space<semaphore_mem>>)
      %mul3A_133 = arith.constant 2 : i32
      %mul3A_134 = arith.muli %mul3A_133, %scan3A_87 : i32
      %add3A_135 = arith.constant 1 : i32
      %add3A_136 = arith.addi %mul3A_134, %add3A_135 : i32
      %dma_wait3A_137 = arith.constant 0 : i32
      %dma_wait3A_138 = tpu.memref_slice %arg6[%mul3A_2, %dma_wait3A_137] : memref<160000x128xf32, #tpu.memory_space<hbm>> -> memref<128x128xf32, #tpu.memory_space<hbm>>
      %dma_wait3A_139 = arith.constant 0 : i32
      %dma_wait3A_140 = tpu.memref_slice %arg6[%mul3A_2, %dma_wait3A_139] : memref<160000x128xf32, #tpu.memory_space<hbm>> -> memref<128x128xf32, #tpu.memory_space<hbm>>
      tpu.wait_dma2 semaphore(%arg17 : memref<!tpu.dma_semaphore, #tpu.memory_space<semaphore_mem>>) src(%arg9 : memref<128x128xf32, #tpu.memory_space<vmem>>) dst(%dma_wait3A_140 : memref<128x128xf32, #tpu.memory_space<hbm>>)
      %add3A_141 = arith.constant 1 : i32
      %add3A_142 = arith.addi %add3A_136, %add3A_141 : i32
      %mul3A_143 = arith.constant 128 : i32
      %mul3A_144 = arith.muli %add3A_142, %mul3A_143 : i32
      %min3A_145 = arith.constant 4872 : i32
      %min3A_146 = arith.minsi %mul3A_144, %min3A_145 : i32
      %dma_start3A_147 = tpu.memref_slice %arg7[%min3A_146] : memref<5000xi32, #tpu.memory_space<vmem>> -> memref<128xi32, #tpu.memory_space<vmem>>
      %dma_start3A_148 = arith.constant 0 : i32
      %dma_start3A_149 = arith.constant 0 : i32
      %dma_start3A_150 = tpu.memref_slice %arg2[%dma_start3A_148, %dma_start3A_149] : memref<10000x128xf32, #tpu.memory_space<hbm>> -> memref<10000x128xf32, #tpu.memory_space<hbm>>
      tpu.enqueue_indirect_dma source(%dma_start3A_150 : memref<10000x128xf32, #tpu.memory_space<hbm>>) target(%arg9 : memref<128x128xf32, #tpu.memory_space<vmem>>) offsets(%dma_start3A_147 : memref<128xi32, #tpu.memory_space<vmem>>) semaphore(%arg13 : memref<!tpu.dma_semaphore, #tpu.memory_space<semaphore_mem>>)
      %dma_start3A_151 = tpu.memref_slice %arg8[%min3A_146] : memref<5000xi32, #tpu.memory_space<vmem>> -> memref<128xi32, #tpu.memory_space<vmem>>
      %dma_start3A_152 = arith.constant 0 : i32
      %dma_start3A_153 = arith.constant 0 : i32
      %dma_start3A_154 = tpu.memref_slice %arg3[%dma_start3A_152, %dma_start3A_153] : memref<10000x128xf32, #tpu.memory_space<hbm>> -> memref<10000x128xf32, #tpu.memory_space<hbm>>
      tpu.enqueue_indirect_dma source(%dma_start3A_154 : memref<10000x128xf32, #tpu.memory_space<hbm>>) target(%arg11 : memref<128x128xf32, #tpu.memory_space<vmem>>) offsets(%dma_start3A_151 : memref<128xi32, #tpu.memory_space<vmem>>) semaphore(%arg15 : memref<!tpu.dma_semaphore, #tpu.memory_space<semaphore_mem>>)
      %dma_wait3A_155 = arith.constant 0 : i32
      %dma_wait3A_156 = tpu.memref_slice %arg7[%dma_wait3A_155] : memref<5000xi32, #tpu.memory_space<vmem>> -> memref<128xi32, #tpu.memory_space<vmem>>
      %dma_wait3A_157 = arith.constant 0 : i32
      %dma_wait3A_158 = arith.constant 0 : i32
      %dma_wait3A_159 = tpu.memref_slice %arg2[%dma_wait3A_157, %dma_wait3A_158] : memref<10000x128xf32, #tpu.memory_space<hbm>> -> memref<10000x128xf32, #tpu.memory_space<hbm>>
      tpu.wait_indirect_dma semaphore(%arg14 : memref<!tpu.dma_semaphore, #tpu.memory_space<semaphore_mem>>) src(%dma_wait3A_159 : memref<10000x128xf32, #tpu.memory_space<hbm>>) dst(%arg10 : memref<128x128xf32, #tpu.memory_space<vmem>>)
      %dma_wait3A_160 = arith.constant 0 : i32
      %dma_wait3A_161 = tpu.memref_slice %arg8[%dma_wait3A_160] : memref<5000xi32, #tpu.memory_space<vmem>> -> memref<128xi32, #tpu.memory_space<vmem>>
      %dma_wait3A_162 = arith.constant 0 : i32
      %dma_wait3A_163 = arith.constant 0 : i32
      %dma_wait3A_164 = tpu.memref_slice %arg3[%dma_wait3A_162, %dma_wait3A_163] : memref<10000x128xf32, #tpu.memory_space<hbm>> -> memref<10000x128xf32, #tpu.memory_space<hbm>>
      tpu.wait_indirect_dma semaphore(%arg16 : memref<!tpu.dma_semaphore, #tpu.memory_space<semaphore_mem>>) src(%dma_wait3A_164 : memref<10000x128xf32, #tpu.memory_space<hbm>>) dst(%arg12 : memref<128x128xf32, #tpu.memory_space<vmem>>)
      %scan3A_165 = arith.constant 0 : i32
      %scan3A_166 = arith.constant 0 : i32
      %scan3A_167 = arith.constant 128 : i32
      %scan3A_168 = arith.addi %scan3A_166, %scan3A_167 : i32
      %scan3A_169 = arith.constant 1 : i32
      scf.for %scan3A_180 = %scan3A_166 to %scan3A_168 step %scan3A_169  : i32 {
        %get3A = arith.index_cast %scan3A_180 : i32 to index
        %get3A_181 = arith.constant 0 : index
        %get3A_182 = tpu.vector_load %arg10[%get3A, %get3A_181] {strides = array<i32>} : memref<128x128xf32, #tpu.memory_space<vmem>>, vector<1x16xf32>,
        %get3A_183 = vector.shape_cast %get3A_182 : vector<1x16xf32> to vector<16xf32>
        %get3A_184 = arith.index_cast %scan3A_180 : i32 to index
        %get3A_185 = arith.constant 0 : index
        %get3A_186 = tpu.vector_load %arg12[%get3A_184, %get3A_185] {strides = array<i32>} : memref<128x128xf32, #tpu.memory_space<vmem>>, vector<1x16xf32>,
        %get3A_187 = vector.shape_cast %get3A_186 : vector<1x16xf32> to vector<16xf32>
        %add3A_188 = arith.addf %get3A_183, %get3A_187 : vector<16xf32>
        %swap3A = arith.index_cast %scan3A_180 : i32 to index
        %swap3A_189 = arith.constant 0 : index
        %swap3A_190 = tpu.vector_load %arg10[%swap3A, %swap3A_189] {strides = array<i32>} : memref<128x128xf32, #tpu.memory_space<vmem>>, vector<1x16xf32>,
        %swap3A_191 = vector.shape_cast %swap3A_190 : vector<1x16xf32> to vector<16xf32>
        %swap3A_192 = vector.shape_cast %add3A_188 : vector<16xf32> to vector<1x16xf32>
        tpu.vector_store %arg10[%swap3A, %swap3A_189], %swap3A_192 {strides = array<i32>} : memref<128x128xf32, #tpu.memory_space<vmem>>, vector<1x16xf32>,
        %get3A_193 = arith.index_cast %scan3A_180 : i32 to index
        %get3A_194 = arith.constant 16 : index
        %get3A_195 = tpu.vector_load %arg10[%get3A_193, %get3A_194] {strides = array<i32>} : memref<128x128xf32, #tpu.memory_space<vmem>>, vector<1x16xf32>,
        %get3A_196 = vector.shape_cast %get3A_195 : vector<1x16xf32> to vector<16xf32>
        %get3A_197 = arith.index_cast %scan3A_180 : i32 to index
        %get3A_198 = arith.constant 16 : index
        %get3A_199 = tpu.vector_load %arg12[%get3A_197, %get3A_198] {strides = array<i32>} : memref<128x128xf32, #tpu.memory_space<vmem>>, vector<1x16xf32>,
        %get3A_200 = vector.shape_cast %get3A_199 : vector<1x16xf32> to vector<16xf32>
        %add3A_201 = arith.addf %get3A_196, %get3A_200 : vector<16xf32>
        %swap3A_202 = arith.index_cast %scan3A_180 : i32 to index
        %swap3A_203 = arith.constant 16 : index
        %swap3A_204 = tpu.vector_load %arg10[%swap3A_202, %swap3A_203] {strides = array<i32>} : memref<128x128xf32, #tpu.memory_space<vmem>>, vector<1x16xf32>,
        %swap3A_205 = vector.shape_cast %swap3A_204 : vector<1x16xf32> to vector<16xf32>
        %swap3A_206 = vector.shape_cast %add3A_201 : vector<16xf32> to vector<1x16xf32>
        tpu.vector_store %arg10[%swap3A_202, %swap3A_203], %swap3A_206 {strides = array<i32>} : memref<128x128xf32, #tpu.memory_space<vmem>>, vector<1x16xf32>,
        %get3A_207 = arith.index_cast %scan3A_180 : i32 to index
        %get3A_208 = arith.constant 32 : index
        %get3A_209 = tpu.vector_load %arg10[%get3A_207, %get3A_208] {strides = array<i32>} : memref<128x128xf32, #tpu.memory_space<vmem>>, vector<1x16xf32>,
        %get3A_210 = vector.shape_cast %get3A_209 : vector<1x16xf32> to vector<16xf32>
        %get3A_211 = arith.index_cast %scan3A_180 : i32 to index
        %get3A_212 = arith.constant 32 : index
        %get3A_213 = tpu.vector_load %arg12[%get3A_211, %get3A_212] {strides = array<i32>} : memref<128x128xf32, #tpu.memory_space<vmem>>, vector<1x16xf32>,
        %get3A_214 = vector.shape_cast %get3A_213 : vector<1x16xf32> to vector<16xf32>
        %add3A_215 = arith.addf %get3A_210, %get3A_214 : vector<16xf32>
        %swap3A_216 = arith.index_cast %scan3A_180 : i32 to index
        %swap3A_217 = arith.constant 32 : index
        %swap3A_218 = tpu.vector_load %arg10[%swap3A_216, %swap3A_217] {strides = array<i32>} : memref<128x128xf32, #tpu.memory_space<vmem>>, vector<1x16xf32>,
        %swap3A_219 = vector.shape_cast %swap3A_218 : vector<1x16xf32> to vector<16xf32>
        %swap3A_220 = vector.shape_cast %add3A_215 : vector<16xf32> to vector<1x16xf32>
        tpu.vector_store %arg10[%swap3A_216, %swap3A_217], %swap3A_220 {strides = array<i32>} : memref<128x128xf32, #tpu.memory_space<vmem>>, vector<1x16xf32>,
        %get3A_221 = arith.index_cast %scan3A_180 : i32 to index
        %get3A_222 = arith.constant 48 : index
        %get3A_223 = tpu.vector_load %arg10[%get3A_221, %get3A_222] {strides = array<i32>} : memref<128x128xf32, #tpu.memory_space<vmem>>, vector<1x16xf32>,
        %get3A_224 = vector.shape_cast %get3A_223 : vector<1x16xf32> to vector<16xf32>
        %get3A_225 = arith.index_cast %scan3A_180 : i32 to index
        %get3A_226 = arith.constant 48 : index
        %get3A_227 = tpu.vector_load %arg12[%get3A_225, %get3A_226] {strides = array<i32>} : memref<128x128xf32, #tpu.memory_space<vmem>>, vector<1x16xf32>,
        %get3A_228 = vector.shape_cast %get3A_227 : vector<1x16xf32> to vector<16xf32>
        %add3A_229 = arith.addf %get3A_224, %get3A_228 : vector<16xf32>
        %swap3A_230 = arith.index_cast %scan3A_180 : i32 to index
        %swap3A_231 = arith.constant 48 : index
        %swap3A_232 = tpu.vector_load %arg10[%swap3A_230, %swap3A_231] {strides = array<i32>} : memref<128x128xf32, #tpu.memory_space<vmem>>, vector<1x16xf32>,
        %swap3A_233 = vector.shape_cast %swap3A_232 : vector<1x16xf32> to vector<16xf32>
        %swap3A_234 = vector.shape_cast %add3A_229 : vector<16xf32> to vector<1x16xf32>
        tpu.vector_store %arg10[%swap3A_230, %swap3A_231], %swap3A_234 {strides = array<i32>} : memref<128x128xf32, #tpu.memory_space<vmem>>, vector<1x16xf32>,
        %get3A_235 = arith.index_cast %scan3A_180 : i32 to index
        %get3A_236 = arith.constant 64 : index
        %get3A_237 = tpu.vector_load %arg10[%get3A_235, %get3A_236] {strides = array<i32>} : memref<128x128xf32, #tpu.memory_space<vmem>>, vector<1x16xf32>,
        %get3A_238 = vector.shape_cast %get3A_237 : vector<1x16xf32> to vector<16xf32>
        %get3A_239 = arith.index_cast %scan3A_180 : i32 to index
        %get3A_240 = arith.constant 64 : index
        %get3A_241 = tpu.vector_load %arg12[%get3A_239, %get3A_240] {strides = array<i32>} : memref<128x128xf32, #tpu.memory_space<vmem>>, vector<1x16xf32>,
        %get3A_242 = vector.shape_cast %get3A_241 : vector<1x16xf32> to vector<16xf32>
        %add3A_243 = arith.addf %get3A_238, %get3A_242 : vector<16xf32>
        %swap3A_244 = arith.index_cast %scan3A_180 : i32 to index
        %swap3A_245 = arith.constant 64 : index
        %swap3A_246 = tpu.vector_load %arg10[%swap3A_244, %swap3A_245] {strides = array<i32>} : memref<128x128xf32, #tpu.memory_space<vmem>>, vector<1x16xf32>,
        %swap3A_247 = vector.shape_cast %swap3A_246 : vector<1x16xf32> to vector<16xf32>
        %swap3A_248 = vector.shape_cast %add3A_243 : vector<16xf32> to vector<1x16xf32>
        tpu.vector_store %arg10[%swap3A_244, %swap3A_245], %swap3A_248 {strides = array<i32>} : memref<128x128xf32, #tpu.memory_space<vmem>>, vector<1x16xf32>,
        %get3A_249 = arith.index_cast %scan3A_180 : i32 to index
        %get3A_250 = arith.constant 80 : index
        %get3A_251 = tpu.vector_load %arg10[%get3A_249, %get3A_250] {strides = array<i32>} : memref<128x128xf32, #tpu.memory_space<vmem>>, vector<1x16xf32>,
        %get3A_252 = vector.shape_cast %get3A_251 : vector<1x16xf32> to vector<16xf32>
        %get3A_253 = arith.index_cast %scan3A_180 : i32 to index
        %get3A_254 = arith.constant 80 : index
        %get3A_255 = tpu.vector_load %arg12[%get3A_253, %get3A_254] {strides = array<i32>} : memref<128x128xf32, #tpu.memory_space<vmem>>, vector<1x16xf32>,
        %get3A_256 = vector.shape_cast %get3A_255 : vector<1x16xf32> to vector<16xf32>
        %add3A_257 = arith.addf %get3A_252, %get3A_256 : vector<16xf32>
        %swap3A_258 = arith.index_cast %scan3A_180 : i32 to index
        %swap3A_259 = arith.constant 80 : index
        %swap3A_260 = tpu.vector_load %arg10[%swap3A_258, %swap3A_259] {strides = array<i32>} : memref<128x128xf32, #tpu.memory_space<vmem>>, vector<1x16xf32>,
        %swap3A_261 = vector.shape_cast %swap3A_260 : vector<1x16xf32> to vector<16xf32>
        %swap3A_262 = vector.shape_cast %add3A_257 : vector<16xf32> to vector<1x16xf32>
        tpu.vector_store %arg10[%swap3A_258, %swap3A_259], %swap3A_262 {strides = array<i32>} : memref<128x128xf32, #tpu.memory_space<vmem>>, vector<1x16xf32>,
        %get3A_263 = arith.index_cast %scan3A_180 : i32 to index
        %get3A_264 = arith.constant 96 : index
        %get3A_265 = tpu.vector_load %arg10[%get3A_263, %get3A_264] {strides = array<i32>} : memref<128x128xf32, #tpu.memory_space<vmem>>, vector<1x16xf32>,
        %get3A_266 = vector.shape_cast %get3A_265 : vector<1x16xf32> to vector<16xf32>
        %get3A_267 = arith.index_cast %scan3A_180 : i32 to index
        %get3A_268 = arith.constant 96 : index
        %get3A_269 = tpu.vector_load %arg12[%get3A_267, %get3A_268] {strides = array<i32>} : memref<128x128xf32, #tpu.memory_space<vmem>>, vector<1x16xf32>,
        %get3A_270 = vector.shape_cast %get3A_269 : vector<1x16xf32> to vector<16xf32>
        %add3A_271 = arith.addf %get3A_266, %get3A_270 : vector<16xf32>
        %swap3A_272 = arith.index_cast %scan3A_180 : i32 to index
        %swap3A_273 = arith.constant 96 : index
        %swap3A_274 = tpu.vector_load %arg10[%swap3A_272, %swap3A_273] {strides = array<i32>} : memref<128x128xf32, #tpu.memory_space<vmem>>, vector<1x16xf32>,
        %swap3A_275 = vector.shape_cast %swap3A_274 : vector<1x16xf32> to vector<16xf32>
        %swap3A_276 = vector.shape_cast %add3A_271 : vector<16xf32> to vector<1x16xf32>
        tpu.vector_store %arg10[%swap3A_272, %swap3A_273], %swap3A_276 {strides = array<i32>} : memref<128x128xf32, #tpu.memory_space<vmem>>, vector<1x16xf32>,
        %get3A_277 = arith.index_cast %scan3A_180 : i32 to index
        %get3A_278 = arith.constant 112 : index
        %get3A_279 = tpu.vector_load %arg10[%get3A_277, %get3A_278] {strides = array<i32>} : memref<128x128xf32, #tpu.memory_space<vmem>>, vector<1x16xf32>,
        %get3A_280 = vector.shape_cast %get3A_279 : vector<1x16xf32> to vector<16xf32>
        %get3A_281 = arith.index_cast %scan3A_180 : i32 to index
        %get3A_282 = arith.constant 112 : index
        %get3A_283 = tpu.vector_load %arg12[%get3A_281, %get3A_282] {strides = array<i32>} : memref<128x128xf32, #tpu.memory_space<vmem>>, vector<1x16xf32>,
        %get3A_284 = vector.shape_cast %get3A_283 : vector<1x16xf32> to vector<16xf32>
        %add3A_285 = arith.addf %get3A_280, %get3A_284 : vector<16xf32>
        %swap3A_286 = arith.index_cast %scan3A_180 : i32 to index
        %swap3A_287 = arith.constant 112 : index
        %swap3A_288 = tpu.vector_load %arg10[%swap3A_286, %swap3A_287] {strides = array<i32>} : memref<128x128xf32, #tpu.memory_space<vmem>>, vector<1x16xf32>,
        %swap3A_289 = vector.shape_cast %swap3A_288 : vector<1x16xf32> to vector<16xf32>
        %swap3A_290 = vector.shape_cast %add3A_285 : vector<16xf32> to vector<1x16xf32>
        tpu.vector_store %arg10[%swap3A_286, %swap3A_287], %swap3A_290 {strides = array<i32>} : memref<128x128xf32, #tpu.memory_space<vmem>>, vector<1x16xf32>,
      }
      %scan3A_170 = arith.constant 128 : i32
      %mul3A_171 = arith.constant 128 : i32
      %mul3A_172 = arith.muli %add3A_136, %mul3A_171 : i32
      %min3A_173 = arith.constant 4872 : i32
      %min3A_174 = arith.minsi %mul3A_172, %min3A_173 : i32
      %add3A_175 = arith.addi %mul3A_2, %min3A_174 : i32
      %dma_start3A_176 = arith.constant 0 : i32
      %dma_start3A_177 = tpu.memref_slice %arg6[%add3A_175, %dma_start3A_176] : memref<160000x128xf32, #tpu.memory_space<hbm>> -> memref<128x128xf32, #tpu.memory_space<hbm>>
      %dma_start3A_178 = arith.constant 0 : i32
      %dma_start3A_179 = tpu.memref_slice %arg6[%add3A_175, %dma_start3A_178] : memref<160000x128xf32, #tpu.memory_space<hbm>> -> memref<128x128xf32, #tpu.memory_space<hbm>>
      tpu.enqueue_dma source(%arg10 : memref<128x128xf32, #tpu.memory_space<vmem>>) target(%dma_start3A_179 : memref<128x128xf32, #tpu.memory_space<hbm>>) target_semaphore(%arg18 : memref<!tpu.dma_semaphore, #tpu.memory_space<semaphore_mem>>)
    }
    %scan3A_16 = arith.constant 19 : i32
    %dma_wait3A = arith.constant 0 : i32
    %dma_wait3A_17 = tpu.memref_slice %arg6[%mul3A_2, %dma_wait3A] : memref<160000x128xf32, #tpu.memory_space<hbm>> -> memref<128x128xf32, #tpu.memory_space<hbm>>
    %dma_wait3A_18 = arith.constant 0 : i32
    %dma_wait3A_19 = tpu.memref_slice %arg6[%mul3A_2, %dma_wait3A_18] : memref<160000x128xf32, #tpu.memory_space<hbm>> -> memref<128x128xf32, #tpu.memory_space<hbm>>
    tpu.wait_dma2 semaphore(%arg18 : memref<!tpu.dma_semaphore, #tpu.memory_space<semaphore_mem>>) src(%arg10 : memref<128x128xf32, #tpu.memory_space<vmem>>) dst(%dma_wait3A_19 : memref<128x128xf32, #tpu.memory_space<hbm>>)
    %min3A_20 = arith.constant 4992 : i32
    %min3A_21 = arith.constant 4872 : i32
    %min3A_22 = arith.minsi %min3A_20, %min3A_21 : i32
    %dma_start3A_23 = tpu.memref_slice %arg7[%min3A_22] : memref<5000xi32, #tpu.memory_space<vmem>> -> memref<128xi32, #tpu.memory_space<vmem>>
    %dma_start3A_24 = arith.constant 0 : i32
    %dma_start3A_25 = arith.constant 0 : i32
    %dma_start3A_26 = tpu.memref_slice %arg2[%dma_start3A_24, %dma_start3A_25] : memref<10000x128xf32, #tpu.memory_space<hbm>> -> memref<10000x128xf32, #tpu.memory_space<hbm>>
    tpu.enqueue_indirect_dma source(%dma_start3A_26 : memref<10000x128xf32, #tpu.memory_space<hbm>>) target(%arg10 : memref<128x128xf32, #tpu.memory_space<vmem>>) offsets(%dma_start3A_23 : memref<128xi32, #tpu.memory_space<vmem>>) semaphore(%arg14 : memref<!tpu.dma_semaphore, #tpu.memory_space<semaphore_mem>>)
    %dma_start3A_27 = tpu.memref_slice %arg8[%min3A_22] : memref<5000xi32, #tpu.memory_space<vmem>> -> memref<128xi32, #tpu.memory_space<vmem>>
    %dma_start3A_28 = arith.constant 0 : i32
    %dma_start3A_29 = arith.constant 0 : i32
    %dma_start3A_30 = tpu.memref_slice %arg3[%dma_start3A_28, %dma_start3A_29] : memref<10000x128xf32, #tpu.memory_space<hbm>> -> memref<10000x128xf32, #tpu.memory_space<hbm>>
    tpu.enqueue_indirect_dma source(%dma_start3A_30 : memref<10000x128xf32, #tpu.memory_space<hbm>>) target(%arg12 : memref<128x128xf32, #tpu.memory_space<vmem>>) offsets(%dma_start3A_27 : memref<128xi32, #tpu.memory_space<vmem>>) semaphore(%arg16 : memref<!tpu.dma_semaphore, #tpu.memory_space<semaphore_mem>>)
    %dma_wait3A_31 = arith.constant 0 : i32
    %dma_wait3A_32 = tpu.memref_slice %arg7[%dma_wait3A_31] : memref<5000xi32, #tpu.memory_space<vmem>> -> memref<128xi32, #tpu.memory_space<vmem>>
    %dma_wait3A_33 = arith.constant 0 : i32
    %dma_wait3A_34 = arith.constant 0 : i32
    %dma_wait3A_35 = tpu.memref_slice %arg2[%dma_wait3A_33, %dma_wait3A_34] : memref<10000x128xf32, #tpu.memory_space<hbm>> -> memref<10000x128xf32, #tpu.memory_space<hbm>>
    tpu.wait_indirect_dma semaphore(%arg13 : memref<!tpu.dma_semaphore, #tpu.memory_space<semaphore_mem>>) src(%dma_wait3A_35 : memref<10000x128xf32, #tpu.memory_space<hbm>>) dst(%arg9 : memref<128x128xf32, #tpu.memory_space<vmem>>)
    %dma_wait3A_36 = arith.constant 0 : i32
    %dma_wait3A_37 = tpu.memref_slice %arg8[%dma_wait3A_36] : memref<5000xi32, #tpu.memory_space<vmem>> -> memref<128xi32, #tpu.memory_space<vmem>>
    %dma_wait3A_38 = arith.constant 0 : i32
    %dma_wait3A_39 = arith.constant 0 : i32
    %dma_wait3A_40 = tpu.memref_slice %arg3[%dma_wait3A_38, %dma_wait3A_39] : memref<10000x128xf32, #tpu.memory_space<hbm>> -> memref<10000x128xf32, #tpu.memory_space<hbm>>
    tpu.wait_indirect_dma semaphore(%arg15 : memref<!tpu.dma_semaphore, #tpu.memory_space<semaphore_mem>>) src(%dma_wait3A_40 : memref<10000x128xf32, #tpu.memory_space<hbm>>) dst(%arg11 : memref<128x128xf32, #tpu.memory_space<vmem>>)
    %scan3A_41 = arith.constant 0 : i32
    %scan3A_42 = arith.constant 0 : i32
    %scan3A_43 = arith.constant 128 : i32
    %scan3A_44 = arith.addi %scan3A_42, %scan3A_43 : i32
    %scan3A_45 = arith.constant 1 : i32
    scf.for %scan3A_87 = %scan3A_42 to %scan3A_44 step %scan3A_45  : i32 {
      %get3A = arith.index_cast %scan3A_87 : i32 to index
      %get3A_88 = arith.constant 0 : index
      %get3A_89 = tpu.vector_load %arg9[%get3A, %get3A_88] {strides = array<i32>} : memref<128x128xf32, #tpu.memory_space<vmem>>, vector<1x16xf32>,
      %get3A_90 = vector.shape_cast %get3A_89 : vector<1x16xf32> to vector<16xf32>
      %get3A_91 = arith.index_cast %scan3A_87 : i32 to index
      %get3A_92 = arith.constant 0 : index
      %get3A_93 = tpu.vector_load %arg11[%get3A_91, %get3A_92] {strides = array<i32>} : memref<128x128xf32, #tpu.memory_space<vmem>>, vector<1x16xf32>,
      %get3A_94 = vector.shape_cast %get3A_93 : vector<1x16xf32> to vector<16xf32>
      %add3A_95 = arith.addf %get3A_90, %get3A_94 : vector<16xf32>
      %swap3A = arith.index_cast %scan3A_87 : i32 to index
      %swap3A_96 = arith.constant 0 : index
      %swap3A_97 = tpu.vector_load %arg9[%swap3A, %swap3A_96] {strides = array<i32>} : memref<128x128xf32, #tpu.memory_space<vmem>>, vector<1x16xf32>,
      %swap3A_98 = vector.shape_cast %swap3A_97 : vector<1x16xf32> to vector<16xf32>
      %swap3A_99 = vector.shape_cast %add3A_95 : vector<16xf32> to vector<1x16xf32>
      tpu.vector_store %arg9[%swap3A, %swap3A_96], %swap3A_99 {strides = array<i32>} : memref<128x128xf32, #tpu.memory_space<vmem>>, vector<1x16xf32>,
      %get3A_100 = arith.index_cast %scan3A_87 : i32 to index
      %get3A_101 = arith.constant 16 : index
      %get3A_102 = tpu.vector_load %arg9[%get3A_100, %get3A_101] {strides = array<i32>} : memref<128x128xf32, #tpu.memory_space<vmem>>, vector<1x16xf32>,
      %get3A_103 = vector.shape_cast %get3A_102 : vector<1x16xf32> to vector<16xf32>
      %get3A_104 = arith.index_cast %scan3A_87 : i32 to index
      %get3A_105 = arith.constant 16 : index
      %get3A_106 = tpu.vector_load %arg11[%get3A_104, %get3A_105] {strides = array<i32>} : memref<128x128xf32, #tpu.memory_space<vmem>>, vector<1x16xf32>,
      %get3A_107 = vector.shape_cast %get3A_106 : vector<1x16xf32> to vector<16xf32>
      %add3A_108 = arith.addf %get3A_103, %get3A_107 : vector<16xf32>
      %swap3A_109 = arith.index_cast %scan3A_87 : i32 to index
      %swap3A_110 = arith.constant 16 : index
      %swap3A_111 = tpu.vector_load %arg9[%swap3A_109, %swap3A_110] {strides = array<i32>} : memref<128x128xf32, #tpu.memory_space<vmem>>, vector<1x16xf32>,
      %swap3A_112 = vector.shape_cast %swap3A_111 : vector<1x16xf32> to vector<16xf32>
      %swap3A_113 = vector.shape_cast %add3A_108 : vector<16xf32> to vector<1x16xf32>
      tpu.vector_store %arg9[%swap3A_109, %swap3A_110], %swap3A_113 {strides = array<i32>} : memref<128x128xf32, #tpu.memory_space<vmem>>, vector<1x16xf32>,
      %get3A_114 = arith.index_cast %scan3A_87 : i32 to index
      %get3A_115 = arith.constant 32 : index
      %get3A_116 = tpu.vector_load %arg9[%get3A_114, %get3A_115] {strides = array<i32>} : memref<128x128xf32, #tpu.memory_space<vmem>>, vector<1x16xf32>,
      %get3A_117 = vector.shape_cast %get3A_116 : vector<1x16xf32> to vector<16xf32>
      %get3A_118 = arith.index_cast %scan3A_87 : i32 to index
      %get3A_119 = arith.constant 32 : index
      %get3A_120 = tpu.vector_load %arg11[%get3A_118, %get3A_119] {strides = array<i32>} : memref<128x128xf32, #tpu.memory_space<vmem>>, vector<1x16xf32>,
      %get3A_121 = vector.shape_cast %get3A_120 : vector<1x16xf32> to vector<16xf32>
      %add3A_122 = arith.addf %get3A_117, %get3A_121 : vector<16xf32>
      %swap3A_123 = arith.index_cast %scan3A_87 : i32 to index
      %swap3A_124 = arith.constant 32 : index
      %swap3A_125 = tpu.vector_load %arg9[%swap3A_123, %swap3A_124] {strides = array<i32>} : memref<128x128xf32, #tpu.memory_space<vmem>>, vector<1x16xf32>,
      %swap3A_126 = vector.shape_cast %swap3A_125 : vector<1x16xf32> to vector<16xf32>
      %swap3A_127 = vector.shape_cast %add3A_122 : vector<16xf32> to vector<1x16xf32>
      tpu.vector_store %arg9[%swap3A_123, %swap3A_124], %swap3A_127 {strides = array<i32>} : memref<128x128xf32, #tpu.memory_space<vmem>>, vector<1x16xf32>,
      %get3A_128 = arith.index_cast %scan3A_87 : i32 to index
      %get3A_129 = arith.constant 48 : index
      %get3A_130 = tpu.vector_load %arg9[%get3A_128, %get3A_129] {strides = array<i32>} : memref<128x128xf32, #tpu.memory_space<vmem>>, vector<1x16xf32>,
      %get3A_131 = vector.shape_cast %get3A_130 : vector<1x16xf32> to vector<16xf32>
      %get3A_132 = arith.index_cast %scan3A_87 : i32 to index
      %get3A_133 = arith.constant 48 : index
      %get3A_134 = tpu.vector_load %arg11[%get3A_132, %get3A_133] {strides = array<i32>} : memref<128x128xf32, #tpu.memory_space<vmem>>, vector<1x16xf32>,
      %get3A_135 = vector.shape_cast %get3A_134 : vector<1x16xf32> to vector<16xf32>
      %add3A_136 = arith.addf %get3A_131, %get3A_135 : vector<16xf32>
      %swap3A_137 = arith.index_cast %scan3A_87 : i32 to index
      %swap3A_138 = arith.constant 48 : index
      %swap3A_139 = tpu.vector_load %arg9[%swap3A_137, %swap3A_138] {strides = array<i32>} : memref<128x128xf32, #tpu.memory_space<vmem>>, vector<1x16xf32>,
      %swap3A_140 = vector.shape_cast %swap3A_139 : vector<1x16xf32> to vector<16xf32>
      %swap3A_141 = vector.shape_cast %add3A_136 : vector<16xf32> to vector<1x16xf32>
      tpu.vector_store %arg9[%swap3A_137, %swap3A_138], %swap3A_141 {strides = array<i32>} : memref<128x128xf32, #tpu.memory_space<vmem>>, vector<1x16xf32>,
      %get3A_142 = arith.index_cast %scan3A_87 : i32 to index
      %get3A_143 = arith.constant 64 : index
      %get3A_144 = tpu.vector_load %arg9[%get3A_142, %get3A_143] {strides = array<i32>} : memref<128x128xf32, #tpu.memory_space<vmem>>, vector<1x16xf32>,
      %get3A_145 = vector.shape_cast %get3A_144 : vector<1x16xf32> to vector<16xf32>
      %get3A_146 = arith.index_cast %scan3A_87 : i32 to index
      %get3A_147 = arith.constant 64 : index
      %get3A_148 = tpu.vector_load %arg11[%get3A_146, %get3A_147] {strides = array<i32>} : memref<128x128xf32, #tpu.memory_space<vmem>>, vector<1x16xf32>,
      %get3A_149 = vector.shape_cast %get3A_148 : vector<1x16xf32> to vector<16xf32>
      %add3A_150 = arith.addf %get3A_145, %get3A_149 : vector<16xf32>
      %swap3A_151 = arith.index_cast %scan3A_87 : i32 to index
      %swap3A_152 = arith.constant 64 : index
      %swap3A_153 = tpu.vector_load %arg9[%swap3A_151, %swap3A_152] {strides = array<i32>} : memref<128x128xf32, #tpu.memory_space<vmem>>, vector<1x16xf32>,
      %swap3A_154 = vector.shape_cast %swap3A_153 : vector<1x16xf32> to vector<16xf32>
      %swap3A_155 = vector.shape_cast %add3A_150 : vector<16xf32> to vector<1x16xf32>
      tpu.vector_store %arg9[%swap3A_151, %swap3A_152], %swap3A_155 {strides = array<i32>} : memref<128x128xf32, #tpu.memory_space<vmem>>, vector<1x16xf32>,
      %get3A_156 = arith.index_cast %scan3A_87 : i32 to index
      %get3A_157 = arith.constant 80 : index
      %get3A_158 = tpu.vector_load %arg9[%get3A_156, %get3A_157] {strides = array<i32>} : memref<128x128xf32, #tpu.memory_space<vmem>>, vector<1x16xf32>,
      %get3A_159 = vector.shape_cast %get3A_158 : vector<1x16xf32> to vector<16xf32>
      %get3A_160 = arith.index_cast %scan3A_87 : i32 to index
      %get3A_161 = arith.constant 80 : index
      %get3A_162 = tpu.vector_load %arg11[%get3A_160, %get3A_161] {strides = array<i32>} : memref<128x128xf32, #tpu.memory_space<vmem>>, vector<1x16xf32>,
      %get3A_163 = vector.shape_cast %get3A_162 : vector<1x16xf32> to vector<16xf32>
      %add3A_164 = arith.addf %get3A_159, %get3A_163 : vector<16xf32>
      %swap3A_165 = arith.index_cast %scan3A_87 : i32 to index
      %swap3A_166 = arith.constant 80 : index
      %swap3A_167 = tpu.vector_load %arg9[%swap3A_165, %swap3A_166] {strides = array<i32>} : memref<128x128xf32, #tpu.memory_space<vmem>>, vector<1x16xf32>,
      %swap3A_168 = vector.shape_cast %swap3A_167 : vector<1x16xf32> to vector<16xf32>
      %swap3A_169 = vector.shape_cast %add3A_164 : vector<16xf32> to vector<1x16xf32>
      tpu.vector_store %arg9[%swap3A_165, %swap3A_166], %swap3A_169 {strides = array<i32>} : memref<128x128xf32, #tpu.memory_space<vmem>>, vector<1x16xf32>,
      %get3A_170 = arith.index_cast %scan3A_87 : i32 to index
      %get3A_171 = arith.constant 96 : index
      %get3A_172 = tpu.vector_load %arg9[%get3A_170, %get3A_171] {strides = array<i32>} : memref<128x128xf32, #tpu.memory_space<vmem>>, vector<1x16xf32>,
      %get3A_173 = vector.shape_cast %get3A_172 : vector<1x16xf32> to vector<16xf32>
      %get3A_174 = arith.index_cast %scan3A_87 : i32 to index
      %get3A_175 = arith.constant 96 : index
      %get3A_176 = tpu.vector_load %arg11[%get3A_174, %get3A_175] {strides = array<i32>} : memref<128x128xf32, #tpu.memory_space<vmem>>, vector<1x16xf32>,
      %get3A_177 = vector.shape_cast %get3A_176 : vector<1x16xf32> to vector<16xf32>
      %add3A_178 = arith.addf %get3A_173, %get3A_177 : vector<16xf32>
      %swap3A_179 = arith.index_cast %scan3A_87 : i32 to index
      %swap3A_180 = arith.constant 96 : index
      %swap3A_181 = tpu.vector_load %arg9[%swap3A_179, %swap3A_180] {strides = array<i32>} : memref<128x128xf32, #tpu.memory_space<vmem>>, vector<1x16xf32>,
      %swap3A_182 = vector.shape_cast %swap3A_181 : vector<1x16xf32> to vector<16xf32>
      %swap3A_183 = vector.shape_cast %add3A_178 : vector<16xf32> to vector<1x16xf32>
      tpu.vector_store %arg9[%swap3A_179, %swap3A_180], %swap3A_183 {strides = array<i32>} : memref<128x128xf32, #tpu.memory_space<vmem>>, vector<1x16xf32>,
      %get3A_184 = arith.index_cast %scan3A_87 : i32 to index
      %get3A_185 = arith.constant 112 : index
      %get3A_186 = tpu.vector_load %arg9[%get3A_184, %get3A_185] {strides = array<i32>} : memref<128x128xf32, #tpu.memory_space<vmem>>, vector<1x16xf32>,
      %get3A_187 = vector.shape_cast %get3A_186 : vector<1x16xf32> to vector<16xf32>
      %get3A_188 = arith.index_cast %scan3A_87 : i32 to index
      %get3A_189 = arith.constant 112 : index
      %get3A_190 = tpu.vector_load %arg11[%get3A_188, %get3A_189] {strides = array<i32>} : memref<128x128xf32, #tpu.memory_space<vmem>>, vector<1x16xf32>,
      %get3A_191 = vector.shape_cast %get3A_190 : vector<1x16xf32> to vector<16xf32>
      %add3A_192 = arith.addf %get3A_187, %get3A_191 : vector<16xf32>
      %swap3A_193 = arith.index_cast %scan3A_87 : i32 to index
      %swap3A_194 = arith.constant 112 : index
      %swap3A_195 = tpu.vector_load %arg9[%swap3A_193, %swap3A_194] {strides = array<i32>} : memref<128x128xf32, #tpu.memory_space<vmem>>, vector<1x16xf32>,
      %swap3A_196 = vector.shape_cast %swap3A_195 : vector<1x16xf32> to vector<16xf32>
      %swap3A_197 = vector.shape_cast %add3A_192 : vector<16xf32> to vector<1x16xf32>
      tpu.vector_store %arg9[%swap3A_193, %swap3A_194], %swap3A_197 {strides = array<i32>} : memref<128x128xf32, #tpu.memory_space<vmem>>, vector<1x16xf32>,
    }
    %scan3A_46 = arith.constant 128 : i32
    %min3A_47 = arith.constant 4864 : i32
    %min3A_48 = arith.constant 4872 : i32
    %min3A_49 = arith.minsi %min3A_47, %min3A_48 : i32
    %add3A_50 = arith.addi %mul3A_2, %min3A_49 : i32
    %dma_start3A_51 = arith.constant 0 : i32
    %dma_start3A_52 = tpu.memref_slice %arg6[%add3A_50, %dma_start3A_51] : memref<160000x128xf32, #tpu.memory_space<hbm>> -> memref<128x128xf32, #tpu.memory_space<hbm>>
    %dma_start3A_53 = arith.constant 0 : i32
    %dma_start3A_54 = tpu.memref_slice %arg6[%add3A_50, %dma_start3A_53] : memref<160000x128xf32, #tpu.memory_space<hbm>> -> memref<128x128xf32, #tpu.memory_space<hbm>>
    tpu.enqueue_dma source(%arg9 : memref<128x128xf32, #tpu.memory_space<vmem>>) target(%dma_start3A_54 : memref<128x128xf32, #tpu.memory_space<hbm>>) target_semaphore(%arg17 : memref<!tpu.dma_semaphore, #tpu.memory_space<semaphore_mem>>)
    %dma_wait3A_55 = arith.constant 0 : i32
    %dma_wait3A_56 = tpu.memref_slice %arg6[%mul3A_2, %dma_wait3A_55] : memref<160000x128xf32, #tpu.memory_space<hbm>> -> memref<128x128xf32, #tpu.memory_space<hbm>>
    %dma_wait3A_57 = arith.constant 0 : i32
    %dma_wait3A_58 = tpu.memref_slice %arg6[%mul3A_2, %dma_wait3A_57] : memref<160000x128xf32, #tpu.memory_space<hbm>> -> memref<128x128xf32, #tpu.memory_space<hbm>>
    tpu.wait_dma2 semaphore(%arg17 : memref<!tpu.dma_semaphore, #tpu.memory_space<semaphore_mem>>) src(%arg9 : memref<128x128xf32, #tpu.memory_space<vmem>>) dst(%dma_wait3A_58 : memref<128x128xf32, #tpu.memory_space<hbm>>)
    %dma_wait3A_59 = arith.constant 0 : i32
    %dma_wait3A_60 = tpu.memref_slice %arg7[%dma_wait3A_59] : memref<5000xi32, #tpu.memory_space<vmem>> -> memref<128xi32, #tpu.memory_space<vmem>>
    %dma_wait3A_61 = arith.constant 0 : i32
    %dma_wait3A_62 = arith.constant 0 : i32
    %dma_wait3A_63 = tpu.memref_slice %arg2[%dma_wait3A_61, %dma_wait3A_62] : memref<10000x128xf32, #tpu.memory_space<hbm>> -> memref<10000x128xf32, #tpu.memory_space<hbm>>
    tpu.wait_indirect_dma semaphore(%arg14 : memref<!tpu.dma_semaphore, #tpu.memory_space<semaphore_mem>>) src(%dma_wait3A_63 : memref<10000x128xf32, #tpu.memory_space<hbm>>) dst(%arg10 : memref<128x128xf32, #tpu.memory_space<vmem>>)
    %dma_wait3A_64 = arith.constant 0 : i32
    %dma_wait3A_65 = tpu.memref_slice %arg8[%dma_wait3A_64] : memref<5000xi32, #tpu.memory_space<vmem>> -> memref<128xi32, #tpu.memory_space<vmem>>
    %dma_wait3A_66 = arith.constant 0 : i32
    %dma_wait3A_67 = arith.constant 0 : i32
    %dma_wait3A_68 = tpu.memref_slice %arg3[%dma_wait3A_66, %dma_wait3A_67] : memref<10000x128xf32, #tpu.memory_space<hbm>> -> memref<10000x128xf32, #tpu.memory_space<hbm>>
    tpu.wait_indirect_dma semaphore(%arg16 : memref<!tpu.dma_semaphore, #tpu.memory_space<semaphore_mem>>) src(%dma_wait3A_68 : memref<10000x128xf32, #tpu.memory_space<hbm>>) dst(%arg12 : memref<128x128xf32, #tpu.memory_space<vmem>>)
    %scan3A_69 = arith.constant 0 : i32
    %scan3A_70 = arith.constant 0 : i32
    %scan3A_71 = arith.constant 128 : i32
    %scan3A_72 = arith.addi %scan3A_70, %scan3A_71 : i32
    %scan3A_73 = arith.constant 1 : i32
    scf.for %scan3A_87 = %scan3A_70 to %scan3A_72 step %scan3A_73  : i32 {
      %get3A = arith.index_cast %scan3A_87 : i32 to index
      %get3A_88 = arith.constant 0 : index
      %get3A_89 = tpu.vector_load %arg10[%get3A, %get3A_88] {strides = array<i32>} : memref<128x128xf32, #tpu.memory_space<vmem>>, vector<1x16xf32>,
      %get3A_90 = vector.shape_cast %get3A_89 : vector<1x16xf32> to vector<16xf32>
      %get3A_91 = arith.index_cast %scan3A_87 : i32 to index
      %get3A_92 = arith.constant 0 : index
      %get3A_93 = tpu.vector_load %arg12[%get3A_91, %get3A_92] {strides = array<i32>} : memref<128x128xf32, #tpu.memory_space<vmem>>, vector<1x16xf32>,
      %get3A_94 = vector.shape_cast %get3A_93 : vector<1x16xf32> to vector<16xf32>
      %add3A_95 = arith.addf %get3A_90, %get3A_94 : vector<16xf32>
      %swap3A = arith.index_cast %scan3A_87 : i32 to index
      %swap3A_96 = arith.constant 0 : index
      %swap3A_97 = tpu.vector_load %arg10[%swap3A, %swap3A_96] {strides = array<i32>} : memref<128x128xf32, #tpu.memory_space<vmem>>, vector<1x16xf32>,
      %swap3A_98 = vector.shape_cast %swap3A_97 : vector<1x16xf32> to vector<16xf32>
      %swap3A_99 = vector.shape_cast %add3A_95 : vector<16xf32> to vector<1x16xf32>
      tpu.vector_store %arg10[%swap3A, %swap3A_96], %swap3A_99 {strides = array<i32>} : memref<128x128xf32, #tpu.memory_space<vmem>>, vector<1x16xf32>,
      %get3A_100 = arith.index_cast %scan3A_87 : i32 to index
      %get3A_101 = arith.constant 16 : index
      %get3A_102 = tpu.vector_load %arg10[%get3A_100, %get3A_101] {strides = array<i32>} : memref<128x128xf32, #tpu.memory_space<vmem>>, vector<1x16xf32>,
      %get3A_103 = vector.shape_cast %get3A_102 : vector<1x16xf32> to vector<16xf32>
      %get3A_104 = arith.index_cast %scan3A_87 : i32 to index
      %get3A_105 = arith.constant 16 : index
      %get3A_106 = tpu.vector_load %arg12[%get3A_104, %get3A_105] {strides = array<i32>} : memref<128x128xf32, #tpu.memory_space<vmem>>, vector<1x16xf32>,
      %get3A_107 = vector.shape_cast %get3A_106 : vector<1x16xf32> to vector<16xf32>
      %add3A_108 = arith.addf %get3A_103, %get3A_107 : vector<16xf32>
      %swap3A_109 = arith.index_cast %scan3A_87 : i32 to index
      %swap3A_110 = arith.constant 16 : index
      %swap3A_111 = tpu.vector_load %arg10[%swap3A_109, %swap3A_110] {strides = array<i32>} : memref<128x128xf32, #tpu.memory_space<vmem>>, vector<1x16xf32>,
      %swap3A_112 = vector.shape_cast %swap3A_111 : vector<1x16xf32> to vector<16xf32>
      %swap3A_113 = vector.shape_cast %add3A_108 : vector<16xf32> to vector<1x16xf32>
      tpu.vector_store %arg10[%swap3A_109, %swap3A_110], %swap3A_113 {strides = array<i32>} : memref<128x128xf32, #tpu.memory_space<vmem>>, vector<1x16xf32>,
      %get3A_114 = arith.index_cast %scan3A_87 : i32 to index
      %get3A_115 = arith.constant 32 : index
      %get3A_116 = tpu.vector_load %arg10[%get3A_114, %get3A_115] {strides = array<i32>} : memref<128x128xf32, #tpu.memory_space<vmem>>, vector<1x16xf32>,
      %get3A_117 = vector.shape_cast %get3A_116 : vector<1x16xf32> to vector<16xf32>
      %get3A_118 = arith.index_cast %scan3A_87 : i32 to index
      %get3A_119 = arith.constant 32 : index
      %get3A_120 = tpu.vector_load %arg12[%get3A_118, %get3A_119] {strides = array<i32>} : memref<128x128xf32, #tpu.memory_space<vmem>>, vector<1x16xf32>,
      %get3A_121 = vector.shape_cast %get3A_120 : vector<1x16xf32> to vector<16xf32>
      %add3A_122 = arith.addf %get3A_117, %get3A_121 : vector<16xf32>
      %swap3A_123 = arith.index_cast %scan3A_87 : i32 to index
      %swap3A_124 = arith.constant 32 : index
      %swap3A_125 = tpu.vector_load %arg10[%swap3A_123, %swap3A_124] {strides = array<i32>} : memref<128x128xf32, #tpu.memory_space<vmem>>, vector<1x16xf32>,
      %swap3A_126 = vector.shape_cast %swap3A_125 : vector<1x16xf32> to vector<16xf32>
      %swap3A_127 = vector.shape_cast %add3A_122 : vector<16xf32> to vector<1x16xf32>
      tpu.vector_store %arg10[%swap3A_123, %swap3A_124], %swap3A_127 {strides = array<i32>} : memref<128x128xf32, #tpu.memory_space<vmem>>, vector<1x16xf32>,
      %get3A_128 = arith.index_cast %scan3A_87 : i32 to index
      %get3A_129 = arith.constant 48 : index
      %get3A_130 = tpu.vector_load %arg10[%get3A_128, %get3A_129] {strides = array<i32>} : memref<128x128xf32, #tpu.memory_space<vmem>>, vector<1x16xf32>,
      %get3A_131 = vector.shape_cast %get3A_130 : vector<1x16xf32> to vector<16xf32>
      %get3A_132 = arith.index_cast %scan3A_87 : i32 to index
      %get3A_133 = arith.constant 48 : index
      %get3A_134 = tpu.vector_load %arg12[%get3A_132, %get3A_133] {strides = array<i32>} : memref<128x128xf32, #tpu.memory_space<vmem>>, vector<1x16xf32>,
      %get3A_135 = vector.shape_cast %get3A_134 : vector<1x16xf32> to vector<16xf32>
      %add3A_136 = arith.addf %get3A_131, %get3A_135 : vector<16xf32>
      %swap3A_137 = arith.index_cast %scan3A_87 : i32 to index
      %swap3A_138 = arith.constant 48 : index
      %swap3A_139 = tpu.vector_load %arg10[%swap3A_137, %swap3A_138] {strides = array<i32>} : memref<128x128xf32, #tpu.memory_space<vmem>>, vector<1x16xf32>,
      %swap3A_140 = vector.shape_cast %swap3A_139 : vector<1x16xf32> to vector<16xf32>
      %swap3A_141 = vector.shape_cast %add3A_136 : vector<16xf32> to vector<1x16xf32>
      tpu.vector_store %arg10[%swap3A_137, %swap3A_138], %swap3A_141 {strides = array<i32>} : memref<128x128xf32, #tpu.memory_space<vmem>>, vector<1x16xf32>,
      %get3A_142 = arith.index_cast %scan3A_87 : i32 to index
      %get3A_143 = arith.constant 64 : index
      %get3A_144 = tpu.vector_load %arg10[%get3A_142, %get3A_143] {strides = array<i32>} : memref<128x128xf32, #tpu.memory_space<vmem>>, vector<1x16xf32>,
      %get3A_145 = vector.shape_cast %get3A_144 : vector<1x16xf32> to vector<16xf32>
      %get3A_146 = arith.index_cast %scan3A_87 : i32 to index
      %get3A_147 = arith.constant 64 : index
      %get3A_148 = tpu.vector_load %arg12[%get3A_146, %get3A_147] {strides = array<i32>} : memref<128x128xf32, #tpu.memory_space<vmem>>, vector<1x16xf32>,
      %get3A_149 = vector.shape_cast %get3A_148 : vector<1x16xf32> to vector<16xf32>
      %add3A_150 = arith.addf %get3A_145, %get3A_149 : vector<16xf32>
      %swap3A_151 = arith.index_cast %scan3A_87 : i32 to index
      %swap3A_152 = arith.constant 64 : index
      %swap3A_153 = tpu.vector_load %arg10[%swap3A_151, %swap3A_152] {strides = array<i32>} : memref<128x128xf32, #tpu.memory_space<vmem>>, vector<1x16xf32>,
      %swap3A_154 = vector.shape_cast %swap3A_153 : vector<1x16xf32> to vector<16xf32>
      %swap3A_155 = vector.shape_cast %add3A_150 : vector<16xf32> to vector<1x16xf32>
      tpu.vector_store %arg10[%swap3A_151, %swap3A_152], %swap3A_155 {strides = array<i32>} : memref<128x128xf32, #tpu.memory_space<vmem>>, vector<1x16xf32>,
      %get3A_156 = arith.index_cast %scan3A_87 : i32 to index
      %get3A_157 = arith.constant 80 : index
      %get3A_158 = tpu.vector_load %arg10[%get3A_156, %get3A_157] {strides = array<i32>} : memref<128x128xf32, #tpu.memory_space<vmem>>, vector<1x16xf32>,
      %get3A_159 = vector.shape_cast %get3A_158 : vector<1x16xf32> to vector<16xf32>
      %get3A_160 = arith.index_cast %scan3A_87 : i32 to index
      %get3A_161 = arith.constant 80 : index
      %get3A_162 = tpu.vector_load %arg12[%get3A_160, %get3A_161] {strides = array<i32>} : memref<128x128xf32, #tpu.memory_space<vmem>>, vector<1x16xf32>,
      %get3A_163 = vector.shape_cast %get3A_162 : vector<1x16xf32> to vector<16xf32>
      %add3A_164 = arith.addf %get3A_159, %get3A_163 : vector<16xf32>
      %swap3A_165 = arith.index_cast %scan3A_87 : i32 to index
      %swap3A_166 = arith.constant 80 : index
      %swap3A_167 = tpu.vector_load %arg10[%swap3A_165, %swap3A_166] {strides = array<i32>} : memref<128x128xf32, #tpu.memory_space<vmem>>, vector<1x16xf32>,
      %swap3A_168 = vector.shape_cast %swap3A_167 : vector<1x16xf32> to vector<16xf32>
      %swap3A_169 = vector.shape_cast %add3A_164 : vector<16xf32> to vector<1x16xf32>
      tpu.vector_store %arg10[%swap3A_165, %swap3A_166], %swap3A_169 {strides = array<i32>} : memref<128x128xf32, #tpu.memory_space<vmem>>, vector<1x16xf32>,
      %get3A_170 = arith.index_cast %scan3A_87 : i32 to index
      %get3A_171 = arith.constant 96 : index
      %get3A_172 = tpu.vector_load %arg10[%get3A_170, %get3A_171] {strides = array<i32>} : memref<128x128xf32, #tpu.memory_space<vmem>>, vector<1x16xf32>,
      %get3A_173 = vector.shape_cast %get3A_172 : vector<1x16xf32> to vector<16xf32>
      %get3A_174 = arith.index_cast %scan3A_87 : i32 to index
      %get3A_175 = arith.constant 96 : index
      %get3A_176 = tpu.vector_load %arg12[%get3A_174, %get3A_175] {strides = array<i32>} : memref<128x128xf32, #tpu.memory_space<vmem>>, vector<1x16xf32>,
      %get3A_177 = vector.shape_cast %get3A_176 : vector<1x16xf32> to vector<16xf32>
      %add3A_178 = arith.addf %get3A_173, %get3A_177 : vector<16xf32>
      %swap3A_179 = arith.index_cast %scan3A_87 : i32 to index
      %swap3A_180 = arith.constant 96 : index
      %swap3A_181 = tpu.vector_load %arg10[%swap3A_179, %swap3A_180] {strides = array<i32>} : memref<128x128xf32, #tpu.memory_space<vmem>>, vector<1x16xf32>,
      %swap3A_182 = vector.shape_cast %swap3A_181 : vector<1x16xf32> to vector<16xf32>
      %swap3A_183 = vector.shape_cast %add3A_178 : vector<16xf32> to vector<1x16xf32>
      tpu.vector_store %arg10[%swap3A_179, %swap3A_180], %swap3A_183 {strides = array<i32>} : memref<128x128xf32, #tpu.memory_space<vmem>>, vector<1x16xf32>,
      %get3A_184 = arith.index_cast %scan3A_87 : i32 to index
      %get3A_185 = arith.constant 112 : index
      %get3A_186 = tpu.vector_load %arg10[%get3A_184, %get3A_185] {strides = array<i32>} : memref<128x128xf32, #tpu.memory_space<vmem>>, vector<1x16xf32>,
      %get3A_187 = vector.shape_cast %get3A_186 : vector<1x16xf32> to vector<16xf32>
      %get3A_188 = arith.index_cast %scan3A_87 : i32 to index
      %get3A_189 = arith.constant 112 : index
      %get3A_190 = tpu.vector_load %arg12[%get3A_188, %get3A_189] {strides = array<i32>} : memref<128x128xf32, #tpu.memory_space<vmem>>, vector<1x16xf32>,
      %get3A_191 = vector.shape_cast %get3A_190 : vector<1x16xf32> to vector<16xf32>
      %add3A_192 = arith.addf %get3A_187, %get3A_191 : vector<16xf32>
      %swap3A_193 = arith.index_cast %scan3A_87 : i32 to index
      %swap3A_194 = arith.constant 112 : index
      %swap3A_195 = tpu.vector_load %arg10[%swap3A_193, %swap3A_194] {strides = array<i32>} : memref<128x128xf32, #tpu.memory_space<vmem>>, vector<1x16xf32>,
      %swap3A_196 = vector.shape_cast %swap3A_195 : vector<1x16xf32> to vector<16xf32>
      %swap3A_197 = vector.shape_cast %add3A_192 : vector<16xf32> to vector<1x16xf32>
      tpu.vector_store %arg10[%swap3A_193, %swap3A_194], %swap3A_197 {strides = array<i32>} : memref<128x128xf32, #tpu.memory_space<vmem>>, vector<1x16xf32>,
    }
    %scan3A_74 = arith.constant 128 : i32
    %min3A_75 = arith.constant 4992 : i32
    %min3A_76 = arith.constant 4872 : i32
    %min3A_77 = arith.minsi %min3A_75, %min3A_76 : i32
    %add3A_78 = arith.addi %mul3A_2, %min3A_77 : i32
    %dma_start3A_79 = arith.constant 0 : i32
    %dma_start3A_80 = tpu.memref_slice %arg6[%add3A_78, %dma_start3A_79] : memref<160000x128xf32, #tpu.memory_space<hbm>> -> memref<128x128xf32, #tpu.memory_space<hbm>>
    %dma_start3A_81 = arith.constant 0 : i32
    %dma_start3A_82 = tpu.memref_slice %arg6[%add3A_78, %dma_start3A_81] : memref<160000x128xf32, #tpu.memory_space<hbm>> -> memref<128x128xf32, #tpu.memory_space<hbm>>
    tpu.enqueue_dma source(%arg10 : memref<128x128xf32, #tpu.memory_space<vmem>>) target(%dma_start3A_82 : memref<128x128xf32, #tpu.memory_space<hbm>>) target_semaphore(%arg18 : memref<!tpu.dma_semaphore, #tpu.memory_space<semaphore_mem>>)
    %dma_wait3A_83 = arith.constant 0 : i32
    %dma_wait3A_84 = tpu.memref_slice %arg6[%mul3A_2, %dma_wait3A_83] : memref<160000x128xf32, #tpu.memory_space<hbm>> -> memref<128x128xf32, #tpu.memory_space<hbm>>
    %dma_wait3A_85 = arith.constant 0 : i32
    %dma_wait3A_86 = tpu.memref_slice %arg6[%mul3A_2, %dma_wait3A_85] : memref<160000x128xf32, #tpu.memory_space<hbm>> -> memref<128x128xf32, #tpu.memory_space<hbm>>
    tpu.wait_dma2 semaphore(%arg18 : memref<!tpu.dma_semaphore, #tpu.memory_space<semaphore_mem>>) src(%arg10 : memref<128x128xf32, #tpu.memory_space<vmem>>) dst(%dma_wait3A_86 : memref<128x128xf32, #tpu.memory_space<hbm>>)
    return
  }
}

#map = affine_map<(d0, d1) -> (0, 0)>
#map1 = affine_map<(d0, d1) -> (0)>
module attributes {stable_mosaic.version = 14 : i64} {
  func.func @k(%arg0: i32, %arg1: i32, %arg2: memref<10000x128xf32, #tpu.memory_space<hbm>>, %arg3: memref<10000x128xf32, #tpu.memory_space<hbm>>, %arg4: memref<160000xi32, #tpu.memory_space<hbm>>, %arg5: memref<160000xi32, #tpu.memory_space<hbm>>, %arg6: memref<160000x128xf32, #tpu.memory_space<hbm>>, %arg7: memref<5000xi32, #tpu.memory_space<vmem>>, %arg8: memref<5000xi32, #tpu.memory_space<vmem>>, %arg9: memref<128x128xf32, #tpu.memory_space<vmem>>, %arg10: memref<128x128xf32, #tpu.memory_space<vmem>>, %arg11: memref<128x128xf32, #tpu.memory_space<vmem>>, %arg12: memref<128x128xf32, #tpu.memory_space<vmem>>, %arg13: memref<!tpu.dma_semaphore, #tpu.memory_space<semaphore_mem>>, %arg14: memref<!tpu.dma_semaphore, #tpu.memory_space<semaphore_mem>>, %arg15: memref<!tpu.dma_semaphore, #tpu.memory_space<semaphore_mem>>, %arg16: memref<!tpu.dma_semaphore, #tpu.memory_space<semaphore_mem>>, %arg17: memref<!tpu.dma_semaphore, #tpu.memory_space<semaphore_mem>>, %arg18: memref<!tpu.dma_semaphore, #tpu.memory_space<semaphore_mem>>) attributes {dimension_semantics = [#tpu.dimension_semantics<core_parallel>, #tpu.dimension_semantics<subcore_parallel>], iteration_bounds = array<i64: 2, 16>, scalar_prefetch = 0 : i64, scratch_operands = 12 : i64, tpu.core_type = #tpu.core_type<sc_vector_subcore>, window_params = [{transform_indices = #map}, {transform_indices = #map}, {transform_indices = #map1}, {transform_indices = #map1}, {transform_indices = #map}]} {
    %mul3A = arith.constant 2 : i32
    %mul3A_0 = arith.muli %arg1, %mul3A : i32
    %add3A = arith.addi %mul3A_0, %arg0 : i32
    %mul3A_1 = arith.constant 5000 : i32
    %mul3A_2 = arith.muli %add3A, %mul3A_1 : i32
    "tpu.region"() ({
      %run_scoped3A = tpu.sem_alloc : memref<!tpu.dma_semaphore, #tpu.memory_space<semaphore_mem>>
      %dma_start3A_87 = tpu.memref_slice %arg4[%mul3A_2] : memref<160000xi32, #tpu.memory_space<hbm>> -> memref<5000xi32, #tpu.memory_space<hbm>>
      %dma_start3A_88 = tpu.memref_slice %arg4[%mul3A_2] : memref<160000xi32, #tpu.memory_space<hbm>> -> memref<5000xi32, #tpu.memory_space<hbm>>
      tpu.enqueue_dma source(%dma_start3A_88 : memref<5000xi32, #tpu.memory_space<hbm>>) target(%arg7 : memref<5000xi32, #tpu.memory_space<vmem>>) target_semaphore(%run_scoped3A : memref<!tpu.dma_semaphore, #tpu.memory_space<semaphore_mem>>)
      %dma_wait3A_89 = tpu.memref_slice %arg4[%mul3A_2] : memref<160000xi32, #tpu.memory_space<hbm>> -> memref<5000xi32, #tpu.memory_space<hbm>>
      %dma_wait3A_90 = tpu.memref_slice %arg4[%mul3A_2] : memref<160000xi32, #tpu.memory_space<hbm>> -> memref<5000xi32, #tpu.memory_space<hbm>>
      tpu.wait_dma2 semaphore(%run_scoped3A : memref<!tpu.dma_semaphore, #tpu.memory_space<semaphore_mem>>) src(%dma_wait3A_90 : memref<5000xi32, #tpu.memory_space<hbm>>) dst(%arg7 : memref<5000xi32, #tpu.memory_space<vmem>>)
      tpu.yield
    }) : () -> ()
    "tpu.region"() ({
      %run_scoped3A = tpu.sem_alloc : memref<!tpu.dma_semaphore, #tpu.memory_space<semaphore_mem>>
      %dma_start3A_87 = tpu.memref_slice %arg5[%mul3A_2] : memref<160000xi32, #tpu.memory_space<hbm>> -> memref<5000xi32, #tpu.memory_space<hbm>>
      %dma_start3A_88 = tpu.memref_slice %arg5[%mul3A_2] : memref<160000xi32, #tpu.memory_space<hbm>> -> memref<5000xi32, #tpu.memory_space<hbm>>
      tpu.enqueue_dma source(%dma_start3A_88 : memref<5000xi32, #tpu.memory_space<hbm>>) target(%arg8 : memref<5000xi32, #tpu.memory_space<vmem>>) target_semaphore(%run_scoped3A : memref<!tpu.dma_semaphore, #tpu.memory_space<semaphore_mem>>)
      %dma_wait3A_89 = tpu.memref_slice %arg5[%mul3A_2] : memref<160000xi32, #tpu.memory_space<hbm>> -> memref<5000xi32, #tpu.memory_space<hbm>>
      %dma_wait3A_90 = tpu.memref_slice %arg5[%mul3A_2] : memref<160000xi32, #tpu.memory_space<hbm>> -> memref<5000xi32, #tpu.memory_space<hbm>>
      tpu.wait_dma2 semaphore(%run_scoped3A : memref<!tpu.dma_semaphore, #tpu.memory_space<semaphore_mem>>) src(%dma_wait3A_90 : memref<5000xi32, #tpu.memory_space<hbm>>) dst(%arg8 : memref<5000xi32, #tpu.memory_space<vmem>>)
      tpu.yield
    }) : () -> ()
    %min3A = arith.constant 0 : i32
    %min3A_3 = arith.constant 4872 : i32
    %min3A_4 = arith.minsi %min3A, %min3A_3 : i32
    %dma_start3A = tpu.memref_slice %arg7[%min3A_4] : memref<5000xi32, #tpu.memory_space<vmem>> -> memref<128xi32, #tpu.memory_space<vmem>>
    %dma_start3A_5 = arith.constant 0 : i32
    %dma_start3A_6 = arith.constant 0 : i32
    %dma_start3A_7 = tpu.memref_slice %arg2[%dma_start3A_5, %dma_start3A_6] : memref<10000x128xf32, #tpu.memory_space<hbm>> -> memref<10000x128xf32, #tpu.memory_space<hbm>>
    tpu.enqueue_indirect_dma source(%dma_start3A_7 : memref<10000x128xf32, #tpu.memory_space<hbm>>) target(%arg9 : memref<128x128xf32, #tpu.memory_space<vmem>>) offsets(%dma_start3A : memref<128xi32, #tpu.memory_space<vmem>>) semaphore(%arg13 : memref<!tpu.dma_semaphore, #tpu.memory_space<semaphore_mem>>)
    %dma_start3A_8 = tpu.memref_slice %arg8[%min3A_4] : memref<5000xi32, #tpu.memory_space<vmem>> -> memref<128xi32, #tpu.memory_space<vmem>>
    %dma_start3A_9 = arith.constant 0 : i32
    %dma_start3A_10 = arith.constant 0 : i32
    %dma_start3A_11 = tpu.memref_slice %arg3[%dma_start3A_9, %dma_start3A_10] : memref<10000x128xf32, #tpu.memory_space<hbm>> -> memref<10000x128xf32, #tpu.memory_space<hbm>>
    tpu.enqueue_indirect_dma source(%dma_start3A_11 : memref<10000x128xf32, #tpu.memory_space<hbm>>) target(%arg11 : memref<128x128xf32, #tpu.memory_space<vmem>>) offsets(%dma_start3A_8 : memref<128xi32, #tpu.memory_space<vmem>>) semaphore(%arg15 : memref<!tpu.dma_semaphore, #tpu.memory_space<semaphore_mem>>)
    %scan3A = arith.constant 0 : i32
    %scan3A_12 = arith.constant 0 : i32
    %scan3A_13 = arith.constant 19 : i32
    %scan3A_14 = arith.addi %scan3A_12, %scan3A_13 : i32
    %scan3A_15 = arith.constant 1 : i32
    scf.for %scan3A_87 = %scan3A_12 to %scan3A_14 step %scan3A_15  : i32 {
      %mul3A_88 = arith.constant 2 : i32
      %mul3A_89 = arith.muli %mul3A_88, %scan3A_87 : i32
      %add3A_90 = arith.constant 0 : i32
      %add3A_91 = arith.addi %mul3A_89, %add3A_90 : i32
      %gt3A = arith.constant 0 : i32
      %gt3A_92 = arith.cmpi sgt, %scan3A_87, %gt3A : i32
      %convert_element_type3A = arith.extui %gt3A_92 : i1 to i32
      %cond3A = arith.constant 0 : i32
      %cond3A_93 = arith.cmpi ne, %convert_element_type3A, %cond3A : i32
      scf.if %cond3A_93 {
        %dma_wait3A_180 = arith.constant 0 : i32
        %dma_wait3A_181 = tpu.memref_slice %arg6[%mul3A_2, %dma_wait3A_180] : memref<160000x128xf32, #tpu.memory_space<hbm>> -> memref<128x128xf32, #tpu.memory_space<hbm>>
        %dma_wait3A_182 = arith.constant 0 : i32
        %dma_wait3A_183 = tpu.memref_slice %arg6[%mul3A_2, %dma_wait3A_182] : memref<160000x128xf32, #tpu.memory_space<hbm>> -> memref<128x128xf32, #tpu.memory_space<hbm>>
        tpu.wait_dma2 semaphore(%arg18 : memref<!tpu.dma_semaphore, #tpu.memory_space<semaphore_mem>>) src(%arg10 : memref<128x128xf32, #tpu.memory_space<vmem>>) dst(%dma_wait3A_183 : memref<128x128xf32, #tpu.memory_space<hbm>>)
      } else {
      }
      %add3A_94 = arith.constant 1 : i32
      %add3A_95 = arith.addi %add3A_91, %add3A_94 : i32
      %mul3A_96 = arith.constant 128 : i32
      %mul3A_97 = arith.muli %add3A_95, %mul3A_96 : i32
      %min3A_98 = arith.constant 4872 : i32
      %min3A_99 = arith.minsi %mul3A_97, %min3A_98 : i32
      %dma_start3A_100 = tpu.memref_slice %arg7[%min3A_99] : memref<5000xi32, #tpu.memory_space<vmem>> -> memref<128xi32, #tpu.memory_space<vmem>>
      %dma_start3A_101 = arith.constant 0 : i32
      %dma_start3A_102 = arith.constant 0 : i32
      %dma_start3A_103 = tpu.memref_slice %arg2[%dma_start3A_101, %dma_start3A_102] : memref<10000x128xf32, #tpu.memory_space<hbm>> -> memref<10000x128xf32, #tpu.memory_space<hbm>>
      tpu.enqueue_indirect_dma source(%dma_start3A_103 : memref<10000x128xf32, #tpu.memory_space<hbm>>) target(%arg10 : memref<128x128xf32, #tpu.memory_space<vmem>>) offsets(%dma_start3A_100 : memref<128xi32, #tpu.memory_space<vmem>>) semaphore(%arg14 : memref<!tpu.dma_semaphore, #tpu.memory_space<semaphore_mem>>)
      %dma_start3A_104 = tpu.memref_slice %arg8[%min3A_99] : memref<5000xi32, #tpu.memory_space<vmem>> -> memref<128xi32, #tpu.memory_space<vmem>>
      %dma_start3A_105 = arith.constant 0 : i32
      %dma_start3A_106 = arith.constant 0 : i32
      %dma_start3A_107 = tpu.memref_slice %arg3[%dma_start3A_105, %dma_start3A_106] : memref<10000x128xf32, #tpu.memory_space<hbm>> -> memref<10000x128xf32, #tpu.memory_space<hbm>>
      tpu.enqueue_indirect_dma source(%dma_start3A_107 : memref<10000x128xf32, #tpu.memory_space<hbm>>) target(%arg12 : memref<128x128xf32, #tpu.memory_space<vmem>>) offsets(%dma_start3A_104 : memref<128xi32, #tpu.memory_space<vmem>>) semaphore(%arg16 : memref<!tpu.dma_semaphore, #tpu.memory_space<semaphore_mem>>)
      %dma_wait3A_108 = arith.constant 0 : i32
      %dma_wait3A_109 = tpu.memref_slice %arg7[%dma_wait3A_108] : memref<5000xi32, #tpu.memory_space<vmem>> -> memref<128xi32, #tpu.memory_space<vmem>>
      %dma_wait3A_110 = arith.constant 0 : i32
      %dma_wait3A_111 = arith.constant 0 : i32
      %dma_wait3A_112 = tpu.memref_slice %arg2[%dma_wait3A_110, %dma_wait3A_111] : memref<10000x128xf32, #tpu.memory_space<hbm>> -> memref<10000x128xf32, #tpu.memory_space<hbm>>
      tpu.wait_indirect_dma semaphore(%arg13 : memref<!tpu.dma_semaphore, #tpu.memory_space<semaphore_mem>>) src(%dma_wait3A_112 : memref<10000x128xf32, #tpu.memory_space<hbm>>) dst(%arg9 : memref<128x128xf32, #tpu.memory_space<vmem>>)
      %dma_wait3A_113 = arith.constant 0 : i32
      %dma_wait3A_114 = tpu.memref_slice %arg8[%dma_wait3A_113] : memref<5000xi32, #tpu.memory_space<vmem>> -> memref<128xi32, #tpu.memory_space<vmem>>
      %dma_wait3A_115 = arith.constant 0 : i32
      %dma_wait3A_116 = arith.constant 0 : i32
      %dma_wait3A_117 = tpu.memref_slice %arg3[%dma_wait3A_115, %dma_wait3A_116] : memref<10000x128xf32, #tpu.memory_space<hbm>> -> memref<10000x128xf32, #tpu.memory_space<hbm>>
      tpu.wait_indirect_dma semaphore(%arg15 : memref<!tpu.dma_semaphore, #tpu.memory_space<semaphore_mem>>) src(%dma_wait3A_117 : memref<10000x128xf32, #tpu.memory_space<hbm>>) dst(%arg11 : memref<128x128xf32, #tpu.memory_space<vmem>>)
      %scan3A_118 = arith.constant 0 : i32
      %scan3A_119 = arith.constant 0 : i32
      %scan3A_120 = arith.constant 128 : i32
      %scan3A_121 = arith.addi %scan3A_119, %scan3A_120 : i32
      %scan3A_122 = arith.constant 1 : i32
      scf.for %scan3A_180 = %scan3A_119 to %scan3A_121 step %scan3A_122  : i32 {
        %get3A = arith.index_cast %scan3A_180 : i32 to index
        %get3A_181 = arith.constant 0 : index
        %get3A_182 = tpu.vector_load %arg9[%get3A, %get3A_181] {strides = array<i32>} : memref<128x128xf32, #tpu.memory_space<vmem>>, vector<1x16xf32>,
        %get3A_183 = vector.shape_cast %get3A_182 : vector<1x16xf32> to vector<16xf32>
        %get3A_184 = arith.index_cast %scan3A_180 : i32 to index
        %get3A_185 = arith.constant 0 : index
        %get3A_186 = tpu.vector_load %arg11[%get3A_184, %get3A_185] {strides = array<i32>} : memref<128x128xf32, #tpu.memory_space<vmem>>, vector<1x16xf32>,
        %get3A_187 = vector.shape_cast %get3A_186 : vector<1x16xf32> to vector<16xf32>
        %add3A_188 = arith.addf %get3A_183, %get3A_187 : vector<16xf32>
        %swap3A = arith.index_cast %scan3A_180 : i32 to index
        %swap3A_189 = arith.constant 0 : index
        %swap3A_190 = tpu.vector_load %arg9[%swap3A, %swap3A_189] {strides = array<i32>} : memref<128x128xf32, #tpu.memory_space<vmem>>, vector<1x16xf32>,
        %swap3A_191 = vector.shape_cast %swap3A_190 : vector<1x16xf32> to vector<16xf32>
        %swap3A_192 = vector.shape_cast %add3A_188 : vector<16xf32> to vector<1x16xf32>
        tpu.vector_store %arg9[%swap3A, %swap3A_189], %swap3A_192 {strides = array<i32>} : memref<128x128xf32, #tpu.memory_space<vmem>>, vector<1x16xf32>,
        %get3A_193 = arith.index_cast %scan3A_180 : i32 to index
        %get3A_194 = arith.constant 16 : index
        %get3A_195 = tpu.vector_load %arg9[%get3A_193, %get3A_194] {strides = array<i32>} : memref<128x128xf32, #tpu.memory_space<vmem>>, vector<1x16xf32>,
        %get3A_196 = vector.shape_cast %get3A_195 : vector<1x16xf32> to vector<16xf32>
        %get3A_197 = arith.index_cast %scan3A_180 : i32 to index
        %get3A_198 = arith.constant 16 : index
        %get3A_199 = tpu.vector_load %arg11[%get3A_197, %get3A_198] {strides = array<i32>} : memref<128x128xf32, #tpu.memory_space<vmem>>, vector<1x16xf32>,
        %get3A_200 = vector.shape_cast %get3A_199 : vector<1x16xf32> to vector<16xf32>
        %add3A_201 = arith.addf %get3A_196, %get3A_200 : vector<16xf32>
        %swap3A_202 = arith.index_cast %scan3A_180 : i32 to index
        %swap3A_203 = arith.constant 16 : index
        %swap3A_204 = tpu.vector_load %arg9[%swap3A_202, %swap3A_203] {strides = array<i32>} : memref<128x128xf32, #tpu.memory_space<vmem>>, vector<1x16xf32>,
        %swap3A_205 = vector.shape_cast %swap3A_204 : vector<1x16xf32> to vector<16xf32>
        %swap3A_206 = vector.shape_cast %add3A_201 : vector<16xf32> to vector<1x16xf32>
        tpu.vector_store %arg9[%swap3A_202, %swap3A_203], %swap3A_206 {strides = array<i32>} : memref<128x128xf32, #tpu.memory_space<vmem>>, vector<1x16xf32>,
        %get3A_207 = arith.index_cast %scan3A_180 : i32 to index
        %get3A_208 = arith.constant 32 : index
        %get3A_209 = tpu.vector_load %arg9[%get3A_207, %get3A_208] {strides = array<i32>} : memref<128x128xf32, #tpu.memory_space<vmem>>, vector<1x16xf32>,
        %get3A_210 = vector.shape_cast %get3A_209 : vector<1x16xf32> to vector<16xf32>
        %get3A_211 = arith.index_cast %scan3A_180 : i32 to index
        %get3A_212 = arith.constant 32 : index
        %get3A_213 = tpu.vector_load %arg11[%get3A_211, %get3A_212] {strides = array<i32>} : memref<128x128xf32, #tpu.memory_space<vmem>>, vector<1x16xf32>,
        %get3A_214 = vector.shape_cast %get3A_213 : vector<1x16xf32> to vector<16xf32>
        %add3A_215 = arith.addf %get3A_210, %get3A_214 : vector<16xf32>
        %swap3A_216 = arith.index_cast %scan3A_180 : i32 to index
        %swap3A_217 = arith.constant 32 : index
        %swap3A_218 = tpu.vector_load %arg9[%swap3A_216, %swap3A_217] {strides = array<i32>} : memref<128x128xf32, #tpu.memory_space<vmem>>, vector<1x16xf32>,
        %swap3A_219 = vector.shape_cast %swap3A_218 : vector<1x16xf32> to vector<16xf32>
        %swap3A_220 = vector.shape_cast %add3A_215 : vector<16xf32> to vector<1x16xf32>
        tpu.vector_store %arg9[%swap3A_216, %swap3A_217], %swap3A_220 {strides = array<i32>} : memref<128x128xf32, #tpu.memory_space<vmem>>, vector<1x16xf32>,
        %get3A_221 = arith.index_cast %scan3A_180 : i32 to index
        %get3A_222 = arith.constant 48 : index
        %get3A_223 = tpu.vector_load %arg9[%get3A_221, %get3A_222] {strides = array<i32>} : memref<128x128xf32, #tpu.memory_space<vmem>>, vector<1x16xf32>,
        %get3A_224 = vector.shape_cast %get3A_223 : vector<1x16xf32> to vector<16xf32>
        %get3A_225 = arith.index_cast %scan3A_180 : i32 to index
        %get3A_226 = arith.constant 48 : index
        %get3A_227 = tpu.vector_load %arg11[%get3A_225, %get3A_226] {strides = array<i32>} : memref<128x128xf32, #tpu.memory_space<vmem>>, vector<1x16xf32>,
        %get3A_228 = vector.shape_cast %get3A_227 : vector<1x16xf32> to vector<16xf32>
        %add3A_229 = arith.addf %get3A_224, %get3A_228 : vector<16xf32>
        %swap3A_230 = arith.index_cast %scan3A_180 : i32 to index
        %swap3A_231 = arith.constant 48 : index
        %swap3A_232 = tpu.vector_load %arg9[%swap3A_230, %swap3A_231] {strides = array<i32>} : memref<128x128xf32, #tpu.memory_space<vmem>>, vector<1x16xf32>,
        %swap3A_233 = vector.shape_cast %swap3A_232 : vector<1x16xf32> to vector<16xf32>
        %swap3A_234 = vector.shape_cast %add3A_229 : vector<16xf32> to vector<1x16xf32>
        tpu.vector_store %arg9[%swap3A_230, %swap3A_231], %swap3A_234 {strides = array<i32>} : memref<128x128xf32, #tpu.memory_space<vmem>>, vector<1x16xf32>,
        %get3A_235 = arith.index_cast %scan3A_180 : i32 to index
        %get3A_236 = arith.constant 64 : index
        %get3A_237 = tpu.vector_load %arg9[%get3A_235, %get3A_236] {strides = array<i32>} : memref<128x128xf32, #tpu.memory_space<vmem>>, vector<1x16xf32>,
        %get3A_238 = vector.shape_cast %get3A_237 : vector<1x16xf32> to vector<16xf32>
        %get3A_239 = arith.index_cast %scan3A_180 : i32 to index
        %get3A_240 = arith.constant 64 : index
        %get3A_241 = tpu.vector_load %arg11[%get3A_239, %get3A_240] {strides = array<i32>} : memref<128x128xf32, #tpu.memory_space<vmem>>, vector<1x16xf32>,
        %get3A_242 = vector.shape_cast %get3A_241 : vector<1x16xf32> to vector<16xf32>
        %add3A_243 = arith.addf %get3A_238, %get3A_242 : vector<16xf32>
        %swap3A_244 = arith.index_cast %scan3A_180 : i32 to index
        %swap3A_245 = arith.constant 64 : index
        %swap3A_246 = tpu.vector_load %arg9[%swap3A_244, %swap3A_245] {strides = array<i32>} : memref<128x128xf32, #tpu.memory_space<vmem>>, vector<1x16xf32>,
        %swap3A_247 = vector.shape_cast %swap3A_246 : vector<1x16xf32> to vector<16xf32>
        %swap3A_248 = vector.shape_cast %add3A_243 : vector<16xf32> to vector<1x16xf32>
        tpu.vector_store %arg9[%swap3A_244, %swap3A_245], %swap3A_248 {strides = array<i32>} : memref<128x128xf32, #tpu.memory_space<vmem>>, vector<1x16xf32>,
        %get3A_249 = arith.index_cast %scan3A_180 : i32 to index
        %get3A_250 = arith.constant 80 : index
        %get3A_251 = tpu.vector_load %arg9[%get3A_249, %get3A_250] {strides = array<i32>} : memref<128x128xf32, #tpu.memory_space<vmem>>, vector<1x16xf32>,
        %get3A_252 = vector.shape_cast %get3A_251 : vector<1x16xf32> to vector<16xf32>
        %get3A_253 = arith.index_cast %scan3A_180 : i32 to index
        %get3A_254 = arith.constant 80 : index
        %get3A_255 = tpu.vector_load %arg11[%get3A_253, %get3A_254] {strides = array<i32>} : memref<128x128xf32, #tpu.memory_space<vmem>>, vector<1x16xf32>,
        %get3A_256 = vector.shape_cast %get3A_255 : vector<1x16xf32> to vector<16xf32>
        %add3A_257 = arith.addf %get3A_252, %get3A_256 : vector<16xf32>
        %swap3A_258 = arith.index_cast %scan3A_180 : i32 to index
        %swap3A_259 = arith.constant 80 : index
        %swap3A_260 = tpu.vector_load %arg9[%swap3A_258, %swap3A_259] {strides = array<i32>} : memref<128x128xf32, #tpu.memory_space<vmem>>, vector<1x16xf32>,
        %swap3A_261 = vector.shape_cast %swap3A_260 : vector<1x16xf32> to vector<16xf32>
        %swap3A_262 = vector.shape_cast %add3A_257 : vector<16xf32> to vector<1x16xf32>
        tpu.vector_store %arg9[%swap3A_258, %swap3A_259], %swap3A_262 {strides = array<i32>} : memref<128x128xf32, #tpu.memory_space<vmem>>, vector<1x16xf32>,
        %get3A_263 = arith.index_cast %scan3A_180 : i32 to index
        %get3A_264 = arith.constant 96 : index
        %get3A_265 = tpu.vector_load %arg9[%get3A_263, %get3A_264] {strides = array<i32>} : memref<128x128xf32, #tpu.memory_space<vmem>>, vector<1x16xf32>,
        %get3A_266 = vector.shape_cast %get3A_265 : vector<1x16xf32> to vector<16xf32>
        %get3A_267 = arith.index_cast %scan3A_180 : i32 to index
        %get3A_268 = arith.constant 96 : index
        %get3A_269 = tpu.vector_load %arg11[%get3A_267, %get3A_268] {strides = array<i32>} : memref<128x128xf32, #tpu.memory_space<vmem>>, vector<1x16xf32>,
        %get3A_270 = vector.shape_cast %get3A_269 : vector<1x16xf32> to vector<16xf32>
        %add3A_271 = arith.addf %get3A_266, %get3A_270 : vector<16xf32>
        %swap3A_272 = arith.index_cast %scan3A_180 : i32 to index
        %swap3A_273 = arith.constant 96 : index
        %swap3A_274 = tpu.vector_load %arg9[%swap3A_272, %swap3A_273] {strides = array<i32>} : memref<128x128xf32, #tpu.memory_space<vmem>>, vector<1x16xf32>,
        %swap3A_275 = vector.shape_cast %swap3A_274 : vector<1x16xf32> to vector<16xf32>
        %swap3A_276 = vector.shape_cast %add3A_271 : vector<16xf32> to vector<1x16xf32>
        tpu.vector_store %arg9[%swap3A_272, %swap3A_273], %swap3A_276 {strides = array<i32>} : memref<128x128xf32, #tpu.memory_space<vmem>>, vector<1x16xf32>,
        %get3A_277 = arith.index_cast %scan3A_180 : i32 to index
        %get3A_278 = arith.constant 112 : index
        %get3A_279 = tpu.vector_load %arg9[%get3A_277, %get3A_278] {strides = array<i32>} : memref<128x128xf32, #tpu.memory_space<vmem>>, vector<1x16xf32>,
        %get3A_280 = vector.shape_cast %get3A_279 : vector<1x16xf32> to vector<16xf32>
        %get3A_281 = arith.index_cast %scan3A_180 : i32 to index
        %get3A_282 = arith.constant 112 : index
        %get3A_283 = tpu.vector_load %arg11[%get3A_281, %get3A_282] {strides = array<i32>} : memref<128x128xf32, #tpu.memory_space<vmem>>, vector<1x16xf32>,
        %get3A_284 = vector.shape_cast %get3A_283 : vector<1x16xf32> to vector<16xf32>
        %add3A_285 = arith.addf %get3A_280, %get3A_284 : vector<16xf32>
        %swap3A_286 = arith.index_cast %scan3A_180 : i32 to index
        %swap3A_287 = arith.constant 112 : index
        %swap3A_288 = tpu.vector_load %arg9[%swap3A_286, %swap3A_287] {strides = array<i32>} : memref<128x128xf32, #tpu.memory_space<vmem>>, vector<1x16xf32>,
        %swap3A_289 = vector.shape_cast %swap3A_288 : vector<1x16xf32> to vector<16xf32>
        %swap3A_290 = vector.shape_cast %add3A_285 : vector<16xf32> to vector<1x16xf32>
        tpu.vector_store %arg9[%swap3A_286, %swap3A_287], %swap3A_290 {strides = array<i32>} : memref<128x128xf32, #tpu.memory_space<vmem>>, vector<1x16xf32>,
      }
      %scan3A_123 = arith.constant 128 : i32
      %mul3A_124 = arith.constant 128 : i32
      %mul3A_125 = arith.muli %add3A_91, %mul3A_124 : i32
      %min3A_126 = arith.constant 4872 : i32
      %min3A_127 = arith.minsi %mul3A_125, %min3A_126 : i32
      %add3A_128 = arith.addi %mul3A_2, %min3A_127 : i32
      %dma_start3A_129 = arith.constant 0 : i32
      %dma_start3A_130 = tpu.memref_slice %arg6[%add3A_128, %dma_start3A_129] : memref<160000x128xf32, #tpu.memory_space<hbm>> -> memref<128x128xf32, #tpu.memory_space<hbm>>
      %dma_start3A_131 = arith.constant 0 : i32
      %dma_start3A_132 = tpu.memref_slice %arg6[%add3A_128, %dma_start3A_131] : memref<160000x128xf32, #tpu.memory_space<hbm>> -> memref<128x128xf32, #tpu.memory_space<hbm>>
      tpu.enqueue_dma source(%arg9 : memref<128x128xf32, #tpu.memory_space<vmem>>) target(%dma_start3A_132 : memref<128x128xf32, #tpu.memory_space<hbm>>) target_semaphore(%arg17 : memref<!tpu.dma_semaphore, #tpu.memory_space<semaphore_mem>>)
      %mul3A_133 = arith.constant 2 : i32
      %mul3A_134 = arith.muli %mul3A_133, %scan3A_87 : i32
      %add3A_135 = arith.constant 1 : i32
      %add3A_136 = arith.addi %mul3A_134, %add3A_135 : i32
      %dma_wait3A_137 = arith.constant 0 : i32
      %dma_wait3A_138 = tpu.memref_slice %arg6[%mul3A_2, %dma_wait3A_137] : memref<160000x128xf32, #tpu.memory_space<hbm>> -> memref<128x128xf32, #tpu.memory_space<hbm>>
      %dma_wait3A_139 = arith.constant 0 : i32
      %dma_wait3A_140 = tpu.memref_slice %arg6[%mul3A_2, %dma_wait3A_139] : memref<160000x128xf32, #tpu.memory_space<hbm>> -> memref<128x128xf32, #tpu.memory_space<hbm>>
      tpu.wait_dma2 semaphore(%arg17 : memref<!tpu.dma_semaphore, #tpu.memory_space<semaphore_mem>>) src(%arg9 : memref<128x128xf32, #tpu.memory_space<vmem>>) dst(%dma_wait3A_140 : memref<128x128xf32, #tpu.memory_space<hbm>>)
      %add3A_141 = arith.constant 1 : i32
      %add3A_142 = arith.addi %add3A_136, %add3A_141 : i32
      %mul3A_143 = arith.constant 128 : i32
      %mul3A_144 = arith.muli %add3A_142, %mul3A_143 : i32
      %min3A_145 = arith.constant 4872 : i32
      %min3A_146 = arith.minsi %mul3A_144, %min3A_145 : i32
      %dma_start3A_147 = tpu.memref_slice %arg7[%min3A_146] : memref<5000xi32, #tpu.memory_space<vmem>> -> memref<128xi32, #tpu.memory_space<vmem>>
      %dma_start3A_148 = arith.constant 0 : i32
      %dma_start3A_149 = arith.constant 0 : i32
      %dma_start3A_150 = tpu.memref_slice %arg2[%dma_start3A_148, %dma_start3A_149] : memref<10000x128xf32, #tpu.memory_space<hbm>> -> memref<10000x128xf32, #tpu.memory_space<hbm>>
      tpu.enqueue_indirect_dma source(%dma_start3A_150 : memref<10000x128xf32, #tpu.memory_space<hbm>>) target(%arg9 : memref<128x128xf32, #tpu.memory_space<vmem>>) offsets(%dma_start3A_147 : memref<128xi32, #tpu.memory_space<vmem>>) semaphore(%arg13 : memref<!tpu.dma_semaphore, #tpu.memory_space<semaphore_mem>>)
      %dma_start3A_151 = tpu.memref_slice %arg8[%min3A_146] : memref<5000xi32, #tpu.memory_space<vmem>> -> memref<128xi32, #tpu.memory_space<vmem>>
      %dma_start3A_152 = arith.constant 0 : i32
      %dma_start3A_153 = arith.constant 0 : i32
      %dma_start3A_154 = tpu.memref_slice %arg3[%dma_start3A_152, %dma_start3A_153] : memref<10000x128xf32, #tpu.memory_space<hbm>> -> memref<10000x128xf32, #tpu.memory_space<hbm>>
      tpu.enqueue_indirect_dma source(%dma_start3A_154 : memref<10000x128xf32, #tpu.memory_space<hbm>>) target(%arg11 : memref<128x128xf32, #tpu.memory_space<vmem>>) offsets(%dma_start3A_151 : memref<128xi32, #tpu.memory_space<vmem>>) semaphore(%arg15 : memref<!tpu.dma_semaphore, #tpu.memory_space<semaphore_mem>>)
      %dma_wait3A_155 = arith.constant 0 : i32
      %dma_wait3A_156 = tpu.memref_slice %arg7[%dma_wait3A_155] : memref<5000xi32, #tpu.memory_space<vmem>> -> memref<128xi32, #tpu.memory_space<vmem>>
      %dma_wait3A_157 = arith.constant 0 : i32
      %dma_wait3A_158 = arith.constant 0 : i32
      %dma_wait3A_159 = tpu.memref_slice %arg2[%dma_wait3A_157, %dma_wait3A_158] : memref<10000x128xf32, #tpu.memory_space<hbm>> -> memref<10000x128xf32, #tpu.memory_space<hbm>>
      tpu.wait_indirect_dma semaphore(%arg14 : memref<!tpu.dma_semaphore, #tpu.memory_space<semaphore_mem>>) src(%dma_wait3A_159 : memref<10000x128xf32, #tpu.memory_space<hbm>>) dst(%arg10 : memref<128x128xf32, #tpu.memory_space<vmem>>)
      %dma_wait3A_160 = arith.constant 0 : i32
      %dma_wait3A_161 = tpu.memref_slice %arg8[%dma_wait3A_160] : memref<5000xi32, #tpu.memory_space<vmem>> -> memref<128xi32, #tpu.memory_space<vmem>>
      %dma_wait3A_162 = arith.constant 0 : i32
      %dma_wait3A_163 = arith.constant 0 : i32
      %dma_wait3A_164 = tpu.memref_slice %arg3[%dma_wait3A_162, %dma_wait3A_163] : memref<10000x128xf32, #tpu.memory_space<hbm>> -> memref<10000x128xf32, #tpu.memory_space<hbm>>
      tpu.wait_indirect_dma semaphore(%arg16 : memref<!tpu.dma_semaphore, #tpu.memory_space<semaphore_mem>>) src(%dma_wait3A_164 : memref<10000x128xf32, #tpu.memory_space<hbm>>) dst(%arg12 : memref<128x128xf32, #tpu.memory_space<vmem>>)
      %scan3A_165 = arith.constant 0 : i32
      %scan3A_166 = arith.constant 0 : i32
      %scan3A_167 = arith.constant 128 : i32
      %scan3A_168 = arith.addi %scan3A_166, %scan3A_167 : i32
      %scan3A_169 = arith.constant 1 : i32
      scf.for %scan3A_180 = %scan3A_166 to %scan3A_168 step %scan3A_169  : i32 {
        %get3A = arith.index_cast %scan3A_180 : i32 to index
        %get3A_181 = arith.constant 0 : index
        %get3A_182 = tpu.vector_load %arg10[%get3A, %get3A_181] {strides = array<i32>} : memref<128x128xf32, #tpu.memory_space<vmem>>, vector<1x16xf32>,
        %get3A_183 = vector.shape_cast %get3A_182 : vector<1x16xf32> to vector<16xf32>
        %get3A_184 = arith.index_cast %scan3A_180 : i32 to index
        %get3A_185 = arith.constant 0 : index
        %get3A_186 = tpu.vector_load %arg12[%get3A_184, %get3A_185] {strides = array<i32>} : memref<128x128xf32, #tpu.memory_space<vmem>>, vector<1x16xf32>,
        %get3A_187 = vector.shape_cast %get3A_186 : vector<1x16xf32> to vector<16xf32>
        %add3A_188 = arith.addf %get3A_183, %get3A_187 : vector<16xf32>
        %swap3A = arith.index_cast %scan3A_180 : i32 to index
        %swap3A_189 = arith.constant 0 : index
        %swap3A_190 = tpu.vector_load %arg10[%swap3A, %swap3A_189] {strides = array<i32>} : memref<128x128xf32, #tpu.memory_space<vmem>>, vector<1x16xf32>,
        %swap3A_191 = vector.shape_cast %swap3A_190 : vector<1x16xf32> to vector<16xf32>
        %swap3A_192 = vector.shape_cast %add3A_188 : vector<16xf32> to vector<1x16xf32>
        tpu.vector_store %arg10[%swap3A, %swap3A_189], %swap3A_192 {strides = array<i32>} : memref<128x128xf32, #tpu.memory_space<vmem>>, vector<1x16xf32>,
        %get3A_193 = arith.index_cast %scan3A_180 : i32 to index
        %get3A_194 = arith.constant 16 : index
        %get3A_195 = tpu.vector_load %arg10[%get3A_193, %get3A_194] {strides = array<i32>} : memref<128x128xf32, #tpu.memory_space<vmem>>, vector<1x16xf32>,
        %get3A_196 = vector.shape_cast %get3A_195 : vector<1x16xf32> to vector<16xf32>
        %get3A_197 = arith.index_cast %scan3A_180 : i32 to index
        %get3A_198 = arith.constant 16 : index
        %get3A_199 = tpu.vector_load %arg12[%get3A_197, %get3A_198] {strides = array<i32>} : memref<128x128xf32, #tpu.memory_space<vmem>>, vector<1x16xf32>,
        %get3A_200 = vector.shape_cast %get3A_199 : vector<1x16xf32> to vector<16xf32>
        %add3A_201 = arith.addf %get3A_196, %get3A_200 : vector<16xf32>
        %swap3A_202 = arith.index_cast %scan3A_180 : i32 to index
        %swap3A_203 = arith.constant 16 : index
        %swap3A_204 = tpu.vector_load %arg10[%swap3A_202, %swap3A_203] {strides = array<i32>} : memref<128x128xf32, #tpu.memory_space<vmem>>, vector<1x16xf32>,
        %swap3A_205 = vector.shape_cast %swap3A_204 : vector<1x16xf32> to vector<16xf32>
        %swap3A_206 = vector.shape_cast %add3A_201 : vector<16xf32> to vector<1x16xf32>
        tpu.vector_store %arg10[%swap3A_202, %swap3A_203], %swap3A_206 {strides = array<i32>} : memref<128x128xf32, #tpu.memory_space<vmem>>, vector<1x16xf32>,
        %get3A_207 = arith.index_cast %scan3A_180 : i32 to index
        %get3A_208 = arith.constant 32 : index
        %get3A_209 = tpu.vector_load %arg10[%get3A_207, %get3A_208] {strides = array<i32>} : memref<128x128xf32, #tpu.memory_space<vmem>>, vector<1x16xf32>,
        %get3A_210 = vector.shape_cast %get3A_209 : vector<1x16xf32> to vector<16xf32>
        %get3A_211 = arith.index_cast %scan3A_180 : i32 to index
        %get3A_212 = arith.constant 32 : index
        %get3A_213 = tpu.vector_load %arg12[%get3A_211, %get3A_212] {strides = array<i32>} : memref<128x128xf32, #tpu.memory_space<vmem>>, vector<1x16xf32>,
        %get3A_214 = vector.shape_cast %get3A_213 : vector<1x16xf32> to vector<16xf32>
        %add3A_215 = arith.addf %get3A_210, %get3A_214 : vector<16xf32>
        %swap3A_216 = arith.index_cast %scan3A_180 : i32 to index
        %swap3A_217 = arith.constant 32 : index
        %swap3A_218 = tpu.vector_load %arg10[%swap3A_216, %swap3A_217] {strides = array<i32>} : memref<128x128xf32, #tpu.memory_space<vmem>>, vector<1x16xf32>,
        %swap3A_219 = vector.shape_cast %swap3A_218 : vector<1x16xf32> to vector<16xf32>
        %swap3A_220 = vector.shape_cast %add3A_215 : vector<16xf32> to vector<1x16xf32>
        tpu.vector_store %arg10[%swap3A_216, %swap3A_217], %swap3A_220 {strides = array<i32>} : memref<128x128xf32, #tpu.memory_space<vmem>>, vector<1x16xf32>,
        %get3A_221 = arith.index_cast %scan3A_180 : i32 to index
        %get3A_222 = arith.constant 48 : index
        %get3A_223 = tpu.vector_load %arg10[%get3A_221, %get3A_222] {strides = array<i32>} : memref<128x128xf32, #tpu.memory_space<vmem>>, vector<1x16xf32>,
        %get3A_224 = vector.shape_cast %get3A_223 : vector<1x16xf32> to vector<16xf32>
        %get3A_225 = arith.index_cast %scan3A_180 : i32 to index
        %get3A_226 = arith.constant 48 : index
        %get3A_227 = tpu.vector_load %arg12[%get3A_225, %get3A_226] {strides = array<i32>} : memref<128x128xf32, #tpu.memory_space<vmem>>, vector<1x16xf32>,
        %get3A_228 = vector.shape_cast %get3A_227 : vector<1x16xf32> to vector<16xf32>
        %add3A_229 = arith.addf %get3A_224, %get3A_228 : vector<16xf32>
        %swap3A_230 = arith.index_cast %scan3A_180 : i32 to index
        %swap3A_231 = arith.constant 48 : index
        %swap3A_232 = tpu.vector_load %arg10[%swap3A_230, %swap3A_231] {strides = array<i32>} : memref<128x128xf32, #tpu.memory_space<vmem>>, vector<1x16xf32>,
        %swap3A_233 = vector.shape_cast %swap3A_232 : vector<1x16xf32> to vector<16xf32>
        %swap3A_234 = vector.shape_cast %add3A_229 : vector<16xf32> to vector<1x16xf32>
        tpu.vector_store %arg10[%swap3A_230, %swap3A_231], %swap3A_234 {strides = array<i32>} : memref<128x128xf32, #tpu.memory_space<vmem>>, vector<1x16xf32>,
        %get3A_235 = arith.index_cast %scan3A_180 : i32 to index
        %get3A_236 = arith.constant 64 : index
        %get3A_237 = tpu.vector_load %arg10[%get3A_235, %get3A_236] {strides = array<i32>} : memref<128x128xf32, #tpu.memory_space<vmem>>, vector<1x16xf32>,
        %get3A_238 = vector.shape_cast %get3A_237 : vector<1x16xf32> to vector<16xf32>
        %get3A_239 = arith.index_cast %scan3A_180 : i32 to index
        %get3A_240 = arith.constant 64 : index
        %get3A_241 = tpu.vector_load %arg12[%get3A_239, %get3A_240] {strides = array<i32>} : memref<128x128xf32, #tpu.memory_space<vmem>>, vector<1x16xf32>,
        %get3A_242 = vector.shape_cast %get3A_241 : vector<1x16xf32> to vector<16xf32>
        %add3A_243 = arith.addf %get3A_238, %get3A_242 : vector<16xf32>
        %swap3A_244 = arith.index_cast %scan3A_180 : i32 to index
        %swap3A_245 = arith.constant 64 : index
        %swap3A_246 = tpu.vector_load %arg10[%swap3A_244, %swap3A_245] {strides = array<i32>} : memref<128x128xf32, #tpu.memory_space<vmem>>, vector<1x16xf32>,
        %swap3A_247 = vector.shape_cast %swap3A_246 : vector<1x16xf32> to vector<16xf32>
        %swap3A_248 = vector.shape_cast %add3A_243 : vector<16xf32> to vector<1x16xf32>
        tpu.vector_store %arg10[%swap3A_244, %swap3A_245], %swap3A_248 {strides = array<i32>} : memref<128x128xf32, #tpu.memory_space<vmem>>, vector<1x16xf32>,
        %get3A_249 = arith.index_cast %scan3A_180 : i32 to index
        %get3A_250 = arith.constant 80 : index
        %get3A_251 = tpu.vector_load %arg10[%get3A_249, %get3A_250] {strides = array<i32>} : memref<128x128xf32, #tpu.memory_space<vmem>>, vector<1x16xf32>,
        %get3A_252 = vector.shape_cast %get3A_251 : vector<1x16xf32> to vector<16xf32>
        %get3A_253 = arith.index_cast %scan3A_180 : i32 to index
        %get3A_254 = arith.constant 80 : index
        %get3A_255 = tpu.vector_load %arg12[%get3A_253, %get3A_254] {strides = array<i32>} : memref<128x128xf32, #tpu.memory_space<vmem>>, vector<1x16xf32>,
        %get3A_256 = vector.shape_cast %get3A_255 : vector<1x16xf32> to vector<16xf32>
        %add3A_257 = arith.addf %get3A_252, %get3A_256 : vector<16xf32>
        %swap3A_258 = arith.index_cast %scan3A_180 : i32 to index
        %swap3A_259 = arith.constant 80 : index
        %swap3A_260 = tpu.vector_load %arg10[%swap3A_258, %swap3A_259] {strides = array<i32>} : memref<128x128xf32, #tpu.memory_space<vmem>>, vector<1x16xf32>,
        %swap3A_261 = vector.shape_cast %swap3A_260 : vector<1x16xf32> to vector<16xf32>
        %swap3A_262 = vector.shape_cast %add3A_257 : vector<16xf32> to vector<1x16xf32>
        tpu.vector_store %arg10[%swap3A_258, %swap3A_259], %swap3A_262 {strides = array<i32>} : memref<128x128xf32, #tpu.memory_space<vmem>>, vector<1x16xf32>,
        %get3A_263 = arith.index_cast %scan3A_180 : i32 to index
        %get3A_264 = arith.constant 96 : index
        %get3A_265 = tpu.vector_load %arg10[%get3A_263, %get3A_264] {strides = array<i32>} : memref<128x128xf32, #tpu.memory_space<vmem>>, vector<1x16xf32>,
        %get3A_266 = vector.shape_cast %get3A_265 : vector<1x16xf32> to vector<16xf32>
        %get3A_267 = arith.index_cast %scan3A_180 : i32 to index
        %get3A_268 = arith.constant 96 : index
        %get3A_269 = tpu.vector_load %arg12[%get3A_267, %get3A_268] {strides = array<i32>} : memref<128x128xf32, #tpu.memory_space<vmem>>, vector<1x16xf32>,
        %get3A_270 = vector.shape_cast %get3A_269 : vector<1x16xf32> to vector<16xf32>
        %add3A_271 = arith.addf %get3A_266, %get3A_270 : vector<16xf32>
        %swap3A_272 = arith.index_cast %scan3A_180 : i32 to index
        %swap3A_273 = arith.constant 96 : index
        %swap3A_274 = tpu.vector_load %arg10[%swap3A_272, %swap3A_273] {strides = array<i32>} : memref<128x128xf32, #tpu.memory_space<vmem>>, vector<1x16xf32>,
        %swap3A_275 = vector.shape_cast %swap3A_274 : vector<1x16xf32> to vector<16xf32>
        %swap3A_276 = vector.shape_cast %add3A_271 : vector<16xf32> to vector<1x16xf32>
        tpu.vector_store %arg10[%swap3A_272, %swap3A_273], %swap3A_276 {strides = array<i32>} : memref<128x128xf32, #tpu.memory_space<vmem>>, vector<1x16xf32>,
        %get3A_277 = arith.index_cast %scan3A_180 : i32 to index
        %get3A_278 = arith.constant 112 : index
        %get3A_279 = tpu.vector_load %arg10[%get3A_277, %get3A_278] {strides = array<i32>} : memref<128x128xf32, #tpu.memory_space<vmem>>, vector<1x16xf32>,
        %get3A_280 = vector.shape_cast %get3A_279 : vector<1x16xf32> to vector<16xf32>
        %get3A_281 = arith.index_cast %scan3A_180 : i32 to index
        %get3A_282 = arith.constant 112 : index
        %get3A_283 = tpu.vector_load %arg12[%get3A_281, %get3A_282] {strides = array<i32>} : memref<128x128xf32, #tpu.memory_space<vmem>>, vector<1x16xf32>,
        %get3A_284 = vector.shape_cast %get3A_283 : vector<1x16xf32> to vector<16xf32>
        %add3A_285 = arith.addf %get3A_280, %get3A_284 : vector<16xf32>
        %swap3A_286 = arith.index_cast %scan3A_180 : i32 to index
        %swap3A_287 = arith.constant 112 : index
        %swap3A_288 = tpu.vector_load %arg10[%swap3A_286, %swap3A_287] {strides = array<i32>} : memref<128x128xf32, #tpu.memory_space<vmem>>, vector<1x16xf32>,
        %swap3A_289 = vector.shape_cast %swap3A_288 : vector<1x16xf32> to vector<16xf32>
        %swap3A_290 = vector.shape_cast %add3A_285 : vector<16xf32> to vector<1x16xf32>
        tpu.vector_store %arg10[%swap3A_286, %swap3A_287], %swap3A_290 {strides = array<i32>} : memref<128x128xf32, #tpu.memory_space<vmem>>, vector<1x16xf32>,
      }
      %scan3A_170 = arith.constant 128 : i32
      %mul3A_171 = arith.constant 128 : i32
      %mul3A_172 = arith.muli %add3A_136, %mul3A_171 : i32
      %min3A_173 = arith.constant 4872 : i32
      %min3A_174 = arith.minsi %mul3A_172, %min3A_173 : i32
      %add3A_175 = arith.addi %mul3A_2, %min3A_174 : i32
      %dma_start3A_176 = arith.constant 0 : i32
      %dma_start3A_177 = tpu.memref_slice %arg6[%add3A_175, %dma_start3A_176] : memref<160000x128xf32, #tpu.memory_space<hbm>> -> memref<128x128xf32, #tpu.memory_space<hbm>>
      %dma_start3A_178 = arith.constant 0 : i32
      %dma_start3A_179 = tpu.memref_slice %arg6[%add3A_175, %dma_start3A_178] : memref<160000x128xf32, #tpu.memory_space<hbm>> -> memref<128x128xf32, #tpu.memory_space<hbm>>
      tpu.enqueue_dma source(%arg10 : memref<128x128xf32, #tpu.memory_space<vmem>>) target(%dma_start3A_179 : memref<128x128xf32, #tpu.memory_space<hbm>>) target_semaphore(%arg18 : memref<!tpu.dma_semaphore, #tpu.memory_space<semaphore_mem>>)
    }
    %scan3A_16 = arith.constant 19 : i32
    %dma_wait3A = arith.constant 0 : i32
    %dma_wait3A_17 = tpu.memref_slice %arg6[%mul3A_2, %dma_wait3A] : memref<160000x128xf32, #tpu.memory_space<hbm>> -> memref<128x128xf32, #tpu.memory_space<hbm>>
    %dma_wait3A_18 = arith.constant 0 : i32
    %dma_wait3A_19 = tpu.memref_slice %arg6[%mul3A_2, %dma_wait3A_18] : memref<160000x128xf32, #tpu.memory_space<hbm>> -> memref<128x128xf32, #tpu.memory_space<hbm>>
    tpu.wait_dma2 semaphore(%arg18 : memref<!tpu.dma_semaphore, #tpu.memory_space<semaphore_mem>>) src(%arg10 : memref<128x128xf32, #tpu.memory_space<vmem>>) dst(%dma_wait3A_19 : memref<128x128xf32, #tpu.memory_space<hbm>>)
    %min3A_20 = arith.constant 4992 : i32
    %min3A_21 = arith.constant 4872 : i32
    %min3A_22 = arith.minsi %min3A_20, %min3A_21 : i32
    %dma_start3A_23 = tpu.memref_slice %arg7[%min3A_22] : memref<5000xi32, #tpu.memory_space<vmem>> -> memref<128xi32, #tpu.memory_space<vmem>>
    %dma_start3A_24 = arith.constant 0 : i32
    %dma_start3A_25 = arith.constant 0 : i32
    %dma_start3A_26 = tpu.memref_slice %arg2[%dma_start3A_24, %dma_start3A_25] : memref<10000x128xf32, #tpu.memory_space<hbm>> -> memref<10000x128xf32, #tpu.memory_space<hbm>>
    tpu.enqueue_indirect_dma source(%dma_start3A_26 : memref<10000x128xf32, #tpu.memory_space<hbm>>) target(%arg10 : memref<128x128xf32, #tpu.memory_space<vmem>>) offsets(%dma_start3A_23 : memref<128xi32, #tpu.memory_space<vmem>>) semaphore(%arg14 : memref<!tpu.dma_semaphore, #tpu.memory_space<semaphore_mem>>)
    %dma_start3A_27 = tpu.memref_slice %arg8[%min3A_22] : memref<5000xi32, #tpu.memory_space<vmem>> -> memref<128xi32, #tpu.memory_space<vmem>>
    %dma_start3A_28 = arith.constant 0 : i32
    %dma_start3A_29 = arith.constant 0 : i32
    %dma_start3A_30 = tpu.memref_slice %arg3[%dma_start3A_28, %dma_start3A_29] : memref<10000x128xf32, #tpu.memory_space<hbm>> -> memref<10000x128xf32, #tpu.memory_space<hbm>>
    tpu.enqueue_indirect_dma source(%dma_start3A_30 : memref<10000x128xf32, #tpu.memory_space<hbm>>) target(%arg12 : memref<128x128xf32, #tpu.memory_space<vmem>>) offsets(%dma_start3A_27 : memref<128xi32, #tpu.memory_space<vmem>>) semaphore(%arg16 : memref<!tpu.dma_semaphore, #tpu.memory_space<semaphore_mem>>)
    %dma_wait3A_31 = arith.constant 0 : i32
    %dma_wait3A_32 = tpu.memref_slice %arg7[%dma_wait3A_31] : memref<5000xi32, #tpu.memory_space<vmem>> -> memref<128xi32, #tpu.memory_space<vmem>>
    %dma_wait3A_33 = arith.constant 0 : i32
    %dma_wait3A_34 = arith.constant 0 : i32
    %dma_wait3A_35 = tpu.memref_slice %arg2[%dma_wait3A_33, %dma_wait3A_34] : memref<10000x128xf32, #tpu.memory_space<hbm>> -> memref<10000x128xf32, #tpu.memory_space<hbm>>
    tpu.wait_indirect_dma semaphore(%arg13 : memref<!tpu.dma_semaphore, #tpu.memory_space<semaphore_mem>>) src(%dma_wait3A_35 : memref<10000x128xf32, #tpu.memory_space<hbm>>) dst(%arg9 : memref<128x128xf32, #tpu.memory_space<vmem>>)
    %dma_wait3A_36 = arith.constant 0 : i32
    %dma_wait3A_37 = tpu.memref_slice %arg8[%dma_wait3A_36] : memref<5000xi32, #tpu.memory_space<vmem>> -> memref<128xi32, #tpu.memory_space<vmem>>
    %dma_wait3A_38 = arith.constant 0 : i32
    %dma_wait3A_39 = arith.constant 0 : i32
    %dma_wait3A_40 = tpu.memref_slice %arg3[%dma_wait3A_38, %dma_wait3A_39] : memref<10000x128xf32, #tpu.memory_space<hbm>> -> memref<10000x128xf32, #tpu.memory_space<hbm>>
    tpu.wait_indirect_dma semaphore(%arg15 : memref<!tpu.dma_semaphore, #tpu.memory_space<semaphore_mem>>) src(%dma_wait3A_40 : memref<10000x128xf32, #tpu.memory_space<hbm>>) dst(%arg11 : memref<128x128xf32, #tpu.memory_space<vmem>>)
    %scan3A_41 = arith.constant 0 : i32
    %scan3A_42 = arith.constant 0 : i32
    %scan3A_43 = arith.constant 128 : i32
    %scan3A_44 = arith.addi %scan3A_42, %scan3A_43 : i32
    %scan3A_45 = arith.constant 1 : i32
    scf.for %scan3A_87 = %scan3A_42 to %scan3A_44 step %scan3A_45  : i32 {
      %get3A = arith.index_cast %scan3A_87 : i32 to index
      %get3A_88 = arith.constant 0 : index
      %get3A_89 = tpu.vector_load %arg9[%get3A, %get3A_88] {strides = array<i32>} : memref<128x128xf32, #tpu.memory_space<vmem>>, vector<1x16xf32>,
      %get3A_90 = vector.shape_cast %get3A_89 : vector<1x16xf32> to vector<16xf32>
      %get3A_91 = arith.index_cast %scan3A_87 : i32 to index
      %get3A_92 = arith.constant 0 : index
      %get3A_93 = tpu.vector_load %arg11[%get3A_91, %get3A_92] {strides = array<i32>} : memref<128x128xf32, #tpu.memory_space<vmem>>, vector<1x16xf32>,
      %get3A_94 = vector.shape_cast %get3A_93 : vector<1x16xf32> to vector<16xf32>
      %add3A_95 = arith.addf %get3A_90, %get3A_94 : vector<16xf32>
      %swap3A = arith.index_cast %scan3A_87 : i32 to index
      %swap3A_96 = arith.constant 0 : index
      %swap3A_97 = tpu.vector_load %arg9[%swap3A, %swap3A_96] {strides = array<i32>} : memref<128x128xf32, #tpu.memory_space<vmem>>, vector<1x16xf32>,
      %swap3A_98 = vector.shape_cast %swap3A_97 : vector<1x16xf32> to vector<16xf32>
      %swap3A_99 = vector.shape_cast %add3A_95 : vector<16xf32> to vector<1x16xf32>
      tpu.vector_store %arg9[%swap3A, %swap3A_96], %swap3A_99 {strides = array<i32>} : memref<128x128xf32, #tpu.memory_space<vmem>>, vector<1x16xf32>,
      %get3A_100 = arith.index_cast %scan3A_87 : i32 to index
      %get3A_101 = arith.constant 16 : index
      %get3A_102 = tpu.vector_load %arg9[%get3A_100, %get3A_101] {strides = array<i32>} : memref<128x128xf32, #tpu.memory_space<vmem>>, vector<1x16xf32>,
      %get3A_103 = vector.shape_cast %get3A_102 : vector<1x16xf32> to vector<16xf32>
      %get3A_104 = arith.index_cast %scan3A_87 : i32 to index
      %get3A_105 = arith.constant 16 : index
      %get3A_106 = tpu.vector_load %arg11[%get3A_104, %get3A_105] {strides = array<i32>} : memref<128x128xf32, #tpu.memory_space<vmem>>, vector<1x16xf32>,
      %get3A_107 = vector.shape_cast %get3A_106 : vector<1x16xf32> to vector<16xf32>
      %add3A_108 = arith.addf %get3A_103, %get3A_107 : vector<16xf32>
      %swap3A_109 = arith.index_cast %scan3A_87 : i32 to index
      %swap3A_110 = arith.constant 16 : index
      %swap3A_111 = tpu.vector_load %arg9[%swap3A_109, %swap3A_110] {strides = array<i32>} : memref<128x128xf32, #tpu.memory_space<vmem>>, vector<1x16xf32>,
      %swap3A_112 = vector.shape_cast %swap3A_111 : vector<1x16xf32> to vector<16xf32>
      %swap3A_113 = vector.shape_cast %add3A_108 : vector<16xf32> to vector<1x16xf32>
      tpu.vector_store %arg9[%swap3A_109, %swap3A_110], %swap3A_113 {strides = array<i32>} : memref<128x128xf32, #tpu.memory_space<vmem>>, vector<1x16xf32>,
      %get3A_114 = arith.index_cast %scan3A_87 : i32 to index
      %get3A_115 = arith.constant 32 : index
      %get3A_116 = tpu.vector_load %arg9[%get3A_114, %get3A_115] {strides = array<i32>} : memref<128x128xf32, #tpu.memory_space<vmem>>, vector<1x16xf32>,
      %get3A_117 = vector.shape_cast %get3A_116 : vector<1x16xf32> to vector<16xf32>
      %get3A_118 = arith.index_cast %scan3A_87 : i32 to index
      %get3A_119 = arith.constant 32 : index
      %get3A_120 = tpu.vector_load %arg11[%get3A_118, %get3A_119] {strides = array<i32>} : memref<128x128xf32, #tpu.memory_space<vmem>>, vector<1x16xf32>,
      %get3A_121 = vector.shape_cast %get3A_120 : vector<1x16xf32> to vector<16xf32>
      %add3A_122 = arith.addf %get3A_117, %get3A_121 : vector<16xf32>
      %swap3A_123 = arith.index_cast %scan3A_87 : i32 to index
      %swap3A_124 = arith.constant 32 : index
      %swap3A_125 = tpu.vector_load %arg9[%swap3A_123, %swap3A_124] {strides = array<i32>} : memref<128x128xf32, #tpu.memory_space<vmem>>, vector<1x16xf32>,
      %swap3A_126 = vector.shape_cast %swap3A_125 : vector<1x16xf32> to vector<16xf32>
      %swap3A_127 = vector.shape_cast %add3A_122 : vector<16xf32> to vector<1x16xf32>
      tpu.vector_store %arg9[%swap3A_123, %swap3A_124], %swap3A_127 {strides = array<i32>} : memref<128x128xf32, #tpu.memory_space<vmem>>, vector<1x16xf32>,
      %get3A_128 = arith.index_cast %scan3A_87 : i32 to index
      %get3A_129 = arith.constant 48 : index
      %get3A_130 = tpu.vector_load %arg9[%get3A_128, %get3A_129] {strides = array<i32>} : memref<128x128xf32, #tpu.memory_space<vmem>>, vector<1x16xf32>,
      %get3A_131 = vector.shape_cast %get3A_130 : vector<1x16xf32> to vector<16xf32>
      %get3A_132 = arith.index_cast %scan3A_87 : i32 to index
      %get3A_133 = arith.constant 48 : index
      %get3A_134 = tpu.vector_load %arg11[%get3A_132, %get3A_133] {strides = array<i32>} : memref<128x128xf32, #tpu.memory_space<vmem>>, vector<1x16xf32>,
      %get3A_135 = vector.shape_cast %get3A_134 : vector<1x16xf32> to vector<16xf32>
      %add3A_136 = arith.addf %get3A_131, %get3A_135 : vector<16xf32>
      %swap3A_137 = arith.index_cast %scan3A_87 : i32 to index
      %swap3A_138 = arith.constant 48 : index
      %swap3A_139 = tpu.vector_load %arg9[%swap3A_137, %swap3A_138] {strides = array<i32>} : memref<128x128xf32, #tpu.memory_space<vmem>>, vector<1x16xf32>,
      %swap3A_140 = vector.shape_cast %swap3A_139 : vector<1x16xf32> to vector<16xf32>
      %swap3A_141 = vector.shape_cast %add3A_136 : vector<16xf32> to vector<1x16xf32>
      tpu.vector_store %arg9[%swap3A_137, %swap3A_138], %swap3A_141 {strides = array<i32>} : memref<128x128xf32, #tpu.memory_space<vmem>>, vector<1x16xf32>,
      %get3A_142 = arith.index_cast %scan3A_87 : i32 to index
      %get3A_143 = arith.constant 64 : index
      %get3A_144 = tpu.vector_load %arg9[%get3A_142, %get3A_143] {strides = array<i32>} : memref<128x128xf32, #tpu.memory_space<vmem>>, vector<1x16xf32>,
      %get3A_145 = vector.shape_cast %get3A_144 : vector<1x16xf32> to vector<16xf32>
      %get3A_146 = arith.index_cast %scan3A_87 : i32 to index
      %get3A_147 = arith.constant 64 : index
      %get3A_148 = tpu.vector_load %arg11[%get3A_146, %get3A_147] {strides = array<i32>} : memref<128x128xf32, #tpu.memory_space<vmem>>, vector<1x16xf32>,
      %get3A_149 = vector.shape_cast %get3A_148 : vector<1x16xf32> to vector<16xf32>
      %add3A_150 = arith.addf %get3A_145, %get3A_149 : vector<16xf32>
      %swap3A_151 = arith.index_cast %scan3A_87 : i32 to index
      %swap3A_152 = arith.constant 64 : index
      %swap3A_153 = tpu.vector_load %arg9[%swap3A_151, %swap3A_152] {strides = array<i32>} : memref<128x128xf32, #tpu.memory_space<vmem>>, vector<1x16xf32>,
      %swap3A_154 = vector.shape_cast %swap3A_153 : vector<1x16xf32> to vector<16xf32>
      %swap3A_155 = vector.shape_cast %add3A_150 : vector<16xf32> to vector<1x16xf32>
      tpu.vector_store %arg9[%swap3A_151, %swap3A_152], %swap3A_155 {strides = array<i32>} : memref<128x128xf32, #tpu.memory_space<vmem>>, vector<1x16xf32>,
      %get3A_156 = arith.index_cast %scan3A_87 : i32 to index
      %get3A_157 = arith.constant 80 : index
      %get3A_158 = tpu.vector_load %arg9[%get3A_156, %get3A_157] {strides = array<i32>} : memref<128x128xf32, #tpu.memory_space<vmem>>, vector<1x16xf32>,
      %get3A_159 = vector.shape_cast %get3A_158 : vector<1x16xf32> to vector<16xf32>
      %get3A_160 = arith.index_cast %scan3A_87 : i32 to index
      %get3A_161 = arith.constant 80 : index
      %get3A_162 = tpu.vector_load %arg11[%get3A_160, %get3A_161] {strides = array<i32>} : memref<128x128xf32, #tpu.memory_space<vmem>>, vector<1x16xf32>,
      %get3A_163 = vector.shape_cast %get3A_162 : vector<1x16xf32> to vector<16xf32>
      %add3A_164 = arith.addf %get3A_159, %get3A_163 : vector<16xf32>
      %swap3A_165 = arith.index_cast %scan3A_87 : i32 to index
      %swap3A_166 = arith.constant 80 : index
      %swap3A_167 = tpu.vector_load %arg9[%swap3A_165, %swap3A_166] {strides = array<i32>} : memref<128x128xf32, #tpu.memory_space<vmem>>, vector<1x16xf32>,
      %swap3A_168 = vector.shape_cast %swap3A_167 : vector<1x16xf32> to vector<16xf32>
      %swap3A_169 = vector.shape_cast %add3A_164 : vector<16xf32> to vector<1x16xf32>
      tpu.vector_store %arg9[%swap3A_165, %swap3A_166], %swap3A_169 {strides = array<i32>} : memref<128x128xf32, #tpu.memory_space<vmem>>, vector<1x16xf32>,
      %get3A_170 = arith.index_cast %scan3A_87 : i32 to index
      %get3A_171 = arith.constant 96 : index
      %get3A_172 = tpu.vector_load %arg9[%get3A_170, %get3A_171] {strides = array<i32>} : memref<128x128xf32, #tpu.memory_space<vmem>>, vector<1x16xf32>,
      %get3A_173 = vector.shape_cast %get3A_172 : vector<1x16xf32> to vector<16xf32>
      %get3A_174 = arith.index_cast %scan3A_87 : i32 to index
      %get3A_175 = arith.constant 96 : index
      %get3A_176 = tpu.vector_load %arg11[%get3A_174, %get3A_175] {strides = array<i32>} : memref<128x128xf32, #tpu.memory_space<vmem>>, vector<1x16xf32>,
      %get3A_177 = vector.shape_cast %get3A_176 : vector<1x16xf32> to vector<16xf32>
      %add3A_178 = arith.addf %get3A_173, %get3A_177 : vector<16xf32>
      %swap3A_179 = arith.index_cast %scan3A_87 : i32 to index
      %swap3A_180 = arith.constant 96 : index
      %swap3A_181 = tpu.vector_load %arg9[%swap3A_179, %swap3A_180] {strides = array<i32>} : memref<128x128xf32, #tpu.memory_space<vmem>>, vector<1x16xf32>,
      %swap3A_182 = vector.shape_cast %swap3A_181 : vector<1x16xf32> to vector<16xf32>
      %swap3A_183 = vector.shape_cast %add3A_178 : vector<16xf32> to vector<1x16xf32>
      tpu.vector_store %arg9[%swap3A_179, %swap3A_180], %swap3A_183 {strides = array<i32>} : memref<128x128xf32, #tpu.memory_space<vmem>>, vector<1x16xf32>,
      %get3A_184 = arith.index_cast %scan3A_87 : i32 to index
      %get3A_185 = arith.constant 112 : index
      %get3A_186 = tpu.vector_load %arg9[%get3A_184, %get3A_185] {strides = array<i32>} : memref<128x128xf32, #tpu.memory_space<vmem>>, vector<1x16xf32>,
      %get3A_187 = vector.shape_cast %get3A_186 : vector<1x16xf32> to vector<16xf32>
      %get3A_188 = arith.index_cast %scan3A_87 : i32 to index
      %get3A_189 = arith.constant 112 : index
      %get3A_190 = tpu.vector_load %arg11[%get3A_188, %get3A_189] {strides = array<i32>} : memref<128x128xf32, #tpu.memory_space<vmem>>, vector<1x16xf32>,
      %get3A_191 = vector.shape_cast %get3A_190 : vector<1x16xf32> to vector<16xf32>
      %add3A_192 = arith.addf %get3A_187, %get3A_191 : vector<16xf32>
      %swap3A_193 = arith.index_cast %scan3A_87 : i32 to index
      %swap3A_194 = arith.constant 112 : index
      %swap3A_195 = tpu.vector_load %arg9[%swap3A_193, %swap3A_194] {strides = array<i32>} : memref<128x128xf32, #tpu.memory_space<vmem>>, vector<1x16xf32>,
      %swap3A_196 = vector.shape_cast %swap3A_195 : vector<1x16xf32> to vector<16xf32>
      %swap3A_197 = vector.shape_cast %add3A_192 : vector<16xf32> to vector<1x16xf32>
      tpu.vector_store %arg9[%swap3A_193, %swap3A_194], %swap3A_197 {strides = array<i32>} : memref<128x128xf32, #tpu.memory_space<vmem>>, vector<1x16xf32>,
    }
    %scan3A_46 = arith.constant 128 : i32
    %min3A_47 = arith.constant 4864 : i32
    %min3A_48 = arith.constant 4872 : i32
    %min3A_49 = arith.minsi %min3A_47, %min3A_48 : i32
    %add3A_50 = arith.addi %mul3A_2, %min3A_49 : i32
    %dma_start3A_51 = arith.constant 0 : i32
    %dma_start3A_52 = tpu.memref_slice %arg6[%add3A_50, %dma_start3A_51] : memref<160000x128xf32, #tpu.memory_space<hbm>> -> memref<128x128xf32, #tpu.memory_space<hbm>>
    %dma_start3A_53 = arith.constant 0 : i32
    %dma_start3A_54 = tpu.memref_slice %arg6[%add3A_50, %dma_start3A_53] : memref<160000x128xf32, #tpu.memory_space<hbm>> -> memref<128x128xf32, #tpu.memory_space<hbm>>
    tpu.enqueue_dma source(%arg9 : memref<128x128xf32, #tpu.memory_space<vmem>>) target(%dma_start3A_54 : memref<128x128xf32, #tpu.memory_space<hbm>>) target_semaphore(%arg17 : memref<!tpu.dma_semaphore, #tpu.memory_space<semaphore_mem>>)
    %dma_wait3A_55 = arith.constant 0 : i32
    %dma_wait3A_56 = tpu.memref_slice %arg6[%mul3A_2, %dma_wait3A_55] : memref<160000x128xf32, #tpu.memory_space<hbm>> -> memref<128x128xf32, #tpu.memory_space<hbm>>
    %dma_wait3A_57 = arith.constant 0 : i32
    %dma_wait3A_58 = tpu.memref_slice %arg6[%mul3A_2, %dma_wait3A_57] : memref<160000x128xf32, #tpu.memory_space<hbm>> -> memref<128x128xf32, #tpu.memory_space<hbm>>
    tpu.wait_dma2 semaphore(%arg17 : memref<!tpu.dma_semaphore, #tpu.memory_space<semaphore_mem>>) src(%arg9 : memref<128x128xf32, #tpu.memory_space<vmem>>) dst(%dma_wait3A_58 : memref<128x128xf32, #tpu.memory_space<hbm>>)
    %dma_wait3A_59 = arith.constant 0 : i32
    %dma_wait3A_60 = tpu.memref_slice %arg7[%dma_wait3A_59] : memref<5000xi32, #tpu.memory_space<vmem>> -> memref<128xi32, #tpu.memory_space<vmem>>
    %dma_wait3A_61 = arith.constant 0 : i32
    %dma_wait3A_62 = arith.constant 0 : i32
    %dma_wait3A_63 = tpu.memref_slice %arg2[%dma_wait3A_61, %dma_wait3A_62] : memref<10000x128xf32, #tpu.memory_space<hbm>> -> memref<10000x128xf32, #tpu.memory_space<hbm>>
    tpu.wait_indirect_dma semaphore(%arg14 : memref<!tpu.dma_semaphore, #tpu.memory_space<semaphore_mem>>) src(%dma_wait3A_63 : memref<10000x128xf32, #tpu.memory_space<hbm>>) dst(%arg10 : memref<128x128xf32, #tpu.memory_space<vmem>>)
    %dma_wait3A_64 = arith.constant 0 : i32
    %dma_wait3A_65 = tpu.memref_slice %arg8[%dma_wait3A_64] : memref<5000xi32, #tpu.memory_space<vmem>> -> memref<128xi32, #tpu.memory_space<vmem>>
    %dma_wait3A_66 = arith.constant 0 : i32
    %dma_wait3A_67 = arith.constant 0 : i32
    %dma_wait3A_68 = tpu.memref_slice %arg3[%dma_wait3A_66, %dma_wait3A_67] : memref<10000x128xf32, #tpu.memory_space<hbm>> -> memref<10000x128xf32, #tpu.memory_space<hbm>>
    tpu.wait_indirect_dma semaphore(%arg16 : memref<!tpu.dma_semaphore, #tpu.memory_space<semaphore_mem>>) src(%dma_wait3A_68 : memref<10000x128xf32, #tpu.memory_space<hbm>>) dst(%arg12 : memref<128x128xf32, #tpu.memory_space<vmem>>)
    %scan3A_69 = arith.constant 0 : i32
    %scan3A_70 = arith.constant 0 : i32
    %scan3A_71 = arith.constant 128 : i32
    %scan3A_72 = arith.addi %scan3A_70, %scan3A_71 : i32
    %scan3A_73 = arith.constant 1 : i32
    scf.for %scan3A_87 = %scan3A_70 to %scan3A_72 step %scan3A_73  : i32 {
      %get3A = arith.index_cast %scan3A_87 : i32 to index
      %get3A_88 = arith.constant 0 : index
      %get3A_89 = tpu.vector_load %arg10[%get3A, %get3A_88] {strides = array<i32>} : memref<128x128xf32, #tpu.memory_space<vmem>>, vector<1x16xf32>,
      %get3A_90 = vector.shape_cast %get3A_89 : vector<1x16xf32> to vector<16xf32>
      %get3A_91 = arith.index_cast %scan3A_87 : i32 to index
      %get3A_92 = arith.constant 0 : index
      %get3A_93 = tpu.vector_load %arg12[%get3A_91, %get3A_92] {strides = array<i32>} : memref<128x128xf32, #tpu.memory_space<vmem>>, vector<1x16xf32>,
      %get3A_94 = vector.shape_cast %get3A_93 : vector<1x16xf32> to vector<16xf32>
      %add3A_95 = arith.addf %get3A_90, %get3A_94 : vector<16xf32>
      %swap3A = arith.index_cast %scan3A_87 : i32 to index
      %swap3A_96 = arith.constant 0 : index
      %swap3A_97 = tpu.vector_load %arg10[%swap3A, %swap3A_96] {strides = array<i32>} : memref<128x128xf32, #tpu.memory_space<vmem>>, vector<1x16xf32>,
      %swap3A_98 = vector.shape_cast %swap3A_97 : vector<1x16xf32> to vector<16xf32>
      %swap3A_99 = vector.shape_cast %add3A_95 : vector<16xf32> to vector<1x16xf32>
      tpu.vector_store %arg10[%swap3A, %swap3A_96], %swap3A_99 {strides = array<i32>} : memref<128x128xf32, #tpu.memory_space<vmem>>, vector<1x16xf32>,
      %get3A_100 = arith.index_cast %scan3A_87 : i32 to index
      %get3A_101 = arith.constant 16 : index
      %get3A_102 = tpu.vector_load %arg10[%get3A_100, %get3A_101] {strides = array<i32>} : memref<128x128xf32, #tpu.memory_space<vmem>>, vector<1x16xf32>,
      %get3A_103 = vector.shape_cast %get3A_102 : vector<1x16xf32> to vector<16xf32>
      %get3A_104 = arith.index_cast %scan3A_87 : i32 to index
      %get3A_105 = arith.constant 16 : index
      %get3A_106 = tpu.vector_load %arg12[%get3A_104, %get3A_105] {strides = array<i32>} : memref<128x128xf32, #tpu.memory_space<vmem>>, vector<1x16xf32>,
      %get3A_107 = vector.shape_cast %get3A_106 : vector<1x16xf32> to vector<16xf32>
      %add3A_108 = arith.addf %get3A_103, %get3A_107 : vector<16xf32>
      %swap3A_109 = arith.index_cast %scan3A_87 : i32 to index
      %swap3A_110 = arith.constant 16 : index
      %swap3A_111 = tpu.vector_load %arg10[%swap3A_109, %swap3A_110] {strides = array<i32>} : memref<128x128xf32, #tpu.memory_space<vmem>>, vector<1x16xf32>,
      %swap3A_112 = vector.shape_cast %swap3A_111 : vector<1x16xf32> to vector<16xf32>
      %swap3A_113 = vector.shape_cast %add3A_108 : vector<16xf32> to vector<1x16xf32>
      tpu.vector_store %arg10[%swap3A_109, %swap3A_110], %swap3A_113 {strides = array<i32>} : memref<128x128xf32, #tpu.memory_space<vmem>>, vector<1x16xf32>,
      %get3A_114 = arith.index_cast %scan3A_87 : i32 to index
      %get3A_115 = arith.constant 32 : index
      %get3A_116 = tpu.vector_load %arg10[%get3A_114, %get3A_115] {strides = array<i32>} : memref<128x128xf32, #tpu.memory_space<vmem>>, vector<1x16xf32>,
      %get3A_117 = vector.shape_cast %get3A_116 : vector<1x16xf32> to vector<16xf32>
      %get3A_118 = arith.index_cast %scan3A_87 : i32 to index
      %get3A_119 = arith.constant 32 : index
      %get3A_120 = tpu.vector_load %arg12[%get3A_118, %get3A_119] {strides = array<i32>} : memref<128x128xf32, #tpu.memory_space<vmem>>, vector<1x16xf32>,
      %get3A_121 = vector.shape_cast %get3A_120 : vector<1x16xf32> to vector<16xf32>
      %add3A_122 = arith.addf %get3A_117, %get3A_121 : vector<16xf32>
      %swap3A_123 = arith.index_cast %scan3A_87 : i32 to index
      %swap3A_124 = arith.constant 32 : index
      %swap3A_125 = tpu.vector_load %arg10[%swap3A_123, %swap3A_124] {strides = array<i32>} : memref<128x128xf32, #tpu.memory_space<vmem>>, vector<1x16xf32>,
      %swap3A_126 = vector.shape_cast %swap3A_125 : vector<1x16xf32> to vector<16xf32>
      %swap3A_127 = vector.shape_cast %add3A_122 : vector<16xf32> to vector<1x16xf32>
      tpu.vector_store %arg10[%swap3A_123, %swap3A_124], %swap3A_127 {strides = array<i32>} : memref<128x128xf32, #tpu.memory_space<vmem>>, vector<1x16xf32>,
      %get3A_128 = arith.index_cast %scan3A_87 : i32 to index
      %get3A_129 = arith.constant 48 : index
      %get3A_130 = tpu.vector_load %arg10[%get3A_128, %get3A_129] {strides = array<i32>} : memref<128x128xf32, #tpu.memory_space<vmem>>, vector<1x16xf32>,
      %get3A_131 = vector.shape_cast %get3A_130 : vector<1x16xf32> to vector<16xf32>
      %get3A_132 = arith.index_cast %scan3A_87 : i32 to index
      %get3A_133 = arith.constant 48 : index
      %get3A_134 = tpu.vector_load %arg12[%get3A_132, %get3A_133] {strides = array<i32>} : memref<128x128xf32, #tpu.memory_space<vmem>>, vector<1x16xf32>,
      %get3A_135 = vector.shape_cast %get3A_134 : vector<1x16xf32> to vector<16xf32>
      %add3A_136 = arith.addf %get3A_131, %get3A_135 : vector<16xf32>
      %swap3A_137 = arith.index_cast %scan3A_87 : i32 to index
      %swap3A_138 = arith.constant 48 : index
      %swap3A_139 = tpu.vector_load %arg10[%swap3A_137, %swap3A_138] {strides = array<i32>} : memref<128x128xf32, #tpu.memory_space<vmem>>, vector<1x16xf32>,
      %swap3A_140 = vector.shape_cast %swap3A_139 : vector<1x16xf32> to vector<16xf32>
      %swap3A_141 = vector.shape_cast %add3A_136 : vector<16xf32> to vector<1x16xf32>
      tpu.vector_store %arg10[%swap3A_137, %swap3A_138], %swap3A_141 {strides = array<i32>} : memref<128x128xf32, #tpu.memory_space<vmem>>, vector<1x16xf32>,
      %get3A_142 = arith.index_cast %scan3A_87 : i32 to index
      %get3A_143 = arith.constant 64 : index
      %get3A_144 = tpu.vector_load %arg10[%get3A_142, %get3A_143] {strides = array<i32>} : memref<128x128xf32, #tpu.memory_space<vmem>>, vector<1x16xf32>,
      %get3A_145 = vector.shape_cast %get3A_144 : vector<1x16xf32> to vector<16xf32>
      %get3A_146 = arith.index_cast %scan3A_87 : i32 to index
      %get3A_147 = arith.constant 64 : index
      %get3A_148 = tpu.vector_load %arg12[%get3A_146, %get3A_147] {strides = array<i32>} : memref<128x128xf32, #tpu.memory_space<vmem>>, vector<1x16xf32>,
      %get3A_149 = vector.shape_cast %get3A_148 : vector<1x16xf32> to vector<16xf32>
      %add3A_150 = arith.addf %get3A_145, %get3A_149 : vector<16xf32>
      %swap3A_151 = arith.index_cast %scan3A_87 : i32 to index
      %swap3A_152 = arith.constant 64 : index
      %swap3A_153 = tpu.vector_load %arg10[%swap3A_151, %swap3A_152] {strides = array<i32>} : memref<128x128xf32, #tpu.memory_space<vmem>>, vector<1x16xf32>,
      %swap3A_154 = vector.shape_cast %swap3A_153 : vector<1x16xf32> to vector<16xf32>
      %swap3A_155 = vector.shape_cast %add3A_150 : vector<16xf32> to vector<1x16xf32>
      tpu.vector_store %arg10[%swap3A_151, %swap3A_152], %swap3A_155 {strides = array<i32>} : memref<128x128xf32, #tpu.memory_space<vmem>>, vector<1x16xf32>,
      %get3A_156 = arith.index_cast %scan3A_87 : i32 to index
      %get3A_157 = arith.constant 80 : index
      %get3A_158 = tpu.vector_load %arg10[%get3A_156, %get3A_157] {strides = array<i32>} : memref<128x128xf32, #tpu.memory_space<vmem>>, vector<1x16xf32>,
      %get3A_159 = vector.shape_cast %get3A_158 : vector<1x16xf32> to vector<16xf32>
      %get3A_160 = arith.index_cast %scan3A_87 : i32 to index
      %get3A_161 = arith.constant 80 : index
      %get3A_162 = tpu.vector_load %arg12[%get3A_160, %get3A_161] {strides = array<i32>} : memref<128x128xf32, #tpu.memory_space<vmem>>, vector<1x16xf32>,
      %get3A_163 = vector.shape_cast %get3A_162 : vector<1x16xf32> to vector<16xf32>
      %add3A_164 = arith.addf %get3A_159, %get3A_163 : vector<16xf32>
      %swap3A_165 = arith.index_cast %scan3A_87 : i32 to index
      %swap3A_166 = arith.constant 80 : index
      %swap3A_167 = tpu.vector_load %arg10[%swap3A_165, %swap3A_166] {strides = array<i32>} : memref<128x128xf32, #tpu.memory_space<vmem>>, vector<1x16xf32>,
      %swap3A_168 = vector.shape_cast %swap3A_167 : vector<1x16xf32> to vector<16xf32>
      %swap3A_169 = vector.shape_cast %add3A_164 : vector<16xf32> to vector<1x16xf32>
      tpu.vector_store %arg10[%swap3A_165, %swap3A_166], %swap3A_169 {strides = array<i32>} : memref<128x128xf32, #tpu.memory_space<vmem>>, vector<1x16xf32>,
      %get3A_170 = arith.index_cast %scan3A_87 : i32 to index
      %get3A_171 = arith.constant 96 : index
      %get3A_172 = tpu.vector_load %arg10[%get3A_170, %get3A_171] {strides = array<i32>} : memref<128x128xf32, #tpu.memory_space<vmem>>, vector<1x16xf32>,
      %get3A_173 = vector.shape_cast %get3A_172 : vector<1x16xf32> to vector<16xf32>
      %get3A_174 = arith.index_cast %scan3A_87 : i32 to index
      %get3A_175 = arith.constant 96 : index
      %get3A_176 = tpu.vector_load %arg12[%get3A_174, %get3A_175] {strides = array<i32>} : memref<128x128xf32, #tpu.memory_space<vmem>>, vector<1x16xf32>,
      %get3A_177 = vector.shape_cast %get3A_176 : vector<1x16xf32> to vector<16xf32>
      %add3A_178 = arith.addf %get3A_173, %get3A_177 : vector<16xf32>
      %swap3A_179 = arith.index_cast %scan3A_87 : i32 to index
      %swap3A_180 = arith.constant 96 : index
      %swap3A_181 = tpu.vector_load %arg10[%swap3A_179, %swap3A_180] {strides = array<i32>} : memref<128x128xf32, #tpu.memory_space<vmem>>, vector<1x16xf32>,
      %swap3A_182 = vector.shape_cast %swap3A_181 : vector<1x16xf32> to vector<16xf32>
      %swap3A_183 = vector.shape_cast %add3A_178 : vector<16xf32> to vector<1x16xf32>
      tpu.vector_store %arg10[%swap3A_179, %swap3A_180], %swap3A_183 {strides = array<i32>} : memref<128x128xf32, #tpu.memory_space<vmem>>, vector<1x16xf32>,
      %get3A_184 = arith.index_cast %scan3A_87 : i32 to index
      %get3A_185 = arith.constant 112 : index
      %get3A_186 = tpu.vector_load %arg10[%get3A_184, %get3A_185] {strides = array<i32>} : memref<128x128xf32, #tpu.memory_space<vmem>>, vector<1x16xf32>,
      %get3A_187 = vector.shape_cast %get3A_186 : vector<1x16xf32> to vector<16xf32>
      %get3A_188 = arith.index_cast %scan3A_87 : i32 to index
      %get3A_189 = arith.constant 112 : index
      %get3A_190 = tpu.vector_load %arg12[%get3A_188, %get3A_189] {strides = array<i32>} : memref<128x128xf32, #tpu.memory_space<vmem>>, vector<1x16xf32>,
      %get3A_191 = vector.shape_cast %get3A_190 : vector<1x16xf32> to vector<16xf32>
      %add3A_192 = arith.addf %get3A_187, %get3A_191 : vector<16xf32>
      %swap3A_193 = arith.index_cast %scan3A_87 : i32 to index
      %swap3A_194 = arith.constant 112 : index
      %swap3A_195 = tpu.vector_load %arg10[%swap3A_193, %swap3A_194] {strides = array<i32>} : memref<128x128xf32, #tpu.memory_space<vmem>>, vector<1x16xf32>,
      %swap3A_196 = vector.shape_cast %swap3A_195 : vector<1x16xf32> to vector<16xf32>
      %swap3A_197 = vector.shape_cast %add3A_192 : vector<16xf32> to vector<1x16xf32>
      tpu.vector_store %arg10[%swap3A_193, %swap3A_194], %swap3A_197 {strides = array<i32>} : memref<128x128xf32, #tpu.memory_space<vmem>>, vector<1x16xf32>,
    }
    %scan3A_74 = arith.constant 128 : i32
    %min3A_75 = arith.constant 4992 : i32
    %min3A_76 = arith.constant 4872 : i32
    %min3A_77 = arith.minsi %min3A_75, %min3A_76 : i32
    %add3A_78 = arith.addi %mul3A_2, %min3A_77 : i32
    %dma_start3A_79 = arith.constant 0 : i32
    %dma_start3A_80 = tpu.memref_slice %arg6[%add3A_78, %dma_start3A_79] : memref<160000x128xf32, #tpu.memory_space<hbm>> -> memref<128x128xf32, #tpu.memory_space<hbm>>
    %dma_start3A_81 = arith.constant 0 : i32
    %dma_start3A_82 = tpu.memref_slice %arg6[%add3A_78, %dma_start3A_81] : memref<160000x128xf32, #tpu.memory_space<hbm>> -> memref<128x128xf32, #tpu.memory_space<hbm>>
    tpu.enqueue_dma source(%arg10 : memref<128x128xf32, #tpu.memory_space<vmem>>) target(%dma_start3A_82 : memref<128x128xf32, #tpu.memory_space<hbm>>) target_semaphore(%arg18 : memref<!tpu.dma_semaphore, #tpu.memory_space<semaphore_mem>>)
    %dma_wait3A_83 = arith.constant 0 : i32
    %dma_wait3A_84 = tpu.memref_slice %arg6[%mul3A_2, %dma_wait3A_83] : memref<160000x128xf32, #tpu.memory_space<hbm>> -> memref<128x128xf32, #tpu.memory_space<hbm>>
    %dma_wait3A_85 = arith.constant 0 : i32
    %dma_wait3A_86 = tpu.memref_slice %arg6[%mul3A_2, %dma_wait3A_85] : memref<160000x128xf32, #tpu.memory_space<hbm>> -> memref<128x128xf32, #tpu.memory_space<hbm>>
    tpu.wait_dma2 semaphore(%arg18 : memref<!tpu.dma_semaphore, #tpu.memory_space<semaphore_mem>>) src(%arg10 : memref<128x128xf32, #tpu.memory_space<vmem>>) dst(%dma_wait3A_86 : memref<128x128xf32, #tpu.memory_space<hbm>>)
    return
  }
}

#map = affine_map<(d0, d1) -> (0, 0)>
#map1 = affine_map<(d0, d1) -> (0)>
#map2 = affine_map<(d0, d1) -> (0, 0, 0)>
module attributes {stable_mosaic.version = 14 : i64} {
  func.func @k(%arg0: i32, %arg1: i32, %arg2: memref<160000x128xf32, #tpu.memory_space<hbm>>, %arg3: memref<160000xi32, #tpu.memory_space<hbm>>, %arg4: memref<160000xi32, #tpu.memory_space<hbm>>, %arg5: memref<2x10000x128xf32, #tpu.memory_space<hbm>>, %arg6: memref<128xi32, #tpu.memory_space<vmem>>, %arg7: memref<128xi32, #tpu.memory_space<vmem>>, %arg8: memref<128x128xf32, #tpu.memory_space<vmem>>, %arg9: memref<128x128xf32, #tpu.memory_space<vmem>>, %arg10: memref<16xi32, #tpu.memory_space<vmem>>, %arg11: memref<16x128xf32, #tpu.memory_space<vmem>>, %arg12: memref<25x128xf32, #tpu.memory_space<vmem>>, %arg13: memref<10000x128xf32, #tpu.memory_space<vmem_shared>>, %arg14: memref<!tpu.dma_semaphore, #tpu.memory_space<semaphore_mem>>, %arg15: memref<!tpu.dma_semaphore, #tpu.memory_space<semaphore_mem>>, %arg16: memref<!tpu.dma_semaphore, #tpu.memory_space<semaphore_mem>>, %arg17: memref<!tpu.dma_semaphore, #tpu.memory_space<semaphore_mem>>, %arg18: memref<!tpu.dma_semaphore, #tpu.memory_space<semaphore_mem>>, %arg19: memref<!tpu.dma_semaphore, #tpu.memory_space<semaphore_mem>>) attributes {dimension_semantics = [#tpu.dimension_semantics<core_parallel>, #tpu.dimension_semantics<subcore_parallel>], iteration_bounds = array<i64: 2, 16>, scalar_prefetch = 0 : i64, scratch_operands = 14 : i64, tpu.core_type = #tpu.core_type<sc_vector_subcore>, window_params = [{transform_indices = #map}, {transform_indices = #map1}, {transform_indices = #map1}, {transform_indices = #map2}]} {
    %scan3A = arith.constant 0 : i32
    %scan3A_0 = arith.constant 0 : i32
    %scan3A_1 = arith.constant 25 : i32
    %scan3A_2 = arith.addi %scan3A_0, %scan3A_1 : i32
    %scan3A_3 = arith.constant 1 : i32
    scf.for %scan3A_244 = %scan3A_0 to %scan3A_2 step %scan3A_3  : i32 {
      %broadcast_in_dim3A = arith.constant 0.000000e+00 : f32
      %broadcast_in_dim3A_245 = vector.broadcast %broadcast_in_dim3A : f32 to vector<16xf32>
      %swap3A = arith.index_cast %scan3A_244 : i32 to index
      %swap3A_246 = arith.constant 0 : index
      %swap3A_247 = tpu.vector_load %arg12[%swap3A, %swap3A_246] {strides = array<i32>} : memref<25x128xf32, #tpu.memory_space<vmem>>, vector<1x16xf32>,
      %swap3A_248 = vector.shape_cast %swap3A_247 : vector<1x16xf32> to vector<16xf32>
      %swap3A_249 = vector.shape_cast %broadcast_in_dim3A_245 : vector<16xf32> to vector<1x16xf32>
      tpu.vector_store %arg12[%swap3A, %swap3A_246], %swap3A_249 {strides = array<i32>} : memref<25x128xf32, #tpu.memory_space<vmem>>, vector<1x16xf32>,
      %broadcast_in_dim3A_250 = arith.constant 0.000000e+00 : f32
      %broadcast_in_dim3A_251 = vector.broadcast %broadcast_in_dim3A_250 : f32 to vector<16xf32>
      %swap3A_252 = arith.index_cast %scan3A_244 : i32 to index
      %swap3A_253 = arith.constant 16 : index
      %swap3A_254 = tpu.vector_load %arg12[%swap3A_252, %swap3A_253] {strides = array<i32>} : memref<25x128xf32, #tpu.memory_space<vmem>>, vector<1x16xf32>,
      %swap3A_255 = vector.shape_cast %swap3A_254 : vector<1x16xf32> to vector<16xf32>
      %swap3A_256 = vector.shape_cast %broadcast_in_dim3A_251 : vector<16xf32> to vector<1x16xf32>
      tpu.vector_store %arg12[%swap3A_252, %swap3A_253], %swap3A_256 {strides = array<i32>} : memref<25x128xf32, #tpu.memory_space<vmem>>, vector<1x16xf32>,
      %broadcast_in_dim3A_257 = arith.constant 0.000000e+00 : f32
      %broadcast_in_dim3A_258 = vector.broadcast %broadcast_in_dim3A_257 : f32 to vector<16xf32>
      %swap3A_259 = arith.index_cast %scan3A_244 : i32 to index
      %swap3A_260 = arith.constant 32 : index
      %swap3A_261 = tpu.vector_load %arg12[%swap3A_259, %swap3A_260] {strides = array<i32>} : memref<25x128xf32, #tpu.memory_space<vmem>>, vector<1x16xf32>,
      %swap3A_262 = vector.shape_cast %swap3A_261 : vector<1x16xf32> to vector<16xf32>
      %swap3A_263 = vector.shape_cast %broadcast_in_dim3A_258 : vector<16xf32> to vector<1x16xf32>
      tpu.vector_store %arg12[%swap3A_259, %swap3A_260], %swap3A_263 {strides = array<i32>} : memref<25x128xf32, #tpu.memory_space<vmem>>, vector<1x16xf32>,
      %broadcast_in_dim3A_264 = arith.constant 0.000000e+00 : f32
      %broadcast_in_dim3A_265 = vector.broadcast %broadcast_in_dim3A_264 : f32 to vector<16xf32>
      %swap3A_266 = arith.index_cast %scan3A_244 : i32 to index
      %swap3A_267 = arith.constant 48 : index
      %swap3A_268 = tpu.vector_load %arg12[%swap3A_266, %swap3A_267] {strides = array<i32>} : memref<25x128xf32, #tpu.memory_space<vmem>>, vector<1x16xf32>,
      %swap3A_269 = vector.shape_cast %swap3A_268 : vector<1x16xf32> to vector<16xf32>
      %swap3A_270 = vector.shape_cast %broadcast_in_dim3A_265 : vector<16xf32> to vector<1x16xf32>
      tpu.vector_store %arg12[%swap3A_266, %swap3A_267], %swap3A_270 {strides = array<i32>} : memref<25x128xf32, #tpu.memory_space<vmem>>, vector<1x16xf32>,
      %broadcast_in_dim3A_271 = arith.constant 0.000000e+00 : f32
      %broadcast_in_dim3A_272 = vector.broadcast %broadcast_in_dim3A_271 : f32 to vector<16xf32>
      %swap3A_273 = arith.index_cast %scan3A_244 : i32 to index
      %swap3A_274 = arith.constant 64 : index
      %swap3A_275 = tpu.vector_load %arg12[%swap3A_273, %swap3A_274] {strides = array<i32>} : memref<25x128xf32, #tpu.memory_space<vmem>>, vector<1x16xf32>,
      %swap3A_276 = vector.shape_cast %swap3A_275 : vector<1x16xf32> to vector<16xf32>
      %swap3A_277 = vector.shape_cast %broadcast_in_dim3A_272 : vector<16xf32> to vector<1x16xf32>
      tpu.vector_store %arg12[%swap3A_273, %swap3A_274], %swap3A_277 {strides = array<i32>} : memref<25x128xf32, #tpu.memory_space<vmem>>, vector<1x16xf32>,
      %broadcast_in_dim3A_278 = arith.constant 0.000000e+00 : f32
      %broadcast_in_dim3A_279 = vector.broadcast %broadcast_in_dim3A_278 : f32 to vector<16xf32>
      %swap3A_280 = arith.index_cast %scan3A_244 : i32 to index
      %swap3A_281 = arith.constant 80 : index
      %swap3A_282 = tpu.vector_load %arg12[%swap3A_280, %swap3A_281] {strides = array<i32>} : memref<25x128xf32, #tpu.memory_space<vmem>>, vector<1x16xf32>,
      %swap3A_283 = vector.shape_cast %swap3A_282 : vector<1x16xf32> to vector<16xf32>
      %swap3A_284 = vector.shape_cast %broadcast_in_dim3A_279 : vector<16xf32> to vector<1x16xf32>
      tpu.vector_store %arg12[%swap3A_280, %swap3A_281], %swap3A_284 {strides = array<i32>} : memref<25x128xf32, #tpu.memory_space<vmem>>, vector<1x16xf32>,
      %broadcast_in_dim3A_285 = arith.constant 0.000000e+00 : f32
      %broadcast_in_dim3A_286 = vector.broadcast %broadcast_in_dim3A_285 : f32 to vector<16xf32>
      %swap3A_287 = arith.index_cast %scan3A_244 : i32 to index
      %swap3A_288 = arith.constant 96 : index
      %swap3A_289 = tpu.vector_load %arg12[%swap3A_287, %swap3A_288] {strides = array<i32>} : memref<25x128xf32, #tpu.memory_space<vmem>>, vector<1x16xf32>,
      %swap3A_290 = vector.shape_cast %swap3A_289 : vector<1x16xf32> to vector<16xf32>
      %swap3A_291 = vector.shape_cast %broadcast_in_dim3A_286 : vector<16xf32> to vector<1x16xf32>
      tpu.vector_store %arg12[%swap3A_287, %swap3A_288], %swap3A_291 {strides = array<i32>} : memref<25x128xf32, #tpu.memory_space<vmem>>, vector<1x16xf32>,
      %broadcast_in_dim3A_292 = arith.constant 0.000000e+00 : f32
      %broadcast_in_dim3A_293 = vector.broadcast %broadcast_in_dim3A_292 : f32 to vector<16xf32>
      %swap3A_294 = arith.index_cast %scan3A_244 : i32 to index
      %swap3A_295 = arith.constant 112 : index
      %swap3A_296 = tpu.vector_load %arg12[%swap3A_294, %swap3A_295] {strides = array<i32>} : memref<25x128xf32, #tpu.memory_space<vmem>>, vector<1x16xf32>,
      %swap3A_297 = vector.shape_cast %swap3A_296 : vector<1x16xf32> to vector<16xf32>
      %swap3A_298 = vector.shape_cast %broadcast_in_dim3A_293 : vector<16xf32> to vector<1x16xf32>
      tpu.vector_store %arg12[%swap3A_294, %swap3A_295], %swap3A_298 {strides = array<i32>} : memref<25x128xf32, #tpu.memory_space<vmem>>, vector<1x16xf32>,
    }
    %scan3A_4 = arith.constant 25 : i32
    %mul3A = arith.constant 25 : i32
    %mul3A_5 = arith.muli %arg1, %mul3A : i32
    %add3A = arith.constant 0 : i32
    %add3A_6 = arith.addi %mul3A_5, %add3A : i32
    %mul3A_7 = arith.constant 25 : i32
    %mul3A_8 = arith.muli %add3A_6, %mul3A_7 : i32
    "tpu.region"() ({
      %run_scoped3A = tpu.sem_alloc : memref<!tpu.dma_semaphore, #tpu.memory_space<semaphore_mem>>
      %dma_start3A_244 = arith.constant 0 : i32
      %dma_start3A_245 = tpu.memref_slice %arg13[%mul3A_8, %dma_start3A_244] : memref<10000x128xf32, #tpu.memory_space<vmem_shared>> -> memref<25x128xf32, #tpu.memory_space<vmem_shared>>
      %dma_start3A_246 = arith.constant 0 : i32
      %dma_start3A_247 = tpu.memref_slice %arg13[%mul3A_8, %dma_start3A_246] : memref<10000x128xf32, #tpu.memory_space<vmem_shared>> -> memref<25x128xf32, #tpu.memory_space<vmem_shared>>
      tpu.enqueue_dma source(%arg12 : memref<25x128xf32, #tpu.memory_space<vmem>>) target(%dma_start3A_247 : memref<25x128xf32, #tpu.memory_space<vmem_shared>>) target_semaphore(%run_scoped3A : memref<!tpu.dma_semaphore, #tpu.memory_space<semaphore_mem>>)
      %dma_wait3A_248 = arith.constant 0 : i32
      %dma_wait3A_249 = tpu.memref_slice %arg13[%mul3A_8, %dma_wait3A_248] : memref<10000x128xf32, #tpu.memory_space<vmem_shared>> -> memref<25x128xf32, #tpu.memory_space<vmem_shared>>
      %dma_wait3A_250 = arith.constant 0 : i32
      %dma_wait3A_251 = tpu.memref_slice %arg13[%mul3A_8, %dma_wait3A_250] : memref<10000x128xf32, #tpu.memory_space<vmem_shared>> -> memref<25x128xf32, #tpu.memory_space<vmem_shared>>
      tpu.wait_dma2 semaphore(%run_scoped3A : memref<!tpu.dma_semaphore, #tpu.memory_space<semaphore_mem>>) src(%arg12 : memref<25x128xf32, #tpu.memory_space<vmem>>) dst(%dma_wait3A_251 : memref<25x128xf32, #tpu.memory_space<vmem_shared>>)
      tpu.yield
    }) : () -> ()
    %mul3A_9 = arith.constant 25 : i32
    %mul3A_10 = arith.muli %arg1, %mul3A_9 : i32
    %add3A_11 = arith.constant 1 : i32
    %add3A_12 = arith.addi %mul3A_10, %add3A_11 : i32
    %mul3A_13 = arith.constant 25 : i32
    %mul3A_14 = arith.muli %add3A_12, %mul3A_13 : i32
    "tpu.region"() ({
      %run_scoped3A = tpu.sem_alloc : memref<!tpu.dma_semaphore, #tpu.memory_space<semaphore_mem>>
      %dma_start3A_244 = arith.constant 0 : i32
      %dma_start3A_245 = tpu.memref_slice %arg13[%mul3A_14, %dma_start3A_244] : memref<10000x128xf32, #tpu.memory_space<vmem_shared>> -> memref<25x128xf32, #tpu.memory_space<vmem_shared>>
      %dma_start3A_246 = arith.constant 0 : i32
      %dma_start3A_247 = tpu.memref_slice %arg13[%mul3A_14, %dma_start3A_246] : memref<10000x128xf32, #tpu.memory_space<vmem_shared>> -> memref<25x128xf32, #tpu.memory_space<vmem_shared>>
      tpu.enqueue_dma source(%arg12 : memref<25x128xf32, #tpu.memory_space<vmem>>) target(%dma_start3A_247 : memref<25x128xf32, #tpu.memory_space<vmem_shared>>) target_semaphore(%run_scoped3A : memref<!tpu.dma_semaphore, #tpu.memory_space<semaphore_mem>>)
      %dma_wait3A_248 = arith.constant 0 : i32
      %dma_wait3A_249 = tpu.memref_slice %arg13[%mul3A_14, %dma_wait3A_248] : memref<10000x128xf32, #tpu.memory_space<vmem_shared>> -> memref<25x128xf32, #tpu.memory_space<vmem_shared>>
      %dma_wait3A_250 = arith.constant 0 : i32
      %dma_wait3A_251 = tpu.memref_slice %arg13[%mul3A_14, %dma_wait3A_250] : memref<10000x128xf32, #tpu.memory_space<vmem_shared>> -> memref<25x128xf32, #tpu.memory_space<vmem_shared>>
      tpu.wait_dma2 semaphore(%run_scoped3A : memref<!tpu.dma_semaphore, #tpu.memory_space<semaphore_mem>>) src(%arg12 : memref<25x128xf32, #tpu.memory_space<vmem>>) dst(%dma_wait3A_251 : memref<25x128xf32, #tpu.memory_space<vmem_shared>>)
      tpu.yield
    }) : () -> ()
    %mul3A_15 = arith.constant 25 : i32
    %mul3A_16 = arith.muli %arg1, %mul3A_15 : i32
    %add3A_17 = arith.constant 2 : i32
    %add3A_18 = arith.addi %mul3A_16, %add3A_17 : i32
    %mul3A_19 = arith.constant 25 : i32
    %mul3A_20 = arith.muli %add3A_18, %mul3A_19 : i32
    "tpu.region"() ({
      %run_scoped3A = tpu.sem_alloc : memref<!tpu.dma_semaphore, #tpu.memory_space<semaphore_mem>>
      %dma_start3A_244 = arith.constant 0 : i32
      %dma_start3A_245 = tpu.memref_slice %arg13[%mul3A_20, %dma_start3A_244] : memref<10000x128xf32, #tpu.memory_space<vmem_shared>> -> memref<25x128xf32, #tpu.memory_space<vmem_shared>>
      %dma_start3A_246 = arith.constant 0 : i32
      %dma_start3A_247 = tpu.memref_slice %arg13[%mul3A_20, %dma_start3A_246] : memref<10000x128xf32, #tpu.memory_space<vmem_shared>> -> memref<25x128xf32, #tpu.memory_space<vmem_shared>>
      tpu.enqueue_dma source(%arg12 : memref<25x128xf32, #tpu.memory_space<vmem>>) target(%dma_start3A_247 : memref<25x128xf32, #tpu.memory_space<vmem_shared>>) target_semaphore(%run_scoped3A : memref<!tpu.dma_semaphore, #tpu.memory_space<semaphore_mem>>)
      %dma_wait3A_248 = arith.constant 0 : i32
      %dma_wait3A_249 = tpu.memref_slice %arg13[%mul3A_20, %dma_wait3A_248] : memref<10000x128xf32, #tpu.memory_space<vmem_shared>> -> memref<25x128xf32, #tpu.memory_space<vmem_shared>>
      %dma_wait3A_250 = arith.constant 0 : i32
      %dma_wait3A_251 = tpu.memref_slice %arg13[%mul3A_20, %dma_wait3A_250] : memref<10000x128xf32, #tpu.memory_space<vmem_shared>> -> memref<25x128xf32, #tpu.memory_space<vmem_shared>>
      tpu.wait_dma2 semaphore(%run_scoped3A : memref<!tpu.dma_semaphore, #tpu.memory_space<semaphore_mem>>) src(%arg12 : memref<25x128xf32, #tpu.memory_space<vmem>>) dst(%dma_wait3A_251 : memref<25x128xf32, #tpu.memory_space<vmem_shared>>)
      tpu.yield
    }) : () -> ()
    %mul3A_21 = arith.constant 25 : i32
    %mul3A_22 = arith.muli %arg1, %mul3A_21 : i32
    %add3A_23 = arith.constant 3 : i32
    %add3A_24 = arith.addi %mul3A_22, %add3A_23 : i32
    %mul3A_25 = arith.constant 25 : i32
    %mul3A_26 = arith.muli %add3A_24, %mul3A_25 : i32
    "tpu.region"() ({
      %run_scoped3A = tpu.sem_alloc : memref<!tpu.dma_semaphore, #tpu.memory_space<semaphore_mem>>
      %dma_start3A_244 = arith.constant 0 : i32
      %dma_start3A_245 = tpu.memref_slice %arg13[%mul3A_26, %dma_start3A_244] : memref<10000x128xf32, #tpu.memory_space<vmem_shared>> -> memref<25x128xf32, #tpu.memory_space<vmem_shared>>
      %dma_start3A_246 = arith.constant 0 : i32
      %dma_start3A_247 = tpu.memref_slice %arg13[%mul3A_26, %dma_start3A_246] : memref<10000x128xf32, #tpu.memory_space<vmem_shared>> -> memref<25x128xf32, #tpu.memory_space<vmem_shared>>
      tpu.enqueue_dma source(%arg12 : memref<25x128xf32, #tpu.memory_space<vmem>>) target(%dma_start3A_247 : memref<25x128xf32, #tpu.memory_space<vmem_shared>>) target_semaphore(%run_scoped3A : memref<!tpu.dma_semaphore, #tpu.memory_space<semaphore_mem>>)
      %dma_wait3A_248 = arith.constant 0 : i32
      %dma_wait3A_249 = tpu.memref_slice %arg13[%mul3A_26, %dma_wait3A_248] : memref<10000x128xf32, #tpu.memory_space<vmem_shared>> -> memref<25x128xf32, #tpu.memory_space<vmem_shared>>
      %dma_wait3A_250 = arith.constant 0 : i32
      %dma_wait3A_251 = tpu.memref_slice %arg13[%mul3A_26, %dma_wait3A_250] : memref<10000x128xf32, #tpu.memory_space<vmem_shared>> -> memref<25x128xf32, #tpu.memory_space<vmem_shared>>
      tpu.wait_dma2 semaphore(%run_scoped3A : memref<!tpu.dma_semaphore, #tpu.memory_space<semaphore_mem>>) src(%arg12 : memref<25x128xf32, #tpu.memory_space<vmem>>) dst(%dma_wait3A_251 : memref<25x128xf32, #tpu.memory_space<vmem_shared>>)
      tpu.yield
    }) : () -> ()
    %mul3A_27 = arith.constant 25 : i32
    %mul3A_28 = arith.muli %arg1, %mul3A_27 : i32
    %add3A_29 = arith.constant 4 : i32
    %add3A_30 = arith.addi %mul3A_28, %add3A_29 : i32
    %mul3A_31 = arith.constant 25 : i32
    %mul3A_32 = arith.muli %add3A_30, %mul3A_31 : i32
    "tpu.region"() ({
      %run_scoped3A = tpu.sem_alloc : memref<!tpu.dma_semaphore, #tpu.memory_space<semaphore_mem>>
      %dma_start3A_244 = arith.constant 0 : i32
      %dma_start3A_245 = tpu.memref_slice %arg13[%mul3A_32, %dma_start3A_244] : memref<10000x128xf32, #tpu.memory_space<vmem_shared>> -> memref<25x128xf32, #tpu.memory_space<vmem_shared>>
      %dma_start3A_246 = arith.constant 0 : i32
      %dma_start3A_247 = tpu.memref_slice %arg13[%mul3A_32, %dma_start3A_246] : memref<10000x128xf32, #tpu.memory_space<vmem_shared>> -> memref<25x128xf32, #tpu.memory_space<vmem_shared>>
      tpu.enqueue_dma source(%arg12 : memref<25x128xf32, #tpu.memory_space<vmem>>) target(%dma_start3A_247 : memref<25x128xf32, #tpu.memory_space<vmem_shared>>) target_semaphore(%run_scoped3A : memref<!tpu.dma_semaphore, #tpu.memory_space<semaphore_mem>>)
      %dma_wait3A_248 = arith.constant 0 : i32
      %dma_wait3A_249 = tpu.memref_slice %arg13[%mul3A_32, %dma_wait3A_248] : memref<10000x128xf32, #tpu.memory_space<vmem_shared>> -> memref<25x128xf32, #tpu.memory_space<vmem_shared>>
      %dma_wait3A_250 = arith.constant 0 : i32
      %dma_wait3A_251 = tpu.memref_slice %arg13[%mul3A_32, %dma_wait3A_250] : memref<10000x128xf32, #tpu.memory_space<vmem_shared>> -> memref<25x128xf32, #tpu.memory_space<vmem_shared>>
      tpu.wait_dma2 semaphore(%run_scoped3A : memref<!tpu.dma_semaphore, #tpu.memory_space<semaphore_mem>>) src(%arg12 : memref<25x128xf32, #tpu.memory_space<vmem>>) dst(%dma_wait3A_251 : memref<25x128xf32, #tpu.memory_space<vmem_shared>>)
      tpu.yield
    }) : () -> ()
    %mul3A_33 = arith.constant 25 : i32
    %mul3A_34 = arith.muli %arg1, %mul3A_33 : i32
    %add3A_35 = arith.constant 5 : i32
    %add3A_36 = arith.addi %mul3A_34, %add3A_35 : i32
    %mul3A_37 = arith.constant 25 : i32
    %mul3A_38 = arith.muli %add3A_36, %mul3A_37 : i32
    "tpu.region"() ({
      %run_scoped3A = tpu.sem_alloc : memref<!tpu.dma_semaphore, #tpu.memory_space<semaphore_mem>>
      %dma_start3A_244 = arith.constant 0 : i32
      %dma_start3A_245 = tpu.memref_slice %arg13[%mul3A_38, %dma_start3A_244] : memref<10000x128xf32, #tpu.memory_space<vmem_shared>> -> memref<25x128xf32, #tpu.memory_space<vmem_shared>>
      %dma_start3A_246 = arith.constant 0 : i32
      %dma_start3A_247 = tpu.memref_slice %arg13[%mul3A_38, %dma_start3A_246] : memref<10000x128xf32, #tpu.memory_space<vmem_shared>> -> memref<25x128xf32, #tpu.memory_space<vmem_shared>>
      tpu.enqueue_dma source(%arg12 : memref<25x128xf32, #tpu.memory_space<vmem>>) target(%dma_start3A_247 : memref<25x128xf32, #tpu.memory_space<vmem_shared>>) target_semaphore(%run_scoped3A : memref<!tpu.dma_semaphore, #tpu.memory_space<semaphore_mem>>)
      %dma_wait3A_248 = arith.constant 0 : i32
      %dma_wait3A_249 = tpu.memref_slice %arg13[%mul3A_38, %dma_wait3A_248] : memref<10000x128xf32, #tpu.memory_space<vmem_shared>> -> memref<25x128xf32, #tpu.memory_space<vmem_shared>>
      %dma_wait3A_250 = arith.constant 0 : i32
      %dma_wait3A_251 = tpu.memref_slice %arg13[%mul3A_38, %dma_wait3A_250] : memref<10000x128xf32, #tpu.memory_space<vmem_shared>> -> memref<25x128xf32, #tpu.memory_space<vmem_shared>>
      tpu.wait_dma2 semaphore(%run_scoped3A : memref<!tpu.dma_semaphore, #tpu.memory_space<semaphore_mem>>) src(%arg12 : memref<25x128xf32, #tpu.memory_space<vmem>>) dst(%dma_wait3A_251 : memref<25x128xf32, #tpu.memory_space<vmem_shared>>)
      tpu.yield
    }) : () -> ()
    %mul3A_39 = arith.constant 25 : i32
    %mul3A_40 = arith.muli %arg1, %mul3A_39 : i32
    %add3A_41 = arith.constant 6 : i32
    %add3A_42 = arith.addi %mul3A_40, %add3A_41 : i32
    %mul3A_43 = arith.constant 25 : i32
    %mul3A_44 = arith.muli %add3A_42, %mul3A_43 : i32
    "tpu.region"() ({
      %run_scoped3A = tpu.sem_alloc : memref<!tpu.dma_semaphore, #tpu.memory_space<semaphore_mem>>
      %dma_start3A_244 = arith.constant 0 : i32
      %dma_start3A_245 = tpu.memref_slice %arg13[%mul3A_44, %dma_start3A_244] : memref<10000x128xf32, #tpu.memory_space<vmem_shared>> -> memref<25x128xf32, #tpu.memory_space<vmem_shared>>
      %dma_start3A_246 = arith.constant 0 : i32
      %dma_start3A_247 = tpu.memref_slice %arg13[%mul3A_44, %dma_start3A_246] : memref<10000x128xf32, #tpu.memory_space<vmem_shared>> -> memref<25x128xf32, #tpu.memory_space<vmem_shared>>
      tpu.enqueue_dma source(%arg12 : memref<25x128xf32, #tpu.memory_space<vmem>>) target(%dma_start3A_247 : memref<25x128xf32, #tpu.memory_space<vmem_shared>>) target_semaphore(%run_scoped3A : memref<!tpu.dma_semaphore, #tpu.memory_space<semaphore_mem>>)
      %dma_wait3A_248 = arith.constant 0 : i32
      %dma_wait3A_249 = tpu.memref_slice %arg13[%mul3A_44, %dma_wait3A_248] : memref<10000x128xf32, #tpu.memory_space<vmem_shared>> -> memref<25x128xf32, #tpu.memory_space<vmem_shared>>
      %dma_wait3A_250 = arith.constant 0 : i32
      %dma_wait3A_251 = tpu.memref_slice %arg13[%mul3A_44, %dma_wait3A_250] : memref<10000x128xf32, #tpu.memory_space<vmem_shared>> -> memref<25x128xf32, #tpu.memory_space<vmem_shared>>
      tpu.wait_dma2 semaphore(%run_scoped3A : memref<!tpu.dma_semaphore, #tpu.memory_space<semaphore_mem>>) src(%arg12 : memref<25x128xf32, #tpu.memory_space<vmem>>) dst(%dma_wait3A_251 : memref<25x128xf32, #tpu.memory_space<vmem_shared>>)
      tpu.yield
    }) : () -> ()
    %mul3A_45 = arith.constant 25 : i32
    %mul3A_46 = arith.muli %arg1, %mul3A_45 : i32
    %add3A_47 = arith.constant 7 : i32
    %add3A_48 = arith.addi %mul3A_46, %add3A_47 : i32
    %mul3A_49 = arith.constant 25 : i32
    %mul3A_50 = arith.muli %add3A_48, %mul3A_49 : i32
    "tpu.region"() ({
      %run_scoped3A = tpu.sem_alloc : memref<!tpu.dma_semaphore, #tpu.memory_space<semaphore_mem>>
      %dma_start3A_244 = arith.constant 0 : i32
      %dma_start3A_245 = tpu.memref_slice %arg13[%mul3A_50, %dma_start3A_244] : memref<10000x128xf32, #tpu.memory_space<vmem_shared>> -> memref<25x128xf32, #tpu.memory_space<vmem_shared>>
      %dma_start3A_246 = arith.constant 0 : i32
      %dma_start3A_247 = tpu.memref_slice %arg13[%mul3A_50, %dma_start3A_246] : memref<10000x128xf32, #tpu.memory_space<vmem_shared>> -> memref<25x128xf32, #tpu.memory_space<vmem_shared>>
      tpu.enqueue_dma source(%arg12 : memref<25x128xf32, #tpu.memory_space<vmem>>) target(%dma_start3A_247 : memref<25x128xf32, #tpu.memory_space<vmem_shared>>) target_semaphore(%run_scoped3A : memref<!tpu.dma_semaphore, #tpu.memory_space<semaphore_mem>>)
      %dma_wait3A_248 = arith.constant 0 : i32
      %dma_wait3A_249 = tpu.memref_slice %arg13[%mul3A_50, %dma_wait3A_248] : memref<10000x128xf32, #tpu.memory_space<vmem_shared>> -> memref<25x128xf32, #tpu.memory_space<vmem_shared>>
      %dma_wait3A_250 = arith.constant 0 : i32
      %dma_wait3A_251 = tpu.memref_slice %arg13[%mul3A_50, %dma_wait3A_250] : memref<10000x128xf32, #tpu.memory_space<vmem_shared>> -> memref<25x128xf32, #tpu.memory_space<vmem_shared>>
      tpu.wait_dma2 semaphore(%run_scoped3A : memref<!tpu.dma_semaphore, #tpu.memory_space<semaphore_mem>>) src(%arg12 : memref<25x128xf32, #tpu.memory_space<vmem>>) dst(%dma_wait3A_251 : memref<25x128xf32, #tpu.memory_space<vmem_shared>>)
      tpu.yield
    }) : () -> ()
    %mul3A_51 = arith.constant 25 : i32
    %mul3A_52 = arith.muli %arg1, %mul3A_51 : i32
    %add3A_53 = arith.constant 8 : i32
    %add3A_54 = arith.addi %mul3A_52, %add3A_53 : i32
    %mul3A_55 = arith.constant 25 : i32
    %mul3A_56 = arith.muli %add3A_54, %mul3A_55 : i32
    "tpu.region"() ({
      %run_scoped3A = tpu.sem_alloc : memref<!tpu.dma_semaphore, #tpu.memory_space<semaphore_mem>>
      %dma_start3A_244 = arith.constant 0 : i32
      %dma_start3A_245 = tpu.memref_slice %arg13[%mul3A_56, %dma_start3A_244] : memref<10000x128xf32, #tpu.memory_space<vmem_shared>> -> memref<25x128xf32, #tpu.memory_space<vmem_shared>>
      %dma_start3A_246 = arith.constant 0 : i32
      %dma_start3A_247 = tpu.memref_slice %arg13[%mul3A_56, %dma_start3A_246] : memref<10000x128xf32, #tpu.memory_space<vmem_shared>> -> memref<25x128xf32, #tpu.memory_space<vmem_shared>>
      tpu.enqueue_dma source(%arg12 : memref<25x128xf32, #tpu.memory_space<vmem>>) target(%dma_start3A_247 : memref<25x128xf32, #tpu.memory_space<vmem_shared>>) target_semaphore(%run_scoped3A : memref<!tpu.dma_semaphore, #tpu.memory_space<semaphore_mem>>)
      %dma_wait3A_248 = arith.constant 0 : i32
      %dma_wait3A_249 = tpu.memref_slice %arg13[%mul3A_56, %dma_wait3A_248] : memref<10000x128xf32, #tpu.memory_space<vmem_shared>> -> memref<25x128xf32, #tpu.memory_space<vmem_shared>>
      %dma_wait3A_250 = arith.constant 0 : i32
      %dma_wait3A_251 = tpu.memref_slice %arg13[%mul3A_56, %dma_wait3A_250] : memref<10000x128xf32, #tpu.memory_space<vmem_shared>> -> memref<25x128xf32, #tpu.memory_space<vmem_shared>>
      tpu.wait_dma2 semaphore(%run_scoped3A : memref<!tpu.dma_semaphore, #tpu.memory_space<semaphore_mem>>) src(%arg12 : memref<25x128xf32, #tpu.memory_space<vmem>>) dst(%dma_wait3A_251 : memref<25x128xf32, #tpu.memory_space<vmem_shared>>)
      tpu.yield
    }) : () -> ()
    %mul3A_57 = arith.constant 25 : i32
    %mul3A_58 = arith.muli %arg1, %mul3A_57 : i32
    %add3A_59 = arith.constant 9 : i32
    %add3A_60 = arith.addi %mul3A_58, %add3A_59 : i32
    %mul3A_61 = arith.constant 25 : i32
    %mul3A_62 = arith.muli %add3A_60, %mul3A_61 : i32
    "tpu.region"() ({
      %run_scoped3A = tpu.sem_alloc : memref<!tpu.dma_semaphore, #tpu.memory_space<semaphore_mem>>
      %dma_start3A_244 = arith.constant 0 : i32
      %dma_start3A_245 = tpu.memref_slice %arg13[%mul3A_62, %dma_start3A_244] : memref<10000x128xf32, #tpu.memory_space<vmem_shared>> -> memref<25x128xf32, #tpu.memory_space<vmem_shared>>
      %dma_start3A_246 = arith.constant 0 : i32
      %dma_start3A_247 = tpu.memref_slice %arg13[%mul3A_62, %dma_start3A_246] : memref<10000x128xf32, #tpu.memory_space<vmem_shared>> -> memref<25x128xf32, #tpu.memory_space<vmem_shared>>
      tpu.enqueue_dma source(%arg12 : memref<25x128xf32, #tpu.memory_space<vmem>>) target(%dma_start3A_247 : memref<25x128xf32, #tpu.memory_space<vmem_shared>>) target_semaphore(%run_scoped3A : memref<!tpu.dma_semaphore, #tpu.memory_space<semaphore_mem>>)
      %dma_wait3A_248 = arith.constant 0 : i32
      %dma_wait3A_249 = tpu.memref_slice %arg13[%mul3A_62, %dma_wait3A_248] : memref<10000x128xf32, #tpu.memory_space<vmem_shared>> -> memref<25x128xf32, #tpu.memory_space<vmem_shared>>
      %dma_wait3A_250 = arith.constant 0 : i32
      %dma_wait3A_251 = tpu.memref_slice %arg13[%mul3A_62, %dma_wait3A_250] : memref<10000x128xf32, #tpu.memory_space<vmem_shared>> -> memref<25x128xf32, #tpu.memory_space<vmem_shared>>
      tpu.wait_dma2 semaphore(%run_scoped3A : memref<!tpu.dma_semaphore, #tpu.memory_space<semaphore_mem>>) src(%arg12 : memref<25x128xf32, #tpu.memory_space<vmem>>) dst(%dma_wait3A_251 : memref<25x128xf32, #tpu.memory_space<vmem_shared>>)
      tpu.yield
    }) : () -> ()
    %mul3A_63 = arith.constant 25 : i32
    %mul3A_64 = arith.muli %arg1, %mul3A_63 : i32
    %add3A_65 = arith.constant 10 : i32
    %add3A_66 = arith.addi %mul3A_64, %add3A_65 : i32
    %mul3A_67 = arith.constant 25 : i32
    %mul3A_68 = arith.muli %add3A_66, %mul3A_67 : i32
    "tpu.region"() ({
      %run_scoped3A = tpu.sem_alloc : memref<!tpu.dma_semaphore, #tpu.memory_space<semaphore_mem>>
      %dma_start3A_244 = arith.constant 0 : i32
      %dma_start3A_245 = tpu.memref_slice %arg13[%mul3A_68, %dma_start3A_244] : memref<10000x128xf32, #tpu.memory_space<vmem_shared>> -> memref<25x128xf32, #tpu.memory_space<vmem_shared>>
      %dma_start3A_246 = arith.constant 0 : i32
      %dma_start3A_247 = tpu.memref_slice %arg13[%mul3A_68, %dma_start3A_246] : memref<10000x128xf32, #tpu.memory_space<vmem_shared>> -> memref<25x128xf32, #tpu.memory_space<vmem_shared>>
      tpu.enqueue_dma source(%arg12 : memref<25x128xf32, #tpu.memory_space<vmem>>) target(%dma_start3A_247 : memref<25x128xf32, #tpu.memory_space<vmem_shared>>) target_semaphore(%run_scoped3A : memref<!tpu.dma_semaphore, #tpu.memory_space<semaphore_mem>>)
      %dma_wait3A_248 = arith.constant 0 : i32
      %dma_wait3A_249 = tpu.memref_slice %arg13[%mul3A_68, %dma_wait3A_248] : memref<10000x128xf32, #tpu.memory_space<vmem_shared>> -> memref<25x128xf32, #tpu.memory_space<vmem_shared>>
      %dma_wait3A_250 = arith.constant 0 : i32
      %dma_wait3A_251 = tpu.memref_slice %arg13[%mul3A_68, %dma_wait3A_250] : memref<10000x128xf32, #tpu.memory_space<vmem_shared>> -> memref<25x128xf32, #tpu.memory_space<vmem_shared>>
      tpu.wait_dma2 semaphore(%run_scoped3A : memref<!tpu.dma_semaphore, #tpu.memory_space<semaphore_mem>>) src(%arg12 : memref<25x128xf32, #tpu.memory_space<vmem>>) dst(%dma_wait3A_251 : memref<25x128xf32, #tpu.memory_space<vmem_shared>>)
      tpu.yield
    }) : () -> ()
    %mul3A_69 = arith.constant 25 : i32
    %mul3A_70 = arith.muli %arg1, %mul3A_69 : i32
    %add3A_71 = arith.constant 11 : i32
    %add3A_72 = arith.addi %mul3A_70, %add3A_71 : i32
    %mul3A_73 = arith.constant 25 : i32
    %mul3A_74 = arith.muli %add3A_72, %mul3A_73 : i32
    "tpu.region"() ({
      %run_scoped3A = tpu.sem_alloc : memref<!tpu.dma_semaphore, #tpu.memory_space<semaphore_mem>>
      %dma_start3A_244 = arith.constant 0 : i32
      %dma_start3A_245 = tpu.memref_slice %arg13[%mul3A_74, %dma_start3A_244] : memref<10000x128xf32, #tpu.memory_space<vmem_shared>> -> memref<25x128xf32, #tpu.memory_space<vmem_shared>>
      %dma_start3A_246 = arith.constant 0 : i32
      %dma_start3A_247 = tpu.memref_slice %arg13[%mul3A_74, %dma_start3A_246] : memref<10000x128xf32, #tpu.memory_space<vmem_shared>> -> memref<25x128xf32, #tpu.memory_space<vmem_shared>>
      tpu.enqueue_dma source(%arg12 : memref<25x128xf32, #tpu.memory_space<vmem>>) target(%dma_start3A_247 : memref<25x128xf32, #tpu.memory_space<vmem_shared>>) target_semaphore(%run_scoped3A : memref<!tpu.dma_semaphore, #tpu.memory_space<semaphore_mem>>)
      %dma_wait3A_248 = arith.constant 0 : i32
      %dma_wait3A_249 = tpu.memref_slice %arg13[%mul3A_74, %dma_wait3A_248] : memref<10000x128xf32, #tpu.memory_space<vmem_shared>> -> memref<25x128xf32, #tpu.memory_space<vmem_shared>>
      %dma_wait3A_250 = arith.constant 0 : i32
      %dma_wait3A_251 = tpu.memref_slice %arg13[%mul3A_74, %dma_wait3A_250] : memref<10000x128xf32, #tpu.memory_space<vmem_shared>> -> memref<25x128xf32, #tpu.memory_space<vmem_shared>>
      tpu.wait_dma2 semaphore(%run_scoped3A : memref<!tpu.dma_semaphore, #tpu.memory_space<semaphore_mem>>) src(%arg12 : memref<25x128xf32, #tpu.memory_space<vmem>>) dst(%dma_wait3A_251 : memref<25x128xf32, #tpu.memory_space<vmem_shared>>)
      tpu.yield
    }) : () -> ()
    %mul3A_75 = arith.constant 25 : i32
    %mul3A_76 = arith.muli %arg1, %mul3A_75 : i32
    %add3A_77 = arith.constant 12 : i32
    %add3A_78 = arith.addi %mul3A_76, %add3A_77 : i32
    %mul3A_79 = arith.constant 25 : i32
    %mul3A_80 = arith.muli %add3A_78, %mul3A_79 : i32
    "tpu.region"() ({
      %run_scoped3A = tpu.sem_alloc : memref<!tpu.dma_semaphore, #tpu.memory_space<semaphore_mem>>
      %dma_start3A_244 = arith.constant 0 : i32
      %dma_start3A_245 = tpu.memref_slice %arg13[%mul3A_80, %dma_start3A_244] : memref<10000x128xf32, #tpu.memory_space<vmem_shared>> -> memref<25x128xf32, #tpu.memory_space<vmem_shared>>
      %dma_start3A_246 = arith.constant 0 : i32
      %dma_start3A_247 = tpu.memref_slice %arg13[%mul3A_80, %dma_start3A_246] : memref<10000x128xf32, #tpu.memory_space<vmem_shared>> -> memref<25x128xf32, #tpu.memory_space<vmem_shared>>
      tpu.enqueue_dma source(%arg12 : memref<25x128xf32, #tpu.memory_space<vmem>>) target(%dma_start3A_247 : memref<25x128xf32, #tpu.memory_space<vmem_shared>>) target_semaphore(%run_scoped3A : memref<!tpu.dma_semaphore, #tpu.memory_space<semaphore_mem>>)
      %dma_wait3A_248 = arith.constant 0 : i32
      %dma_wait3A_249 = tpu.memref_slice %arg13[%mul3A_80, %dma_wait3A_248] : memref<10000x128xf32, #tpu.memory_space<vmem_shared>> -> memref<25x128xf32, #tpu.memory_space<vmem_shared>>
      %dma_wait3A_250 = arith.constant 0 : i32
      %dma_wait3A_251 = tpu.memref_slice %arg13[%mul3A_80, %dma_wait3A_250] : memref<10000x128xf32, #tpu.memory_space<vmem_shared>> -> memref<25x128xf32, #tpu.memory_space<vmem_shared>>
      tpu.wait_dma2 semaphore(%run_scoped3A : memref<!tpu.dma_semaphore, #tpu.memory_space<semaphore_mem>>) src(%arg12 : memref<25x128xf32, #tpu.memory_space<vmem>>) dst(%dma_wait3A_251 : memref<25x128xf32, #tpu.memory_space<vmem_shared>>)
      tpu.yield
    }) : () -> ()
    %mul3A_81 = arith.constant 25 : i32
    %mul3A_82 = arith.muli %arg1, %mul3A_81 : i32
    %add3A_83 = arith.constant 13 : i32
    %add3A_84 = arith.addi %mul3A_82, %add3A_83 : i32
    %mul3A_85 = arith.constant 25 : i32
    %mul3A_86 = arith.muli %add3A_84, %mul3A_85 : i32
    "tpu.region"() ({
      %run_scoped3A = tpu.sem_alloc : memref<!tpu.dma_semaphore, #tpu.memory_space<semaphore_mem>>
      %dma_start3A_244 = arith.constant 0 : i32
      %dma_start3A_245 = tpu.memref_slice %arg13[%mul3A_86, %dma_start3A_244] : memref<10000x128xf32, #tpu.memory_space<vmem_shared>> -> memref<25x128xf32, #tpu.memory_space<vmem_shared>>
      %dma_start3A_246 = arith.constant 0 : i32
      %dma_start3A_247 = tpu.memref_slice %arg13[%mul3A_86, %dma_start3A_246] : memref<10000x128xf32, #tpu.memory_space<vmem_shared>> -> memref<25x128xf32, #tpu.memory_space<vmem_shared>>
      tpu.enqueue_dma source(%arg12 : memref<25x128xf32, #tpu.memory_space<vmem>>) target(%dma_start3A_247 : memref<25x128xf32, #tpu.memory_space<vmem_shared>>) target_semaphore(%run_scoped3A : memref<!tpu.dma_semaphore, #tpu.memory_space<semaphore_mem>>)
      %dma_wait3A_248 = arith.constant 0 : i32
      %dma_wait3A_249 = tpu.memref_slice %arg13[%mul3A_86, %dma_wait3A_248] : memref<10000x128xf32, #tpu.memory_space<vmem_shared>> -> memref<25x128xf32, #tpu.memory_space<vmem_shared>>
      %dma_wait3A_250 = arith.constant 0 : i32
      %dma_wait3A_251 = tpu.memref_slice %arg13[%mul3A_86, %dma_wait3A_250] : memref<10000x128xf32, #tpu.memory_space<vmem_shared>> -> memref<25x128xf32, #tpu.memory_space<vmem_shared>>
      tpu.wait_dma2 semaphore(%run_scoped3A : memref<!tpu.dma_semaphore, #tpu.memory_space<semaphore_mem>>) src(%arg12 : memref<25x128xf32, #tpu.memory_space<vmem>>) dst(%dma_wait3A_251 : memref<25x128xf32, #tpu.memory_space<vmem_shared>>)
      tpu.yield
    }) : () -> ()
    %mul3A_87 = arith.constant 25 : i32
    %mul3A_88 = arith.muli %arg1, %mul3A_87 : i32
    %add3A_89 = arith.constant 14 : i32
    %add3A_90 = arith.addi %mul3A_88, %add3A_89 : i32
    %mul3A_91 = arith.constant 25 : i32
    %mul3A_92 = arith.muli %add3A_90, %mul3A_91 : i32
    "tpu.region"() ({
      %run_scoped3A = tpu.sem_alloc : memref<!tpu.dma_semaphore, #tpu.memory_space<semaphore_mem>>
      %dma_start3A_244 = arith.constant 0 : i32
      %dma_start3A_245 = tpu.memref_slice %arg13[%mul3A_92, %dma_start3A_244] : memref<10000x128xf32, #tpu.memory_space<vmem_shared>> -> memref<25x128xf32, #tpu.memory_space<vmem_shared>>
      %dma_start3A_246 = arith.constant 0 : i32
      %dma_start3A_247 = tpu.memref_slice %arg13[%mul3A_92, %dma_start3A_246] : memref<10000x128xf32, #tpu.memory_space<vmem_shared>> -> memref<25x128xf32, #tpu.memory_space<vmem_shared>>
      tpu.enqueue_dma source(%arg12 : memref<25x128xf32, #tpu.memory_space<vmem>>) target(%dma_start3A_247 : memref<25x128xf32, #tpu.memory_space<vmem_shared>>) target_semaphore(%run_scoped3A : memref<!tpu.dma_semaphore, #tpu.memory_space<semaphore_mem>>)
      %dma_wait3A_248 = arith.constant 0 : i32
      %dma_wait3A_249 = tpu.memref_slice %arg13[%mul3A_92, %dma_wait3A_248] : memref<10000x128xf32, #tpu.memory_space<vmem_shared>> -> memref<25x128xf32, #tpu.memory_space<vmem_shared>>
      %dma_wait3A_250 = arith.constant 0 : i32
      %dma_wait3A_251 = tpu.memref_slice %arg13[%mul3A_92, %dma_wait3A_250] : memref<10000x128xf32, #tpu.memory_space<vmem_shared>> -> memref<25x128xf32, #tpu.memory_space<vmem_shared>>
      tpu.wait_dma2 semaphore(%run_scoped3A : memref<!tpu.dma_semaphore, #tpu.memory_space<semaphore_mem>>) src(%arg12 : memref<25x128xf32, #tpu.memory_space<vmem>>) dst(%dma_wait3A_251 : memref<25x128xf32, #tpu.memory_space<vmem_shared>>)
      tpu.yield
    }) : () -> ()
    %mul3A_93 = arith.constant 25 : i32
    %mul3A_94 = arith.muli %arg1, %mul3A_93 : i32
    %add3A_95 = arith.constant 15 : i32
    %add3A_96 = arith.addi %mul3A_94, %add3A_95 : i32
    %mul3A_97 = arith.constant 25 : i32
    %mul3A_98 = arith.muli %add3A_96, %mul3A_97 : i32
    "tpu.region"() ({
      %run_scoped3A = tpu.sem_alloc : memref<!tpu.dma_semaphore, #tpu.memory_space<semaphore_mem>>
      %dma_start3A_244 = arith.constant 0 : i32
      %dma_start3A_245 = tpu.memref_slice %arg13[%mul3A_98, %dma_start3A_244] : memref<10000x128xf32, #tpu.memory_space<vmem_shared>> -> memref<25x128xf32, #tpu.memory_space<vmem_shared>>
      %dma_start3A_246 = arith.constant 0 : i32
      %dma_start3A_247 = tpu.memref_slice %arg13[%mul3A_98, %dma_start3A_246] : memref<10000x128xf32, #tpu.memory_space<vmem_shared>> -> memref<25x128xf32, #tpu.memory_space<vmem_shared>>
      tpu.enqueue_dma source(%arg12 : memref<25x128xf32, #tpu.memory_space<vmem>>) target(%dma_start3A_247 : memref<25x128xf32, #tpu.memory_space<vmem_shared>>) target_semaphore(%run_scoped3A : memref<!tpu.dma_semaphore, #tpu.memory_space<semaphore_mem>>)
      %dma_wait3A_248 = arith.constant 0 : i32
      %dma_wait3A_249 = tpu.memref_slice %arg13[%mul3A_98, %dma_wait3A_248] : memref<10000x128xf32, #tpu.memory_space<vmem_shared>> -> memref<25x128xf32, #tpu.memory_space<vmem_shared>>
      %dma_wait3A_250 = arith.constant 0 : i32
      %dma_wait3A_251 = tpu.memref_slice %arg13[%mul3A_98, %dma_wait3A_250] : memref<10000x128xf32, #tpu.memory_space<vmem_shared>> -> memref<25x128xf32, #tpu.memory_space<vmem_shared>>
      tpu.wait_dma2 semaphore(%run_scoped3A : memref<!tpu.dma_semaphore, #tpu.memory_space<semaphore_mem>>) src(%arg12 : memref<25x128xf32, #tpu.memory_space<vmem>>) dst(%dma_wait3A_251 : memref<25x128xf32, #tpu.memory_space<vmem_shared>>)
      tpu.yield
    }) : () -> ()
    %mul3A_99 = arith.constant 25 : i32
    %mul3A_100 = arith.muli %arg1, %mul3A_99 : i32
    %add3A_101 = arith.constant 16 : i32
    %add3A_102 = arith.addi %mul3A_100, %add3A_101 : i32
    %mul3A_103 = arith.constant 25 : i32
    %mul3A_104 = arith.muli %add3A_102, %mul3A_103 : i32
    "tpu.region"() ({
      %run_scoped3A = tpu.sem_alloc : memref<!tpu.dma_semaphore, #tpu.memory_space<semaphore_mem>>
      %dma_start3A_244 = arith.constant 0 : i32
      %dma_start3A_245 = tpu.memref_slice %arg13[%mul3A_104, %dma_start3A_244] : memref<10000x128xf32, #tpu.memory_space<vmem_shared>> -> memref<25x128xf32, #tpu.memory_space<vmem_shared>>
      %dma_start3A_246 = arith.constant 0 : i32
      %dma_start3A_247 = tpu.memref_slice %arg13[%mul3A_104, %dma_start3A_246] : memref<10000x128xf32, #tpu.memory_space<vmem_shared>> -> memref<25x128xf32, #tpu.memory_space<vmem_shared>>
      tpu.enqueue_dma source(%arg12 : memref<25x128xf32, #tpu.memory_space<vmem>>) target(%dma_start3A_247 : memref<25x128xf32, #tpu.memory_space<vmem_shared>>) target_semaphore(%run_scoped3A : memref<!tpu.dma_semaphore, #tpu.memory_space<semaphore_mem>>)
      %dma_wait3A_248 = arith.constant 0 : i32
      %dma_wait3A_249 = tpu.memref_slice %arg13[%mul3A_104, %dma_wait3A_248] : memref<10000x128xf32, #tpu.memory_space<vmem_shared>> -> memref<25x128xf32, #tpu.memory_space<vmem_shared>>
      %dma_wait3A_250 = arith.constant 0 : i32
      %dma_wait3A_251 = tpu.memref_slice %arg13[%mul3A_104, %dma_wait3A_250] : memref<10000x128xf32, #tpu.memory_space<vmem_shared>> -> memref<25x128xf32, #tpu.memory_space<vmem_shared>>
      tpu.wait_dma2 semaphore(%run_scoped3A : memref<!tpu.dma_semaphore, #tpu.memory_space<semaphore_mem>>) src(%arg12 : memref<25x128xf32, #tpu.memory_space<vmem>>) dst(%dma_wait3A_251 : memref<25x128xf32, #tpu.memory_space<vmem_shared>>)
      tpu.yield
    }) : () -> ()
    %mul3A_105 = arith.constant 25 : i32
    %mul3A_106 = arith.muli %arg1, %mul3A_105 : i32
    %add3A_107 = arith.constant 17 : i32
    %add3A_108 = arith.addi %mul3A_106, %add3A_107 : i32
    %mul3A_109 = arith.constant 25 : i32
    %mul3A_110 = arith.muli %add3A_108, %mul3A_109 : i32
    "tpu.region"() ({
      %run_scoped3A = tpu.sem_alloc : memref<!tpu.dma_semaphore, #tpu.memory_space<semaphore_mem>>
      %dma_start3A_244 = arith.constant 0 : i32
      %dma_start3A_245 = tpu.memref_slice %arg13[%mul3A_110, %dma_start3A_244] : memref<10000x128xf32, #tpu.memory_space<vmem_shared>> -> memref<25x128xf32, #tpu.memory_space<vmem_shared>>
      %dma_start3A_246 = arith.constant 0 : i32
      %dma_start3A_247 = tpu.memref_slice %arg13[%mul3A_110, %dma_start3A_246] : memref<10000x128xf32, #tpu.memory_space<vmem_shared>> -> memref<25x128xf32, #tpu.memory_space<vmem_shared>>
      tpu.enqueue_dma source(%arg12 : memref<25x128xf32, #tpu.memory_space<vmem>>) target(%dma_start3A_247 : memref<25x128xf32, #tpu.memory_space<vmem_shared>>) target_semaphore(%run_scoped3A : memref<!tpu.dma_semaphore, #tpu.memory_space<semaphore_mem>>)
      %dma_wait3A_248 = arith.constant 0 : i32
      %dma_wait3A_249 = tpu.memref_slice %arg13[%mul3A_110, %dma_wait3A_248] : memref<10000x128xf32, #tpu.memory_space<vmem_shared>> -> memref<25x128xf32, #tpu.memory_space<vmem_shared>>
      %dma_wait3A_250 = arith.constant 0 : i32
      %dma_wait3A_251 = tpu.memref_slice %arg13[%mul3A_110, %dma_wait3A_250] : memref<10000x128xf32, #tpu.memory_space<vmem_shared>> -> memref<25x128xf32, #tpu.memory_space<vmem_shared>>
      tpu.wait_dma2 semaphore(%run_scoped3A : memref<!tpu.dma_semaphore, #tpu.memory_space<semaphore_mem>>) src(%arg12 : memref<25x128xf32, #tpu.memory_space<vmem>>) dst(%dma_wait3A_251 : memref<25x128xf32, #tpu.memory_space<vmem_shared>>)
      tpu.yield
    }) : () -> ()
    %mul3A_111 = arith.constant 25 : i32
    %mul3A_112 = arith.muli %arg1, %mul3A_111 : i32
    %add3A_113 = arith.constant 18 : i32
    %add3A_114 = arith.addi %mul3A_112, %add3A_113 : i32
    %mul3A_115 = arith.constant 25 : i32
    %mul3A_116 = arith.muli %add3A_114, %mul3A_115 : i32
    "tpu.region"() ({
      %run_scoped3A = tpu.sem_alloc : memref<!tpu.dma_semaphore, #tpu.memory_space<semaphore_mem>>
      %dma_start3A_244 = arith.constant 0 : i32
      %dma_start3A_245 = tpu.memref_slice %arg13[%mul3A_116, %dma_start3A_244] : memref<10000x128xf32, #tpu.memory_space<vmem_shared>> -> memref<25x128xf32, #tpu.memory_space<vmem_shared>>
      %dma_start3A_246 = arith.constant 0 : i32
      %dma_start3A_247 = tpu.memref_slice %arg13[%mul3A_116, %dma_start3A_246] : memref<10000x128xf32, #tpu.memory_space<vmem_shared>> -> memref<25x128xf32, #tpu.memory_space<vmem_shared>>
      tpu.enqueue_dma source(%arg12 : memref<25x128xf32, #tpu.memory_space<vmem>>) target(%dma_start3A_247 : memref<25x128xf32, #tpu.memory_space<vmem_shared>>) target_semaphore(%run_scoped3A : memref<!tpu.dma_semaphore, #tpu.memory_space<semaphore_mem>>)
      %dma_wait3A_248 = arith.constant 0 : i32
      %dma_wait3A_249 = tpu.memref_slice %arg13[%mul3A_116, %dma_wait3A_248] : memref<10000x128xf32, #tpu.memory_space<vmem_shared>> -> memref<25x128xf32, #tpu.memory_space<vmem_shared>>
      %dma_wait3A_250 = arith.constant 0 : i32
      %dma_wait3A_251 = tpu.memref_slice %arg13[%mul3A_116, %dma_wait3A_250] : memref<10000x128xf32, #tpu.memory_space<vmem_shared>> -> memref<25x128xf32, #tpu.memory_space<vmem_shared>>
      tpu.wait_dma2 semaphore(%run_scoped3A : memref<!tpu.dma_semaphore, #tpu.memory_space<semaphore_mem>>) src(%arg12 : memref<25x128xf32, #tpu.memory_space<vmem>>) dst(%dma_wait3A_251 : memref<25x128xf32, #tpu.memory_space<vmem_shared>>)
      tpu.yield
    }) : () -> ()
    %mul3A_117 = arith.constant 25 : i32
    %mul3A_118 = arith.muli %arg1, %mul3A_117 : i32
    %add3A_119 = arith.constant 19 : i32
    %add3A_120 = arith.addi %mul3A_118, %add3A_119 : i32
    %mul3A_121 = arith.constant 25 : i32
    %mul3A_122 = arith.muli %add3A_120, %mul3A_121 : i32
    "tpu.region"() ({
      %run_scoped3A = tpu.sem_alloc : memref<!tpu.dma_semaphore, #tpu.memory_space<semaphore_mem>>
      %dma_start3A_244 = arith.constant 0 : i32
      %dma_start3A_245 = tpu.memref_slice %arg13[%mul3A_122, %dma_start3A_244] : memref<10000x128xf32, #tpu.memory_space<vmem_shared>> -> memref<25x128xf32, #tpu.memory_space<vmem_shared>>
      %dma_start3A_246 = arith.constant 0 : i32
      %dma_start3A_247 = tpu.memref_slice %arg13[%mul3A_122, %dma_start3A_246] : memref<10000x128xf32, #tpu.memory_space<vmem_shared>> -> memref<25x128xf32, #tpu.memory_space<vmem_shared>>
      tpu.enqueue_dma source(%arg12 : memref<25x128xf32, #tpu.memory_space<vmem>>) target(%dma_start3A_247 : memref<25x128xf32, #tpu.memory_space<vmem_shared>>) target_semaphore(%run_scoped3A : memref<!tpu.dma_semaphore, #tpu.memory_space<semaphore_mem>>)
      %dma_wait3A_248 = arith.constant 0 : i32
      %dma_wait3A_249 = tpu.memref_slice %arg13[%mul3A_122, %dma_wait3A_248] : memref<10000x128xf32, #tpu.memory_space<vmem_shared>> -> memref<25x128xf32, #tpu.memory_space<vmem_shared>>
      %dma_wait3A_250 = arith.constant 0 : i32
      %dma_wait3A_251 = tpu.memref_slice %arg13[%mul3A_122, %dma_wait3A_250] : memref<10000x128xf32, #tpu.memory_space<vmem_shared>> -> memref<25x128xf32, #tpu.memory_space<vmem_shared>>
      tpu.wait_dma2 semaphore(%run_scoped3A : memref<!tpu.dma_semaphore, #tpu.memory_space<semaphore_mem>>) src(%arg12 : memref<25x128xf32, #tpu.memory_space<vmem>>) dst(%dma_wait3A_251 : memref<25x128xf32, #tpu.memory_space<vmem_shared>>)
      tpu.yield
    }) : () -> ()
    %mul3A_123 = arith.constant 25 : i32
    %mul3A_124 = arith.muli %arg1, %mul3A_123 : i32
    %add3A_125 = arith.constant 20 : i32
    %add3A_126 = arith.addi %mul3A_124, %add3A_125 : i32
    %mul3A_127 = arith.constant 25 : i32
    %mul3A_128 = arith.muli %add3A_126, %mul3A_127 : i32
    "tpu.region"() ({
      %run_scoped3A = tpu.sem_alloc : memref<!tpu.dma_semaphore, #tpu.memory_space<semaphore_mem>>
      %dma_start3A_244 = arith.constant 0 : i32
      %dma_start3A_245 = tpu.memref_slice %arg13[%mul3A_128, %dma_start3A_244] : memref<10000x128xf32, #tpu.memory_space<vmem_shared>> -> memref<25x128xf32, #tpu.memory_space<vmem_shared>>
      %dma_start3A_246 = arith.constant 0 : i32
      %dma_start3A_247 = tpu.memref_slice %arg13[%mul3A_128, %dma_start3A_246] : memref<10000x128xf32, #tpu.memory_space<vmem_shared>> -> memref<25x128xf32, #tpu.memory_space<vmem_shared>>
      tpu.enqueue_dma source(%arg12 : memref<25x128xf32, #tpu.memory_space<vmem>>) target(%dma_start3A_247 : memref<25x128xf32, #tpu.memory_space<vmem_shared>>) target_semaphore(%run_scoped3A : memref<!tpu.dma_semaphore, #tpu.memory_space<semaphore_mem>>)
      %dma_wait3A_248 = arith.constant 0 : i32
      %dma_wait3A_249 = tpu.memref_slice %arg13[%mul3A_128, %dma_wait3A_248] : memref<10000x128xf32, #tpu.memory_space<vmem_shared>> -> memref<25x128xf32, #tpu.memory_space<vmem_shared>>
      %dma_wait3A_250 = arith.constant 0 : i32
      %dma_wait3A_251 = tpu.memref_slice %arg13[%mul3A_128, %dma_wait3A_250] : memref<10000x128xf32, #tpu.memory_space<vmem_shared>> -> memref<25x128xf32, #tpu.memory_space<vmem_shared>>
      tpu.wait_dma2 semaphore(%run_scoped3A : memref<!tpu.dma_semaphore, #tpu.memory_space<semaphore_mem>>) src(%arg12 : memref<25x128xf32, #tpu.memory_space<vmem>>) dst(%dma_wait3A_251 : memref<25x128xf32, #tpu.memory_space<vmem_shared>>)
      tpu.yield
    }) : () -> ()
    %mul3A_129 = arith.constant 25 : i32
    %mul3A_130 = arith.muli %arg1, %mul3A_129 : i32
    %add3A_131 = arith.constant 21 : i32
    %add3A_132 = arith.addi %mul3A_130, %add3A_131 : i32
    %mul3A_133 = arith.constant 25 : i32
    %mul3A_134 = arith.muli %add3A_132, %mul3A_133 : i32
    "tpu.region"() ({
      %run_scoped3A = tpu.sem_alloc : memref<!tpu.dma_semaphore, #tpu.memory_space<semaphore_mem>>
      %dma_start3A_244 = arith.constant 0 : i32
      %dma_start3A_245 = tpu.memref_slice %arg13[%mul3A_134, %dma_start3A_244] : memref<10000x128xf32, #tpu.memory_space<vmem_shared>> -> memref<25x128xf32, #tpu.memory_space<vmem_shared>>
      %dma_start3A_246 = arith.constant 0 : i32
      %dma_start3A_247 = tpu.memref_slice %arg13[%mul3A_134, %dma_start3A_246] : memref<10000x128xf32, #tpu.memory_space<vmem_shared>> -> memref<25x128xf32, #tpu.memory_space<vmem_shared>>
      tpu.enqueue_dma source(%arg12 : memref<25x128xf32, #tpu.memory_space<vmem>>) target(%dma_start3A_247 : memref<25x128xf32, #tpu.memory_space<vmem_shared>>) target_semaphore(%run_scoped3A : memref<!tpu.dma_semaphore, #tpu.memory_space<semaphore_mem>>)
      %dma_wait3A_248 = arith.constant 0 : i32
      %dma_wait3A_249 = tpu.memref_slice %arg13[%mul3A_134, %dma_wait3A_248] : memref<10000x128xf32, #tpu.memory_space<vmem_shared>> -> memref<25x128xf32, #tpu.memory_space<vmem_shared>>
      %dma_wait3A_250 = arith.constant 0 : i32
      %dma_wait3A_251 = tpu.memref_slice %arg13[%mul3A_134, %dma_wait3A_250] : memref<10000x128xf32, #tpu.memory_space<vmem_shared>> -> memref<25x128xf32, #tpu.memory_space<vmem_shared>>
      tpu.wait_dma2 semaphore(%run_scoped3A : memref<!tpu.dma_semaphore, #tpu.memory_space<semaphore_mem>>) src(%arg12 : memref<25x128xf32, #tpu.memory_space<vmem>>) dst(%dma_wait3A_251 : memref<25x128xf32, #tpu.memory_space<vmem_shared>>)
      tpu.yield
    }) : () -> ()
    %mul3A_135 = arith.constant 25 : i32
    %mul3A_136 = arith.muli %arg1, %mul3A_135 : i32
    %add3A_137 = arith.constant 22 : i32
    %add3A_138 = arith.addi %mul3A_136, %add3A_137 : i32
    %mul3A_139 = arith.constant 25 : i32
    %mul3A_140 = arith.muli %add3A_138, %mul3A_139 : i32
    "tpu.region"() ({
      %run_scoped3A = tpu.sem_alloc : memref<!tpu.dma_semaphore, #tpu.memory_space<semaphore_mem>>
      %dma_start3A_244 = arith.constant 0 : i32
      %dma_start3A_245 = tpu.memref_slice %arg13[%mul3A_140, %dma_start3A_244] : memref<10000x128xf32, #tpu.memory_space<vmem_shared>> -> memref<25x128xf32, #tpu.memory_space<vmem_shared>>
      %dma_start3A_246 = arith.constant 0 : i32
      %dma_start3A_247 = tpu.memref_slice %arg13[%mul3A_140, %dma_start3A_246] : memref<10000x128xf32, #tpu.memory_space<vmem_shared>> -> memref<25x128xf32, #tpu.memory_space<vmem_shared>>
      tpu.enqueue_dma source(%arg12 : memref<25x128xf32, #tpu.memory_space<vmem>>) target(%dma_start3A_247 : memref<25x128xf32, #tpu.memory_space<vmem_shared>>) target_semaphore(%run_scoped3A : memref<!tpu.dma_semaphore, #tpu.memory_space<semaphore_mem>>)
      %dma_wait3A_248 = arith.constant 0 : i32
      %dma_wait3A_249 = tpu.memref_slice %arg13[%mul3A_140, %dma_wait3A_248] : memref<10000x128xf32, #tpu.memory_space<vmem_shared>> -> memref<25x128xf32, #tpu.memory_space<vmem_shared>>
      %dma_wait3A_250 = arith.constant 0 : i32
      %dma_wait3A_251 = tpu.memref_slice %arg13[%mul3A_140, %dma_wait3A_250] : memref<10000x128xf32, #tpu.memory_space<vmem_shared>> -> memref<25x128xf32, #tpu.memory_space<vmem_shared>>
      tpu.wait_dma2 semaphore(%run_scoped3A : memref<!tpu.dma_semaphore, #tpu.memory_space<semaphore_mem>>) src(%arg12 : memref<25x128xf32, #tpu.memory_space<vmem>>) dst(%dma_wait3A_251 : memref<25x128xf32, #tpu.memory_space<vmem_shared>>)
      tpu.yield
    }) : () -> ()
    %mul3A_141 = arith.constant 25 : i32
    %mul3A_142 = arith.muli %arg1, %mul3A_141 : i32
    %add3A_143 = arith.constant 23 : i32
    %add3A_144 = arith.addi %mul3A_142, %add3A_143 : i32
    %mul3A_145 = arith.constant 25 : i32
    %mul3A_146 = arith.muli %add3A_144, %mul3A_145 : i32
    "tpu.region"() ({
      %run_scoped3A = tpu.sem_alloc : memref<!tpu.dma_semaphore, #tpu.memory_space<semaphore_mem>>
      %dma_start3A_244 = arith.constant 0 : i32
      %dma_start3A_245 = tpu.memref_slice %arg13[%mul3A_146, %dma_start3A_244] : memref<10000x128xf32, #tpu.memory_space<vmem_shared>> -> memref<25x128xf32, #tpu.memory_space<vmem_shared>>
      %dma_start3A_246 = arith.constant 0 : i32
      %dma_start3A_247 = tpu.memref_slice %arg13[%mul3A_146, %dma_start3A_246] : memref<10000x128xf32, #tpu.memory_space<vmem_shared>> -> memref<25x128xf32, #tpu.memory_space<vmem_shared>>
      tpu.enqueue_dma source(%arg12 : memref<25x128xf32, #tpu.memory_space<vmem>>) target(%dma_start3A_247 : memref<25x128xf32, #tpu.memory_space<vmem_shared>>) target_semaphore(%run_scoped3A : memref<!tpu.dma_semaphore, #tpu.memory_space<semaphore_mem>>)
      %dma_wait3A_248 = arith.constant 0 : i32
      %dma_wait3A_249 = tpu.memref_slice %arg13[%mul3A_146, %dma_wait3A_248] : memref<10000x128xf32, #tpu.memory_space<vmem_shared>> -> memref<25x128xf32, #tpu.memory_space<vmem_shared>>
      %dma_wait3A_250 = arith.constant 0 : i32
      %dma_wait3A_251 = tpu.memref_slice %arg13[%mul3A_146, %dma_wait3A_250] : memref<10000x128xf32, #tpu.memory_space<vmem_shared>> -> memref<25x128xf32, #tpu.memory_space<vmem_shared>>
      tpu.wait_dma2 semaphore(%run_scoped3A : memref<!tpu.dma_semaphore, #tpu.memory_space<semaphore_mem>>) src(%arg12 : memref<25x128xf32, #tpu.memory_space<vmem>>) dst(%dma_wait3A_251 : memref<25x128xf32, #tpu.memory_space<vmem_shared>>)
      tpu.yield
    }) : () -> ()
    %mul3A_147 = arith.constant 25 : i32
    %mul3A_148 = arith.muli %arg1, %mul3A_147 : i32
    %add3A_149 = arith.constant 24 : i32
    %add3A_150 = arith.addi %mul3A_148, %add3A_149 : i32
    %mul3A_151 = arith.constant 25 : i32
    %mul3A_152 = arith.muli %add3A_150, %mul3A_151 : i32
    "tpu.region"() ({
      %run_scoped3A = tpu.sem_alloc : memref<!tpu.dma_semaphore, #tpu.memory_space<semaphore_mem>>
      %dma_start3A_244 = arith.constant 0 : i32
      %dma_start3A_245 = tpu.memref_slice %arg13[%mul3A_152, %dma_start3A_244] : memref<10000x128xf32, #tpu.memory_space<vmem_shared>> -> memref<25x128xf32, #tpu.memory_space<vmem_shared>>
      %dma_start3A_246 = arith.constant 0 : i32
      %dma_start3A_247 = tpu.memref_slice %arg13[%mul3A_152, %dma_start3A_246] : memref<10000x128xf32, #tpu.memory_space<vmem_shared>> -> memref<25x128xf32, #tpu.memory_space<vmem_shared>>
      tpu.enqueue_dma source(%arg12 : memref<25x128xf32, #tpu.memory_space<vmem>>) target(%dma_start3A_247 : memref<25x128xf32, #tpu.memory_space<vmem_shared>>) target_semaphore(%run_scoped3A : memref<!tpu.dma_semaphore, #tpu.memory_space<semaphore_mem>>)
      %dma_wait3A_248 = arith.constant 0 : i32
      %dma_wait3A_249 = tpu.memref_slice %arg13[%mul3A_152, %dma_wait3A_248] : memref<10000x128xf32, #tpu.memory_space<vmem_shared>> -> memref<25x128xf32, #tpu.memory_space<vmem_shared>>
      %dma_wait3A_250 = arith.constant 0 : i32
      %dma_wait3A_251 = tpu.memref_slice %arg13[%mul3A_152, %dma_wait3A_250] : memref<10000x128xf32, #tpu.memory_space<vmem_shared>> -> memref<25x128xf32, #tpu.memory_space<vmem_shared>>
      tpu.wait_dma2 semaphore(%run_scoped3A : memref<!tpu.dma_semaphore, #tpu.memory_space<semaphore_mem>>) src(%arg12 : memref<25x128xf32, #tpu.memory_space<vmem>>) dst(%dma_wait3A_251 : memref<25x128xf32, #tpu.memory_space<vmem_shared>>)
      tpu.yield
    }) : () -> ()
    %barrier3A = arith.constant 0 : index
    tpu.barrier barrier_id(%barrier3A)
    %mul3A_153 = arith.constant 10000 : i32
    %mul3A_154 = arith.muli %arg1, %mul3A_153 : i32
    %add3A_155 = arith.constant 0 : i32
    %add3A_156 = arith.addi %mul3A_154, %add3A_155 : i32
    %eq3A = arith.constant 0 : i32
    %eq3A_157 = arith.cmpi eq, %arg0, %eq3A : i32
    %convert_element_type3A = arith.extui %eq3A_157 : i1 to i32
    %cond3A = arith.constant 0 : i32
    %cond3A_158 = arith.cmpi ne, %convert_element_type3A, %cond3A : i32
    scf.if %cond3A_158 {
      %dma_start3A_244 = tpu.memref_slice %arg3[%add3A_156] : memref<160000xi32, #tpu.memory_space<hbm>> -> memref<128xi32, #tpu.memory_space<hbm>>
      %dma_start3A_245 = tpu.memref_slice %arg3[%add3A_156] : memref<160000xi32, #tpu.memory_space<hbm>> -> memref<128xi32, #tpu.memory_space<hbm>>
      tpu.enqueue_dma source(%dma_start3A_245 : memref<128xi32, #tpu.memory_space<hbm>>) target(%arg6 : memref<128xi32, #tpu.memory_space<vmem>>) target_semaphore(%arg14 : memref<!tpu.dma_semaphore, #tpu.memory_space<semaphore_mem>>)
    } else {
    }
    %eq3A_159 = arith.constant 1 : i32
    %eq3A_160 = arith.cmpi eq, %arg0, %eq3A_159 : i32
    %convert_element_type3A_161 = arith.extui %eq3A_160 : i1 to i32
    %cond3A_162 = arith.constant 0 : i32
    %cond3A_163 = arith.cmpi ne, %convert_element_type3A_161, %cond3A_162 : i32
    scf.if %cond3A_163 {
      %dma_start3A_244 = tpu.memref_slice %arg4[%add3A_156] : memref<160000xi32, #tpu.memory_space<hbm>> -> memref<128xi32, #tpu.memory_space<hbm>>
      %dma_start3A_245 = tpu.memref_slice %arg4[%add3A_156] : memref<160000xi32, #tpu.memory_space<hbm>> -> memref<128xi32, #tpu.memory_space<hbm>>
      tpu.enqueue_dma source(%dma_start3A_245 : memref<128xi32, #tpu.memory_space<hbm>>) target(%arg6 : memref<128xi32, #tpu.memory_space<vmem>>) target_semaphore(%arg14 : memref<!tpu.dma_semaphore, #tpu.memory_space<semaphore_mem>>)
    } else {
    }
    %dma_start3A = arith.constant 0 : i32
    %dma_start3A_164 = tpu.memref_slice %arg2[%add3A_156, %dma_start3A] : memref<160000x128xf32, #tpu.memory_space<hbm>> -> memref<128x128xf32, #tpu.memory_space<hbm>>
    %dma_start3A_165 = arith.constant 0 : i32
    %dma_start3A_166 = tpu.memref_slice %arg2[%add3A_156, %dma_start3A_165] : memref<160000x128xf32, #tpu.memory_space<hbm>> -> memref<128x128xf32, #tpu.memory_space<hbm>>
    tpu.enqueue_dma source(%dma_start3A_166 : memref<128x128xf32, #tpu.memory_space<hbm>>) target(%arg8 : memref<128x128xf32, #tpu.memory_space<vmem>>) target_semaphore(%arg16 : memref<!tpu.dma_semaphore, #tpu.memory_space<semaphore_mem>>)
    %scan3A_167 = arith.constant 0 : i32
    %scan3A_168 = arith.constant 0 : i32
    %scan3A_169 = arith.constant 38 : i32
    %scan3A_170 = arith.addi %scan3A_168, %scan3A_169 : i32
    %scan3A_171 = arith.constant 1 : i32
    scf.for %scan3A_244 = %scan3A_168 to %scan3A_170 step %scan3A_171  : i32 {
      %mul3A_245 = arith.constant 2 : i32
      %mul3A_246 = arith.muli %mul3A_245, %scan3A_244 : i32
      %add3A_247 = arith.constant 0 : i32
      %add3A_248 = arith.addi %mul3A_246, %add3A_247 : i32
      %gt3A = arith.constant 0 : i32
      %gt3A_249 = arith.cmpi sgt, %scan3A_244, %gt3A : i32
      %convert_element_type3A_250 = arith.extui %gt3A_249 : i1 to i32
      %cond3A_251 = arith.constant 0 : i32
      %cond3A_252 = arith.cmpi ne, %convert_element_type3A_250, %cond3A_251 : i32
      scf.if %cond3A_252 {
        %dma_wait3A_328 = arith.constant 0 : i32
        %dma_wait3A_329 = arith.constant 0 : i32
        %dma_wait3A_330 = tpu.memref_slice %arg13[%dma_wait3A_328, %dma_wait3A_329] : memref<10000x128xf32, #tpu.memory_space<vmem_shared>> -> memref<10000x128xf32, #tpu.memory_space<vmem_shared>>
        tpu.wait_indirect_dma semaphore(%arg19 : memref<!tpu.dma_semaphore, #tpu.memory_space<semaphore_mem>>) src(%arg9 : memref<128x128xf32, #tpu.memory_space<vmem>>) dst(%dma_wait3A_330 : memref<10000x128xf32, #tpu.memory_space<vmem_shared>>)
      } else {
      }
      %add3A_253 = arith.constant 1 : i32
      %add3A_254 = arith.addi %add3A_248, %add3A_253 : i32
      %mul3A_255 = arith.constant 10000 : i32
      %mul3A_256 = arith.muli %arg1, %mul3A_255 : i32
      %mul3A_257 = arith.constant 128 : i32
      %mul3A_258 = arith.muli %add3A_254, %mul3A_257 : i32
      %add3A_259 = arith.addi %mul3A_256, %mul3A_258 : i32
      %eq3A_260 = arith.constant 0 : i32
      %eq3A_261 = arith.cmpi eq, %arg0, %eq3A_260 : i32
      %convert_element_type3A_262 = arith.extui %eq3A_261 : i1 to i32
      %cond3A_263 = arith.constant 0 : i32
      %cond3A_264 = arith.cmpi ne, %convert_element_type3A_262, %cond3A_263 : i32
      scf.if %cond3A_264 {
        %dma_start3A_328 = tpu.memref_slice %arg3[%add3A_259] : memref<160000xi32, #tpu.memory_space<hbm>> -> memref<128xi32, #tpu.memory_space<hbm>>
        %dma_start3A_329 = tpu.memref_slice %arg3[%add3A_259] : memref<160000xi32, #tpu.memory_space<hbm>> -> memref<128xi32, #tpu.memory_space<hbm>>
        tpu.enqueue_dma source(%dma_start3A_329 : memref<128xi32, #tpu.memory_space<hbm>>) target(%arg7 : memref<128xi32, #tpu.memory_space<vmem>>) target_semaphore(%arg15 : memref<!tpu.dma_semaphore, #tpu.memory_space<semaphore_mem>>)
      } else {
      }
      %eq3A_265 = arith.constant 1 : i32
      %eq3A_266 = arith.cmpi eq, %arg0, %eq3A_265 : i32
      %convert_element_type3A_267 = arith.extui %eq3A_266 : i1 to i32
      %cond3A_268 = arith.constant 0 : i32
      %cond3A_269 = arith.cmpi ne, %convert_element_type3A_267, %cond3A_268 : i32
      scf.if %cond3A_269 {
        %dma_start3A_328 = tpu.memref_slice %arg4[%add3A_259] : memref<160000xi32, #tpu.memory_space<hbm>> -> memref<128xi32, #tpu.memory_space<hbm>>
        %dma_start3A_329 = tpu.memref_slice %arg4[%add3A_259] : memref<160000xi32, #tpu.memory_space<hbm>> -> memref<128xi32, #tpu.memory_space<hbm>>
        tpu.enqueue_dma source(%dma_start3A_329 : memref<128xi32, #tpu.memory_space<hbm>>) target(%arg7 : memref<128xi32, #tpu.memory_space<vmem>>) target_semaphore(%arg15 : memref<!tpu.dma_semaphore, #tpu.memory_space<semaphore_mem>>)
      } else {
      }
      %dma_start3A_270 = arith.constant 0 : i32
      %dma_start3A_271 = tpu.memref_slice %arg2[%add3A_259, %dma_start3A_270] : memref<160000x128xf32, #tpu.memory_space<hbm>> -> memref<128x128xf32, #tpu.memory_space<hbm>>
      %dma_start3A_272 = arith.constant 0 : i32
      %dma_start3A_273 = tpu.memref_slice %arg2[%add3A_259, %dma_start3A_272] : memref<160000x128xf32, #tpu.memory_space<hbm>> -> memref<128x128xf32, #tpu.memory_space<hbm>>
      tpu.enqueue_dma source(%dma_start3A_273 : memref<128x128xf32, #tpu.memory_space<hbm>>) target(%arg9 : memref<128x128xf32, #tpu.memory_space<vmem>>) target_semaphore(%arg17 : memref<!tpu.dma_semaphore, #tpu.memory_space<semaphore_mem>>)
      %dma_wait3A_274 = arith.constant 0 : i32
      %dma_wait3A_275 = tpu.memref_slice %arg3[%dma_wait3A_274] : memref<160000xi32, #tpu.memory_space<hbm>> -> memref<128xi32, #tpu.memory_space<hbm>>
      %dma_wait3A_276 = arith.constant 0 : i32
      %dma_wait3A_277 = tpu.memref_slice %arg3[%dma_wait3A_276] : memref<160000xi32, #tpu.memory_space<hbm>> -> memref<128xi32, #tpu.memory_space<hbm>>
      tpu.wait_dma2 semaphore(%arg14 : memref<!tpu.dma_semaphore, #tpu.memory_space<semaphore_mem>>) src(%dma_wait3A_277 : memref<128xi32, #tpu.memory_space<hbm>>) dst(%arg6 : memref<128xi32, #tpu.memory_space<vmem>>)
      %dma_wait3A_278 = arith.constant 0 : i32
      %dma_wait3A_279 = arith.constant 0 : i32
      %dma_wait3A_280 = tpu.memref_slice %arg2[%dma_wait3A_278, %dma_wait3A_279] : memref<160000x128xf32, #tpu.memory_space<hbm>> -> memref<128x128xf32, #tpu.memory_space<hbm>>
      %dma_wait3A_281 = arith.constant 0 : i32
      %dma_wait3A_282 = arith.constant 0 : i32
      %dma_wait3A_283 = tpu.memref_slice %arg2[%dma_wait3A_281, %dma_wait3A_282] : memref<160000x128xf32, #tpu.memory_space<hbm>> -> memref<128x128xf32, #tpu.memory_space<hbm>>
      tpu.wait_dma2 semaphore(%arg16 : memref<!tpu.dma_semaphore, #tpu.memory_space<semaphore_mem>>) src(%dma_wait3A_283 : memref<128x128xf32, #tpu.memory_space<hbm>>) dst(%arg8 : memref<128x128xf32, #tpu.memory_space<vmem>>)
      %dma_start3A_284 = arith.constant 0 : i32
      %dma_start3A_285 = arith.constant 0 : i32
      %dma_start3A_286 = tpu.memref_slice %arg13[%dma_start3A_284, %dma_start3A_285] : memref<10000x128xf32, #tpu.memory_space<vmem_shared>> -> memref<10000x128xf32, #tpu.memory_space<vmem_shared>>
      tpu.enqueue_indirect_dma source(%arg8 : memref<128x128xf32, #tpu.memory_space<vmem>>) target(%dma_start3A_286 : memref<10000x128xf32, #tpu.memory_space<vmem_shared>>) offsets(%arg6 : memref<128xi32, #tpu.memory_space<vmem>>) semaphore(%arg18 : memref<!tpu.dma_semaphore, #tpu.memory_space<semaphore_mem>>) {add = true}
      %mul3A_287 = arith.constant 2 : i32
      %mul3A_288 = arith.muli %mul3A_287, %scan3A_244 : i32
      %add3A_289 = arith.constant 1 : i32
      %add3A_290 = arith.addi %mul3A_288, %add3A_289 : i32
      %dma_wait3A_291 = arith.constant 0 : i32
      %dma_wait3A_292 = arith.constant 0 : i32
      %dma_wait3A_293 = tpu.memref_slice %arg13[%dma_wait3A_291, %dma_wait3A_292] : memref<10000x128xf32, #tpu.memory_space<vmem_shared>> -> memref<10000x128xf32, #tpu.memory_space<vmem_shared>>
      tpu.wait_indirect_dma semaphore(%arg18 : memref<!tpu.dma_semaphore, #tpu.memory_space<semaphore_mem>>) src(%arg8 : memref<128x128xf32, #tpu.memory_space<vmem>>) dst(%dma_wait3A_293 : memref<10000x128xf32, #tpu.memory_space<vmem_shared>>)
      %add3A_294 = arith.constant 1 : i32
      %add3A_295 = arith.addi %add3A_290, %add3A_294 : i32
      %mul3A_296 = arith.constant 10000 : i32
      %mul3A_297 = arith.muli %arg1, %mul3A_296 : i32
      %mul3A_298 = arith.constant 128 : i32
      %mul3A_299 = arith.muli %add3A_295, %mul3A_298 : i32
      %add3A_300 = arith.addi %mul3A_297, %mul3A_299 : i32
      %eq3A_301 = arith.constant 0 : i32
      %eq3A_302 = arith.cmpi eq, %arg0, %eq3A_301 : i32
      %convert_element_type3A_303 = arith.extui %eq3A_302 : i1 to i32
      %cond3A_304 = arith.constant 0 : i32
      %cond3A_305 = arith.cmpi ne, %convert_element_type3A_303, %cond3A_304 : i32
      scf.if %cond3A_305 {
        %dma_start3A_328 = tpu.memref_slice %arg3[%add3A_300] : memref<160000xi32, #tpu.memory_space<hbm>> -> memref<128xi32, #tpu.memory_space<hbm>>
        %dma_start3A_329 = tpu.memref_slice %arg3[%add3A_300] : memref<160000xi32, #tpu.memory_space<hbm>> -> memref<128xi32, #tpu.memory_space<hbm>>
        tpu.enqueue_dma source(%dma_start3A_329 : memref<128xi32, #tpu.memory_space<hbm>>) target(%arg6 : memref<128xi32, #tpu.memory_space<vmem>>) target_semaphore(%arg14 : memref<!tpu.dma_semaphore, #tpu.memory_space<semaphore_mem>>)
      } else {
      }
      %eq3A_306 = arith.constant 1 : i32
      %eq3A_307 = arith.cmpi eq, %arg0, %eq3A_306 : i32
      %convert_element_type3A_308 = arith.extui %eq3A_307 : i1 to i32
      %cond3A_309 = arith.constant 0 : i32
      %cond3A_310 = arith.cmpi ne, %convert_element_type3A_308, %cond3A_309 : i32
      scf.if %cond3A_310 {
        %dma_start3A_328 = tpu.memref_slice %arg4[%add3A_300] : memref<160000xi32, #tpu.memory_space<hbm>> -> memref<128xi32, #tpu.memory_space<hbm>>
        %dma_start3A_329 = tpu.memref_slice %arg4[%add3A_300] : memref<160000xi32, #tpu.memory_space<hbm>> -> memref<128xi32, #tpu.memory_space<hbm>>
        tpu.enqueue_dma source(%dma_start3A_329 : memref<128xi32, #tpu.memory_space<hbm>>) target(%arg6 : memref<128xi32, #tpu.memory_space<vmem>>) target_semaphore(%arg14 : memref<!tpu.dma_semaphore, #tpu.memory_space<semaphore_mem>>)
      } else {
      }
      %dma_start3A_311 = arith.constant 0 : i32
      %dma_start3A_312 = tpu.memref_slice %arg2[%add3A_300, %dma_start3A_311] : memref<160000x128xf32, #tpu.memory_space<hbm>> -> memref<128x128xf32, #tpu.memory_space<hbm>>
      %dma_start3A_313 = arith.constant 0 : i32
      %dma_start3A_314 = tpu.memref_slice %arg2[%add3A_300, %dma_start3A_313] : memref<160000x128xf32, #tpu.memory_space<hbm>> -> memref<128x128xf32, #tpu.memory_space<hbm>>
      tpu.enqueue_dma source(%dma_start3A_314 : memref<128x128xf32, #tpu.memory_space<hbm>>) target(%arg8 : memref<128x128xf32, #tpu.memory_space<vmem>>) target_semaphore(%arg16 : memref<!tpu.dma_semaphore, #tpu.memory_space<semaphore_mem>>)
      %dma_wait3A_315 = arith.constant 0 : i32
      %dma_wait3A_316 = tpu.memref_slice %arg3[%dma_wait3A_315] : memref<160000xi32, #tpu.memory_space<hbm>> -> memref<128xi32, #tpu.memory_space<hbm>>
      %dma_wait3A_317 = arith.constant 0 : i32
      %dma_wait3A_318 = tpu.memref_slice %arg3[%dma_wait3A_317] : memref<160000xi32, #tpu.memory_space<hbm>> -> memref<128xi32, #tpu.memory_space<hbm>>
      tpu.wait_dma2 semaphore(%arg15 : memref<!tpu.dma_semaphore, #tpu.memory_space<semaphore_mem>>) src(%dma_wait3A_318 : memref<128xi32, #tpu.memory_space<hbm>>) dst(%arg7 : memref<128xi32, #tpu.memory_space<vmem>>)
      %dma_wait3A_319 = arith.constant 0 : i32
      %dma_wait3A_320 = arith.constant 0 : i32
      %dma_wait3A_321 = tpu.memref_slice %arg2[%dma_wait3A_319, %dma_wait3A_320] : memref<160000x128xf32, #tpu.memory_space<hbm>> -> memref<128x128xf32, #tpu.memory_space<hbm>>
      %dma_wait3A_322 = arith.constant 0 : i32
      %dma_wait3A_323 = arith.constant 0 : i32
      %dma_wait3A_324 = tpu.memref_slice %arg2[%dma_wait3A_322, %dma_wait3A_323] : memref<160000x128xf32, #tpu.memory_space<hbm>> -> memref<128x128xf32, #tpu.memory_space<hbm>>
      tpu.wait_dma2 semaphore(%arg17 : memref<!tpu.dma_semaphore, #tpu.memory_space<semaphore_mem>>) src(%dma_wait3A_324 : memref<128x128xf32, #tpu.memory_space<hbm>>) dst(%arg9 : memref<128x128xf32, #tpu.memory_space<vmem>>)
      %dma_start3A_325 = arith.constant 0 : i32
      %dma_start3A_326 = arith.constant 0 : i32
      %dma_start3A_327 = tpu.memref_slice %arg13[%dma_start3A_325, %dma_start3A_326] : memref<10000x128xf32, #tpu.memory_space<vmem_shared>> -> memref<10000x128xf32, #tpu.memory_space<vmem_shared>>
      tpu.enqueue_indirect_dma source(%arg9 : memref<128x128xf32, #tpu.memory_space<vmem>>) target(%dma_start3A_327 : memref<10000x128xf32, #tpu.memory_space<vmem_shared>>) offsets(%arg7 : memref<128xi32, #tpu.memory_space<vmem>>) semaphore(%arg19 : memref<!tpu.dma_semaphore, #tpu.memory_space<semaphore_mem>>) {add = true}
    }
    %scan3A_172 = arith.constant 38 : i32
    %dma_wait3A = arith.constant 0 : i32
    %dma_wait3A_173 = arith.constant 0 : i32
    %dma_wait3A_174 = tpu.memref_slice %arg13[%dma_wait3A, %dma_wait3A_173] : memref<10000x128xf32, #tpu.memory_space<vmem_shared>> -> memref<10000x128xf32, #tpu.memory_space<vmem_shared>>
    tpu.wait_indirect_dma semaphore(%arg19 : memref<!tpu.dma_semaphore, #tpu.memory_space<semaphore_mem>>) src(%arg9 : memref<128x128xf32, #tpu.memory_space<vmem>>) dst(%dma_wait3A_174 : memref<10000x128xf32, #tpu.memory_space<vmem_shared>>)
    %mul3A_175 = arith.constant 10000 : i32
    %mul3A_176 = arith.muli %arg1, %mul3A_175 : i32
    %add3A_177 = arith.constant 9856 : i32
    %add3A_178 = arith.addi %mul3A_176, %add3A_177 : i32
    %eq3A_179 = arith.constant 0 : i32
    %eq3A_180 = arith.cmpi eq, %arg0, %eq3A_179 : i32
    %convert_element_type3A_181 = arith.extui %eq3A_180 : i1 to i32
    %cond3A_182 = arith.constant 0 : i32
    %cond3A_183 = arith.cmpi ne, %convert_element_type3A_181, %cond3A_182 : i32
    scf.if %cond3A_183 {
      %dma_start3A_244 = tpu.memref_slice %arg3[%add3A_178] : memref<160000xi32, #tpu.memory_space<hbm>> -> memref<128xi32, #tpu.memory_space<hbm>>
      %dma_start3A_245 = tpu.memref_slice %arg3[%add3A_178] : memref<160000xi32, #tpu.memory_space<hbm>> -> memref<128xi32, #tpu.memory_space<hbm>>
      tpu.enqueue_dma source(%dma_start3A_245 : memref<128xi32, #tpu.memory_space<hbm>>) target(%arg7 : memref<128xi32, #tpu.memory_space<vmem>>) target_semaphore(%arg15 : memref<!tpu.dma_semaphore, #tpu.memory_space<semaphore_mem>>)
    } else {
    }
    %eq3A_184 = arith.constant 1 : i32
    %eq3A_185 = arith.cmpi eq, %arg0, %eq3A_184 : i32
    %convert_element_type3A_186 = arith.extui %eq3A_185 : i1 to i32
    %cond3A_187 = arith.constant 0 : i32
    %cond3A_188 = arith.cmpi ne, %convert_element_type3A_186, %cond3A_187 : i32
    scf.if %cond3A_188 {
      %dma_start3A_244 = tpu.memref_slice %arg4[%add3A_178] : memref<160000xi32, #tpu.memory_space<hbm>> -> memref<128xi32, #tpu.memory_space<hbm>>
      %dma_start3A_245 = tpu.memref_slice %arg4[%add3A_178] : memref<160000xi32, #tpu.memory_space<hbm>> -> memref<128xi32, #tpu.memory_space<hbm>>
      tpu.enqueue_dma source(%dma_start3A_245 : memref<128xi32, #tpu.memory_space<hbm>>) target(%arg7 : memref<128xi32, #tpu.memory_space<vmem>>) target_semaphore(%arg15 : memref<!tpu.dma_semaphore, #tpu.memory_space<semaphore_mem>>)
    } else {
    }
    %dma_start3A_189 = arith.constant 0 : i32
    %dma_start3A_190 = tpu.memref_slice %arg2[%add3A_178, %dma_start3A_189] : memref<160000x128xf32, #tpu.memory_space<hbm>> -> memref<128x128xf32, #tpu.memory_space<hbm>>
    %dma_start3A_191 = arith.constant 0 : i32
    %dma_start3A_192 = tpu.memref_slice %arg2[%add3A_178, %dma_start3A_191] : memref<160000x128xf32, #tpu.memory_space<hbm>> -> memref<128x128xf32, #tpu.memory_space<hbm>>
    tpu.enqueue_dma source(%dma_start3A_192 : memref<128x128xf32, #tpu.memory_space<hbm>>) target(%arg9 : memref<128x128xf32, #tpu.memory_space<vmem>>) target_semaphore(%arg17 : memref<!tpu.dma_semaphore, #tpu.memory_space<semaphore_mem>>)
    %dma_wait3A_193 = arith.constant 0 : i32
    %dma_wait3A_194 = tpu.memref_slice %arg3[%dma_wait3A_193] : memref<160000xi32, #tpu.memory_space<hbm>> -> memref<128xi32, #tpu.memory_space<hbm>>
    %dma_wait3A_195 = arith.constant 0 : i32
    %dma_wait3A_196 = tpu.memref_slice %arg3[%dma_wait3A_195] : memref<160000xi32, #tpu.memory_space<hbm>> -> memref<128xi32, #tpu.memory_space<hbm>>
    tpu.wait_dma2 semaphore(%arg14 : memref<!tpu.dma_semaphore, #tpu.memory_space<semaphore_mem>>) src(%dma_wait3A_196 : memref<128xi32, #tpu.memory_space<hbm>>) dst(%arg6 : memref<128xi32, #tpu.memory_space<vmem>>)
    %dma_wait3A_197 = arith.constant 0 : i32
    %dma_wait3A_198 = arith.constant 0 : i32
    %dma_wait3A_199 = tpu.memref_slice %arg2[%dma_wait3A_197, %dma_wait3A_198] : memref<160000x128xf32, #tpu.memory_space<hbm>> -> memref<128x128xf32, #tpu.memory_space<hbm>>
    %dma_wait3A_200 = arith.constant 0 : i32
    %dma_wait3A_201 = arith.constant 0 : i32
    %dma_wait3A_202 = tpu.memref_slice %arg2[%dma_wait3A_200, %dma_wait3A_201] : memref<160000x128xf32, #tpu.memory_space<hbm>> -> memref<128x128xf32, #tpu.memory_space<hbm>>
    tpu.wait_dma2 semaphore(%arg16 : memref<!tpu.dma_semaphore, #tpu.memory_space<semaphore_mem>>) src(%dma_wait3A_202 : memref<128x128xf32, #tpu.memory_space<hbm>>) dst(%arg8 : memref<128x128xf32, #tpu.memory_space<vmem>>)
    %dma_start3A_203 = arith.constant 0 : i32
    %dma_start3A_204 = arith.constant 0 : i32
    %dma_start3A_205 = tpu.memref_slice %arg13[%dma_start3A_203, %dma_start3A_204] : memref<10000x128xf32, #tpu.memory_space<vmem_shared>> -> memref<10000x128xf32, #tpu.memory_space<vmem_shared>>
    tpu.enqueue_indirect_dma source(%arg8 : memref<128x128xf32, #tpu.memory_space<vmem>>) target(%dma_start3A_205 : memref<10000x128xf32, #tpu.memory_space<vmem_shared>>) offsets(%arg6 : memref<128xi32, #tpu.memory_space<vmem>>) semaphore(%arg18 : memref<!tpu.dma_semaphore, #tpu.memory_space<semaphore_mem>>) {add = true}
    %dma_wait3A_206 = arith.constant 0 : i32
    %dma_wait3A_207 = arith.constant 0 : i32
    %dma_wait3A_208 = tpu.memref_slice %arg13[%dma_wait3A_206, %dma_wait3A_207] : memref<10000x128xf32, #tpu.memory_space<vmem_shared>> -> memref<10000x128xf32, #tpu.memory_space<vmem_shared>>
    tpu.wait_indirect_dma semaphore(%arg18 : memref<!tpu.dma_semaphore, #tpu.memory_space<semaphore_mem>>) src(%arg8 : memref<128x128xf32, #tpu.memory_space<vmem>>) dst(%dma_wait3A_208 : memref<10000x128xf32, #tpu.memory_space<vmem_shared>>)
    %dma_wait3A_209 = arith.constant 0 : i32
    %dma_wait3A_210 = tpu.memref_slice %arg3[%dma_wait3A_209] : memref<160000xi32, #tpu.memory_space<hbm>> -> memref<128xi32, #tpu.memory_space<hbm>>
    %dma_wait3A_211 = arith.constant 0 : i32
    %dma_wait3A_212 = tpu.memref_slice %arg3[%dma_wait3A_211] : memref<160000xi32, #tpu.memory_space<hbm>> -> memref<128xi32, #tpu.memory_space<hbm>>
    tpu.wait_dma2 semaphore(%arg15 : memref<!tpu.dma_semaphore, #tpu.memory_space<semaphore_mem>>) src(%dma_wait3A_212 : memref<128xi32, #tpu.memory_space<hbm>>) dst(%arg7 : memref<128xi32, #tpu.memory_space<vmem>>)
    %dma_wait3A_213 = arith.constant 0 : i32
    %dma_wait3A_214 = arith.constant 0 : i32
    %dma_wait3A_215 = tpu.memref_slice %arg2[%dma_wait3A_213, %dma_wait3A_214] : memref<160000x128xf32, #tpu.memory_space<hbm>> -> memref<128x128xf32, #tpu.memory_space<hbm>>
    %dma_wait3A_216 = arith.constant 0 : i32
    %dma_wait3A_217 = arith.constant 0 : i32
    %dma_wait3A_218 = tpu.memref_slice %arg2[%dma_wait3A_216, %dma_wait3A_217] : memref<160000x128xf32, #tpu.memory_space<hbm>> -> memref<128x128xf32, #tpu.memory_space<hbm>>
    tpu.wait_dma2 semaphore(%arg17 : memref<!tpu.dma_semaphore, #tpu.memory_space<semaphore_mem>>) src(%dma_wait3A_218 : memref<128x128xf32, #tpu.memory_space<hbm>>) dst(%arg9 : memref<128x128xf32, #tpu.memory_space<vmem>>)
    %dma_start3A_219 = arith.constant 0 : i32
    %dma_start3A_220 = arith.constant 0 : i32
    %dma_start3A_221 = tpu.memref_slice %arg13[%dma_start3A_219, %dma_start3A_220] : memref<10000x128xf32, #tpu.memory_space<vmem_shared>> -> memref<10000x128xf32, #tpu.memory_space<vmem_shared>>
    tpu.enqueue_indirect_dma source(%arg9 : memref<128x128xf32, #tpu.memory_space<vmem>>) target(%dma_start3A_221 : memref<10000x128xf32, #tpu.memory_space<vmem_shared>>) offsets(%arg7 : memref<128xi32, #tpu.memory_space<vmem>>) semaphore(%arg19 : memref<!tpu.dma_semaphore, #tpu.memory_space<semaphore_mem>>) {add = true}
    %dma_wait3A_222 = arith.constant 0 : i32
    %dma_wait3A_223 = arith.constant 0 : i32
    %dma_wait3A_224 = tpu.memref_slice %arg13[%dma_wait3A_222, %dma_wait3A_223] : memref<10000x128xf32, #tpu.memory_space<vmem_shared>> -> memref<10000x128xf32, #tpu.memory_space<vmem_shared>>
    tpu.wait_indirect_dma semaphore(%arg19 : memref<!tpu.dma_semaphore, #tpu.memory_space<semaphore_mem>>) src(%arg9 : memref<128x128xf32, #tpu.memory_space<vmem>>) dst(%dma_wait3A_224 : memref<10000x128xf32, #tpu.memory_space<vmem_shared>>)
    %mul3A_225 = arith.constant 10000 : i32
    %mul3A_226 = arith.muli %arg1, %mul3A_225 : i32
    %add3A_227 = arith.constant 9984 : i32
    %add3A_228 = arith.addi %mul3A_226, %add3A_227 : i32
    %eq3A_229 = arith.constant 0 : i32
    %eq3A_230 = arith.cmpi eq, %arg0, %eq3A_229 : i32
    %convert_element_type3A_231 = arith.extui %eq3A_230 : i1 to i32
    %cond3A_232 = arith.constant 0 : i32
    %cond3A_233 = arith.cmpi ne, %convert_element_type3A_231, %cond3A_232 : i32
    scf.if %cond3A_233 {
      "tpu.region"() ({
        %run_scoped3A = tpu.sem_alloc : memref<!tpu.dma_semaphore, #tpu.memory_space<semaphore_mem>>
        %dma_start3A_244 = tpu.memref_slice %arg3[%add3A_228] : memref<160000xi32, #tpu.memory_space<hbm>> -> memref<16xi32, #tpu.memory_space<hbm>>
        %dma_start3A_245 = tpu.memref_slice %arg3[%add3A_228] : memref<160000xi32, #tpu.memory_space<hbm>> -> memref<16xi32, #tpu.memory_space<hbm>>
        tpu.enqueue_dma source(%dma_start3A_245 : memref<16xi32, #tpu.memory_space<hbm>>) target(%arg10 : memref<16xi32, #tpu.memory_space<vmem>>) target_semaphore(%run_scoped3A : memref<!tpu.dma_semaphore, #tpu.memory_space<semaphore_mem>>)
        %dma_wait3A_246 = tpu.memref_slice %arg3[%add3A_228] : memref<160000xi32, #tpu.memory_space<hbm>> -> memref<16xi32, #tpu.memory_space<hbm>>
        %dma_wait3A_247 = tpu.memref_slice %arg3[%add3A_228] : memref<160000xi32, #tpu.memory_space<hbm>> -> memref<16xi32, #tpu.memory_space<hbm>>
        tpu.wait_dma2 semaphore(%run_scoped3A : memref<!tpu.dma_semaphore, #tpu.memory_space<semaphore_mem>>) src(%dma_wait3A_247 : memref<16xi32, #tpu.memory_space<hbm>>) dst(%arg10 : memref<16xi32, #tpu.memory_space<vmem>>)
        tpu.yield
      }) : () -> ()
    } else {
    }
    %eq3A_234 = arith.constant 1 : i32
    %eq3A_235 = arith.cmpi eq, %arg0, %eq3A_234 : i32
    %convert_element_type3A_236 = arith.extui %eq3A_235 : i1 to i32
    %cond3A_237 = arith.constant 0 : i32
    %cond3A_238 = arith.cmpi ne, %convert_element_type3A_236, %cond3A_237 : i32
    scf.if %cond3A_238 {
      "tpu.region"() ({
        %run_scoped3A = tpu.sem_alloc : memref<!tpu.dma_semaphore, #tpu.memory_space<semaphore_mem>>
        %dma_start3A_244 = tpu.memref_slice %arg4[%add3A_228] : memref<160000xi32, #tpu.memory_space<hbm>> -> memref<16xi32, #tpu.memory_space<hbm>>
        %dma_start3A_245 = tpu.memref_slice %arg4[%add3A_228] : memref<160000xi32, #tpu.memory_space<hbm>> -> memref<16xi32, #tpu.memory_space<hbm>>
        tpu.enqueue_dma source(%dma_start3A_245 : memref<16xi32, #tpu.memory_space<hbm>>) target(%arg10 : memref<16xi32, #tpu.memory_space<vmem>>) target_semaphore(%run_scoped3A : memref<!tpu.dma_semaphore, #tpu.memory_space<semaphore_mem>>)
        %dma_wait3A_246 = tpu.memref_slice %arg4[%add3A_228] : memref<160000xi32, #tpu.memory_space<hbm>> -> memref<16xi32, #tpu.memory_space<hbm>>
        %dma_wait3A_247 = tpu.memref_slice %arg4[%add3A_228] : memref<160000xi32, #tpu.memory_space<hbm>> -> memref<16xi32, #tpu.memory_space<hbm>>
        tpu.wait_dma2 semaphore(%run_scoped3A : memref<!tpu.dma_semaphore, #tpu.memory_space<semaphore_mem>>) src(%dma_wait3A_247 : memref<16xi32, #tpu.memory_space<hbm>>) dst(%arg10 : memref<16xi32, #tpu.memory_space<vmem>>)
        tpu.yield
      }) : () -> ()
    } else {
    }
    "tpu.region"() ({
      %run_scoped3A = tpu.sem_alloc : memref<!tpu.dma_semaphore, #tpu.memory_space<semaphore_mem>>
      %dma_start3A_244 = arith.constant 0 : i32
      %dma_start3A_245 = tpu.memref_slice %arg2[%add3A_228, %dma_start3A_244] : memref<160000x128xf32, #tpu.memory_space<hbm>> -> memref<16x128xf32, #tpu.memory_space<hbm>>
      %dma_start3A_246 = arith.constant 0 : i32
      %dma_start3A_247 = tpu.memref_slice %arg2[%add3A_228, %dma_start3A_246] : memref<160000x128xf32, #tpu.memory_space<hbm>> -> memref<16x128xf32, #tpu.memory_space<hbm>>
      tpu.enqueue_dma source(%dma_start3A_247 : memref<16x128xf32, #tpu.memory_space<hbm>>) target(%arg11 : memref<16x128xf32, #tpu.memory_space<vmem>>) target_semaphore(%run_scoped3A : memref<!tpu.dma_semaphore, #tpu.memory_space<semaphore_mem>>)
      %dma_wait3A_248 = arith.constant 0 : i32
      %dma_wait3A_249 = tpu.memref_slice %arg2[%add3A_228, %dma_wait3A_248] : memref<160000x128xf32, #tpu.memory_space<hbm>> -> memref<16x128xf32, #tpu.memory_space<hbm>>
      %dma_wait3A_250 = arith.constant 0 : i32
      %dma_wait3A_251 = tpu.memref_slice %arg2[%add3A_228, %dma_wait3A_250] : memref<160000x128xf32, #tpu.memory_space<hbm>> -> memref<16x128xf32, #tpu.memory_space<hbm>>
      tpu.wait_dma2 semaphore(%run_scoped3A : memref<!tpu.dma_semaphore, #tpu.memory_space<semaphore_mem>>) src(%dma_wait3A_251 : memref<16x128xf32, #tpu.memory_space<hbm>>) dst(%arg11 : memref<16x128xf32, #tpu.memory_space<vmem>>)
      tpu.yield
    }) : () -> ()
    "tpu.region"() ({
      %run_scoped3A = tpu.sem_alloc : memref<!tpu.dma_semaphore, #tpu.memory_space<semaphore_mem>>
      %dma_start3A_244 = arith.constant 0 : i32
      %dma_start3A_245 = arith.constant 0 : i32
      %dma_start3A_246 = tpu.memref_slice %arg13[%dma_start3A_244, %dma_start3A_245] : memref<10000x128xf32, #tpu.memory_space<vmem_shared>> -> memref<10000x128xf32, #tpu.memory_space<vmem_shared>>
      tpu.enqueue_indirect_dma source(%arg11 : memref<16x128xf32, #tpu.memory_space<vmem>>) target(%dma_start3A_246 : memref<10000x128xf32, #tpu.memory_space<vmem_shared>>) offsets(%arg10 : memref<16xi32, #tpu.memory_space<vmem>>) semaphore(%run_scoped3A : memref<!tpu.dma_semaphore, #tpu.memory_space<semaphore_mem>>) {add = true}
      %dma_wait3A_247 = arith.constant 0 : i32
      %dma_wait3A_248 = arith.constant 0 : i32
      %dma_wait3A_249 = tpu.memref_slice %arg13[%dma_wait3A_247, %dma_wait3A_248] : memref<10000x128xf32, #tpu.memory_space<vmem_shared>> -> memref<10000x128xf32, #tpu.memory_space<vmem_shared>>
      tpu.wait_indirect_dma semaphore(%run_scoped3A : memref<!tpu.dma_semaphore, #tpu.memory_space<semaphore_mem>>) src(%arg11 : memref<16x128xf32, #tpu.memory_space<vmem>>) dst(%dma_wait3A_249 : memref<10000x128xf32, #tpu.memory_space<vmem_shared>>)
      tpu.yield
    }) : () -> ()
    %barrier3A_239 = arith.constant 0 : index
    tpu.barrier barrier_id(%barrier3A_239)
    %lt3A = arith.constant 10 : i32
    %lt3A_240 = arith.cmpi slt, %arg1, %lt3A : i32
    %convert_element_type3A_241 = arith.extui %lt3A_240 : i1 to i32
    %cond3A_242 = arith.constant 0 : i32
    %cond3A_243 = arith.cmpi ne, %convert_element_type3A_241, %cond3A_242 : i32
    scf.if %cond3A_243 {
      %mul3A_244 = arith.constant 1000 : i32
      %mul3A_245 = arith.muli %arg1, %mul3A_244 : i32
      "tpu.region"() ({
        %run_scoped3A = tpu.sem_alloc : memref<!tpu.dma_semaphore, #tpu.memory_space<semaphore_mem>>
        %dma_start3A_246 = arith.constant 0 : i32
        %dma_start3A_247 = tpu.memref_slice %arg5[%arg0, %mul3A_245, %dma_start3A_246] : memref<2x10000x128xf32, #tpu.memory_space<hbm>> -> memref<1x1000x128xf32, #tpu.memory_space<hbm>>
        %dma_start3A_248 = tpu.memref_squeeze %dma_start3A_247 : memref<1x1000x128xf32, #tpu.memory_space<hbm>> -> memref<1000x128xf32, #tpu.memory_space<hbm>>
        %dma_start3A_249 = arith.constant 0 : i32
        %dma_start3A_250 = tpu.memref_slice %arg13[%mul3A_245, %dma_start3A_249] : memref<10000x128xf32, #tpu.memory_space<vmem_shared>> -> memref<1000x128xf32, #tpu.memory_space<vmem_shared>>
        tpu.enqueue_dma source(%dma_start3A_250 : memref<1000x128xf32, #tpu.memory_space<vmem_shared>>) target(%dma_start3A_248 : memref<1000x128xf32, #tpu.memory_space<hbm>>) target_semaphore(%run_scoped3A : memref<!tpu.dma_semaphore, #tpu.memory_space<semaphore_mem>>)
        %dma_wait3A_251 = arith.constant 0 : i32
        %dma_wait3A_252 = tpu.memref_slice %arg5[%arg0, %mul3A_245, %dma_wait3A_251] : memref<2x10000x128xf32, #tpu.memory_space<hbm>> -> memref<1x1000x128xf32, #tpu.memory_space<hbm>>
        %dma_wait3A_253 = tpu.memref_squeeze %dma_wait3A_252 : memref<1x1000x128xf32, #tpu.memory_space<hbm>> -> memref<1000x128xf32, #tpu.memory_space<hbm>>
        %dma_wait3A_254 = arith.constant 0 : i32
        %dma_wait3A_255 = tpu.memref_slice %arg13[%mul3A_245, %dma_wait3A_254] : memref<10000x128xf32, #tpu.memory_space<vmem_shared>> -> memref<1000x128xf32, #tpu.memory_space<vmem_shared>>
        tpu.wait_dma2 semaphore(%run_scoped3A : memref<!tpu.dma_semaphore, #tpu.memory_space<semaphore_mem>>) src(%dma_wait3A_255 : memref<1000x128xf32, #tpu.memory_space<vmem_shared>>) dst(%dma_wait3A_253 : memref<1000x128xf32, #tpu.memory_space<hbm>>)
        tpu.yield
      }) : () -> ()
    } else {
    }
    return
  }
}

#map = affine_map<(d0, d1) -> (0, 0)>
#map1 = affine_map<(d0, d1) -> (0)>
#map2 = affine_map<(d0, d1) -> (0, 0, 0)>
module attributes {stable_mosaic.version = 14 : i64} {
  func.func @k(%arg0: i32, %arg1: i32, %arg2: memref<160000x128xf32, #tpu.memory_space<hbm>>, %arg3: memref<160000xi32, #tpu.memory_space<hbm>>, %arg4: memref<160000xi32, #tpu.memory_space<hbm>>, %arg5: memref<2x10000x128xf32, #tpu.memory_space<hbm>>, %arg6: memref<128xi32, #tpu.memory_space<vmem>>, %arg7: memref<128xi32, #tpu.memory_space<vmem>>, %arg8: memref<128x128xf32, #tpu.memory_space<vmem>>, %arg9: memref<128x128xf32, #tpu.memory_space<vmem>>, %arg10: memref<16xi32, #tpu.memory_space<vmem>>, %arg11: memref<16x128xf32, #tpu.memory_space<vmem>>, %arg12: memref<25x128xf32, #tpu.memory_space<vmem>>, %arg13: memref<10000x128xf32, #tpu.memory_space<vmem_shared>>, %arg14: memref<!tpu.dma_semaphore, #tpu.memory_space<semaphore_mem>>, %arg15: memref<!tpu.dma_semaphore, #tpu.memory_space<semaphore_mem>>, %arg16: memref<!tpu.dma_semaphore, #tpu.memory_space<semaphore_mem>>, %arg17: memref<!tpu.dma_semaphore, #tpu.memory_space<semaphore_mem>>, %arg18: memref<!tpu.dma_semaphore, #tpu.memory_space<semaphore_mem>>, %arg19: memref<!tpu.dma_semaphore, #tpu.memory_space<semaphore_mem>>) attributes {dimension_semantics = [#tpu.dimension_semantics<core_parallel>, #tpu.dimension_semantics<subcore_parallel>], iteration_bounds = array<i64: 2, 16>, scalar_prefetch = 0 : i64, scratch_operands = 14 : i64, tpu.core_type = #tpu.core_type<sc_vector_subcore>, window_params = [{transform_indices = #map}, {transform_indices = #map1}, {transform_indices = #map1}, {transform_indices = #map2}]} {
    %scan3A = arith.constant 0 : i32
    %scan3A_0 = arith.constant 0 : i32
    %scan3A_1 = arith.constant 25 : i32
    %scan3A_2 = arith.addi %scan3A_0, %scan3A_1 : i32
    %scan3A_3 = arith.constant 1 : i32
    scf.for %scan3A_244 = %scan3A_0 to %scan3A_2 step %scan3A_3  : i32 {
      %broadcast_in_dim3A = arith.constant 0.000000e+00 : f32
      %broadcast_in_dim3A_245 = vector.broadcast %broadcast_in_dim3A : f32 to vector<16xf32>
      %swap3A = arith.index_cast %scan3A_244 : i32 to index
      %swap3A_246 = arith.constant 0 : index
      %swap3A_247 = tpu.vector_load %arg12[%swap3A, %swap3A_246] {strides = array<i32>} : memref<25x128xf32, #tpu.memory_space<vmem>>, vector<1x16xf32>,
      %swap3A_248 = vector.shape_cast %swap3A_247 : vector<1x16xf32> to vector<16xf32>
      %swap3A_249 = vector.shape_cast %broadcast_in_dim3A_245 : vector<16xf32> to vector<1x16xf32>
      tpu.vector_store %arg12[%swap3A, %swap3A_246], %swap3A_249 {strides = array<i32>} : memref<25x128xf32, #tpu.memory_space<vmem>>, vector<1x16xf32>,
      %broadcast_in_dim3A_250 = arith.constant 0.000000e+00 : f32
      %broadcast_in_dim3A_251 = vector.broadcast %broadcast_in_dim3A_250 : f32 to vector<16xf32>
      %swap3A_252 = arith.index_cast %scan3A_244 : i32 to index
      %swap3A_253 = arith.constant 16 : index
      %swap3A_254 = tpu.vector_load %arg12[%swap3A_252, %swap3A_253] {strides = array<i32>} : memref<25x128xf32, #tpu.memory_space<vmem>>, vector<1x16xf32>,
      %swap3A_255 = vector.shape_cast %swap3A_254 : vector<1x16xf32> to vector<16xf32>
      %swap3A_256 = vector.shape_cast %broadcast_in_dim3A_251 : vector<16xf32> to vector<1x16xf32>
      tpu.vector_store %arg12[%swap3A_252, %swap3A_253], %swap3A_256 {strides = array<i32>} : memref<25x128xf32, #tpu.memory_space<vmem>>, vector<1x16xf32>,
      %broadcast_in_dim3A_257 = arith.constant 0.000000e+00 : f32
      %broadcast_in_dim3A_258 = vector.broadcast %broadcast_in_dim3A_257 : f32 to vector<16xf32>
      %swap3A_259 = arith.index_cast %scan3A_244 : i32 to index
      %swap3A_260 = arith.constant 32 : index
      %swap3A_261 = tpu.vector_load %arg12[%swap3A_259, %swap3A_260] {strides = array<i32>} : memref<25x128xf32, #tpu.memory_space<vmem>>, vector<1x16xf32>,
      %swap3A_262 = vector.shape_cast %swap3A_261 : vector<1x16xf32> to vector<16xf32>
      %swap3A_263 = vector.shape_cast %broadcast_in_dim3A_258 : vector<16xf32> to vector<1x16xf32>
      tpu.vector_store %arg12[%swap3A_259, %swap3A_260], %swap3A_263 {strides = array<i32>} : memref<25x128xf32, #tpu.memory_space<vmem>>, vector<1x16xf32>,
      %broadcast_in_dim3A_264 = arith.constant 0.000000e+00 : f32
      %broadcast_in_dim3A_265 = vector.broadcast %broadcast_in_dim3A_264 : f32 to vector<16xf32>
      %swap3A_266 = arith.index_cast %scan3A_244 : i32 to index
      %swap3A_267 = arith.constant 48 : index
      %swap3A_268 = tpu.vector_load %arg12[%swap3A_266, %swap3A_267] {strides = array<i32>} : memref<25x128xf32, #tpu.memory_space<vmem>>, vector<1x16xf32>,
      %swap3A_269 = vector.shape_cast %swap3A_268 : vector<1x16xf32> to vector<16xf32>
      %swap3A_270 = vector.shape_cast %broadcast_in_dim3A_265 : vector<16xf32> to vector<1x16xf32>
      tpu.vector_store %arg12[%swap3A_266, %swap3A_267], %swap3A_270 {strides = array<i32>} : memref<25x128xf32, #tpu.memory_space<vmem>>, vector<1x16xf32>,
      %broadcast_in_dim3A_271 = arith.constant 0.000000e+00 : f32
      %broadcast_in_dim3A_272 = vector.broadcast %broadcast_in_dim3A_271 : f32 to vector<16xf32>
      %swap3A_273 = arith.index_cast %scan3A_244 : i32 to index
      %swap3A_274 = arith.constant 64 : index
      %swap3A_275 = tpu.vector_load %arg12[%swap3A_273, %swap3A_274] {strides = array<i32>} : memref<25x128xf32, #tpu.memory_space<vmem>>, vector<1x16xf32>,
      %swap3A_276 = vector.shape_cast %swap3A_275 : vector<1x16xf32> to vector<16xf32>
      %swap3A_277 = vector.shape_cast %broadcast_in_dim3A_272 : vector<16xf32> to vector<1x16xf32>
      tpu.vector_store %arg12[%swap3A_273, %swap3A_274], %swap3A_277 {strides = array<i32>} : memref<25x128xf32, #tpu.memory_space<vmem>>, vector<1x16xf32>,
      %broadcast_in_dim3A_278 = arith.constant 0.000000e+00 : f32
      %broadcast_in_dim3A_279 = vector.broadcast %broadcast_in_dim3A_278 : f32 to vector<16xf32>
      %swap3A_280 = arith.index_cast %scan3A_244 : i32 to index
      %swap3A_281 = arith.constant 80 : index
      %swap3A_282 = tpu.vector_load %arg12[%swap3A_280, %swap3A_281] {strides = array<i32>} : memref<25x128xf32, #tpu.memory_space<vmem>>, vector<1x16xf32>,
      %swap3A_283 = vector.shape_cast %swap3A_282 : vector<1x16xf32> to vector<16xf32>
      %swap3A_284 = vector.shape_cast %broadcast_in_dim3A_279 : vector<16xf32> to vector<1x16xf32>
      tpu.vector_store %arg12[%swap3A_280, %swap3A_281], %swap3A_284 {strides = array<i32>} : memref<25x128xf32, #tpu.memory_space<vmem>>, vector<1x16xf32>,
      %broadcast_in_dim3A_285 = arith.constant 0.000000e+00 : f32
      %broadcast_in_dim3A_286 = vector.broadcast %broadcast_in_dim3A_285 : f32 to vector<16xf32>
      %swap3A_287 = arith.index_cast %scan3A_244 : i32 to index
      %swap3A_288 = arith.constant 96 : index
      %swap3A_289 = tpu.vector_load %arg12[%swap3A_287, %swap3A_288] {strides = array<i32>} : memref<25x128xf32, #tpu.memory_space<vmem>>, vector<1x16xf32>,
      %swap3A_290 = vector.shape_cast %swap3A_289 : vector<1x16xf32> to vector<16xf32>
      %swap3A_291 = vector.shape_cast %broadcast_in_dim3A_286 : vector<16xf32> to vector<1x16xf32>
      tpu.vector_store %arg12[%swap3A_287, %swap3A_288], %swap3A_291 {strides = array<i32>} : memref<25x128xf32, #tpu.memory_space<vmem>>, vector<1x16xf32>,
      %broadcast_in_dim3A_292 = arith.constant 0.000000e+00 : f32
      %broadcast_in_dim3A_293 = vector.broadcast %broadcast_in_dim3A_292 : f32 to vector<16xf32>
      %swap3A_294 = arith.index_cast %scan3A_244 : i32 to index
      %swap3A_295 = arith.constant 112 : index
      %swap3A_296 = tpu.vector_load %arg12[%swap3A_294, %swap3A_295] {strides = array<i32>} : memref<25x128xf32, #tpu.memory_space<vmem>>, vector<1x16xf32>,
      %swap3A_297 = vector.shape_cast %swap3A_296 : vector<1x16xf32> to vector<16xf32>
      %swap3A_298 = vector.shape_cast %broadcast_in_dim3A_293 : vector<16xf32> to vector<1x16xf32>
      tpu.vector_store %arg12[%swap3A_294, %swap3A_295], %swap3A_298 {strides = array<i32>} : memref<25x128xf32, #tpu.memory_space<vmem>>, vector<1x16xf32>,
    }
    %scan3A_4 = arith.constant 25 : i32
    %mul3A = arith.constant 25 : i32
    %mul3A_5 = arith.muli %arg1, %mul3A : i32
    %add3A = arith.constant 0 : i32
    %add3A_6 = arith.addi %mul3A_5, %add3A : i32
    %mul3A_7 = arith.constant 25 : i32
    %mul3A_8 = arith.muli %add3A_6, %mul3A_7 : i32
    "tpu.region"() ({
      %run_scoped3A = tpu.sem_alloc : memref<!tpu.dma_semaphore, #tpu.memory_space<semaphore_mem>>
      %dma_start3A_244 = arith.constant 0 : i32
      %dma_start3A_245 = tpu.memref_slice %arg13[%mul3A_8, %dma_start3A_244] : memref<10000x128xf32, #tpu.memory_space<vmem_shared>> -> memref<25x128xf32, #tpu.memory_space<vmem_shared>>
      %dma_start3A_246 = arith.constant 0 : i32
      %dma_start3A_247 = tpu.memref_slice %arg13[%mul3A_8, %dma_start3A_246] : memref<10000x128xf32, #tpu.memory_space<vmem_shared>> -> memref<25x128xf32, #tpu.memory_space<vmem_shared>>
      tpu.enqueue_dma source(%arg12 : memref<25x128xf32, #tpu.memory_space<vmem>>) target(%dma_start3A_247 : memref<25x128xf32, #tpu.memory_space<vmem_shared>>) target_semaphore(%run_scoped3A : memref<!tpu.dma_semaphore, #tpu.memory_space<semaphore_mem>>)
      %dma_wait3A_248 = arith.constant 0 : i32
      %dma_wait3A_249 = tpu.memref_slice %arg13[%mul3A_8, %dma_wait3A_248] : memref<10000x128xf32, #tpu.memory_space<vmem_shared>> -> memref<25x128xf32, #tpu.memory_space<vmem_shared>>
      %dma_wait3A_250 = arith.constant 0 : i32
      %dma_wait3A_251 = tpu.memref_slice %arg13[%mul3A_8, %dma_wait3A_250] : memref<10000x128xf32, #tpu.memory_space<vmem_shared>> -> memref<25x128xf32, #tpu.memory_space<vmem_shared>>
      tpu.wait_dma2 semaphore(%run_scoped3A : memref<!tpu.dma_semaphore, #tpu.memory_space<semaphore_mem>>) src(%arg12 : memref<25x128xf32, #tpu.memory_space<vmem>>) dst(%dma_wait3A_251 : memref<25x128xf32, #tpu.memory_space<vmem_shared>>)
      tpu.yield
    }) : () -> ()
    %mul3A_9 = arith.constant 25 : i32
    %mul3A_10 = arith.muli %arg1, %mul3A_9 : i32
    %add3A_11 = arith.constant 1 : i32
    %add3A_12 = arith.addi %mul3A_10, %add3A_11 : i32
    %mul3A_13 = arith.constant 25 : i32
    %mul3A_14 = arith.muli %add3A_12, %mul3A_13 : i32
    "tpu.region"() ({
      %run_scoped3A = tpu.sem_alloc : memref<!tpu.dma_semaphore, #tpu.memory_space<semaphore_mem>>
      %dma_start3A_244 = arith.constant 0 : i32
      %dma_start3A_245 = tpu.memref_slice %arg13[%mul3A_14, %dma_start3A_244] : memref<10000x128xf32, #tpu.memory_space<vmem_shared>> -> memref<25x128xf32, #tpu.memory_space<vmem_shared>>
      %dma_start3A_246 = arith.constant 0 : i32
      %dma_start3A_247 = tpu.memref_slice %arg13[%mul3A_14, %dma_start3A_246] : memref<10000x128xf32, #tpu.memory_space<vmem_shared>> -> memref<25x128xf32, #tpu.memory_space<vmem_shared>>
      tpu.enqueue_dma source(%arg12 : memref<25x128xf32, #tpu.memory_space<vmem>>) target(%dma_start3A_247 : memref<25x128xf32, #tpu.memory_space<vmem_shared>>) target_semaphore(%run_scoped3A : memref<!tpu.dma_semaphore, #tpu.memory_space<semaphore_mem>>)
      %dma_wait3A_248 = arith.constant 0 : i32
      %dma_wait3A_249 = tpu.memref_slice %arg13[%mul3A_14, %dma_wait3A_248] : memref<10000x128xf32, #tpu.memory_space<vmem_shared>> -> memref<25x128xf32, #tpu.memory_space<vmem_shared>>
      %dma_wait3A_250 = arith.constant 0 : i32
      %dma_wait3A_251 = tpu.memref_slice %arg13[%mul3A_14, %dma_wait3A_250] : memref<10000x128xf32, #tpu.memory_space<vmem_shared>> -> memref<25x128xf32, #tpu.memory_space<vmem_shared>>
      tpu.wait_dma2 semaphore(%run_scoped3A : memref<!tpu.dma_semaphore, #tpu.memory_space<semaphore_mem>>) src(%arg12 : memref<25x128xf32, #tpu.memory_space<vmem>>) dst(%dma_wait3A_251 : memref<25x128xf32, #tpu.memory_space<vmem_shared>>)
      tpu.yield
    }) : () -> ()
    %mul3A_15 = arith.constant 25 : i32
    %mul3A_16 = arith.muli %arg1, %mul3A_15 : i32
    %add3A_17 = arith.constant 2 : i32
    %add3A_18 = arith.addi %mul3A_16, %add3A_17 : i32
    %mul3A_19 = arith.constant 25 : i32
    %mul3A_20 = arith.muli %add3A_18, %mul3A_19 : i32
    "tpu.region"() ({
      %run_scoped3A = tpu.sem_alloc : memref<!tpu.dma_semaphore, #tpu.memory_space<semaphore_mem>>
      %dma_start3A_244 = arith.constant 0 : i32
      %dma_start3A_245 = tpu.memref_slice %arg13[%mul3A_20, %dma_start3A_244] : memref<10000x128xf32, #tpu.memory_space<vmem_shared>> -> memref<25x128xf32, #tpu.memory_space<vmem_shared>>
      %dma_start3A_246 = arith.constant 0 : i32
      %dma_start3A_247 = tpu.memref_slice %arg13[%mul3A_20, %dma_start3A_246] : memref<10000x128xf32, #tpu.memory_space<vmem_shared>> -> memref<25x128xf32, #tpu.memory_space<vmem_shared>>
      tpu.enqueue_dma source(%arg12 : memref<25x128xf32, #tpu.memory_space<vmem>>) target(%dma_start3A_247 : memref<25x128xf32, #tpu.memory_space<vmem_shared>>) target_semaphore(%run_scoped3A : memref<!tpu.dma_semaphore, #tpu.memory_space<semaphore_mem>>)
      %dma_wait3A_248 = arith.constant 0 : i32
      %dma_wait3A_249 = tpu.memref_slice %arg13[%mul3A_20, %dma_wait3A_248] : memref<10000x128xf32, #tpu.memory_space<vmem_shared>> -> memref<25x128xf32, #tpu.memory_space<vmem_shared>>
      %dma_wait3A_250 = arith.constant 0 : i32
      %dma_wait3A_251 = tpu.memref_slice %arg13[%mul3A_20, %dma_wait3A_250] : memref<10000x128xf32, #tpu.memory_space<vmem_shared>> -> memref<25x128xf32, #tpu.memory_space<vmem_shared>>
      tpu.wait_dma2 semaphore(%run_scoped3A : memref<!tpu.dma_semaphore, #tpu.memory_space<semaphore_mem>>) src(%arg12 : memref<25x128xf32, #tpu.memory_space<vmem>>) dst(%dma_wait3A_251 : memref<25x128xf32, #tpu.memory_space<vmem_shared>>)
      tpu.yield
    }) : () -> ()
    %mul3A_21 = arith.constant 25 : i32
    %mul3A_22 = arith.muli %arg1, %mul3A_21 : i32
    %add3A_23 = arith.constant 3 : i32
    %add3A_24 = arith.addi %mul3A_22, %add3A_23 : i32
    %mul3A_25 = arith.constant 25 : i32
    %mul3A_26 = arith.muli %add3A_24, %mul3A_25 : i32
    "tpu.region"() ({
      %run_scoped3A = tpu.sem_alloc : memref<!tpu.dma_semaphore, #tpu.memory_space<semaphore_mem>>
      %dma_start3A_244 = arith.constant 0 : i32
      %dma_start3A_245 = tpu.memref_slice %arg13[%mul3A_26, %dma_start3A_244] : memref<10000x128xf32, #tpu.memory_space<vmem_shared>> -> memref<25x128xf32, #tpu.memory_space<vmem_shared>>
      %dma_start3A_246 = arith.constant 0 : i32
      %dma_start3A_247 = tpu.memref_slice %arg13[%mul3A_26, %dma_start3A_246] : memref<10000x128xf32, #tpu.memory_space<vmem_shared>> -> memref<25x128xf32, #tpu.memory_space<vmem_shared>>
      tpu.enqueue_dma source(%arg12 : memref<25x128xf32, #tpu.memory_space<vmem>>) target(%dma_start3A_247 : memref<25x128xf32, #tpu.memory_space<vmem_shared>>) target_semaphore(%run_scoped3A : memref<!tpu.dma_semaphore, #tpu.memory_space<semaphore_mem>>)
      %dma_wait3A_248 = arith.constant 0 : i32
      %dma_wait3A_249 = tpu.memref_slice %arg13[%mul3A_26, %dma_wait3A_248] : memref<10000x128xf32, #tpu.memory_space<vmem_shared>> -> memref<25x128xf32, #tpu.memory_space<vmem_shared>>
      %dma_wait3A_250 = arith.constant 0 : i32
      %dma_wait3A_251 = tpu.memref_slice %arg13[%mul3A_26, %dma_wait3A_250] : memref<10000x128xf32, #tpu.memory_space<vmem_shared>> -> memref<25x128xf32, #tpu.memory_space<vmem_shared>>
      tpu.wait_dma2 semaphore(%run_scoped3A : memref<!tpu.dma_semaphore, #tpu.memory_space<semaphore_mem>>) src(%arg12 : memref<25x128xf32, #tpu.memory_space<vmem>>) dst(%dma_wait3A_251 : memref<25x128xf32, #tpu.memory_space<vmem_shared>>)
      tpu.yield
    }) : () -> ()
    %mul3A_27 = arith.constant 25 : i32
    %mul3A_28 = arith.muli %arg1, %mul3A_27 : i32
    %add3A_29 = arith.constant 4 : i32
    %add3A_30 = arith.addi %mul3A_28, %add3A_29 : i32
    %mul3A_31 = arith.constant 25 : i32
    %mul3A_32 = arith.muli %add3A_30, %mul3A_31 : i32
    "tpu.region"() ({
      %run_scoped3A = tpu.sem_alloc : memref<!tpu.dma_semaphore, #tpu.memory_space<semaphore_mem>>
      %dma_start3A_244 = arith.constant 0 : i32
      %dma_start3A_245 = tpu.memref_slice %arg13[%mul3A_32, %dma_start3A_244] : memref<10000x128xf32, #tpu.memory_space<vmem_shared>> -> memref<25x128xf32, #tpu.memory_space<vmem_shared>>
      %dma_start3A_246 = arith.constant 0 : i32
      %dma_start3A_247 = tpu.memref_slice %arg13[%mul3A_32, %dma_start3A_246] : memref<10000x128xf32, #tpu.memory_space<vmem_shared>> -> memref<25x128xf32, #tpu.memory_space<vmem_shared>>
      tpu.enqueue_dma source(%arg12 : memref<25x128xf32, #tpu.memory_space<vmem>>) target(%dma_start3A_247 : memref<25x128xf32, #tpu.memory_space<vmem_shared>>) target_semaphore(%run_scoped3A : memref<!tpu.dma_semaphore, #tpu.memory_space<semaphore_mem>>)
      %dma_wait3A_248 = arith.constant 0 : i32
      %dma_wait3A_249 = tpu.memref_slice %arg13[%mul3A_32, %dma_wait3A_248] : memref<10000x128xf32, #tpu.memory_space<vmem_shared>> -> memref<25x128xf32, #tpu.memory_space<vmem_shared>>
      %dma_wait3A_250 = arith.constant 0 : i32
      %dma_wait3A_251 = tpu.memref_slice %arg13[%mul3A_32, %dma_wait3A_250] : memref<10000x128xf32, #tpu.memory_space<vmem_shared>> -> memref<25x128xf32, #tpu.memory_space<vmem_shared>>
      tpu.wait_dma2 semaphore(%run_scoped3A : memref<!tpu.dma_semaphore, #tpu.memory_space<semaphore_mem>>) src(%arg12 : memref<25x128xf32, #tpu.memory_space<vmem>>) dst(%dma_wait3A_251 : memref<25x128xf32, #tpu.memory_space<vmem_shared>>)
      tpu.yield
    }) : () -> ()
    %mul3A_33 = arith.constant 25 : i32
    %mul3A_34 = arith.muli %arg1, %mul3A_33 : i32
    %add3A_35 = arith.constant 5 : i32
    %add3A_36 = arith.addi %mul3A_34, %add3A_35 : i32
    %mul3A_37 = arith.constant 25 : i32
    %mul3A_38 = arith.muli %add3A_36, %mul3A_37 : i32
    "tpu.region"() ({
      %run_scoped3A = tpu.sem_alloc : memref<!tpu.dma_semaphore, #tpu.memory_space<semaphore_mem>>
      %dma_start3A_244 = arith.constant 0 : i32
      %dma_start3A_245 = tpu.memref_slice %arg13[%mul3A_38, %dma_start3A_244] : memref<10000x128xf32, #tpu.memory_space<vmem_shared>> -> memref<25x128xf32, #tpu.memory_space<vmem_shared>>
      %dma_start3A_246 = arith.constant 0 : i32
      %dma_start3A_247 = tpu.memref_slice %arg13[%mul3A_38, %dma_start3A_246] : memref<10000x128xf32, #tpu.memory_space<vmem_shared>> -> memref<25x128xf32, #tpu.memory_space<vmem_shared>>
      tpu.enqueue_dma source(%arg12 : memref<25x128xf32, #tpu.memory_space<vmem>>) target(%dma_start3A_247 : memref<25x128xf32, #tpu.memory_space<vmem_shared>>) target_semaphore(%run_scoped3A : memref<!tpu.dma_semaphore, #tpu.memory_space<semaphore_mem>>)
      %dma_wait3A_248 = arith.constant 0 : i32
      %dma_wait3A_249 = tpu.memref_slice %arg13[%mul3A_38, %dma_wait3A_248] : memref<10000x128xf32, #tpu.memory_space<vmem_shared>> -> memref<25x128xf32, #tpu.memory_space<vmem_shared>>
      %dma_wait3A_250 = arith.constant 0 : i32
      %dma_wait3A_251 = tpu.memref_slice %arg13[%mul3A_38, %dma_wait3A_250] : memref<10000x128xf32, #tpu.memory_space<vmem_shared>> -> memref<25x128xf32, #tpu.memory_space<vmem_shared>>
      tpu.wait_dma2 semaphore(%run_scoped3A : memref<!tpu.dma_semaphore, #tpu.memory_space<semaphore_mem>>) src(%arg12 : memref<25x128xf32, #tpu.memory_space<vmem>>) dst(%dma_wait3A_251 : memref<25x128xf32, #tpu.memory_space<vmem_shared>>)
      tpu.yield
    }) : () -> ()
    %mul3A_39 = arith.constant 25 : i32
    %mul3A_40 = arith.muli %arg1, %mul3A_39 : i32
    %add3A_41 = arith.constant 6 : i32
    %add3A_42 = arith.addi %mul3A_40, %add3A_41 : i32
    %mul3A_43 = arith.constant 25 : i32
    %mul3A_44 = arith.muli %add3A_42, %mul3A_43 : i32
    "tpu.region"() ({
      %run_scoped3A = tpu.sem_alloc : memref<!tpu.dma_semaphore, #tpu.memory_space<semaphore_mem>>
      %dma_start3A_244 = arith.constant 0 : i32
      %dma_start3A_245 = tpu.memref_slice %arg13[%mul3A_44, %dma_start3A_244] : memref<10000x128xf32, #tpu.memory_space<vmem_shared>> -> memref<25x128xf32, #tpu.memory_space<vmem_shared>>
      %dma_start3A_246 = arith.constant 0 : i32
      %dma_start3A_247 = tpu.memref_slice %arg13[%mul3A_44, %dma_start3A_246] : memref<10000x128xf32, #tpu.memory_space<vmem_shared>> -> memref<25x128xf32, #tpu.memory_space<vmem_shared>>
      tpu.enqueue_dma source(%arg12 : memref<25x128xf32, #tpu.memory_space<vmem>>) target(%dma_start3A_247 : memref<25x128xf32, #tpu.memory_space<vmem_shared>>) target_semaphore(%run_scoped3A : memref<!tpu.dma_semaphore, #tpu.memory_space<semaphore_mem>>)
      %dma_wait3A_248 = arith.constant 0 : i32
      %dma_wait3A_249 = tpu.memref_slice %arg13[%mul3A_44, %dma_wait3A_248] : memref<10000x128xf32, #tpu.memory_space<vmem_shared>> -> memref<25x128xf32, #tpu.memory_space<vmem_shared>>
      %dma_wait3A_250 = arith.constant 0 : i32
      %dma_wait3A_251 = tpu.memref_slice %arg13[%mul3A_44, %dma_wait3A_250] : memref<10000x128xf32, #tpu.memory_space<vmem_shared>> -> memref<25x128xf32, #tpu.memory_space<vmem_shared>>
      tpu.wait_dma2 semaphore(%run_scoped3A : memref<!tpu.dma_semaphore, #tpu.memory_space<semaphore_mem>>) src(%arg12 : memref<25x128xf32, #tpu.memory_space<vmem>>) dst(%dma_wait3A_251 : memref<25x128xf32, #tpu.memory_space<vmem_shared>>)
      tpu.yield
    }) : () -> ()
    %mul3A_45 = arith.constant 25 : i32
    %mul3A_46 = arith.muli %arg1, %mul3A_45 : i32
    %add3A_47 = arith.constant 7 : i32
    %add3A_48 = arith.addi %mul3A_46, %add3A_47 : i32
    %mul3A_49 = arith.constant 25 : i32
    %mul3A_50 = arith.muli %add3A_48, %mul3A_49 : i32
    "tpu.region"() ({
      %run_scoped3A = tpu.sem_alloc : memref<!tpu.dma_semaphore, #tpu.memory_space<semaphore_mem>>
      %dma_start3A_244 = arith.constant 0 : i32
      %dma_start3A_245 = tpu.memref_slice %arg13[%mul3A_50, %dma_start3A_244] : memref<10000x128xf32, #tpu.memory_space<vmem_shared>> -> memref<25x128xf32, #tpu.memory_space<vmem_shared>>
      %dma_start3A_246 = arith.constant 0 : i32
      %dma_start3A_247 = tpu.memref_slice %arg13[%mul3A_50, %dma_start3A_246] : memref<10000x128xf32, #tpu.memory_space<vmem_shared>> -> memref<25x128xf32, #tpu.memory_space<vmem_shared>>
      tpu.enqueue_dma source(%arg12 : memref<25x128xf32, #tpu.memory_space<vmem>>) target(%dma_start3A_247 : memref<25x128xf32, #tpu.memory_space<vmem_shared>>) target_semaphore(%run_scoped3A : memref<!tpu.dma_semaphore, #tpu.memory_space<semaphore_mem>>)
      %dma_wait3A_248 = arith.constant 0 : i32
      %dma_wait3A_249 = tpu.memref_slice %arg13[%mul3A_50, %dma_wait3A_248] : memref<10000x128xf32, #tpu.memory_space<vmem_shared>> -> memref<25x128xf32, #tpu.memory_space<vmem_shared>>
      %dma_wait3A_250 = arith.constant 0 : i32
      %dma_wait3A_251 = tpu.memref_slice %arg13[%mul3A_50, %dma_wait3A_250] : memref<10000x128xf32, #tpu.memory_space<vmem_shared>> -> memref<25x128xf32, #tpu.memory_space<vmem_shared>>
      tpu.wait_dma2 semaphore(%run_scoped3A : memref<!tpu.dma_semaphore, #tpu.memory_space<semaphore_mem>>) src(%arg12 : memref<25x128xf32, #tpu.memory_space<vmem>>) dst(%dma_wait3A_251 : memref<25x128xf32, #tpu.memory_space<vmem_shared>>)
      tpu.yield
    }) : () -> ()
    %mul3A_51 = arith.constant 25 : i32
    %mul3A_52 = arith.muli %arg1, %mul3A_51 : i32
    %add3A_53 = arith.constant 8 : i32
    %add3A_54 = arith.addi %mul3A_52, %add3A_53 : i32
    %mul3A_55 = arith.constant 25 : i32
    %mul3A_56 = arith.muli %add3A_54, %mul3A_55 : i32
    "tpu.region"() ({
      %run_scoped3A = tpu.sem_alloc : memref<!tpu.dma_semaphore, #tpu.memory_space<semaphore_mem>>
      %dma_start3A_244 = arith.constant 0 : i32
      %dma_start3A_245 = tpu.memref_slice %arg13[%mul3A_56, %dma_start3A_244] : memref<10000x128xf32, #tpu.memory_space<vmem_shared>> -> memref<25x128xf32, #tpu.memory_space<vmem_shared>>
      %dma_start3A_246 = arith.constant 0 : i32
      %dma_start3A_247 = tpu.memref_slice %arg13[%mul3A_56, %dma_start3A_246] : memref<10000x128xf32, #tpu.memory_space<vmem_shared>> -> memref<25x128xf32, #tpu.memory_space<vmem_shared>>
      tpu.enqueue_dma source(%arg12 : memref<25x128xf32, #tpu.memory_space<vmem>>) target(%dma_start3A_247 : memref<25x128xf32, #tpu.memory_space<vmem_shared>>) target_semaphore(%run_scoped3A : memref<!tpu.dma_semaphore, #tpu.memory_space<semaphore_mem>>)
      %dma_wait3A_248 = arith.constant 0 : i32
      %dma_wait3A_249 = tpu.memref_slice %arg13[%mul3A_56, %dma_wait3A_248] : memref<10000x128xf32, #tpu.memory_space<vmem_shared>> -> memref<25x128xf32, #tpu.memory_space<vmem_shared>>
      %dma_wait3A_250 = arith.constant 0 : i32
      %dma_wait3A_251 = tpu.memref_slice %arg13[%mul3A_56, %dma_wait3A_250] : memref<10000x128xf32, #tpu.memory_space<vmem_shared>> -> memref<25x128xf32, #tpu.memory_space<vmem_shared>>
      tpu.wait_dma2 semaphore(%run_scoped3A : memref<!tpu.dma_semaphore, #tpu.memory_space<semaphore_mem>>) src(%arg12 : memref<25x128xf32, #tpu.memory_space<vmem>>) dst(%dma_wait3A_251 : memref<25x128xf32, #tpu.memory_space<vmem_shared>>)
      tpu.yield
    }) : () -> ()
    %mul3A_57 = arith.constant 25 : i32
    %mul3A_58 = arith.muli %arg1, %mul3A_57 : i32
    %add3A_59 = arith.constant 9 : i32
    %add3A_60 = arith.addi %mul3A_58, %add3A_59 : i32
    %mul3A_61 = arith.constant 25 : i32
    %mul3A_62 = arith.muli %add3A_60, %mul3A_61 : i32
    "tpu.region"() ({
      %run_scoped3A = tpu.sem_alloc : memref<!tpu.dma_semaphore, #tpu.memory_space<semaphore_mem>>
      %dma_start3A_244 = arith.constant 0 : i32
      %dma_start3A_245 = tpu.memref_slice %arg13[%mul3A_62, %dma_start3A_244] : memref<10000x128xf32, #tpu.memory_space<vmem_shared>> -> memref<25x128xf32, #tpu.memory_space<vmem_shared>>
      %dma_start3A_246 = arith.constant 0 : i32
      %dma_start3A_247 = tpu.memref_slice %arg13[%mul3A_62, %dma_start3A_246] : memref<10000x128xf32, #tpu.memory_space<vmem_shared>> -> memref<25x128xf32, #tpu.memory_space<vmem_shared>>
      tpu.enqueue_dma source(%arg12 : memref<25x128xf32, #tpu.memory_space<vmem>>) target(%dma_start3A_247 : memref<25x128xf32, #tpu.memory_space<vmem_shared>>) target_semaphore(%run_scoped3A : memref<!tpu.dma_semaphore, #tpu.memory_space<semaphore_mem>>)
      %dma_wait3A_248 = arith.constant 0 : i32
      %dma_wait3A_249 = tpu.memref_slice %arg13[%mul3A_62, %dma_wait3A_248] : memref<10000x128xf32, #tpu.memory_space<vmem_shared>> -> memref<25x128xf32, #tpu.memory_space<vmem_shared>>
      %dma_wait3A_250 = arith.constant 0 : i32
      %dma_wait3A_251 = tpu.memref_slice %arg13[%mul3A_62, %dma_wait3A_250] : memref<10000x128xf32, #tpu.memory_space<vmem_shared>> -> memref<25x128xf32, #tpu.memory_space<vmem_shared>>
      tpu.wait_dma2 semaphore(%run_scoped3A : memref<!tpu.dma_semaphore, #tpu.memory_space<semaphore_mem>>) src(%arg12 : memref<25x128xf32, #tpu.memory_space<vmem>>) dst(%dma_wait3A_251 : memref<25x128xf32, #tpu.memory_space<vmem_shared>>)
      tpu.yield
    }) : () -> ()
    %mul3A_63 = arith.constant 25 : i32
    %mul3A_64 = arith.muli %arg1, %mul3A_63 : i32
    %add3A_65 = arith.constant 10 : i32
    %add3A_66 = arith.addi %mul3A_64, %add3A_65 : i32
    %mul3A_67 = arith.constant 25 : i32
    %mul3A_68 = arith.muli %add3A_66, %mul3A_67 : i32
    "tpu.region"() ({
      %run_scoped3A = tpu.sem_alloc : memref<!tpu.dma_semaphore, #tpu.memory_space<semaphore_mem>>
      %dma_start3A_244 = arith.constant 0 : i32
      %dma_start3A_245 = tpu.memref_slice %arg13[%mul3A_68, %dma_start3A_244] : memref<10000x128xf32, #tpu.memory_space<vmem_shared>> -> memref<25x128xf32, #tpu.memory_space<vmem_shared>>
      %dma_start3A_246 = arith.constant 0 : i32
      %dma_start3A_247 = tpu.memref_slice %arg13[%mul3A_68, %dma_start3A_246] : memref<10000x128xf32, #tpu.memory_space<vmem_shared>> -> memref<25x128xf32, #tpu.memory_space<vmem_shared>>
      tpu.enqueue_dma source(%arg12 : memref<25x128xf32, #tpu.memory_space<vmem>>) target(%dma_start3A_247 : memref<25x128xf32, #tpu.memory_space<vmem_shared>>) target_semaphore(%run_scoped3A : memref<!tpu.dma_semaphore, #tpu.memory_space<semaphore_mem>>)
      %dma_wait3A_248 = arith.constant 0 : i32
      %dma_wait3A_249 = tpu.memref_slice %arg13[%mul3A_68, %dma_wait3A_248] : memref<10000x128xf32, #tpu.memory_space<vmem_shared>> -> memref<25x128xf32, #tpu.memory_space<vmem_shared>>
      %dma_wait3A_250 = arith.constant 0 : i32
      %dma_wait3A_251 = tpu.memref_slice %arg13[%mul3A_68, %dma_wait3A_250] : memref<10000x128xf32, #tpu.memory_space<vmem_shared>> -> memref<25x128xf32, #tpu.memory_space<vmem_shared>>
      tpu.wait_dma2 semaphore(%run_scoped3A : memref<!tpu.dma_semaphore, #tpu.memory_space<semaphore_mem>>) src(%arg12 : memref<25x128xf32, #tpu.memory_space<vmem>>) dst(%dma_wait3A_251 : memref<25x128xf32, #tpu.memory_space<vmem_shared>>)
      tpu.yield
    }) : () -> ()
    %mul3A_69 = arith.constant 25 : i32
    %mul3A_70 = arith.muli %arg1, %mul3A_69 : i32
    %add3A_71 = arith.constant 11 : i32
    %add3A_72 = arith.addi %mul3A_70, %add3A_71 : i32
    %mul3A_73 = arith.constant 25 : i32
    %mul3A_74 = arith.muli %add3A_72, %mul3A_73 : i32
    "tpu.region"() ({
      %run_scoped3A = tpu.sem_alloc : memref<!tpu.dma_semaphore, #tpu.memory_space<semaphore_mem>>
      %dma_start3A_244 = arith.constant 0 : i32
      %dma_start3A_245 = tpu.memref_slice %arg13[%mul3A_74, %dma_start3A_244] : memref<10000x128xf32, #tpu.memory_space<vmem_shared>> -> memref<25x128xf32, #tpu.memory_space<vmem_shared>>
      %dma_start3A_246 = arith.constant 0 : i32
      %dma_start3A_247 = tpu.memref_slice %arg13[%mul3A_74, %dma_start3A_246] : memref<10000x128xf32, #tpu.memory_space<vmem_shared>> -> memref<25x128xf32, #tpu.memory_space<vmem_shared>>
      tpu.enqueue_dma source(%arg12 : memref<25x128xf32, #tpu.memory_space<vmem>>) target(%dma_start3A_247 : memref<25x128xf32, #tpu.memory_space<vmem_shared>>) target_semaphore(%run_scoped3A : memref<!tpu.dma_semaphore, #tpu.memory_space<semaphore_mem>>)
      %dma_wait3A_248 = arith.constant 0 : i32
      %dma_wait3A_249 = tpu.memref_slice %arg13[%mul3A_74, %dma_wait3A_248] : memref<10000x128xf32, #tpu.memory_space<vmem_shared>> -> memref<25x128xf32, #tpu.memory_space<vmem_shared>>
      %dma_wait3A_250 = arith.constant 0 : i32
      %dma_wait3A_251 = tpu.memref_slice %arg13[%mul3A_74, %dma_wait3A_250] : memref<10000x128xf32, #tpu.memory_space<vmem_shared>> -> memref<25x128xf32, #tpu.memory_space<vmem_shared>>
      tpu.wait_dma2 semaphore(%run_scoped3A : memref<!tpu.dma_semaphore, #tpu.memory_space<semaphore_mem>>) src(%arg12 : memref<25x128xf32, #tpu.memory_space<vmem>>) dst(%dma_wait3A_251 : memref<25x128xf32, #tpu.memory_space<vmem_shared>>)
      tpu.yield
    }) : () -> ()
    %mul3A_75 = arith.constant 25 : i32
    %mul3A_76 = arith.muli %arg1, %mul3A_75 : i32
    %add3A_77 = arith.constant 12 : i32
    %add3A_78 = arith.addi %mul3A_76, %add3A_77 : i32
    %mul3A_79 = arith.constant 25 : i32
    %mul3A_80 = arith.muli %add3A_78, %mul3A_79 : i32
    "tpu.region"() ({
      %run_scoped3A = tpu.sem_alloc : memref<!tpu.dma_semaphore, #tpu.memory_space<semaphore_mem>>
      %dma_start3A_244 = arith.constant 0 : i32
      %dma_start3A_245 = tpu.memref_slice %arg13[%mul3A_80, %dma_start3A_244] : memref<10000x128xf32, #tpu.memory_space<vmem_shared>> -> memref<25x128xf32, #tpu.memory_space<vmem_shared>>
      %dma_start3A_246 = arith.constant 0 : i32
      %dma_start3A_247 = tpu.memref_slice %arg13[%mul3A_80, %dma_start3A_246] : memref<10000x128xf32, #tpu.memory_space<vmem_shared>> -> memref<25x128xf32, #tpu.memory_space<vmem_shared>>
      tpu.enqueue_dma source(%arg12 : memref<25x128xf32, #tpu.memory_space<vmem>>) target(%dma_start3A_247 : memref<25x128xf32, #tpu.memory_space<vmem_shared>>) target_semaphore(%run_scoped3A : memref<!tpu.dma_semaphore, #tpu.memory_space<semaphore_mem>>)
      %dma_wait3A_248 = arith.constant 0 : i32
      %dma_wait3A_249 = tpu.memref_slice %arg13[%mul3A_80, %dma_wait3A_248] : memref<10000x128xf32, #tpu.memory_space<vmem_shared>> -> memref<25x128xf32, #tpu.memory_space<vmem_shared>>
      %dma_wait3A_250 = arith.constant 0 : i32
      %dma_wait3A_251 = tpu.memref_slice %arg13[%mul3A_80, %dma_wait3A_250] : memref<10000x128xf32, #tpu.memory_space<vmem_shared>> -> memref<25x128xf32, #tpu.memory_space<vmem_shared>>
      tpu.wait_dma2 semaphore(%run_scoped3A : memref<!tpu.dma_semaphore, #tpu.memory_space<semaphore_mem>>) src(%arg12 : memref<25x128xf32, #tpu.memory_space<vmem>>) dst(%dma_wait3A_251 : memref<25x128xf32, #tpu.memory_space<vmem_shared>>)
      tpu.yield
    }) : () -> ()
    %mul3A_81 = arith.constant 25 : i32
    %mul3A_82 = arith.muli %arg1, %mul3A_81 : i32
    %add3A_83 = arith.constant 13 : i32
    %add3A_84 = arith.addi %mul3A_82, %add3A_83 : i32
    %mul3A_85 = arith.constant 25 : i32
    %mul3A_86 = arith.muli %add3A_84, %mul3A_85 : i32
    "tpu.region"() ({
      %run_scoped3A = tpu.sem_alloc : memref<!tpu.dma_semaphore, #tpu.memory_space<semaphore_mem>>
      %dma_start3A_244 = arith.constant 0 : i32
      %dma_start3A_245 = tpu.memref_slice %arg13[%mul3A_86, %dma_start3A_244] : memref<10000x128xf32, #tpu.memory_space<vmem_shared>> -> memref<25x128xf32, #tpu.memory_space<vmem_shared>>
      %dma_start3A_246 = arith.constant 0 : i32
      %dma_start3A_247 = tpu.memref_slice %arg13[%mul3A_86, %dma_start3A_246] : memref<10000x128xf32, #tpu.memory_space<vmem_shared>> -> memref<25x128xf32, #tpu.memory_space<vmem_shared>>
      tpu.enqueue_dma source(%arg12 : memref<25x128xf32, #tpu.memory_space<vmem>>) target(%dma_start3A_247 : memref<25x128xf32, #tpu.memory_space<vmem_shared>>) target_semaphore(%run_scoped3A : memref<!tpu.dma_semaphore, #tpu.memory_space<semaphore_mem>>)
      %dma_wait3A_248 = arith.constant 0 : i32
      %dma_wait3A_249 = tpu.memref_slice %arg13[%mul3A_86, %dma_wait3A_248] : memref<10000x128xf32, #tpu.memory_space<vmem_shared>> -> memref<25x128xf32, #tpu.memory_space<vmem_shared>>
      %dma_wait3A_250 = arith.constant 0 : i32
      %dma_wait3A_251 = tpu.memref_slice %arg13[%mul3A_86, %dma_wait3A_250] : memref<10000x128xf32, #tpu.memory_space<vmem_shared>> -> memref<25x128xf32, #tpu.memory_space<vmem_shared>>
      tpu.wait_dma2 semaphore(%run_scoped3A : memref<!tpu.dma_semaphore, #tpu.memory_space<semaphore_mem>>) src(%arg12 : memref<25x128xf32, #tpu.memory_space<vmem>>) dst(%dma_wait3A_251 : memref<25x128xf32, #tpu.memory_space<vmem_shared>>)
      tpu.yield
    }) : () -> ()
    %mul3A_87 = arith.constant 25 : i32
    %mul3A_88 = arith.muli %arg1, %mul3A_87 : i32
    %add3A_89 = arith.constant 14 : i32
    %add3A_90 = arith.addi %mul3A_88, %add3A_89 : i32
    %mul3A_91 = arith.constant 25 : i32
    %mul3A_92 = arith.muli %add3A_90, %mul3A_91 : i32
    "tpu.region"() ({
      %run_scoped3A = tpu.sem_alloc : memref<!tpu.dma_semaphore, #tpu.memory_space<semaphore_mem>>
      %dma_start3A_244 = arith.constant 0 : i32
      %dma_start3A_245 = tpu.memref_slice %arg13[%mul3A_92, %dma_start3A_244] : memref<10000x128xf32, #tpu.memory_space<vmem_shared>> -> memref<25x128xf32, #tpu.memory_space<vmem_shared>>
      %dma_start3A_246 = arith.constant 0 : i32
      %dma_start3A_247 = tpu.memref_slice %arg13[%mul3A_92, %dma_start3A_246] : memref<10000x128xf32, #tpu.memory_space<vmem_shared>> -> memref<25x128xf32, #tpu.memory_space<vmem_shared>>
      tpu.enqueue_dma source(%arg12 : memref<25x128xf32, #tpu.memory_space<vmem>>) target(%dma_start3A_247 : memref<25x128xf32, #tpu.memory_space<vmem_shared>>) target_semaphore(%run_scoped3A : memref<!tpu.dma_semaphore, #tpu.memory_space<semaphore_mem>>)
      %dma_wait3A_248 = arith.constant 0 : i32
      %dma_wait3A_249 = tpu.memref_slice %arg13[%mul3A_92, %dma_wait3A_248] : memref<10000x128xf32, #tpu.memory_space<vmem_shared>> -> memref<25x128xf32, #tpu.memory_space<vmem_shared>>
      %dma_wait3A_250 = arith.constant 0 : i32
      %dma_wait3A_251 = tpu.memref_slice %arg13[%mul3A_92, %dma_wait3A_250] : memref<10000x128xf32, #tpu.memory_space<vmem_shared>> -> memref<25x128xf32, #tpu.memory_space<vmem_shared>>
      tpu.wait_dma2 semaphore(%run_scoped3A : memref<!tpu.dma_semaphore, #tpu.memory_space<semaphore_mem>>) src(%arg12 : memref<25x128xf32, #tpu.memory_space<vmem>>) dst(%dma_wait3A_251 : memref<25x128xf32, #tpu.memory_space<vmem_shared>>)
      tpu.yield
    }) : () -> ()
    %mul3A_93 = arith.constant 25 : i32
    %mul3A_94 = arith.muli %arg1, %mul3A_93 : i32
    %add3A_95 = arith.constant 15 : i32
    %add3A_96 = arith.addi %mul3A_94, %add3A_95 : i32
    %mul3A_97 = arith.constant 25 : i32
    %mul3A_98 = arith.muli %add3A_96, %mul3A_97 : i32
    "tpu.region"() ({
      %run_scoped3A = tpu.sem_alloc : memref<!tpu.dma_semaphore, #tpu.memory_space<semaphore_mem>>
      %dma_start3A_244 = arith.constant 0 : i32
      %dma_start3A_245 = tpu.memref_slice %arg13[%mul3A_98, %dma_start3A_244] : memref<10000x128xf32, #tpu.memory_space<vmem_shared>> -> memref<25x128xf32, #tpu.memory_space<vmem_shared>>
      %dma_start3A_246 = arith.constant 0 : i32
      %dma_start3A_247 = tpu.memref_slice %arg13[%mul3A_98, %dma_start3A_246] : memref<10000x128xf32, #tpu.memory_space<vmem_shared>> -> memref<25x128xf32, #tpu.memory_space<vmem_shared>>
      tpu.enqueue_dma source(%arg12 : memref<25x128xf32, #tpu.memory_space<vmem>>) target(%dma_start3A_247 : memref<25x128xf32, #tpu.memory_space<vmem_shared>>) target_semaphore(%run_scoped3A : memref<!tpu.dma_semaphore, #tpu.memory_space<semaphore_mem>>)
      %dma_wait3A_248 = arith.constant 0 : i32
      %dma_wait3A_249 = tpu.memref_slice %arg13[%mul3A_98, %dma_wait3A_248] : memref<10000x128xf32, #tpu.memory_space<vmem_shared>> -> memref<25x128xf32, #tpu.memory_space<vmem_shared>>
      %dma_wait3A_250 = arith.constant 0 : i32
      %dma_wait3A_251 = tpu.memref_slice %arg13[%mul3A_98, %dma_wait3A_250] : memref<10000x128xf32, #tpu.memory_space<vmem_shared>> -> memref<25x128xf32, #tpu.memory_space<vmem_shared>>
      tpu.wait_dma2 semaphore(%run_scoped3A : memref<!tpu.dma_semaphore, #tpu.memory_space<semaphore_mem>>) src(%arg12 : memref<25x128xf32, #tpu.memory_space<vmem>>) dst(%dma_wait3A_251 : memref<25x128xf32, #tpu.memory_space<vmem_shared>>)
      tpu.yield
    }) : () -> ()
    %mul3A_99 = arith.constant 25 : i32
    %mul3A_100 = arith.muli %arg1, %mul3A_99 : i32
    %add3A_101 = arith.constant 16 : i32
    %add3A_102 = arith.addi %mul3A_100, %add3A_101 : i32
    %mul3A_103 = arith.constant 25 : i32
    %mul3A_104 = arith.muli %add3A_102, %mul3A_103 : i32
    "tpu.region"() ({
      %run_scoped3A = tpu.sem_alloc : memref<!tpu.dma_semaphore, #tpu.memory_space<semaphore_mem>>
      %dma_start3A_244 = arith.constant 0 : i32
      %dma_start3A_245 = tpu.memref_slice %arg13[%mul3A_104, %dma_start3A_244] : memref<10000x128xf32, #tpu.memory_space<vmem_shared>> -> memref<25x128xf32, #tpu.memory_space<vmem_shared>>
      %dma_start3A_246 = arith.constant 0 : i32
      %dma_start3A_247 = tpu.memref_slice %arg13[%mul3A_104, %dma_start3A_246] : memref<10000x128xf32, #tpu.memory_space<vmem_shared>> -> memref<25x128xf32, #tpu.memory_space<vmem_shared>>
      tpu.enqueue_dma source(%arg12 : memref<25x128xf32, #tpu.memory_space<vmem>>) target(%dma_start3A_247 : memref<25x128xf32, #tpu.memory_space<vmem_shared>>) target_semaphore(%run_scoped3A : memref<!tpu.dma_semaphore, #tpu.memory_space<semaphore_mem>>)
      %dma_wait3A_248 = arith.constant 0 : i32
      %dma_wait3A_249 = tpu.memref_slice %arg13[%mul3A_104, %dma_wait3A_248] : memref<10000x128xf32, #tpu.memory_space<vmem_shared>> -> memref<25x128xf32, #tpu.memory_space<vmem_shared>>
      %dma_wait3A_250 = arith.constant 0 : i32
      %dma_wait3A_251 = tpu.memref_slice %arg13[%mul3A_104, %dma_wait3A_250] : memref<10000x128xf32, #tpu.memory_space<vmem_shared>> -> memref<25x128xf32, #tpu.memory_space<vmem_shared>>
      tpu.wait_dma2 semaphore(%run_scoped3A : memref<!tpu.dma_semaphore, #tpu.memory_space<semaphore_mem>>) src(%arg12 : memref<25x128xf32, #tpu.memory_space<vmem>>) dst(%dma_wait3A_251 : memref<25x128xf32, #tpu.memory_space<vmem_shared>>)
      tpu.yield
    }) : () -> ()
    %mul3A_105 = arith.constant 25 : i32
    %mul3A_106 = arith.muli %arg1, %mul3A_105 : i32
    %add3A_107 = arith.constant 17 : i32
    %add3A_108 = arith.addi %mul3A_106, %add3A_107 : i32
    %mul3A_109 = arith.constant 25 : i32
    %mul3A_110 = arith.muli %add3A_108, %mul3A_109 : i32
    "tpu.region"() ({
      %run_scoped3A = tpu.sem_alloc : memref<!tpu.dma_semaphore, #tpu.memory_space<semaphore_mem>>
      %dma_start3A_244 = arith.constant 0 : i32
      %dma_start3A_245 = tpu.memref_slice %arg13[%mul3A_110, %dma_start3A_244] : memref<10000x128xf32, #tpu.memory_space<vmem_shared>> -> memref<25x128xf32, #tpu.memory_space<vmem_shared>>
      %dma_start3A_246 = arith.constant 0 : i32
      %dma_start3A_247 = tpu.memref_slice %arg13[%mul3A_110, %dma_start3A_246] : memref<10000x128xf32, #tpu.memory_space<vmem_shared>> -> memref<25x128xf32, #tpu.memory_space<vmem_shared>>
      tpu.enqueue_dma source(%arg12 : memref<25x128xf32, #tpu.memory_space<vmem>>) target(%dma_start3A_247 : memref<25x128xf32, #tpu.memory_space<vmem_shared>>) target_semaphore(%run_scoped3A : memref<!tpu.dma_semaphore, #tpu.memory_space<semaphore_mem>>)
      %dma_wait3A_248 = arith.constant 0 : i32
      %dma_wait3A_249 = tpu.memref_slice %arg13[%mul3A_110, %dma_wait3A_248] : memref<10000x128xf32, #tpu.memory_space<vmem_shared>> -> memref<25x128xf32, #tpu.memory_space<vmem_shared>>
      %dma_wait3A_250 = arith.constant 0 : i32
      %dma_wait3A_251 = tpu.memref_slice %arg13[%mul3A_110, %dma_wait3A_250] : memref<10000x128xf32, #tpu.memory_space<vmem_shared>> -> memref<25x128xf32, #tpu.memory_space<vmem_shared>>
      tpu.wait_dma2 semaphore(%run_scoped3A : memref<!tpu.dma_semaphore, #tpu.memory_space<semaphore_mem>>) src(%arg12 : memref<25x128xf32, #tpu.memory_space<vmem>>) dst(%dma_wait3A_251 : memref<25x128xf32, #tpu.memory_space<vmem_shared>>)
      tpu.yield
    }) : () -> ()
    %mul3A_111 = arith.constant 25 : i32
    %mul3A_112 = arith.muli %arg1, %mul3A_111 : i32
    %add3A_113 = arith.constant 18 : i32
    %add3A_114 = arith.addi %mul3A_112, %add3A_113 : i32
    %mul3A_115 = arith.constant 25 : i32
    %mul3A_116 = arith.muli %add3A_114, %mul3A_115 : i32
    "tpu.region"() ({
      %run_scoped3A = tpu.sem_alloc : memref<!tpu.dma_semaphore, #tpu.memory_space<semaphore_mem>>
      %dma_start3A_244 = arith.constant 0 : i32
      %dma_start3A_245 = tpu.memref_slice %arg13[%mul3A_116, %dma_start3A_244] : memref<10000x128xf32, #tpu.memory_space<vmem_shared>> -> memref<25x128xf32, #tpu.memory_space<vmem_shared>>
      %dma_start3A_246 = arith.constant 0 : i32
      %dma_start3A_247 = tpu.memref_slice %arg13[%mul3A_116, %dma_start3A_246] : memref<10000x128xf32, #tpu.memory_space<vmem_shared>> -> memref<25x128xf32, #tpu.memory_space<vmem_shared>>
      tpu.enqueue_dma source(%arg12 : memref<25x128xf32, #tpu.memory_space<vmem>>) target(%dma_start3A_247 : memref<25x128xf32, #tpu.memory_space<vmem_shared>>) target_semaphore(%run_scoped3A : memref<!tpu.dma_semaphore, #tpu.memory_space<semaphore_mem>>)
      %dma_wait3A_248 = arith.constant 0 : i32
      %dma_wait3A_249 = tpu.memref_slice %arg13[%mul3A_116, %dma_wait3A_248] : memref<10000x128xf32, #tpu.memory_space<vmem_shared>> -> memref<25x128xf32, #tpu.memory_space<vmem_shared>>
      %dma_wait3A_250 = arith.constant 0 : i32
      %dma_wait3A_251 = tpu.memref_slice %arg13[%mul3A_116, %dma_wait3A_250] : memref<10000x128xf32, #tpu.memory_space<vmem_shared>> -> memref<25x128xf32, #tpu.memory_space<vmem_shared>>
      tpu.wait_dma2 semaphore(%run_scoped3A : memref<!tpu.dma_semaphore, #tpu.memory_space<semaphore_mem>>) src(%arg12 : memref<25x128xf32, #tpu.memory_space<vmem>>) dst(%dma_wait3A_251 : memref<25x128xf32, #tpu.memory_space<vmem_shared>>)
      tpu.yield
    }) : () -> ()
    %mul3A_117 = arith.constant 25 : i32
    %mul3A_118 = arith.muli %arg1, %mul3A_117 : i32
    %add3A_119 = arith.constant 19 : i32
    %add3A_120 = arith.addi %mul3A_118, %add3A_119 : i32
    %mul3A_121 = arith.constant 25 : i32
    %mul3A_122 = arith.muli %add3A_120, %mul3A_121 : i32
    "tpu.region"() ({
      %run_scoped3A = tpu.sem_alloc : memref<!tpu.dma_semaphore, #tpu.memory_space<semaphore_mem>>
      %dma_start3A_244 = arith.constant 0 : i32
      %dma_start3A_245 = tpu.memref_slice %arg13[%mul3A_122, %dma_start3A_244] : memref<10000x128xf32, #tpu.memory_space<vmem_shared>> -> memref<25x128xf32, #tpu.memory_space<vmem_shared>>
      %dma_start3A_246 = arith.constant 0 : i32
      %dma_start3A_247 = tpu.memref_slice %arg13[%mul3A_122, %dma_start3A_246] : memref<10000x128xf32, #tpu.memory_space<vmem_shared>> -> memref<25x128xf32, #tpu.memory_space<vmem_shared>>
      tpu.enqueue_dma source(%arg12 : memref<25x128xf32, #tpu.memory_space<vmem>>) target(%dma_start3A_247 : memref<25x128xf32, #tpu.memory_space<vmem_shared>>) target_semaphore(%run_scoped3A : memref<!tpu.dma_semaphore, #tpu.memory_space<semaphore_mem>>)
      %dma_wait3A_248 = arith.constant 0 : i32
      %dma_wait3A_249 = tpu.memref_slice %arg13[%mul3A_122, %dma_wait3A_248] : memref<10000x128xf32, #tpu.memory_space<vmem_shared>> -> memref<25x128xf32, #tpu.memory_space<vmem_shared>>
      %dma_wait3A_250 = arith.constant 0 : i32
      %dma_wait3A_251 = tpu.memref_slice %arg13[%mul3A_122, %dma_wait3A_250] : memref<10000x128xf32, #tpu.memory_space<vmem_shared>> -> memref<25x128xf32, #tpu.memory_space<vmem_shared>>
      tpu.wait_dma2 semaphore(%run_scoped3A : memref<!tpu.dma_semaphore, #tpu.memory_space<semaphore_mem>>) src(%arg12 : memref<25x128xf32, #tpu.memory_space<vmem>>) dst(%dma_wait3A_251 : memref<25x128xf32, #tpu.memory_space<vmem_shared>>)
      tpu.yield
    }) : () -> ()
    %mul3A_123 = arith.constant 25 : i32
    %mul3A_124 = arith.muli %arg1, %mul3A_123 : i32
    %add3A_125 = arith.constant 20 : i32
    %add3A_126 = arith.addi %mul3A_124, %add3A_125 : i32
    %mul3A_127 = arith.constant 25 : i32
    %mul3A_128 = arith.muli %add3A_126, %mul3A_127 : i32
    "tpu.region"() ({
      %run_scoped3A = tpu.sem_alloc : memref<!tpu.dma_semaphore, #tpu.memory_space<semaphore_mem>>
      %dma_start3A_244 = arith.constant 0 : i32
      %dma_start3A_245 = tpu.memref_slice %arg13[%mul3A_128, %dma_start3A_244] : memref<10000x128xf32, #tpu.memory_space<vmem_shared>> -> memref<25x128xf32, #tpu.memory_space<vmem_shared>>
      %dma_start3A_246 = arith.constant 0 : i32
      %dma_start3A_247 = tpu.memref_slice %arg13[%mul3A_128, %dma_start3A_246] : memref<10000x128xf32, #tpu.memory_space<vmem_shared>> -> memref<25x128xf32, #tpu.memory_space<vmem_shared>>
      tpu.enqueue_dma source(%arg12 : memref<25x128xf32, #tpu.memory_space<vmem>>) target(%dma_start3A_247 : memref<25x128xf32, #tpu.memory_space<vmem_shared>>) target_semaphore(%run_scoped3A : memref<!tpu.dma_semaphore, #tpu.memory_space<semaphore_mem>>)
      %dma_wait3A_248 = arith.constant 0 : i32
      %dma_wait3A_249 = tpu.memref_slice %arg13[%mul3A_128, %dma_wait3A_248] : memref<10000x128xf32, #tpu.memory_space<vmem_shared>> -> memref<25x128xf32, #tpu.memory_space<vmem_shared>>
      %dma_wait3A_250 = arith.constant 0 : i32
      %dma_wait3A_251 = tpu.memref_slice %arg13[%mul3A_128, %dma_wait3A_250] : memref<10000x128xf32, #tpu.memory_space<vmem_shared>> -> memref<25x128xf32, #tpu.memory_space<vmem_shared>>
      tpu.wait_dma2 semaphore(%run_scoped3A : memref<!tpu.dma_semaphore, #tpu.memory_space<semaphore_mem>>) src(%arg12 : memref<25x128xf32, #tpu.memory_space<vmem>>) dst(%dma_wait3A_251 : memref<25x128xf32, #tpu.memory_space<vmem_shared>>)
      tpu.yield
    }) : () -> ()
    %mul3A_129 = arith.constant 25 : i32
    %mul3A_130 = arith.muli %arg1, %mul3A_129 : i32
    %add3A_131 = arith.constant 21 : i32
    %add3A_132 = arith.addi %mul3A_130, %add3A_131 : i32
    %mul3A_133 = arith.constant 25 : i32
    %mul3A_134 = arith.muli %add3A_132, %mul3A_133 : i32
    "tpu.region"() ({
      %run_scoped3A = tpu.sem_alloc : memref<!tpu.dma_semaphore, #tpu.memory_space<semaphore_mem>>
      %dma_start3A_244 = arith.constant 0 : i32
      %dma_start3A_245 = tpu.memref_slice %arg13[%mul3A_134, %dma_start3A_244] : memref<10000x128xf32, #tpu.memory_space<vmem_shared>> -> memref<25x128xf32, #tpu.memory_space<vmem_shared>>
      %dma_start3A_246 = arith.constant 0 : i32
      %dma_start3A_247 = tpu.memref_slice %arg13[%mul3A_134, %dma_start3A_246] : memref<10000x128xf32, #tpu.memory_space<vmem_shared>> -> memref<25x128xf32, #tpu.memory_space<vmem_shared>>
      tpu.enqueue_dma source(%arg12 : memref<25x128xf32, #tpu.memory_space<vmem>>) target(%dma_start3A_247 : memref<25x128xf32, #tpu.memory_space<vmem_shared>>) target_semaphore(%run_scoped3A : memref<!tpu.dma_semaphore, #tpu.memory_space<semaphore_mem>>)
      %dma_wait3A_248 = arith.constant 0 : i32
      %dma_wait3A_249 = tpu.memref_slice %arg13[%mul3A_134, %dma_wait3A_248] : memref<10000x128xf32, #tpu.memory_space<vmem_shared>> -> memref<25x128xf32, #tpu.memory_space<vmem_shared>>
      %dma_wait3A_250 = arith.constant 0 : i32
      %dma_wait3A_251 = tpu.memref_slice %arg13[%mul3A_134, %dma_wait3A_250] : memref<10000x128xf32, #tpu.memory_space<vmem_shared>> -> memref<25x128xf32, #tpu.memory_space<vmem_shared>>
      tpu.wait_dma2 semaphore(%run_scoped3A : memref<!tpu.dma_semaphore, #tpu.memory_space<semaphore_mem>>) src(%arg12 : memref<25x128xf32, #tpu.memory_space<vmem>>) dst(%dma_wait3A_251 : memref<25x128xf32, #tpu.memory_space<vmem_shared>>)
      tpu.yield
    }) : () -> ()
    %mul3A_135 = arith.constant 25 : i32
    %mul3A_136 = arith.muli %arg1, %mul3A_135 : i32
    %add3A_137 = arith.constant 22 : i32
    %add3A_138 = arith.addi %mul3A_136, %add3A_137 : i32
    %mul3A_139 = arith.constant 25 : i32
    %mul3A_140 = arith.muli %add3A_138, %mul3A_139 : i32
    "tpu.region"() ({
      %run_scoped3A = tpu.sem_alloc : memref<!tpu.dma_semaphore, #tpu.memory_space<semaphore_mem>>
      %dma_start3A_244 = arith.constant 0 : i32
      %dma_start3A_245 = tpu.memref_slice %arg13[%mul3A_140, %dma_start3A_244] : memref<10000x128xf32, #tpu.memory_space<vmem_shared>> -> memref<25x128xf32, #tpu.memory_space<vmem_shared>>
      %dma_start3A_246 = arith.constant 0 : i32
      %dma_start3A_247 = tpu.memref_slice %arg13[%mul3A_140, %dma_start3A_246] : memref<10000x128xf32, #tpu.memory_space<vmem_shared>> -> memref<25x128xf32, #tpu.memory_space<vmem_shared>>
      tpu.enqueue_dma source(%arg12 : memref<25x128xf32, #tpu.memory_space<vmem>>) target(%dma_start3A_247 : memref<25x128xf32, #tpu.memory_space<vmem_shared>>) target_semaphore(%run_scoped3A : memref<!tpu.dma_semaphore, #tpu.memory_space<semaphore_mem>>)
      %dma_wait3A_248 = arith.constant 0 : i32
      %dma_wait3A_249 = tpu.memref_slice %arg13[%mul3A_140, %dma_wait3A_248] : memref<10000x128xf32, #tpu.memory_space<vmem_shared>> -> memref<25x128xf32, #tpu.memory_space<vmem_shared>>
      %dma_wait3A_250 = arith.constant 0 : i32
      %dma_wait3A_251 = tpu.memref_slice %arg13[%mul3A_140, %dma_wait3A_250] : memref<10000x128xf32, #tpu.memory_space<vmem_shared>> -> memref<25x128xf32, #tpu.memory_space<vmem_shared>>
      tpu.wait_dma2 semaphore(%run_scoped3A : memref<!tpu.dma_semaphore, #tpu.memory_space<semaphore_mem>>) src(%arg12 : memref<25x128xf32, #tpu.memory_space<vmem>>) dst(%dma_wait3A_251 : memref<25x128xf32, #tpu.memory_space<vmem_shared>>)
      tpu.yield
    }) : () -> ()
    %mul3A_141 = arith.constant 25 : i32
    %mul3A_142 = arith.muli %arg1, %mul3A_141 : i32
    %add3A_143 = arith.constant 23 : i32
    %add3A_144 = arith.addi %mul3A_142, %add3A_143 : i32
    %mul3A_145 = arith.constant 25 : i32
    %mul3A_146 = arith.muli %add3A_144, %mul3A_145 : i32
    "tpu.region"() ({
      %run_scoped3A = tpu.sem_alloc : memref<!tpu.dma_semaphore, #tpu.memory_space<semaphore_mem>>
      %dma_start3A_244 = arith.constant 0 : i32
      %dma_start3A_245 = tpu.memref_slice %arg13[%mul3A_146, %dma_start3A_244] : memref<10000x128xf32, #tpu.memory_space<vmem_shared>> -> memref<25x128xf32, #tpu.memory_space<vmem_shared>>
      %dma_start3A_246 = arith.constant 0 : i32
      %dma_start3A_247 = tpu.memref_slice %arg13[%mul3A_146, %dma_start3A_246] : memref<10000x128xf32, #tpu.memory_space<vmem_shared>> -> memref<25x128xf32, #tpu.memory_space<vmem_shared>>
      tpu.enqueue_dma source(%arg12 : memref<25x128xf32, #tpu.memory_space<vmem>>) target(%dma_start3A_247 : memref<25x128xf32, #tpu.memory_space<vmem_shared>>) target_semaphore(%run_scoped3A : memref<!tpu.dma_semaphore, #tpu.memory_space<semaphore_mem>>)
      %dma_wait3A_248 = arith.constant 0 : i32
      %dma_wait3A_249 = tpu.memref_slice %arg13[%mul3A_146, %dma_wait3A_248] : memref<10000x128xf32, #tpu.memory_space<vmem_shared>> -> memref<25x128xf32, #tpu.memory_space<vmem_shared>>
      %dma_wait3A_250 = arith.constant 0 : i32
      %dma_wait3A_251 = tpu.memref_slice %arg13[%mul3A_146, %dma_wait3A_250] : memref<10000x128xf32, #tpu.memory_space<vmem_shared>> -> memref<25x128xf32, #tpu.memory_space<vmem_shared>>
      tpu.wait_dma2 semaphore(%run_scoped3A : memref<!tpu.dma_semaphore, #tpu.memory_space<semaphore_mem>>) src(%arg12 : memref<25x128xf32, #tpu.memory_space<vmem>>) dst(%dma_wait3A_251 : memref<25x128xf32, #tpu.memory_space<vmem_shared>>)
      tpu.yield
    }) : () -> ()
    %mul3A_147 = arith.constant 25 : i32
    %mul3A_148 = arith.muli %arg1, %mul3A_147 : i32
    %add3A_149 = arith.constant 24 : i32
    %add3A_150 = arith.addi %mul3A_148, %add3A_149 : i32
    %mul3A_151 = arith.constant 25 : i32
    %mul3A_152 = arith.muli %add3A_150, %mul3A_151 : i32
    "tpu.region"() ({
      %run_scoped3A = tpu.sem_alloc : memref<!tpu.dma_semaphore, #tpu.memory_space<semaphore_mem>>
      %dma_start3A_244 = arith.constant 0 : i32
      %dma_start3A_245 = tpu.memref_slice %arg13[%mul3A_152, %dma_start3A_244] : memref<10000x128xf32, #tpu.memory_space<vmem_shared>> -> memref<25x128xf32, #tpu.memory_space<vmem_shared>>
      %dma_start3A_246 = arith.constant 0 : i32
      %dma_start3A_247 = tpu.memref_slice %arg13[%mul3A_152, %dma_start3A_246] : memref<10000x128xf32, #tpu.memory_space<vmem_shared>> -> memref<25x128xf32, #tpu.memory_space<vmem_shared>>
      tpu.enqueue_dma source(%arg12 : memref<25x128xf32, #tpu.memory_space<vmem>>) target(%dma_start3A_247 : memref<25x128xf32, #tpu.memory_space<vmem_shared>>) target_semaphore(%run_scoped3A : memref<!tpu.dma_semaphore, #tpu.memory_space<semaphore_mem>>)
      %dma_wait3A_248 = arith.constant 0 : i32
      %dma_wait3A_249 = tpu.memref_slice %arg13[%mul3A_152, %dma_wait3A_248] : memref<10000x128xf32, #tpu.memory_space<vmem_shared>> -> memref<25x128xf32, #tpu.memory_space<vmem_shared>>
      %dma_wait3A_250 = arith.constant 0 : i32
      %dma_wait3A_251 = tpu.memref_slice %arg13[%mul3A_152, %dma_wait3A_250] : memref<10000x128xf32, #tpu.memory_space<vmem_shared>> -> memref<25x128xf32, #tpu.memory_space<vmem_shared>>
      tpu.wait_dma2 semaphore(%run_scoped3A : memref<!tpu.dma_semaphore, #tpu.memory_space<semaphore_mem>>) src(%arg12 : memref<25x128xf32, #tpu.memory_space<vmem>>) dst(%dma_wait3A_251 : memref<25x128xf32, #tpu.memory_space<vmem_shared>>)
      tpu.yield
    }) : () -> ()
    %barrier3A = arith.constant 0 : index
    tpu.barrier barrier_id(%barrier3A)
    %mul3A_153 = arith.constant 10000 : i32
    %mul3A_154 = arith.muli %arg1, %mul3A_153 : i32
    %add3A_155 = arith.constant 0 : i32
    %add3A_156 = arith.addi %mul3A_154, %add3A_155 : i32
    %eq3A = arith.constant 0 : i32
    %eq3A_157 = arith.cmpi eq, %arg0, %eq3A : i32
    %convert_element_type3A = arith.extui %eq3A_157 : i1 to i32
    %cond3A = arith.constant 0 : i32
    %cond3A_158 = arith.cmpi ne, %convert_element_type3A, %cond3A : i32
    scf.if %cond3A_158 {
      %dma_start3A_244 = tpu.memref_slice %arg3[%add3A_156] : memref<160000xi32, #tpu.memory_space<hbm>> -> memref<128xi32, #tpu.memory_space<hbm>>
      %dma_start3A_245 = tpu.memref_slice %arg3[%add3A_156] : memref<160000xi32, #tpu.memory_space<hbm>> -> memref<128xi32, #tpu.memory_space<hbm>>
      tpu.enqueue_dma source(%dma_start3A_245 : memref<128xi32, #tpu.memory_space<hbm>>) target(%arg6 : memref<128xi32, #tpu.memory_space<vmem>>) target_semaphore(%arg14 : memref<!tpu.dma_semaphore, #tpu.memory_space<semaphore_mem>>)
    } else {
    }
    %eq3A_159 = arith.constant 1 : i32
    %eq3A_160 = arith.cmpi eq, %arg0, %eq3A_159 : i32
    %convert_element_type3A_161 = arith.extui %eq3A_160 : i1 to i32
    %cond3A_162 = arith.constant 0 : i32
    %cond3A_163 = arith.cmpi ne, %convert_element_type3A_161, %cond3A_162 : i32
    scf.if %cond3A_163 {
      %dma_start3A_244 = tpu.memref_slice %arg4[%add3A_156] : memref<160000xi32, #tpu.memory_space<hbm>> -> memref<128xi32, #tpu.memory_space<hbm>>
      %dma_start3A_245 = tpu.memref_slice %arg4[%add3A_156] : memref<160000xi32, #tpu.memory_space<hbm>> -> memref<128xi32, #tpu.memory_space<hbm>>
      tpu.enqueue_dma source(%dma_start3A_245 : memref<128xi32, #tpu.memory_space<hbm>>) target(%arg6 : memref<128xi32, #tpu.memory_space<vmem>>) target_semaphore(%arg14 : memref<!tpu.dma_semaphore, #tpu.memory_space<semaphore_mem>>)
    } else {
    }
    %dma_start3A = arith.constant 0 : i32
    %dma_start3A_164 = tpu.memref_slice %arg2[%add3A_156, %dma_start3A] : memref<160000x128xf32, #tpu.memory_space<hbm>> -> memref<128x128xf32, #tpu.memory_space<hbm>>
    %dma_start3A_165 = arith.constant 0 : i32
    %dma_start3A_166 = tpu.memref_slice %arg2[%add3A_156, %dma_start3A_165] : memref<160000x128xf32, #tpu.memory_space<hbm>> -> memref<128x128xf32, #tpu.memory_space<hbm>>
    tpu.enqueue_dma source(%dma_start3A_166 : memref<128x128xf32, #tpu.memory_space<hbm>>) target(%arg8 : memref<128x128xf32, #tpu.memory_space<vmem>>) target_semaphore(%arg16 : memref<!tpu.dma_semaphore, #tpu.memory_space<semaphore_mem>>)
    %scan3A_167 = arith.constant 0 : i32
    %scan3A_168 = arith.constant 0 : i32
    %scan3A_169 = arith.constant 38 : i32
    %scan3A_170 = arith.addi %scan3A_168, %scan3A_169 : i32
    %scan3A_171 = arith.constant 1 : i32
    scf.for %scan3A_244 = %scan3A_168 to %scan3A_170 step %scan3A_171  : i32 {
      %mul3A_245 = arith.constant 2 : i32
      %mul3A_246 = arith.muli %mul3A_245, %scan3A_244 : i32
      %add3A_247 = arith.constant 0 : i32
      %add3A_248 = arith.addi %mul3A_246, %add3A_247 : i32
      %gt3A = arith.constant 0 : i32
      %gt3A_249 = arith.cmpi sgt, %scan3A_244, %gt3A : i32
      %convert_element_type3A_250 = arith.extui %gt3A_249 : i1 to i32
      %cond3A_251 = arith.constant 0 : i32
      %cond3A_252 = arith.cmpi ne, %convert_element_type3A_250, %cond3A_251 : i32
      scf.if %cond3A_252 {
        %dma_wait3A_328 = arith.constant 0 : i32
        %dma_wait3A_329 = arith.constant 0 : i32
        %dma_wait3A_330 = tpu.memref_slice %arg13[%dma_wait3A_328, %dma_wait3A_329] : memref<10000x128xf32, #tpu.memory_space<vmem_shared>> -> memref<10000x128xf32, #tpu.memory_space<vmem_shared>>
        tpu.wait_indirect_dma semaphore(%arg19 : memref<!tpu.dma_semaphore, #tpu.memory_space<semaphore_mem>>) src(%arg9 : memref<128x128xf32, #tpu.memory_space<vmem>>) dst(%dma_wait3A_330 : memref<10000x128xf32, #tpu.memory_space<vmem_shared>>)
      } else {
      }
      %add3A_253 = arith.constant 1 : i32
      %add3A_254 = arith.addi %add3A_248, %add3A_253 : i32
      %mul3A_255 = arith.constant 10000 : i32
      %mul3A_256 = arith.muli %arg1, %mul3A_255 : i32
      %mul3A_257 = arith.constant 128 : i32
      %mul3A_258 = arith.muli %add3A_254, %mul3A_257 : i32
      %add3A_259 = arith.addi %mul3A_256, %mul3A_258 : i32
      %eq3A_260 = arith.constant 0 : i32
      %eq3A_261 = arith.cmpi eq, %arg0, %eq3A_260 : i32
      %convert_element_type3A_262 = arith.extui %eq3A_261 : i1 to i32
      %cond3A_263 = arith.constant 0 : i32
      %cond3A_264 = arith.cmpi ne, %convert_element_type3A_262, %cond3A_263 : i32
      scf.if %cond3A_264 {
        %dma_start3A_328 = tpu.memref_slice %arg3[%add3A_259] : memref<160000xi32, #tpu.memory_space<hbm>> -> memref<128xi32, #tpu.memory_space<hbm>>
        %dma_start3A_329 = tpu.memref_slice %arg3[%add3A_259] : memref<160000xi32, #tpu.memory_space<hbm>> -> memref<128xi32, #tpu.memory_space<hbm>>
        tpu.enqueue_dma source(%dma_start3A_329 : memref<128xi32, #tpu.memory_space<hbm>>) target(%arg7 : memref<128xi32, #tpu.memory_space<vmem>>) target_semaphore(%arg15 : memref<!tpu.dma_semaphore, #tpu.memory_space<semaphore_mem>>)
      } else {
      }
      %eq3A_265 = arith.constant 1 : i32
      %eq3A_266 = arith.cmpi eq, %arg0, %eq3A_265 : i32
      %convert_element_type3A_267 = arith.extui %eq3A_266 : i1 to i32
      %cond3A_268 = arith.constant 0 : i32
      %cond3A_269 = arith.cmpi ne, %convert_element_type3A_267, %cond3A_268 : i32
      scf.if %cond3A_269 {
        %dma_start3A_328 = tpu.memref_slice %arg4[%add3A_259] : memref<160000xi32, #tpu.memory_space<hbm>> -> memref<128xi32, #tpu.memory_space<hbm>>
        %dma_start3A_329 = tpu.memref_slice %arg4[%add3A_259] : memref<160000xi32, #tpu.memory_space<hbm>> -> memref<128xi32, #tpu.memory_space<hbm>>
        tpu.enqueue_dma source(%dma_start3A_329 : memref<128xi32, #tpu.memory_space<hbm>>) target(%arg7 : memref<128xi32, #tpu.memory_space<vmem>>) target_semaphore(%arg15 : memref<!tpu.dma_semaphore, #tpu.memory_space<semaphore_mem>>)
      } else {
      }
      %dma_start3A_270 = arith.constant 0 : i32
      %dma_start3A_271 = tpu.memref_slice %arg2[%add3A_259, %dma_start3A_270] : memref<160000x128xf32, #tpu.memory_space<hbm>> -> memref<128x128xf32, #tpu.memory_space<hbm>>
      %dma_start3A_272 = arith.constant 0 : i32
      %dma_start3A_273 = tpu.memref_slice %arg2[%add3A_259, %dma_start3A_272] : memref<160000x128xf32, #tpu.memory_space<hbm>> -> memref<128x128xf32, #tpu.memory_space<hbm>>
      tpu.enqueue_dma source(%dma_start3A_273 : memref<128x128xf32, #tpu.memory_space<hbm>>) target(%arg9 : memref<128x128xf32, #tpu.memory_space<vmem>>) target_semaphore(%arg17 : memref<!tpu.dma_semaphore, #tpu.memory_space<semaphore_mem>>)
      %dma_wait3A_274 = arith.constant 0 : i32
      %dma_wait3A_275 = tpu.memref_slice %arg3[%dma_wait3A_274] : memref<160000xi32, #tpu.memory_space<hbm>> -> memref<128xi32, #tpu.memory_space<hbm>>
      %dma_wait3A_276 = arith.constant 0 : i32
      %dma_wait3A_277 = tpu.memref_slice %arg3[%dma_wait3A_276] : memref<160000xi32, #tpu.memory_space<hbm>> -> memref<128xi32, #tpu.memory_space<hbm>>
      tpu.wait_dma2 semaphore(%arg14 : memref<!tpu.dma_semaphore, #tpu.memory_space<semaphore_mem>>) src(%dma_wait3A_277 : memref<128xi32, #tpu.memory_space<hbm>>) dst(%arg6 : memref<128xi32, #tpu.memory_space<vmem>>)
      %dma_wait3A_278 = arith.constant 0 : i32
      %dma_wait3A_279 = arith.constant 0 : i32
      %dma_wait3A_280 = tpu.memref_slice %arg2[%dma_wait3A_278, %dma_wait3A_279] : memref<160000x128xf32, #tpu.memory_space<hbm>> -> memref<128x128xf32, #tpu.memory_space<hbm>>
      %dma_wait3A_281 = arith.constant 0 : i32
      %dma_wait3A_282 = arith.constant 0 : i32
      %dma_wait3A_283 = tpu.memref_slice %arg2[%dma_wait3A_281, %dma_wait3A_282] : memref<160000x128xf32, #tpu.memory_space<hbm>> -> memref<128x128xf32, #tpu.memory_space<hbm>>
      tpu.wait_dma2 semaphore(%arg16 : memref<!tpu.dma_semaphore, #tpu.memory_space<semaphore_mem>>) src(%dma_wait3A_283 : memref<128x128xf32, #tpu.memory_space<hbm>>) dst(%arg8 : memref<128x128xf32, #tpu.memory_space<vmem>>)
      %dma_start3A_284 = arith.constant 0 : i32
      %dma_start3A_285 = arith.constant 0 : i32
      %dma_start3A_286 = tpu.memref_slice %arg13[%dma_start3A_284, %dma_start3A_285] : memref<10000x128xf32, #tpu.memory_space<vmem_shared>> -> memref<10000x128xf32, #tpu.memory_space<vmem_shared>>
      tpu.enqueue_indirect_dma source(%arg8 : memref<128x128xf32, #tpu.memory_space<vmem>>) target(%dma_start3A_286 : memref<10000x128xf32, #tpu.memory_space<vmem_shared>>) offsets(%arg6 : memref<128xi32, #tpu.memory_space<vmem>>) semaphore(%arg18 : memref<!tpu.dma_semaphore, #tpu.memory_space<semaphore_mem>>) {add = true}
      %mul3A_287 = arith.constant 2 : i32
      %mul3A_288 = arith.muli %mul3A_287, %scan3A_244 : i32
      %add3A_289 = arith.constant 1 : i32
      %add3A_290 = arith.addi %mul3A_288, %add3A_289 : i32
      %dma_wait3A_291 = arith.constant 0 : i32
      %dma_wait3A_292 = arith.constant 0 : i32
      %dma_wait3A_293 = tpu.memref_slice %arg13[%dma_wait3A_291, %dma_wait3A_292] : memref<10000x128xf32, #tpu.memory_space<vmem_shared>> -> memref<10000x128xf32, #tpu.memory_space<vmem_shared>>
      tpu.wait_indirect_dma semaphore(%arg18 : memref<!tpu.dma_semaphore, #tpu.memory_space<semaphore_mem>>) src(%arg8 : memref<128x128xf32, #tpu.memory_space<vmem>>) dst(%dma_wait3A_293 : memref<10000x128xf32, #tpu.memory_space<vmem_shared>>)
      %add3A_294 = arith.constant 1 : i32
      %add3A_295 = arith.addi %add3A_290, %add3A_294 : i32
      %mul3A_296 = arith.constant 10000 : i32
      %mul3A_297 = arith.muli %arg1, %mul3A_296 : i32
      %mul3A_298 = arith.constant 128 : i32
      %mul3A_299 = arith.muli %add3A_295, %mul3A_298 : i32
      %add3A_300 = arith.addi %mul3A_297, %mul3A_299 : i32
      %eq3A_301 = arith.constant 0 : i32
      %eq3A_302 = arith.cmpi eq, %arg0, %eq3A_301 : i32
      %convert_element_type3A_303 = arith.extui %eq3A_302 : i1 to i32
      %cond3A_304 = arith.constant 0 : i32
      %cond3A_305 = arith.cmpi ne, %convert_element_type3A_303, %cond3A_304 : i32
      scf.if %cond3A_305 {
        %dma_start3A_328 = tpu.memref_slice %arg3[%add3A_300] : memref<160000xi32, #tpu.memory_space<hbm>> -> memref<128xi32, #tpu.memory_space<hbm>>
        %dma_start3A_329 = tpu.memref_slice %arg3[%add3A_300] : memref<160000xi32, #tpu.memory_space<hbm>> -> memref<128xi32, #tpu.memory_space<hbm>>
        tpu.enqueue_dma source(%dma_start3A_329 : memref<128xi32, #tpu.memory_space<hbm>>) target(%arg6 : memref<128xi32, #tpu.memory_space<vmem>>) target_semaphore(%arg14 : memref<!tpu.dma_semaphore, #tpu.memory_space<semaphore_mem>>)
      } else {
      }
      %eq3A_306 = arith.constant 1 : i32
      %eq3A_307 = arith.cmpi eq, %arg0, %eq3A_306 : i32
      %convert_element_type3A_308 = arith.extui %eq3A_307 : i1 to i32
      %cond3A_309 = arith.constant 0 : i32
      %cond3A_310 = arith.cmpi ne, %convert_element_type3A_308, %cond3A_309 : i32
      scf.if %cond3A_310 {
        %dma_start3A_328 = tpu.memref_slice %arg4[%add3A_300] : memref<160000xi32, #tpu.memory_space<hbm>> -> memref<128xi32, #tpu.memory_space<hbm>>
        %dma_start3A_329 = tpu.memref_slice %arg4[%add3A_300] : memref<160000xi32, #tpu.memory_space<hbm>> -> memref<128xi32, #tpu.memory_space<hbm>>
        tpu.enqueue_dma source(%dma_start3A_329 : memref<128xi32, #tpu.memory_space<hbm>>) target(%arg6 : memref<128xi32, #tpu.memory_space<vmem>>) target_semaphore(%arg14 : memref<!tpu.dma_semaphore, #tpu.memory_space<semaphore_mem>>)
      } else {
      }
      %dma_start3A_311 = arith.constant 0 : i32
      %dma_start3A_312 = tpu.memref_slice %arg2[%add3A_300, %dma_start3A_311] : memref<160000x128xf32, #tpu.memory_space<hbm>> -> memref<128x128xf32, #tpu.memory_space<hbm>>
      %dma_start3A_313 = arith.constant 0 : i32
      %dma_start3A_314 = tpu.memref_slice %arg2[%add3A_300, %dma_start3A_313] : memref<160000x128xf32, #tpu.memory_space<hbm>> -> memref<128x128xf32, #tpu.memory_space<hbm>>
      tpu.enqueue_dma source(%dma_start3A_314 : memref<128x128xf32, #tpu.memory_space<hbm>>) target(%arg8 : memref<128x128xf32, #tpu.memory_space<vmem>>) target_semaphore(%arg16 : memref<!tpu.dma_semaphore, #tpu.memory_space<semaphore_mem>>)
      %dma_wait3A_315 = arith.constant 0 : i32
      %dma_wait3A_316 = tpu.memref_slice %arg3[%dma_wait3A_315] : memref<160000xi32, #tpu.memory_space<hbm>> -> memref<128xi32, #tpu.memory_space<hbm>>
      %dma_wait3A_317 = arith.constant 0 : i32
      %dma_wait3A_318 = tpu.memref_slice %arg3[%dma_wait3A_317] : memref<160000xi32, #tpu.memory_space<hbm>> -> memref<128xi32, #tpu.memory_space<hbm>>
      tpu.wait_dma2 semaphore(%arg15 : memref<!tpu.dma_semaphore, #tpu.memory_space<semaphore_mem>>) src(%dma_wait3A_318 : memref<128xi32, #tpu.memory_space<hbm>>) dst(%arg7 : memref<128xi32, #tpu.memory_space<vmem>>)
      %dma_wait3A_319 = arith.constant 0 : i32
      %dma_wait3A_320 = arith.constant 0 : i32
      %dma_wait3A_321 = tpu.memref_slice %arg2[%dma_wait3A_319, %dma_wait3A_320] : memref<160000x128xf32, #tpu.memory_space<hbm>> -> memref<128x128xf32, #tpu.memory_space<hbm>>
      %dma_wait3A_322 = arith.constant 0 : i32
      %dma_wait3A_323 = arith.constant 0 : i32
      %dma_wait3A_324 = tpu.memref_slice %arg2[%dma_wait3A_322, %dma_wait3A_323] : memref<160000x128xf32, #tpu.memory_space<hbm>> -> memref<128x128xf32, #tpu.memory_space<hbm>>
      tpu.wait_dma2 semaphore(%arg17 : memref<!tpu.dma_semaphore, #tpu.memory_space<semaphore_mem>>) src(%dma_wait3A_324 : memref<128x128xf32, #tpu.memory_space<hbm>>) dst(%arg9 : memref<128x128xf32, #tpu.memory_space<vmem>>)
      %dma_start3A_325 = arith.constant 0 : i32
      %dma_start3A_326 = arith.constant 0 : i32
      %dma_start3A_327 = tpu.memref_slice %arg13[%dma_start3A_325, %dma_start3A_326] : memref<10000x128xf32, #tpu.memory_space<vmem_shared>> -> memref<10000x128xf32, #tpu.memory_space<vmem_shared>>
      tpu.enqueue_indirect_dma source(%arg9 : memref<128x128xf32, #tpu.memory_space<vmem>>) target(%dma_start3A_327 : memref<10000x128xf32, #tpu.memory_space<vmem_shared>>) offsets(%arg7 : memref<128xi32, #tpu.memory_space<vmem>>) semaphore(%arg19 : memref<!tpu.dma_semaphore, #tpu.memory_space<semaphore_mem>>) {add = true}
    }
    %scan3A_172 = arith.constant 38 : i32
    %dma_wait3A = arith.constant 0 : i32
    %dma_wait3A_173 = arith.constant 0 : i32
    %dma_wait3A_174 = tpu.memref_slice %arg13[%dma_wait3A, %dma_wait3A_173] : memref<10000x128xf32, #tpu.memory_space<vmem_shared>> -> memref<10000x128xf32, #tpu.memory_space<vmem_shared>>
    tpu.wait_indirect_dma semaphore(%arg19 : memref<!tpu.dma_semaphore, #tpu.memory_space<semaphore_mem>>) src(%arg9 : memref<128x128xf32, #tpu.memory_space<vmem>>) dst(%dma_wait3A_174 : memref<10000x128xf32, #tpu.memory_space<vmem_shared>>)
    %mul3A_175 = arith.constant 10000 : i32
    %mul3A_176 = arith.muli %arg1, %mul3A_175 : i32
    %add3A_177 = arith.constant 9856 : i32
    %add3A_178 = arith.addi %mul3A_176, %add3A_177 : i32
    %eq3A_179 = arith.constant 0 : i32
    %eq3A_180 = arith.cmpi eq, %arg0, %eq3A_179 : i32
    %convert_element_type3A_181 = arith.extui %eq3A_180 : i1 to i32
    %cond3A_182 = arith.constant 0 : i32
    %cond3A_183 = arith.cmpi ne, %convert_element_type3A_181, %cond3A_182 : i32
    scf.if %cond3A_183 {
      %dma_start3A_244 = tpu.memref_slice %arg3[%add3A_178] : memref<160000xi32, #tpu.memory_space<hbm>> -> memref<128xi32, #tpu.memory_space<hbm>>
      %dma_start3A_245 = tpu.memref_slice %arg3[%add3A_178] : memref<160000xi32, #tpu.memory_space<hbm>> -> memref<128xi32, #tpu.memory_space<hbm>>
      tpu.enqueue_dma source(%dma_start3A_245 : memref<128xi32, #tpu.memory_space<hbm>>) target(%arg7 : memref<128xi32, #tpu.memory_space<vmem>>) target_semaphore(%arg15 : memref<!tpu.dma_semaphore, #tpu.memory_space<semaphore_mem>>)
    } else {
    }
    %eq3A_184 = arith.constant 1 : i32
    %eq3A_185 = arith.cmpi eq, %arg0, %eq3A_184 : i32
    %convert_element_type3A_186 = arith.extui %eq3A_185 : i1 to i32
    %cond3A_187 = arith.constant 0 : i32
    %cond3A_188 = arith.cmpi ne, %convert_element_type3A_186, %cond3A_187 : i32
    scf.if %cond3A_188 {
      %dma_start3A_244 = tpu.memref_slice %arg4[%add3A_178] : memref<160000xi32, #tpu.memory_space<hbm>> -> memref<128xi32, #tpu.memory_space<hbm>>
      %dma_start3A_245 = tpu.memref_slice %arg4[%add3A_178] : memref<160000xi32, #tpu.memory_space<hbm>> -> memref<128xi32, #tpu.memory_space<hbm>>
      tpu.enqueue_dma source(%dma_start3A_245 : memref<128xi32, #tpu.memory_space<hbm>>) target(%arg7 : memref<128xi32, #tpu.memory_space<vmem>>) target_semaphore(%arg15 : memref<!tpu.dma_semaphore, #tpu.memory_space<semaphore_mem>>)
    } else {
    }
    %dma_start3A_189 = arith.constant 0 : i32
    %dma_start3A_190 = tpu.memref_slice %arg2[%add3A_178, %dma_start3A_189] : memref<160000x128xf32, #tpu.memory_space<hbm>> -> memref<128x128xf32, #tpu.memory_space<hbm>>
    %dma_start3A_191 = arith.constant 0 : i32
    %dma_start3A_192 = tpu.memref_slice %arg2[%add3A_178, %dma_start3A_191] : memref<160000x128xf32, #tpu.memory_space<hbm>> -> memref<128x128xf32, #tpu.memory_space<hbm>>
    tpu.enqueue_dma source(%dma_start3A_192 : memref<128x128xf32, #tpu.memory_space<hbm>>) target(%arg9 : memref<128x128xf32, #tpu.memory_space<vmem>>) target_semaphore(%arg17 : memref<!tpu.dma_semaphore, #tpu.memory_space<semaphore_mem>>)
    %dma_wait3A_193 = arith.constant 0 : i32
    %dma_wait3A_194 = tpu.memref_slice %arg3[%dma_wait3A_193] : memref<160000xi32, #tpu.memory_space<hbm>> -> memref<128xi32, #tpu.memory_space<hbm>>
    %dma_wait3A_195 = arith.constant 0 : i32
    %dma_wait3A_196 = tpu.memref_slice %arg3[%dma_wait3A_195] : memref<160000xi32, #tpu.memory_space<hbm>> -> memref<128xi32, #tpu.memory_space<hbm>>
    tpu.wait_dma2 semaphore(%arg14 : memref<!tpu.dma_semaphore, #tpu.memory_space<semaphore_mem>>) src(%dma_wait3A_196 : memref<128xi32, #tpu.memory_space<hbm>>) dst(%arg6 : memref<128xi32, #tpu.memory_space<vmem>>)
    %dma_wait3A_197 = arith.constant 0 : i32
    %dma_wait3A_198 = arith.constant 0 : i32
    %dma_wait3A_199 = tpu.memref_slice %arg2[%dma_wait3A_197, %dma_wait3A_198] : memref<160000x128xf32, #tpu.memory_space<hbm>> -> memref<128x128xf32, #tpu.memory_space<hbm>>
    %dma_wait3A_200 = arith.constant 0 : i32
    %dma_wait3A_201 = arith.constant 0 : i32
    %dma_wait3A_202 = tpu.memref_slice %arg2[%dma_wait3A_200, %dma_wait3A_201] : memref<160000x128xf32, #tpu.memory_space<hbm>> -> memref<128x128xf32, #tpu.memory_space<hbm>>
    tpu.wait_dma2 semaphore(%arg16 : memref<!tpu.dma_semaphore, #tpu.memory_space<semaphore_mem>>) src(%dma_wait3A_202 : memref<128x128xf32, #tpu.memory_space<hbm>>) dst(%arg8 : memref<128x128xf32, #tpu.memory_space<vmem>>)
    %dma_start3A_203 = arith.constant 0 : i32
    %dma_start3A_204 = arith.constant 0 : i32
    %dma_start3A_205 = tpu.memref_slice %arg13[%dma_start3A_203, %dma_start3A_204] : memref<10000x128xf32, #tpu.memory_space<vmem_shared>> -> memref<10000x128xf32, #tpu.memory_space<vmem_shared>>
    tpu.enqueue_indirect_dma source(%arg8 : memref<128x128xf32, #tpu.memory_space<vmem>>) target(%dma_start3A_205 : memref<10000x128xf32, #tpu.memory_space<vmem_shared>>) offsets(%arg6 : memref<128xi32, #tpu.memory_space<vmem>>) semaphore(%arg18 : memref<!tpu.dma_semaphore, #tpu.memory_space<semaphore_mem>>) {add = true}
    %dma_wait3A_206 = arith.constant 0 : i32
    %dma_wait3A_207 = arith.constant 0 : i32
    %dma_wait3A_208 = tpu.memref_slice %arg13[%dma_wait3A_206, %dma_wait3A_207] : memref<10000x128xf32, #tpu.memory_space<vmem_shared>> -> memref<10000x128xf32, #tpu.memory_space<vmem_shared>>
    tpu.wait_indirect_dma semaphore(%arg18 : memref<!tpu.dma_semaphore, #tpu.memory_space<semaphore_mem>>) src(%arg8 : memref<128x128xf32, #tpu.memory_space<vmem>>) dst(%dma_wait3A_208 : memref<10000x128xf32, #tpu.memory_space<vmem_shared>>)
    %dma_wait3A_209 = arith.constant 0 : i32
    %dma_wait3A_210 = tpu.memref_slice %arg3[%dma_wait3A_209] : memref<160000xi32, #tpu.memory_space<hbm>> -> memref<128xi32, #tpu.memory_space<hbm>>
    %dma_wait3A_211 = arith.constant 0 : i32
    %dma_wait3A_212 = tpu.memref_slice %arg3[%dma_wait3A_211] : memref<160000xi32, #tpu.memory_space<hbm>> -> memref<128xi32, #tpu.memory_space<hbm>>
    tpu.wait_dma2 semaphore(%arg15 : memref<!tpu.dma_semaphore, #tpu.memory_space<semaphore_mem>>) src(%dma_wait3A_212 : memref<128xi32, #tpu.memory_space<hbm>>) dst(%arg7 : memref<128xi32, #tpu.memory_space<vmem>>)
    %dma_wait3A_213 = arith.constant 0 : i32
    %dma_wait3A_214 = arith.constant 0 : i32
    %dma_wait3A_215 = tpu.memref_slice %arg2[%dma_wait3A_213, %dma_wait3A_214] : memref<160000x128xf32, #tpu.memory_space<hbm>> -> memref<128x128xf32, #tpu.memory_space<hbm>>
    %dma_wait3A_216 = arith.constant 0 : i32
    %dma_wait3A_217 = arith.constant 0 : i32
    %dma_wait3A_218 = tpu.memref_slice %arg2[%dma_wait3A_216, %dma_wait3A_217] : memref<160000x128xf32, #tpu.memory_space<hbm>> -> memref<128x128xf32, #tpu.memory_space<hbm>>
    tpu.wait_dma2 semaphore(%arg17 : memref<!tpu.dma_semaphore, #tpu.memory_space<semaphore_mem>>) src(%dma_wait3A_218 : memref<128x128xf32, #tpu.memory_space<hbm>>) dst(%arg9 : memref<128x128xf32, #tpu.memory_space<vmem>>)
    %dma_start3A_219 = arith.constant 0 : i32
    %dma_start3A_220 = arith.constant 0 : i32
    %dma_start3A_221 = tpu.memref_slice %arg13[%dma_start3A_219, %dma_start3A_220] : memref<10000x128xf32, #tpu.memory_space<vmem_shared>> -> memref<10000x128xf32, #tpu.memory_space<vmem_shared>>
    tpu.enqueue_indirect_dma source(%arg9 : memref<128x128xf32, #tpu.memory_space<vmem>>) target(%dma_start3A_221 : memref<10000x128xf32, #tpu.memory_space<vmem_shared>>) offsets(%arg7 : memref<128xi32, #tpu.memory_space<vmem>>) semaphore(%arg19 : memref<!tpu.dma_semaphore, #tpu.memory_space<semaphore_mem>>) {add = true}
    %dma_wait3A_222 = arith.constant 0 : i32
    %dma_wait3A_223 = arith.constant 0 : i32
    %dma_wait3A_224 = tpu.memref_slice %arg13[%dma_wait3A_222, %dma_wait3A_223] : memref<10000x128xf32, #tpu.memory_space<vmem_shared>> -> memref<10000x128xf32, #tpu.memory_space<vmem_shared>>
    tpu.wait_indirect_dma semaphore(%arg19 : memref<!tpu.dma_semaphore, #tpu.memory_space<semaphore_mem>>) src(%arg9 : memref<128x128xf32, #tpu.memory_space<vmem>>) dst(%dma_wait3A_224 : memref<10000x128xf32, #tpu.memory_space<vmem_shared>>)
    %mul3A_225 = arith.constant 10000 : i32
    %mul3A_226 = arith.muli %arg1, %mul3A_225 : i32
    %add3A_227 = arith.constant 9984 : i32
    %add3A_228 = arith.addi %mul3A_226, %add3A_227 : i32
    %eq3A_229 = arith.constant 0 : i32
    %eq3A_230 = arith.cmpi eq, %arg0, %eq3A_229 : i32
    %convert_element_type3A_231 = arith.extui %eq3A_230 : i1 to i32
    %cond3A_232 = arith.constant 0 : i32
    %cond3A_233 = arith.cmpi ne, %convert_element_type3A_231, %cond3A_232 : i32
    scf.if %cond3A_233 {
      "tpu.region"() ({
        %run_scoped3A = tpu.sem_alloc : memref<!tpu.dma_semaphore, #tpu.memory_space<semaphore_mem>>
        %dma_start3A_244 = tpu.memref_slice %arg3[%add3A_228] : memref<160000xi32, #tpu.memory_space<hbm>> -> memref<16xi32, #tpu.memory_space<hbm>>
        %dma_start3A_245 = tpu.memref_slice %arg3[%add3A_228] : memref<160000xi32, #tpu.memory_space<hbm>> -> memref<16xi32, #tpu.memory_space<hbm>>
        tpu.enqueue_dma source(%dma_start3A_245 : memref<16xi32, #tpu.memory_space<hbm>>) target(%arg10 : memref<16xi32, #tpu.memory_space<vmem>>) target_semaphore(%run_scoped3A : memref<!tpu.dma_semaphore, #tpu.memory_space<semaphore_mem>>)
        %dma_wait3A_246 = tpu.memref_slice %arg3[%add3A_228] : memref<160000xi32, #tpu.memory_space<hbm>> -> memref<16xi32, #tpu.memory_space<hbm>>
        %dma_wait3A_247 = tpu.memref_slice %arg3[%add3A_228] : memref<160000xi32, #tpu.memory_space<hbm>> -> memref<16xi32, #tpu.memory_space<hbm>>
        tpu.wait_dma2 semaphore(%run_scoped3A : memref<!tpu.dma_semaphore, #tpu.memory_space<semaphore_mem>>) src(%dma_wait3A_247 : memref<16xi32, #tpu.memory_space<hbm>>) dst(%arg10 : memref<16xi32, #tpu.memory_space<vmem>>)
        tpu.yield
      }) : () -> ()
    } else {
    }
    %eq3A_234 = arith.constant 1 : i32
    %eq3A_235 = arith.cmpi eq, %arg0, %eq3A_234 : i32
    %convert_element_type3A_236 = arith.extui %eq3A_235 : i1 to i32
    %cond3A_237 = arith.constant 0 : i32
    %cond3A_238 = arith.cmpi ne, %convert_element_type3A_236, %cond3A_237 : i32
    scf.if %cond3A_238 {
      "tpu.region"() ({
        %run_scoped3A = tpu.sem_alloc : memref<!tpu.dma_semaphore, #tpu.memory_space<semaphore_mem>>
        %dma_start3A_244 = tpu.memref_slice %arg4[%add3A_228] : memref<160000xi32, #tpu.memory_space<hbm>> -> memref<16xi32, #tpu.memory_space<hbm>>
        %dma_start3A_245 = tpu.memref_slice %arg4[%add3A_228] : memref<160000xi32, #tpu.memory_space<hbm>> -> memref<16xi32, #tpu.memory_space<hbm>>
        tpu.enqueue_dma source(%dma_start3A_245 : memref<16xi32, #tpu.memory_space<hbm>>) target(%arg10 : memref<16xi32, #tpu.memory_space<vmem>>) target_semaphore(%run_scoped3A : memref<!tpu.dma_semaphore, #tpu.memory_space<semaphore_mem>>)
        %dma_wait3A_246 = tpu.memref_slice %arg4[%add3A_228] : memref<160000xi32, #tpu.memory_space<hbm>> -> memref<16xi32, #tpu.memory_space<hbm>>
        %dma_wait3A_247 = tpu.memref_slice %arg4[%add3A_228] : memref<160000xi32, #tpu.memory_space<hbm>> -> memref<16xi32, #tpu.memory_space<hbm>>
        tpu.wait_dma2 semaphore(%run_scoped3A : memref<!tpu.dma_semaphore, #tpu.memory_space<semaphore_mem>>) src(%dma_wait3A_247 : memref<16xi32, #tpu.memory_space<hbm>>) dst(%arg10 : memref<16xi32, #tpu.memory_space<vmem>>)
        tpu.yield
      }) : () -> ()
    } else {
    }
    "tpu.region"() ({
      %run_scoped3A = tpu.sem_alloc : memref<!tpu.dma_semaphore, #tpu.memory_space<semaphore_mem>>
      %dma_start3A_244 = arith.constant 0 : i32
      %dma_start3A_245 = tpu.memref_slice %arg2[%add3A_228, %dma_start3A_244] : memref<160000x128xf32, #tpu.memory_space<hbm>> -> memref<16x128xf32, #tpu.memory_space<hbm>>
      %dma_start3A_246 = arith.constant 0 : i32
      %dma_start3A_247 = tpu.memref_slice %arg2[%add3A_228, %dma_start3A_246] : memref<160000x128xf32, #tpu.memory_space<hbm>> -> memref<16x128xf32, #tpu.memory_space<hbm>>
      tpu.enqueue_dma source(%dma_start3A_247 : memref<16x128xf32, #tpu.memory_space<hbm>>) target(%arg11 : memref<16x128xf32, #tpu.memory_space<vmem>>) target_semaphore(%run_scoped3A : memref<!tpu.dma_semaphore, #tpu.memory_space<semaphore_mem>>)
      %dma_wait3A_248 = arith.constant 0 : i32
      %dma_wait3A_249 = tpu.memref_slice %arg2[%add3A_228, %dma_wait3A_248] : memref<160000x128xf32, #tpu.memory_space<hbm>> -> memref<16x128xf32, #tpu.memory_space<hbm>>
      %dma_wait3A_250 = arith.constant 0 : i32
      %dma_wait3A_251 = tpu.memref_slice %arg2[%add3A_228, %dma_wait3A_250] : memref<160000x128xf32, #tpu.memory_space<hbm>> -> memref<16x128xf32, #tpu.memory_space<hbm>>
      tpu.wait_dma2 semaphore(%run_scoped3A : memref<!tpu.dma_semaphore, #tpu.memory_space<semaphore_mem>>) src(%dma_wait3A_251 : memref<16x128xf32, #tpu.memory_space<hbm>>) dst(%arg11 : memref<16x128xf32, #tpu.memory_space<vmem>>)
      tpu.yield
    }) : () -> ()
    "tpu.region"() ({
      %run_scoped3A = tpu.sem_alloc : memref<!tpu.dma_semaphore, #tpu.memory_space<semaphore_mem>>
      %dma_start3A_244 = arith.constant 0 : i32
      %dma_start3A_245 = arith.constant 0 : i32
      %dma_start3A_246 = tpu.memref_slice %arg13[%dma_start3A_244, %dma_start3A_245] : memref<10000x128xf32, #tpu.memory_space<vmem_shared>> -> memref<10000x128xf32, #tpu.memory_space<vmem_shared>>
      tpu.enqueue_indirect_dma source(%arg11 : memref<16x128xf32, #tpu.memory_space<vmem>>) target(%dma_start3A_246 : memref<10000x128xf32, #tpu.memory_space<vmem_shared>>) offsets(%arg10 : memref<16xi32, #tpu.memory_space<vmem>>) semaphore(%run_scoped3A : memref<!tpu.dma_semaphore, #tpu.memory_space<semaphore_mem>>) {add = true}
      %dma_wait3A_247 = arith.constant 0 : i32
      %dma_wait3A_248 = arith.constant 0 : i32
      %dma_wait3A_249 = tpu.memref_slice %arg13[%dma_wait3A_247, %dma_wait3A_248] : memref<10000x128xf32, #tpu.memory_space<vmem_shared>> -> memref<10000x128xf32, #tpu.memory_space<vmem_shared>>
      tpu.wait_indirect_dma semaphore(%run_scoped3A : memref<!tpu.dma_semaphore, #tpu.memory_space<semaphore_mem>>) src(%arg11 : memref<16x128xf32, #tpu.memory_space<vmem>>) dst(%dma_wait3A_249 : memref<10000x128xf32, #tpu.memory_space<vmem_shared>>)
      tpu.yield
    }) : () -> ()
    %barrier3A_239 = arith.constant 0 : index
    tpu.barrier barrier_id(%barrier3A_239)
    %lt3A = arith.constant 10 : i32
    %lt3A_240 = arith.cmpi slt, %arg1, %lt3A : i32
    %convert_element_type3A_241 = arith.extui %lt3A_240 : i1 to i32
    %cond3A_242 = arith.constant 0 : i32
    %cond3A_243 = arith.cmpi ne, %convert_element_type3A_241, %cond3A_242 : i32
    scf.if %cond3A_243 {
      %mul3A_244 = arith.constant 1000 : i32
      %mul3A_245 = arith.muli %arg1, %mul3A_244 : i32
      "tpu.region"() ({
        %run_scoped3A = tpu.sem_alloc : memref<!tpu.dma_semaphore, #tpu.memory_space<semaphore_mem>>
        %dma_start3A_246 = arith.constant 0 : i32
        %dma_start3A_247 = tpu.memref_slice %arg5[%arg0, %mul3A_245, %dma_start3A_246] : memref<2x10000x128xf32, #tpu.memory_space<hbm>> -> memref<1x1000x128xf32, #tpu.memory_space<hbm>>
        %dma_start3A_248 = tpu.memref_squeeze %dma_start3A_247 : memref<1x1000x128xf32, #tpu.memory_space<hbm>> -> memref<1000x128xf32, #tpu.memory_space<hbm>>
        %dma_start3A_249 = arith.constant 0 : i32
        %dma_start3A_250 = tpu.memref_slice %arg13[%mul3A_245, %dma_start3A_249] : memref<10000x128xf32, #tpu.memory_space<vmem_shared>> -> memref<1000x128xf32, #tpu.memory_space<vmem_shared>>
        tpu.enqueue_dma source(%dma_start3A_250 : memref<1000x128xf32, #tpu.memory_space<vmem_shared>>) target(%dma_start3A_248 : memref<1000x128xf32, #tpu.memory_space<hbm>>) target_semaphore(%run_scoped3A : memref<!tpu.dma_semaphore, #tpu.memory_space<semaphore_mem>>)
        %dma_wait3A_251 = arith.constant 0 : i32
        %dma_wait3A_252 = tpu.memref_slice %arg5[%arg0, %mul3A_245, %dma_wait3A_251] : memref<2x10000x128xf32, #tpu.memory_space<hbm>> -> memref<1x1000x128xf32, #tpu.memory_space<hbm>>
        %dma_wait3A_253 = tpu.memref_squeeze %dma_wait3A_252 : memref<1x1000x128xf32, #tpu.memory_space<hbm>> -> memref<1000x128xf32, #tpu.memory_space<hbm>>
        %dma_wait3A_254 = arith.constant 0 : i32
        %dma_wait3A_255 = tpu.memref_slice %arg13[%mul3A_245, %dma_wait3A_254] : memref<10000x128xf32, #tpu.memory_space<vmem_shared>> -> memref<1000x128xf32, #tpu.memory_space<vmem_shared>>
        tpu.wait_dma2 semaphore(%run_scoped3A : memref<!tpu.dma_semaphore, #tpu.memory_space<semaphore_mem>>) src(%dma_wait3A_255 : memref<1000x128xf32, #tpu.memory_space<vmem_shared>>) dst(%dma_wait3A_253 : memref<1000x128xf32, #tpu.memory_space<hbm>>)
        tpu.yield
      }) : () -> ()
    } else {
    }
    return
  }
}

module attributes {stable_mosaic.version = 14 : i64} {
  func.func @_premul_body(%arg0: i32, %arg1: memref<2000x128xf32, #tpu.memory_space<vmem>>, %arg2: memref<128x128xf32, #tpu.memory_space<vmem>>, %arg3: memref<128x128xf32, #tpu.memory_space<vmem>>, %arg4: memref<2000x128xf32, #tpu.memory_space<vmem>>, %arg5: memref<2000x128xf32, #tpu.memory_space<vmem>>) attributes {dimension_semantics = [#tpu.dimension_semantics<arbitrary>], iteration_bounds = array<i64: 5>, scalar_prefetch = 0 : i64, scratch_operands = 0 : i64, tpu.core_type = #tpu.core_type<tc>, window_params = [{transform_indices = @transform_0, window_bounds = array<i64: 2000, 128>}, {pipeline_mode = #tpu.pipeline_mode<synchronous>, transform_indices = @transform_1, window_bounds = array<i64: 128, 128>}, {pipeline_mode = #tpu.pipeline_mode<synchronous>, transform_indices = @transform_2, window_bounds = array<i64: 128, 128>}, {transform_indices = @transform_3, window_bounds = array<i64: 2000, 128>}, {transform_indices = @transform_4, window_bounds = array<i64: 2000, 128>}]} {
    %get3A = arith.constant 0 : index
    %get3A_0 = arith.constant 0 : index
    %get3A_1 = vector.load %arg1[%get3A, %get3A_0] : memref<2000x128xf32, #tpu.memory_space<vmem>>, vector<2000x128xf32>
    %get3A_2 = arith.constant 0 : index
    %get3A_3 = arith.constant 0 : index
    %get3A_4 = vector.load %arg2[%get3A_2, %get3A_3] : memref<128x128xf32, #tpu.memory_space<vmem>>, vector<128x128xf32>
    %dot_general3A = arith.constant dense<0.000000e+00> : vector<2000x128xf32>
    %dot_general3A_5 = tpu.matmul %get3A_1, %get3A_4, %dot_general3A {dimension_numbers = #tpu.dot_dimension_numbers<[1], [0], [0], [1], [0, 0, 1, 1], [], []>, transpose_lhs_hint = false} : vector<2000x128xf32>, vector<128x128xf32>, vector<2000x128xf32> -> vector<2000x128xf32>
    %swap3A = arith.constant 0 : index
    %swap3A_6 = arith.constant 0 : index
    %swap3A_7 = vector.load %arg4[%swap3A, %swap3A_6] : memref<2000x128xf32, #tpu.memory_space<vmem>>, vector<2000x128xf32>
    tpu.vector_store %arg4[%swap3A, %swap3A_6], %dot_general3A_5 {strides = array<i32>} : memref<2000x128xf32, #tpu.memory_space<vmem>>, vector<2000x128xf32>,
    %get3A_8 = arith.constant 0 : index
    %get3A_9 = arith.constant 0 : index
    %get3A_10 = vector.load %arg3[%get3A_8, %get3A_9] : memref<128x128xf32, #tpu.memory_space<vmem>>, vector<128x128xf32>
    %dot_general3A_11 = arith.constant dense<0.000000e+00> : vector<2000x128xf32>
    %dot_general3A_12 = tpu.matmul %get3A_1, %get3A_10, %dot_general3A_11 {dimension_numbers = #tpu.dot_dimension_numbers<[1], [0], [0], [1], [0, 0, 1, 1], [], []>, transpose_lhs_hint = false} : vector<2000x128xf32>, vector<128x128xf32>, vector<2000x128xf32> -> vector<2000x128xf32>
    %swap3A_13 = arith.constant 0 : index
    %swap3A_14 = arith.constant 0 : index
    %swap3A_15 = vector.load %arg5[%swap3A_13, %swap3A_14] : memref<2000x128xf32, #tpu.memory_space<vmem>>, vector<2000x128xf32>
    tpu.vector_store %arg5[%swap3A_13, %swap3A_14], %dot_general3A_12 {strides = array<i32>} : memref<2000x128xf32, #tpu.memory_space<vmem>>, vector<2000x128xf32>,
    return
  }
  func.func @transform_0(%arg0: i32) -> (i32, i32) {
    %c0_i32 = arith.constant 0 : i32
    %c0_i32_0 = arith.constant 0 : i32
    return %arg0, %c0_i32 : i32, i32
  }
  func.func @transform_1(%arg0: i32) -> (i32, i32) {
    %c0_i32 = arith.constant 0 : i32
    %c0_i32_0 = arith.constant 0 : i32
    %c0_i32_1 = arith.constant 0 : i32
    return %c0_i32, %c0_i32_0 : i32, i32
  }
  func.func @transform_2(%arg0: i32) -> (i32, i32) {
    %c0_i32 = arith.constant 0 : i32
    %c0_i32_0 = arith.constant 0 : i32
    %c0_i32_1 = arith.constant 0 : i32
    return %c0_i32, %c0_i32_0 : i32, i32
  }
  func.func @transform_3(%arg0: i32) -> (i32, i32) {
    %c0_i32 = arith.constant 0 : i32
    %c0_i32_0 = arith.constant 0 : i32
    return %arg0, %c0_i32 : i32, i32
  }
  func.func @transform_4(%arg0: i32) -> (i32, i32) {
    %c0_i32 = arith.constant 0 : i32
    %c0_i32_0 = arith.constant 0 : i32
    return %arg0, %c0_i32 : i32, i32
  }
}

module attributes {stable_mosaic.version = 14 : i64} {
  func.func @_edge_mlp_body(%arg0: i32, %arg1: memref<1600x128xf32, #tpu.memory_space<vmem>>, %arg2: memref<1600x128xf32, #tpu.memory_space<vmem>>, %arg3: memref<128x128xf32, #tpu.memory_space<vmem>>, %arg4: memref<1x128xf32, #tpu.memory_space<vmem>>, %arg5: memref<128x128xf32, #tpu.memory_space<vmem>>, %arg6: memref<1x128xf32, #tpu.memory_space<vmem>>, %arg7: memref<128x128xf32, #tpu.memory_space<vmem>>, %arg8: memref<1x128xf32, #tpu.memory_space<vmem>>, %arg9: memref<1x128xf32, #tpu.memory_space<vmem>>, %arg10: memref<1x128xf32, #tpu.memory_space<vmem>>, %arg11: memref<1600x128xf32, #tpu.memory_space<vmem>>, %arg12: memref<1600x128xf32, #tpu.memory_space<vmem>>) attributes {dimension_semantics = [#tpu.dimension_semantics<arbitrary>], iteration_bounds = array<i64: 100>, scalar_prefetch = 0 : i64, scratch_operands = 0 : i64, tpu.core_type = #tpu.core_type<tc>, window_params = [{transform_indices = @transform_0, window_bounds = array<i64: 1600, 128>}, {transform_indices = @transform_1, window_bounds = array<i64: 1600, 128>}, {pipeline_mode = #tpu.pipeline_mode<synchronous>, transform_indices = @transform_2, window_bounds = array<i64: 128, 128>}, {pipeline_mode = #tpu.pipeline_mode<synchronous>, transform_indices = @transform_3, window_bounds = array<i64: 1, 128>}, {pipeline_mode = #tpu.pipeline_mode<synchronous>, transform_indices = @transform_4, window_bounds = array<i64: 128, 128>}, {pipeline_mode = #tpu.pipeline_mode<synchronous>, transform_indices = @transform_5, window_bounds = array<i64: 1, 128>}, {pipeline_mode = #tpu.pipeline_mode<synchronous>, transform_indices = @transform_6, window_bounds = array<i64: 128, 128>}, {pipeline_mode = #tpu.pipeline_mode<synchronous>, transform_indices = @transform_7, window_bounds = array<i64: 1, 128>}, {pipeline_mode = #tpu.pipeline_mode<synchronous>, transform_indices = @transform_8, window_bounds = array<i64: 1, 128>}, {pipeline_mode = #tpu.pipeline_mode<synchronous>, transform_indices = @transform_9, window_bounds = array<i64: 1, 128>}, {transform_indices = @transform_10, window_bounds = array<i64: 1600, 128>}, {transform_indices = @transform_11, window_bounds = array<i64: 1600, 128>}]} {
    %get3A = arith.constant 0 : index
    %get3A_0 = arith.constant 0 : index
    %get3A_1 = vector.load %arg1[%get3A, %get3A_0] : memref<1600x128xf32, #tpu.memory_space<vmem>>, vector<1600x128xf32>
    %get3A_2 = arith.constant 0 : index
    %get3A_3 = arith.constant 0 : index
    %get3A_4 = vector.load %arg3[%get3A_2, %get3A_3] : memref<128x128xf32, #tpu.memory_space<vmem>>, vector<128x128xf32>
    %dot_general3A = arith.constant dense<0.000000e+00> : vector<1600x128xf32>
    %dot_general3A_5 = tpu.matmul %get3A_1, %get3A_4, %dot_general3A {dimension_numbers = #tpu.dot_dimension_numbers<[1], [0], [0], [1], [0, 0, 1, 1], [], []>, transpose_lhs_hint = false} : vector<1600x128xf32>, vector<128x128xf32>, vector<1600x128xf32> -> vector<1600x128xf32>
    %get3A_6 = arith.constant 0 : index
    %get3A_7 = arith.constant 0 : index
    %get3A_8 = vector.load %arg2[%get3A_6, %get3A_7] : memref<1600x128xf32, #tpu.memory_space<vmem>>, vector<1600x128xf32>
    %add3A = arith.addf %dot_general3A_5, %get3A_8 : vector<1600x128xf32>
    %get3A_9 = arith.constant 0 : index
    %get3A_10 = arith.constant 0 : index
    %get3A_11 = vector.load %arg4[%get3A_9, %get3A_10] : memref<1x128xf32, #tpu.memory_space<vmem>>, vector<1x128xf32>
    %add3A_12 = vector.broadcast %get3A_11 : vector<1x128xf32> to vector<1600x128xf32>
    %add3A_13 = arith.addf %add3A, %add3A_12 : vector<1600x128xf32>
    %mul3A = arith.constant 5.000000e-01 : f32
    %mul3A_14 = vector.broadcast %mul3A : f32 to vector<1600x128xf32>
    %mul3A_15 = arith.mulf %mul3A_14, %add3A_13 : vector<1600x128xf32>
    %mul3A_16 = arith.constant 0.707106769 : f32
    %mul3A_17 = vector.broadcast %mul3A_16 : f32 to vector<1600x128xf32>
    %mul3A_18 = arith.mulf %add3A_13, %mul3A_17 : vector<1600x128xf32>
    %erf3A = math.erf %mul3A_18 : vector<1600x128xf32>
    %add3A_19 = arith.constant 1.000000e+00 : f32
    %add3A_20 = vector.broadcast %add3A_19 : f32 to vector<1600x128xf32>
    %add3A_21 = arith.addf %add3A_20, %erf3A : vector<1600x128xf32>
    %mul3A_22 = arith.mulf %mul3A_15, %add3A_21 : vector<1600x128xf32>
    %get3A_23 = arith.constant 0 : index
    %get3A_24 = arith.constant 0 : index
    %get3A_25 = vector.load %arg5[%get3A_23, %get3A_24] : memref<128x128xf32, #tpu.memory_space<vmem>>, vector<128x128xf32>
    %dot_general3A_26 = arith.constant dense<0.000000e+00> : vector<1600x128xf32>
    %dot_general3A_27 = tpu.matmul %mul3A_22, %get3A_25, %dot_general3A_26 {dimension_numbers = #tpu.dot_dimension_numbers<[1], [0], [0], [1], [0, 0, 1, 1], [], []>, transpose_lhs_hint = false} : vector<1600x128xf32>, vector<128x128xf32>, vector<1600x128xf32> -> vector<1600x128xf32>
    %get3A_28 = arith.constant 0 : index
    %get3A_29 = arith.constant 0 : index
    %get3A_30 = vector.load %arg6[%get3A_28, %get3A_29] : memref<1x128xf32, #tpu.memory_space<vmem>>, vector<1x128xf32>
    %add3A_31 = vector.broadcast %get3A_30 : vector<1x128xf32> to vector<1600x128xf32>
    %add3A_32 = arith.addf %dot_general3A_27, %add3A_31 : vector<1600x128xf32>
    %mul3A_33 = arith.constant 5.000000e-01 : f32
    %mul3A_34 = vector.broadcast %mul3A_33 : f32 to vector<1600x128xf32>
    %mul3A_35 = arith.mulf %mul3A_34, %add3A_32 : vector<1600x128xf32>
    %mul3A_36 = arith.constant 0.707106769 : f32
    %mul3A_37 = vector.broadcast %mul3A_36 : f32 to vector<1600x128xf32>
    %mul3A_38 = arith.mulf %add3A_32, %mul3A_37 : vector<1600x128xf32>
    %erf3A_39 = math.erf %mul3A_38 : vector<1600x128xf32>
    %add3A_40 = arith.constant 1.000000e+00 : f32
    %add3A_41 = vector.broadcast %add3A_40 : f32 to vector<1600x128xf32>
    %add3A_42 = arith.addf %add3A_41, %erf3A_39 : vector<1600x128xf32>
    %mul3A_43 = arith.mulf %mul3A_35, %add3A_42 : vector<1600x128xf32>
    %get3A_44 = arith.constant 0 : index
    %get3A_45 = arith.constant 0 : index
    %get3A_46 = vector.load %arg7[%get3A_44, %get3A_45] : memref<128x128xf32, #tpu.memory_space<vmem>>, vector<128x128xf32>
    %dot_general3A_47 = arith.constant dense<0.000000e+00> : vector<1600x128xf32>
    %dot_general3A_48 = tpu.matmul %mul3A_43, %get3A_46, %dot_general3A_47 {dimension_numbers = #tpu.dot_dimension_numbers<[1], [0], [0], [1], [0, 0, 1, 1], [], []>, transpose_lhs_hint = false} : vector<1600x128xf32>, vector<128x128xf32>, vector<1600x128xf32> -> vector<1600x128xf32>
    %get3A_49 = arith.constant 0 : index
    %get3A_50 = arith.constant 0 : index
    %get3A_51 = vector.load %arg8[%get3A_49, %get3A_50] : memref<1x128xf32, #tpu.memory_space<vmem>>, vector<1x128xf32>
    %add3A_52 = vector.broadcast %get3A_51 : vector<1x128xf32> to vector<1600x128xf32>
    %add3A_53 = arith.addf %dot_general3A_48, %add3A_52 : vector<1600x128xf32>
    %get3A_54 = arith.constant 0 : index
    %get3A_55 = arith.constant 0 : index
    %get3A_56 = vector.load %arg9[%get3A_54, %get3A_55] : memref<1x128xf32, #tpu.memory_space<vmem>>, vector<1x128xf32>
    %get3A_57 = arith.constant 0 : index
    %get3A_58 = arith.constant 0 : index
    %get3A_59 = vector.load %arg10[%get3A_57, %get3A_58] : memref<1x128xf32, #tpu.memory_space<vmem>>, vector<1x128xf32>
    %reduce_sum3A = arith.constant dense<0.000000e+00> : vector<1600xf32>
    %reduce_sum3A_60 = vector.multi_reduction <add>, %add3A_53, %reduce_sum3A [1] : vector<1600x128xf32> to vector<1600xf32>
    %broadcast_in_dim3A = vector.shape_cast %reduce_sum3A_60 : vector<1600xf32> to vector<1600x1xf32>
    %div3A = arith.constant 1.280000e+02 : f32
    %div3A_61 = vector.broadcast %div3A : f32 to vector<1600x1xf32>
    %div3A_62 = arith.divf %broadcast_in_dim3A, %div3A_61 : vector<1600x1xf32>
    %jit3A = arith.constant 0 : i32
    %reduce_sum3A_63 = arith.constant dense<0.000000e+00> : vector<1600xf32>
    %reduce_sum3A_64 = vector.multi_reduction <add>, %add3A_53, %reduce_sum3A_63 [1] : vector<1600x128xf32> to vector<1600xf32>
    %broadcast_in_dim3A_65 = vector.shape_cast %reduce_sum3A_64 : vector<1600xf32> to vector<1600x1xf32>
    %div3A_66 = arith.constant 1.280000e+02 : f32
    %div3A_67 = vector.broadcast %div3A_66 : f32 to vector<1600x1xf32>
    %div3A_68 = arith.divf %broadcast_in_dim3A_65, %div3A_67 : vector<1600x1xf32>
    %sub3A = vector.broadcast %div3A_68 : vector<1600x1xf32> to vector<1600x128xf32>
    %sub3A_69 = arith.subf %add3A_53, %sub3A : vector<1600x128xf32>
    %square3A = arith.mulf %sub3A_69, %sub3A_69 : vector<1600x128xf32>
    %convert_element_type3A = arith.sitofp %jit3A : i32 to f32
    %sub3A_70 = arith.constant 1.280000e+02 : f32
    %sub3A_71 = arith.subf %sub3A_70, %convert_element_type3A : f32
    %reduce_sum3A_72 = arith.constant dense<0.000000e+00> : vector<1600xf32>
    %reduce_sum3A_73 = vector.multi_reduction <add>, %square3A, %reduce_sum3A_72 [1] : vector<1600x128xf32> to vector<1600xf32>
    %broadcast_in_dim3A_74 = vector.shape_cast %reduce_sum3A_73 : vector<1600xf32> to vector<1600x1xf32>
    %div3A_75 = vector.broadcast %sub3A_71 : f32 to vector<1600x1xf32>
    %div3A_76 = arith.divf %broadcast_in_dim3A_74, %div3A_75 : vector<1600x1xf32>
    %gt3A = arith.constant 0.000000e+00 : f32
    %gt3A_77 = arith.cmpf ogt, %sub3A_71, %gt3A : f32
    %jit3A_78 = arith.constant 0x7FC00000 : f32
    %broadcast_in_dim3A_79 = vector.broadcast %jit3A_78 : f32 to vector<1600x1xf32>
    %select_n3A = arith.select %gt3A_77, %div3A_76, %broadcast_in_dim3A_79 : vector<1600x1xf32>
    %sub3A_80 = vector.broadcast %div3A_62 : vector<1600x1xf32> to vector<1600x128xf32>
    %sub3A_81 = arith.subf %add3A_53, %sub3A_80 : vector<1600x128xf32>
    %add3A_82 = arith.constant 9.99999974E-6 : f32
    %add3A_83 = vector.broadcast %add3A_82 : f32 to vector<1600x1xf32>
    %add3A_84 = arith.addf %select_n3A, %add3A_83 : vector<1600x1xf32>
    %sqrt3A = math.sqrt %add3A_84 : vector<1600x1xf32>
    %div3A_85 = vector.broadcast %sqrt3A : vector<1600x1xf32> to vector<1600x128xf32>
    %div3A_86 = arith.divf %sub3A_81, %div3A_85 : vector<1600x128xf32>
    %mul3A_87 = vector.broadcast %get3A_56 : vector<1x128xf32> to vector<1600x128xf32>
    %mul3A_88 = arith.mulf %div3A_86, %mul3A_87 : vector<1600x128xf32>
    %add3A_89 = vector.broadcast %get3A_59 : vector<1x128xf32> to vector<1600x128xf32>
    %add3A_90 = arith.addf %mul3A_88, %add3A_89 : vector<1600x128xf32>
    %swap3A = arith.constant 0 : index
    %swap3A_91 = arith.constant 0 : index
    %swap3A_92 = vector.load %arg12[%swap3A, %swap3A_91] : memref<1600x128xf32, #tpu.memory_space<vmem>>, vector<1600x128xf32>
    tpu.vector_store %arg12[%swap3A, %swap3A_91], %add3A_90 {strides = array<i32>} : memref<1600x128xf32, #tpu.memory_space<vmem>>, vector<1600x128xf32>,
    %add3A_93 = arith.addf %get3A_1, %add3A_90 : vector<1600x128xf32>
    %swap3A_94 = arith.constant 0 : index
    %swap3A_95 = arith.constant 0 : index
    %swap3A_96 = vector.load %arg11[%swap3A_94, %swap3A_95] : memref<1600x128xf32, #tpu.memory_space<vmem>>, vector<1600x128xf32>
    tpu.vector_store %arg11[%swap3A_94, %swap3A_95], %add3A_93 {strides = array<i32>} : memref<1600x128xf32, #tpu.memory_space<vmem>>, vector<1600x128xf32>,
    return
  }
  func.func @transform_0(%arg0: i32) -> (i32, i32) {
    %add3A = arith.constant 0 : i32
    %add3A_0 = arith.addi %arg0, %add3A : i32
    %c0_i32 = arith.constant 0 : i32
    %c0_i32_1 = arith.constant 0 : i32
    return %add3A_0, %c0_i32 : i32, i32
  }
  func.func @transform_1(%arg0: i32) -> (i32, i32) {
    %c0_i32 = arith.constant 0 : i32
    %c0_i32_0 = arith.constant 0 : i32
    return %arg0, %c0_i32 : i32, i32
  }
  func.func @transform_2(%arg0: i32) -> (i32, i32) {
    %c0_i32 = arith.constant 0 : i32
    %c0_i32_0 = arith.constant 0 : i32
    %c0_i32_1 = arith.constant 0 : i32
    return %c0_i32, %c0_i32_0 : i32, i32
  }
  func.func @transform_3(%arg0: i32) -> (i32, i32) {
    %c0_i32 = arith.constant 0 : i32
    %c0_i32_0 = arith.constant 0 : i32
    %c0_i32_1 = arith.constant 0 : i32
    return %c0_i32, %c0_i32_0 : i32, i32
  }
  func.func @transform_4(%arg0: i32) -> (i32, i32) {
    %c0_i32 = arith.constant 0 : i32
    %c0_i32_0 = arith.constant 0 : i32
    %c0_i32_1 = arith.constant 0 : i32
    return %c0_i32, %c0_i32_0 : i32, i32
  }
  func.func @transform_5(%arg0: i32) -> (i32, i32) {
    %c0_i32 = arith.constant 0 : i32
    %c0_i32_0 = arith.constant 0 : i32
    %c0_i32_1 = arith.constant 0 : i32
    return %c0_i32, %c0_i32_0 : i32, i32
  }
  func.func @transform_6(%arg0: i32) -> (i32, i32) {
    %c0_i32 = arith.constant 0 : i32
    %c0_i32_0 = arith.constant 0 : i32
    %c0_i32_1 = arith.constant 0 : i32
    return %c0_i32, %c0_i32_0 : i32, i32
  }
  func.func @transform_7(%arg0: i32) -> (i32, i32) {
    %c0_i32 = arith.constant 0 : i32
    %c0_i32_0 = arith.constant 0 : i32
    %c0_i32_1 = arith.constant 0 : i32
    return %c0_i32, %c0_i32_0 : i32, i32
  }
  func.func @transform_8(%arg0: i32) -> (i32, i32) {
    %c0_i32 = arith.constant 0 : i32
    %c0_i32_0 = arith.constant 0 : i32
    %c0_i32_1 = arith.constant 0 : i32
    return %c0_i32, %c0_i32_0 : i32, i32
  }
  func.func @transform_9(%arg0: i32) -> (i32, i32) {
    %c0_i32 = arith.constant 0 : i32
    %c0_i32_0 = arith.constant 0 : i32
    %c0_i32_1 = arith.constant 0 : i32
    return %c0_i32, %c0_i32_0 : i32, i32
  }
  func.func @transform_10(%arg0: i32) -> (i32, i32) {
    %add3A = arith.constant 0 : i32
    %add3A_0 = arith.addi %arg0, %add3A : i32
    %c0_i32 = arith.constant 0 : i32
    %c0_i32_1 = arith.constant 0 : i32
    return %add3A_0, %c0_i32 : i32, i32
  }
  func.func @transform_11(%arg0: i32) -> (i32, i32) {
    %c0_i32 = arith.constant 0 : i32
    %c0_i32_0 = arith.constant 0 : i32
    return %arg0, %c0_i32 : i32, i32
  }
}

module attributes {stable_mosaic.version = 14 : i64} {
  func.func @_edge_mlp_body_aliased(%arg0: i32, %arg1: memref<1600x128xf32, #tpu.memory_space<vmem>>, %arg2: memref<1600x128xf32, #tpu.memory_space<vmem>>, %arg3: memref<128x128xf32, #tpu.memory_space<vmem>>, %arg4: memref<1x128xf32, #tpu.memory_space<vmem>>, %arg5: memref<128x128xf32, #tpu.memory_space<vmem>>, %arg6: memref<1x128xf32, #tpu.memory_space<vmem>>, %arg7: memref<128x128xf32, #tpu.memory_space<vmem>>, %arg8: memref<1x128xf32, #tpu.memory_space<vmem>>, %arg9: memref<1x128xf32, #tpu.memory_space<vmem>>, %arg10: memref<1x128xf32, #tpu.memory_space<vmem>>, %arg11: memref<8x128xf32, #tpu.memory_space<vmem>>, %arg12: memref<1600x128xf32, #tpu.memory_space<vmem>>, %arg13: memref<1600x128xf32, #tpu.memory_space<vmem>>) attributes {dimension_semantics = [#tpu.dimension_semantics<arbitrary>], iteration_bounds = array<i64: 100>, scalar_prefetch = 0 : i64, scratch_operands = 0 : i64, tpu.core_type = #tpu.core_type<tc>, window_params = [{transform_indices = @transform_0, window_bounds = array<i64: 1600, 128>}, {transform_indices = @transform_1, window_bounds = array<i64: 1600, 128>}, {pipeline_mode = #tpu.pipeline_mode<synchronous>, transform_indices = @transform_2, window_bounds = array<i64: 128, 128>}, {pipeline_mode = #tpu.pipeline_mode<synchronous>, transform_indices = @transform_3, window_bounds = array<i64: 1, 128>}, {pipeline_mode = #tpu.pipeline_mode<synchronous>, transform_indices = @transform_4, window_bounds = array<i64: 128, 128>}, {pipeline_mode = #tpu.pipeline_mode<synchronous>, transform_indices = @transform_5, window_bounds = array<i64: 1, 128>}, {pipeline_mode = #tpu.pipeline_mode<synchronous>, transform_indices = @transform_6, window_bounds = array<i64: 128, 128>}, {pipeline_mode = #tpu.pipeline_mode<synchronous>, transform_indices = @transform_7, window_bounds = array<i64: 1, 128>}, {pipeline_mode = #tpu.pipeline_mode<synchronous>, transform_indices = @transform_8, window_bounds = array<i64: 1, 128>}, {pipeline_mode = #tpu.pipeline_mode<synchronous>, transform_indices = @transform_9, window_bounds = array<i64: 1, 128>}, {transform_indices = @transform_10, window_bounds = array<i64: 8, 128>}, {transform_indices = @transform_11, window_bounds = array<i64: 1600, 128>}, {transform_indices = @transform_12, window_bounds = array<i64: 1600, 128>}]} {
    %get3A = arith.constant 0 : index
    %get3A_0 = arith.constant 0 : index
    %get3A_1 = vector.load %arg1[%get3A, %get3A_0] : memref<1600x128xf32, #tpu.memory_space<vmem>>, vector<1600x128xf32>
    %get3A_2 = arith.constant 0 : index
    %get3A_3 = arith.constant 0 : index
    %get3A_4 = vector.load %arg3[%get3A_2, %get3A_3] : memref<128x128xf32, #tpu.memory_space<vmem>>, vector<128x128xf32>
    %dot_general3A = arith.constant dense<0.000000e+00> : vector<1600x128xf32>
    %dot_general3A_5 = tpu.matmul %get3A_1, %get3A_4, %dot_general3A {dimension_numbers = #tpu.dot_dimension_numbers<[1], [0], [0], [1], [0, 0, 1, 1], [], []>, transpose_lhs_hint = false} : vector<1600x128xf32>, vector<128x128xf32>, vector<1600x128xf32> -> vector<1600x128xf32>
    %get3A_6 = arith.constant 0 : index
    %get3A_7 = arith.constant 0 : index
    %get3A_8 = vector.load %arg2[%get3A_6, %get3A_7] : memref<1600x128xf32, #tpu.memory_space<vmem>>, vector<1600x128xf32>
    %add3A = arith.addf %dot_general3A_5, %get3A_8 : vector<1600x128xf32>
    %get3A_9 = arith.constant 0 : index
    %get3A_10 = arith.constant 0 : index
    %get3A_11 = vector.load %arg4[%get3A_9, %get3A_10] : memref<1x128xf32, #tpu.memory_space<vmem>>, vector<1x128xf32>
    %add3A_12 = vector.broadcast %get3A_11 : vector<1x128xf32> to vector<1600x128xf32>
    %add3A_13 = arith.addf %add3A, %add3A_12 : vector<1600x128xf32>
    %mul3A = arith.constant 5.000000e-01 : f32
    %mul3A_14 = vector.broadcast %mul3A : f32 to vector<1600x128xf32>
    %mul3A_15 = arith.mulf %mul3A_14, %add3A_13 : vector<1600x128xf32>
    %mul3A_16 = arith.constant 0.707106769 : f32
    %mul3A_17 = vector.broadcast %mul3A_16 : f32 to vector<1600x128xf32>
    %mul3A_18 = arith.mulf %add3A_13, %mul3A_17 : vector<1600x128xf32>
    %erf3A = math.erf %mul3A_18 : vector<1600x128xf32>
    %add3A_19 = arith.constant 1.000000e+00 : f32
    %add3A_20 = vector.broadcast %add3A_19 : f32 to vector<1600x128xf32>
    %add3A_21 = arith.addf %add3A_20, %erf3A : vector<1600x128xf32>
    %mul3A_22 = arith.mulf %mul3A_15, %add3A_21 : vector<1600x128xf32>
    %get3A_23 = arith.constant 0 : index
    %get3A_24 = arith.constant 0 : index
    %get3A_25 = vector.load %arg5[%get3A_23, %get3A_24] : memref<128x128xf32, #tpu.memory_space<vmem>>, vector<128x128xf32>
    %dot_general3A_26 = arith.constant dense<0.000000e+00> : vector<1600x128xf32>
    %dot_general3A_27 = tpu.matmul %mul3A_22, %get3A_25, %dot_general3A_26 {dimension_numbers = #tpu.dot_dimension_numbers<[1], [0], [0], [1], [0, 0, 1, 1], [], []>, transpose_lhs_hint = false} : vector<1600x128xf32>, vector<128x128xf32>, vector<1600x128xf32> -> vector<1600x128xf32>
    %get3A_28 = arith.constant 0 : index
    %get3A_29 = arith.constant 0 : index
    %get3A_30 = vector.load %arg6[%get3A_28, %get3A_29] : memref<1x128xf32, #tpu.memory_space<vmem>>, vector<1x128xf32>
    %add3A_31 = vector.broadcast %get3A_30 : vector<1x128xf32> to vector<1600x128xf32>
    %add3A_32 = arith.addf %dot_general3A_27, %add3A_31 : vector<1600x128xf32>
    %mul3A_33 = arith.constant 5.000000e-01 : f32
    %mul3A_34 = vector.broadcast %mul3A_33 : f32 to vector<1600x128xf32>
    %mul3A_35 = arith.mulf %mul3A_34, %add3A_32 : vector<1600x128xf32>
    %mul3A_36 = arith.constant 0.707106769 : f32
    %mul3A_37 = vector.broadcast %mul3A_36 : f32 to vector<1600x128xf32>
    %mul3A_38 = arith.mulf %add3A_32, %mul3A_37 : vector<1600x128xf32>
    %erf3A_39 = math.erf %mul3A_38 : vector<1600x128xf32>
    %add3A_40 = arith.constant 1.000000e+00 : f32
    %add3A_41 = vector.broadcast %add3A_40 : f32 to vector<1600x128xf32>
    %add3A_42 = arith.addf %add3A_41, %erf3A_39 : vector<1600x128xf32>
    %mul3A_43 = arith.mulf %mul3A_35, %add3A_42 : vector<1600x128xf32>
    %get3A_44 = arith.constant 0 : index
    %get3A_45 = arith.constant 0 : index
    %get3A_46 = vector.load %arg7[%get3A_44, %get3A_45] : memref<128x128xf32, #tpu.memory_space<vmem>>, vector<128x128xf32>
    %dot_general3A_47 = arith.constant dense<0.000000e+00> : vector<1600x128xf32>
    %dot_general3A_48 = tpu.matmul %mul3A_43, %get3A_46, %dot_general3A_47 {dimension_numbers = #tpu.dot_dimension_numbers<[1], [0], [0], [1], [0, 0, 1, 1], [], []>, transpose_lhs_hint = false} : vector<1600x128xf32>, vector<128x128xf32>, vector<1600x128xf32> -> vector<1600x128xf32>
    %get3A_49 = arith.constant 0 : index
    %get3A_50 = arith.constant 0 : index
    %get3A_51 = vector.load %arg8[%get3A_49, %get3A_50] : memref<1x128xf32, #tpu.memory_space<vmem>>, vector<1x128xf32>
    %add3A_52 = vector.broadcast %get3A_51 : vector<1x128xf32> to vector<1600x128xf32>
    %add3A_53 = arith.addf %dot_general3A_48, %add3A_52 : vector<1600x128xf32>
    %get3A_54 = arith.constant 0 : index
    %get3A_55 = arith.constant 0 : index
    %get3A_56 = vector.load %arg9[%get3A_54, %get3A_55] : memref<1x128xf32, #tpu.memory_space<vmem>>, vector<1x128xf32>
    %get3A_57 = arith.constant 0 : index
    %get3A_58 = arith.constant 0 : index
    %get3A_59 = vector.load %arg10[%get3A_57, %get3A_58] : memref<1x128xf32, #tpu.memory_space<vmem>>, vector<1x128xf32>
    %reduce_sum3A = arith.constant dense<0.000000e+00> : vector<1600xf32>
    %reduce_sum3A_60 = vector.multi_reduction <add>, %add3A_53, %reduce_sum3A [1] : vector<1600x128xf32> to vector<1600xf32>
    %broadcast_in_dim3A = vector.shape_cast %reduce_sum3A_60 : vector<1600xf32> to vector<1600x1xf32>
    %div3A = arith.constant 1.280000e+02 : f32
    %div3A_61 = vector.broadcast %div3A : f32 to vector<1600x1xf32>
    %div3A_62 = arith.divf %broadcast_in_dim3A, %div3A_61 : vector<1600x1xf32>
    %jit3A = arith.constant 0 : i32
    %reduce_sum3A_63 = arith.constant dense<0.000000e+00> : vector<1600xf32>
    %reduce_sum3A_64 = vector.multi_reduction <add>, %add3A_53, %reduce_sum3A_63 [1] : vector<1600x128xf32> to vector<1600xf32>
    %broadcast_in_dim3A_65 = vector.shape_cast %reduce_sum3A_64 : vector<1600xf32> to vector<1600x1xf32>
    %div3A_66 = arith.constant 1.280000e+02 : f32
    %div3A_67 = vector.broadcast %div3A_66 : f32 to vector<1600x1xf32>
    %div3A_68 = arith.divf %broadcast_in_dim3A_65, %div3A_67 : vector<1600x1xf32>
    %sub3A = vector.broadcast %div3A_68 : vector<1600x1xf32> to vector<1600x128xf32>
    %sub3A_69 = arith.subf %add3A_53, %sub3A : vector<1600x128xf32>
    %square3A = arith.mulf %sub3A_69, %sub3A_69 : vector<1600x128xf32>
    %convert_element_type3A = arith.sitofp %jit3A : i32 to f32
    %sub3A_70 = arith.constant 1.280000e+02 : f32
    %sub3A_71 = arith.subf %sub3A_70, %convert_element_type3A : f32
    %reduce_sum3A_72 = arith.constant dense<0.000000e+00> : vector<1600xf32>
    %reduce_sum3A_73 = vector.multi_reduction <add>, %square3A, %reduce_sum3A_72 [1] : vector<1600x128xf32> to vector<1600xf32>
    %broadcast_in_dim3A_74 = vector.shape_cast %reduce_sum3A_73 : vector<1600xf32> to vector<1600x1xf32>
    %div3A_75 = vector.broadcast %sub3A_71 : f32 to vector<1600x1xf32>
    %div3A_76 = arith.divf %broadcast_in_dim3A_74, %div3A_75 : vector<1600x1xf32>
    %gt3A = arith.constant 0.000000e+00 : f32
    %gt3A_77 = arith.cmpf ogt, %sub3A_71, %gt3A : f32
    %jit3A_78 = arith.constant 0x7FC00000 : f32
    %broadcast_in_dim3A_79 = vector.broadcast %jit3A_78 : f32 to vector<1600x1xf32>
    %select_n3A = arith.select %gt3A_77, %div3A_76, %broadcast_in_dim3A_79 : vector<1600x1xf32>
    %sub3A_80 = vector.broadcast %div3A_62 : vector<1600x1xf32> to vector<1600x128xf32>
    %sub3A_81 = arith.subf %add3A_53, %sub3A_80 : vector<1600x128xf32>
    %add3A_82 = arith.constant 9.99999974E-6 : f32
    %add3A_83 = vector.broadcast %add3A_82 : f32 to vector<1600x1xf32>
    %add3A_84 = arith.addf %select_n3A, %add3A_83 : vector<1600x1xf32>
    %sqrt3A = math.sqrt %add3A_84 : vector<1600x1xf32>
    %div3A_85 = vector.broadcast %sqrt3A : vector<1600x1xf32> to vector<1600x128xf32>
    %div3A_86 = arith.divf %sub3A_81, %div3A_85 : vector<1600x128xf32>
    %mul3A_87 = vector.broadcast %get3A_56 : vector<1x128xf32> to vector<1600x128xf32>
    %mul3A_88 = arith.mulf %div3A_86, %mul3A_87 : vector<1600x128xf32>
    %add3A_89 = vector.broadcast %get3A_59 : vector<1x128xf32> to vector<1600x128xf32>
    %add3A_90 = arith.addf %mul3A_88, %add3A_89 : vector<1600x128xf32>
    %swap3A = arith.constant 0 : index
    %swap3A_91 = arith.constant 0 : index
    %swap3A_92 = vector.load %arg13[%swap3A, %swap3A_91] : memref<1600x128xf32, #tpu.memory_space<vmem>>, vector<1600x128xf32>
    tpu.vector_store %arg13[%swap3A, %swap3A_91], %add3A_90 {strides = array<i32>} : memref<1600x128xf32, #tpu.memory_space<vmem>>, vector<1600x128xf32>,
    %add3A_93 = arith.addf %get3A_1, %add3A_90 : vector<1600x128xf32>
    %swap3A_94 = arith.constant 0 : index
    %swap3A_95 = arith.constant 0 : index
    %swap3A_96 = vector.load %arg12[%swap3A_94, %swap3A_95] : memref<1600x128xf32, #tpu.memory_space<vmem>>, vector<1600x128xf32>
    tpu.vector_store %arg12[%swap3A_94, %swap3A_95], %add3A_93 {strides = array<i32>} : memref<1600x128xf32, #tpu.memory_space<vmem>>, vector<1600x128xf32>,
    return
  }
  func.func @transform_0(%arg0: i32) -> (i32, i32) {
    %add3A = arith.constant 100 : i32
    %add3A_0 = arith.addi %arg0, %add3A : i32
    %c0_i32 = arith.constant 0 : i32
    %c0_i32_1 = arith.constant 0 : i32
    return %add3A_0, %c0_i32 : i32, i32
  }
  func.func @transform_1(%arg0: i32) -> (i32, i32) {
    %c0_i32 = arith.constant 0 : i32
    %c0_i32_0 = arith.constant 0 : i32
    return %arg0, %c0_i32 : i32, i32
  }
  func.func @transform_2(%arg0: i32) -> (i32, i32) {
    %c0_i32 = arith.constant 0 : i32
    %c0_i32_0 = arith.constant 0 : i32
    %c0_i32_1 = arith.constant 0 : i32
    return %c0_i32, %c0_i32_0 : i32, i32
  }
  func.func @transform_3(%arg0: i32) -> (i32, i32) {
    %c0_i32 = arith.constant 0 : i32
    %c0_i32_0 = arith.constant 0 : i32
    %c0_i32_1 = arith.constant 0 : i32
    return %c0_i32, %c0_i32_0 : i32, i32
  }
  func.func @transform_4(%arg0: i32) -> (i32, i32) {
    %c0_i32 = arith.constant 0 : i32
    %c0_i32_0 = arith.constant 0 : i32
    %c0_i32_1 = arith.constant 0 : i32
    return %c0_i32, %c0_i32_0 : i32, i32
  }
  func.func @transform_5(%arg0: i32) -> (i32, i32) {
    %c0_i32 = arith.constant 0 : i32
    %c0_i32_0 = arith.constant 0 : i32
    %c0_i32_1 = arith.constant 0 : i32
    return %c0_i32, %c0_i32_0 : i32, i32
  }
  func.func @transform_6(%arg0: i32) -> (i32, i32) {
    %c0_i32 = arith.constant 0 : i32
    %c0_i32_0 = arith.constant 0 : i32
    %c0_i32_1 = arith.constant 0 : i32
    return %c0_i32, %c0_i32_0 : i32, i32
  }
  func.func @transform_7(%arg0: i32) -> (i32, i32) {
    %c0_i32 = arith.constant 0 : i32
    %c0_i32_0 = arith.constant 0 : i32
    %c0_i32_1 = arith.constant 0 : i32
    return %c0_i32, %c0_i32_0 : i32, i32
  }
  func.func @transform_8(%arg0: i32) -> (i32, i32) {
    %c0_i32 = arith.constant 0 : i32
    %c0_i32_0 = arith.constant 0 : i32
    %c0_i32_1 = arith.constant 0 : i32
    return %c0_i32, %c0_i32_0 : i32, i32
  }
  func.func @transform_9(%arg0: i32) -> (i32, i32) {
    %c0_i32 = arith.constant 0 : i32
    %c0_i32_0 = arith.constant 0 : i32
    %c0_i32_1 = arith.constant 0 : i32
    return %c0_i32, %c0_i32_0 : i32, i32
  }
  func.func @transform_10(%arg0: i32) -> (i32, i32) {
    %c0_i32 = arith.constant 0 : i32
    %c0_i32_0 = arith.constant 0 : i32
    %c0_i32_1 = arith.constant 0 : i32
    return %c0_i32, %c0_i32_0 : i32, i32
  }
  func.func @transform_11(%arg0: i32) -> (i32, i32) {
    %add3A = arith.constant 100 : i32
    %add3A_0 = arith.addi %arg0, %add3A : i32
    %c0_i32 = arith.constant 0 : i32
    %c0_i32_1 = arith.constant 0 : i32
    return %add3A_0, %c0_i32 : i32, i32
  }
  func.func @transform_12(%arg0: i32) -> (i32, i32) {
    %c0_i32 = arith.constant 0 : i32
    %c0_i32_0 = arith.constant 0 : i32
    return %arg0, %c0_i32 : i32, i32
  }
}

module attributes {stable_mosaic.version = 14 : i64} {
  func.func @_node_mlp_body(%arg0: i32, %arg1: memref<2000x128xf32, #tpu.memory_space<vmem>>, %arg2: memref<2000x128xf32, #tpu.memory_space<vmem>>, %arg3: memref<2000x128xf32, #tpu.memory_space<vmem>>, %arg4: memref<2000x128xf32, #tpu.memory_space<vmem>>, %arg5: memref<2000x128xf32, #tpu.memory_space<vmem>>, %arg6: memref<128x128xf32, #tpu.memory_space<vmem>>, %arg7: memref<128x128xf32, #tpu.memory_space<vmem>>, %arg8: memref<128x128xf32, #tpu.memory_space<vmem>>, %arg9: memref<1x128xf32, #tpu.memory_space<vmem>>, %arg10: memref<128x128xf32, #tpu.memory_space<vmem>>, %arg11: memref<1x128xf32, #tpu.memory_space<vmem>>, %arg12: memref<128x128xf32, #tpu.memory_space<vmem>>, %arg13: memref<1x128xf32, #tpu.memory_space<vmem>>, %arg14: memref<1x128xf32, #tpu.memory_space<vmem>>, %arg15: memref<1x128xf32, #tpu.memory_space<vmem>>, %arg16: memref<2000x128xf32, #tpu.memory_space<vmem>>) attributes {dimension_semantics = [#tpu.dimension_semantics<arbitrary>], iteration_bounds = array<i64: 5>, scalar_prefetch = 0 : i64, scratch_operands = 0 : i64, tpu.core_type = #tpu.core_type<tc>, window_params = [{transform_indices = @transform_0, window_bounds = array<i64: 2000, 128>}, {transform_indices = @transform_1, window_bounds = array<i64: 2000, 128>}, {transform_indices = @transform_2, window_bounds = array<i64: 2000, 128>}, {transform_indices = @transform_3, window_bounds = array<i64: 2000, 128>}, {transform_indices = @transform_4, window_bounds = array<i64: 2000, 128>}, {pipeline_mode = #tpu.pipeline_mode<synchronous>, transform_indices = @transform_5, window_bounds = array<i64: 128, 128>}, {pipeline_mode = #tpu.pipeline_mode<synchronous>, transform_indices = @transform_6, window_bounds = array<i64: 128, 128>}, {pipeline_mode = #tpu.pipeline_mode<synchronous>, transform_indices = @transform_7, window_bounds = array<i64: 128, 128>}, {pipeline_mode = #tpu.pipeline_mode<synchronous>, transform_indices = @transform_8, window_bounds = array<i64: 1, 128>}, {pipeline_mode = #tpu.pipeline_mode<synchronous>, transform_indices = @transform_9, window_bounds = array<i64: 128, 128>}, {pipeline_mode = #tpu.pipeline_mode<synchronous>, transform_indices = @transform_10, window_bounds = array<i64: 1, 128>}, {pipeline_mode = #tpu.pipeline_mode<synchronous>, transform_indices = @transform_11, window_bounds = array<i64: 128, 128>}, {pipeline_mode = #tpu.pipeline_mode<synchronous>, transform_indices = @transform_12, window_bounds = array<i64: 1, 128>}, {pipeline_mode = #tpu.pipeline_mode<synchronous>, transform_indices = @transform_13, window_bounds = array<i64: 1, 128>}, {pipeline_mode = #tpu.pipeline_mode<synchronous>, transform_indices = @transform_14, window_bounds = array<i64: 1, 128>}, {transform_indices = @transform_15, window_bounds = array<i64: 2000, 128>}]} {
    %get3A = arith.constant 0 : index
    %get3A_0 = arith.constant 0 : index
    %get3A_1 = vector.load %arg1[%get3A, %get3A_0] : memref<2000x128xf32, #tpu.memory_space<vmem>>, vector<2000x128xf32>
    %get3A_2 = arith.constant 0 : index
    %get3A_3 = arith.constant 0 : index
    %get3A_4 = vector.load %arg2[%get3A_2, %get3A_3] : memref<2000x128xf32, #tpu.memory_space<vmem>>, vector<2000x128xf32>
    %get3A_5 = arith.constant 0 : index
    %get3A_6 = arith.constant 0 : index
    %get3A_7 = vector.load %arg4[%get3A_5, %get3A_6] : memref<2000x128xf32, #tpu.memory_space<vmem>>, vector<2000x128xf32>
    %get3A_8 = arith.constant 0 : index
    %get3A_9 = arith.constant 0 : index
    %get3A_10 = vector.load %arg3[%get3A_8, %get3A_9] : memref<2000x128xf32, #tpu.memory_space<vmem>>, vector<2000x128xf32>
    %add3A = arith.addf %get3A_4, %get3A_10 : vector<2000x128xf32>
    %get3A_11 = arith.constant 0 : index
    %get3A_12 = arith.constant 0 : index
    %get3A_13 = vector.load %arg5[%get3A_11, %get3A_12] : memref<2000x128xf32, #tpu.memory_space<vmem>>, vector<2000x128xf32>
    %add3A_14 = arith.addf %get3A_7, %get3A_13 : vector<2000x128xf32>
    %get3A_15 = arith.constant 0 : index
    %get3A_16 = arith.constant 0 : index
    %get3A_17 = vector.load %arg6[%get3A_15, %get3A_16] : memref<128x128xf32, #tpu.memory_space<vmem>>, vector<128x128xf32>
    %dot_general3A = arith.constant dense<0.000000e+00> : vector<2000x128xf32>
    %dot_general3A_18 = tpu.matmul %get3A_1, %get3A_17, %dot_general3A {dimension_numbers = #tpu.dot_dimension_numbers<[1], [0], [0], [1], [0, 0, 1, 1], [], []>, transpose_lhs_hint = false} : vector<2000x128xf32>, vector<128x128xf32>, vector<2000x128xf32> -> vector<2000x128xf32>
    %get3A_19 = arith.constant 0 : index
    %get3A_20 = arith.constant 0 : index
    %get3A_21 = vector.load %arg7[%get3A_19, %get3A_20] : memref<128x128xf32, #tpu.memory_space<vmem>>, vector<128x128xf32>
    %dot_general3A_22 = arith.constant dense<0.000000e+00> : vector<2000x128xf32>
    %dot_general3A_23 = tpu.matmul %add3A, %get3A_21, %dot_general3A_22 {dimension_numbers = #tpu.dot_dimension_numbers<[1], [0], [0], [1], [0, 0, 1, 1], [], []>, transpose_lhs_hint = false} : vector<2000x128xf32>, vector<128x128xf32>, vector<2000x128xf32> -> vector<2000x128xf32>
    %add3A_24 = arith.addf %dot_general3A_18, %dot_general3A_23 : vector<2000x128xf32>
    %get3A_25 = arith.constant 0 : index
    %get3A_26 = arith.constant 0 : index
    %get3A_27 = vector.load %arg8[%get3A_25, %get3A_26] : memref<128x128xf32, #tpu.memory_space<vmem>>, vector<128x128xf32>
    %dot_general3A_28 = arith.constant dense<0.000000e+00> : vector<2000x128xf32>
    %dot_general3A_29 = tpu.matmul %add3A_14, %get3A_27, %dot_general3A_28 {dimension_numbers = #tpu.dot_dimension_numbers<[1], [0], [0], [1], [0, 0, 1, 1], [], []>, transpose_lhs_hint = false} : vector<2000x128xf32>, vector<128x128xf32>, vector<2000x128xf32> -> vector<2000x128xf32>
    %add3A_30 = arith.addf %add3A_24, %dot_general3A_29 : vector<2000x128xf32>
    %get3A_31 = arith.constant 0 : index
    %get3A_32 = arith.constant 0 : index
    %get3A_33 = vector.load %arg9[%get3A_31, %get3A_32] : memref<1x128xf32, #tpu.memory_space<vmem>>, vector<1x128xf32>
    %add3A_34 = vector.broadcast %get3A_33 : vector<1x128xf32> to vector<2000x128xf32>
    %add3A_35 = arith.addf %add3A_30, %add3A_34 : vector<2000x128xf32>
    %mul3A = arith.constant 5.000000e-01 : f32
    %mul3A_36 = vector.broadcast %mul3A : f32 to vector<2000x128xf32>
    %mul3A_37 = arith.mulf %mul3A_36, %add3A_35 : vector<2000x128xf32>
    %mul3A_38 = arith.constant 0.707106769 : f32
    %mul3A_39 = vector.broadcast %mul3A_38 : f32 to vector<2000x128xf32>
    %mul3A_40 = arith.mulf %add3A_35, %mul3A_39 : vector<2000x128xf32>
    %erf3A = math.erf %mul3A_40 : vector<2000x128xf32>
    %add3A_41 = arith.constant 1.000000e+00 : f32
    %add3A_42 = vector.broadcast %add3A_41 : f32 to vector<2000x128xf32>
    %add3A_43 = arith.addf %add3A_42, %erf3A : vector<2000x128xf32>
    %mul3A_44 = arith.mulf %mul3A_37, %add3A_43 : vector<2000x128xf32>
    %get3A_45 = arith.constant 0 : index
    %get3A_46 = arith.constant 0 : index
    %get3A_47 = vector.load %arg10[%get3A_45, %get3A_46] : memref<128x128xf32, #tpu.memory_space<vmem>>, vector<128x128xf32>
    %dot_general3A_48 = arith.constant dense<0.000000e+00> : vector<2000x128xf32>
    %dot_general3A_49 = tpu.matmul %mul3A_44, %get3A_47, %dot_general3A_48 {dimension_numbers = #tpu.dot_dimension_numbers<[1], [0], [0], [1], [0, 0, 1, 1], [], []>, transpose_lhs_hint = false} : vector<2000x128xf32>, vector<128x128xf32>, vector<2000x128xf32> -> vector<2000x128xf32>
    %get3A_50 = arith.constant 0 : index
    %get3A_51 = arith.constant 0 : index
    %get3A_52 = vector.load %arg11[%get3A_50, %get3A_51] : memref<1x128xf32, #tpu.memory_space<vmem>>, vector<1x128xf32>
    %add3A_53 = vector.broadcast %get3A_52 : vector<1x128xf32> to vector<2000x128xf32>
    %add3A_54 = arith.addf %dot_general3A_49, %add3A_53 : vector<2000x128xf32>
    %mul3A_55 = arith.constant 5.000000e-01 : f32
    %mul3A_56 = vector.broadcast %mul3A_55 : f32 to vector<2000x128xf32>
    %mul3A_57 = arith.mulf %mul3A_56, %add3A_54 : vector<2000x128xf32>
    %mul3A_58 = arith.constant 0.707106769 : f32
    %mul3A_59 = vector.broadcast %mul3A_58 : f32 to vector<2000x128xf32>
    %mul3A_60 = arith.mulf %add3A_54, %mul3A_59 : vector<2000x128xf32>
    %erf3A_61 = math.erf %mul3A_60 : vector<2000x128xf32>
    %add3A_62 = arith.constant 1.000000e+00 : f32
    %add3A_63 = vector.broadcast %add3A_62 : f32 to vector<2000x128xf32>
    %add3A_64 = arith.addf %add3A_63, %erf3A_61 : vector<2000x128xf32>
    %mul3A_65 = arith.mulf %mul3A_57, %add3A_64 : vector<2000x128xf32>
    %get3A_66 = arith.constant 0 : index
    %get3A_67 = arith.constant 0 : index
    %get3A_68 = vector.load %arg12[%get3A_66, %get3A_67] : memref<128x128xf32, #tpu.memory_space<vmem>>, vector<128x128xf32>
    %dot_general3A_69 = arith.constant dense<0.000000e+00> : vector<2000x128xf32>
    %dot_general3A_70 = tpu.matmul %mul3A_65, %get3A_68, %dot_general3A_69 {dimension_numbers = #tpu.dot_dimension_numbers<[1], [0], [0], [1], [0, 0, 1, 1], [], []>, transpose_lhs_hint = false} : vector<2000x128xf32>, vector<128x128xf32>, vector<2000x128xf32> -> vector<2000x128xf32>
    %get3A_71 = arith.constant 0 : index
    %get3A_72 = arith.constant 0 : index
    %get3A_73 = vector.load %arg13[%get3A_71, %get3A_72] : memref<1x128xf32, #tpu.memory_space<vmem>>, vector<1x128xf32>
    %add3A_74 = vector.broadcast %get3A_73 : vector<1x128xf32> to vector<2000x128xf32>
    %add3A_75 = arith.addf %dot_general3A_70, %add3A_74 : vector<2000x128xf32>
    %get3A_76 = arith.constant 0 : index
    %get3A_77 = arith.constant 0 : index
    %get3A_78 = vector.load %arg14[%get3A_76, %get3A_77] : memref<1x128xf32, #tpu.memory_space<vmem>>, vector<1x128xf32>
    %get3A_79 = arith.constant 0 : index
    %get3A_80 = arith.constant 0 : index
    %get3A_81 = vector.load %arg15[%get3A_79, %get3A_80] : memref<1x128xf32, #tpu.memory_space<vmem>>, vector<1x128xf32>
    %reduce_sum3A = arith.constant dense<0.000000e+00> : vector<2000xf32>
    %reduce_sum3A_82 = vector.multi_reduction <add>, %add3A_75, %reduce_sum3A [1] : vector<2000x128xf32> to vector<2000xf32>
    %broadcast_in_dim3A = vector.shape_cast %reduce_sum3A_82 : vector<2000xf32> to vector<2000x1xf32>
    %div3A = arith.constant 1.280000e+02 : f32
    %div3A_83 = vector.broadcast %div3A : f32 to vector<2000x1xf32>
    %div3A_84 = arith.divf %broadcast_in_dim3A, %div3A_83 : vector<2000x1xf32>
    %jit3A = arith.constant 0 : i32
    %reduce_sum3A_85 = arith.constant dense<0.000000e+00> : vector<2000xf32>
    %reduce_sum3A_86 = vector.multi_reduction <add>, %add3A_75, %reduce_sum3A_85 [1] : vector<2000x128xf32> to vector<2000xf32>
    %broadcast_in_dim3A_87 = vector.shape_cast %reduce_sum3A_86 : vector<2000xf32> to vector<2000x1xf32>
    %div3A_88 = arith.constant 1.280000e+02 : f32
    %div3A_89 = vector.broadcast %div3A_88 : f32 to vector<2000x1xf32>
    %div3A_90 = arith.divf %broadcast_in_dim3A_87, %div3A_89 : vector<2000x1xf32>
    %sub3A = vector.broadcast %div3A_90 : vector<2000x1xf32> to vector<2000x128xf32>
    %sub3A_91 = arith.subf %add3A_75, %sub3A : vector<2000x128xf32>
    %square3A = arith.mulf %sub3A_91, %sub3A_91 : vector<2000x128xf32>
    %convert_element_type3A = arith.sitofp %jit3A : i32 to f32
    %sub3A_92 = arith.constant 1.280000e+02 : f32
    %sub3A_93 = arith.subf %sub3A_92, %convert_element_type3A : f32
    %reduce_sum3A_94 = arith.constant dense<0.000000e+00> : vector<2000xf32>
    %reduce_sum3A_95 = vector.multi_reduction <add>, %square3A, %reduce_sum3A_94 [1] : vector<2000x128xf32> to vector<2000xf32>
    %broadcast_in_dim3A_96 = vector.shape_cast %reduce_sum3A_95 : vector<2000xf32> to vector<2000x1xf32>
    %div3A_97 = vector.broadcast %sub3A_93 : f32 to vector<2000x1xf32>
    %div3A_98 = arith.divf %broadcast_in_dim3A_96, %div3A_97 : vector<2000x1xf32>
    %gt3A = arith.constant 0.000000e+00 : f32
    %gt3A_99 = arith.cmpf ogt, %sub3A_93, %gt3A : f32
    %jit3A_100 = arith.constant 0x7FC00000 : f32
    %broadcast_in_dim3A_101 = vector.broadcast %jit3A_100 : f32 to vector<2000x1xf32>
    %select_n3A = arith.select %gt3A_99, %div3A_98, %broadcast_in_dim3A_101 : vector<2000x1xf32>
    %sub3A_102 = vector.broadcast %div3A_84 : vector<2000x1xf32> to vector<2000x128xf32>
    %sub3A_103 = arith.subf %add3A_75, %sub3A_102 : vector<2000x128xf32>
    %add3A_104 = arith.constant 9.99999974E-6 : f32
    %add3A_105 = vector.broadcast %add3A_104 : f32 to vector<2000x1xf32>
    %add3A_106 = arith.addf %select_n3A, %add3A_105 : vector<2000x1xf32>
    %sqrt3A = math.sqrt %add3A_106 : vector<2000x1xf32>
    %div3A_107 = vector.broadcast %sqrt3A : vector<2000x1xf32> to vector<2000x128xf32>
    %div3A_108 = arith.divf %sub3A_103, %div3A_107 : vector<2000x128xf32>
    %mul3A_109 = vector.broadcast %get3A_78 : vector<1x128xf32> to vector<2000x128xf32>
    %mul3A_110 = arith.mulf %div3A_108, %mul3A_109 : vector<2000x128xf32>
    %add3A_111 = vector.broadcast %get3A_81 : vector<1x128xf32> to vector<2000x128xf32>
    %add3A_112 = arith.addf %mul3A_110, %add3A_111 : vector<2000x128xf32>
    %add3A_113 = arith.addf %get3A_1, %add3A_112 : vector<2000x128xf32>
    %swap3A = arith.constant 0 : index
    %swap3A_114 = arith.constant 0 : index
    %swap3A_115 = vector.load %arg16[%swap3A, %swap3A_114] : memref<2000x128xf32, #tpu.memory_space<vmem>>, vector<2000x128xf32>
    tpu.vector_store %arg16[%swap3A, %swap3A_114], %add3A_113 {strides = array<i32>} : memref<2000x128xf32, #tpu.memory_space<vmem>>, vector<2000x128xf32>,
    return
  }
  func.func @transform_0(%arg0: i32) -> (i32, i32) {
    %c0_i32 = arith.constant 0 : i32
    %c0_i32_0 = arith.constant 0 : i32
    return %arg0, %c0_i32 : i32, i32
  }
  func.func @transform_1(%arg0: i32) -> (i32, i32) {
    %c0_i32 = arith.constant 0 : i32
    %c0_i32_0 = arith.constant 0 : i32
    return %arg0, %c0_i32 : i32, i32
  }
  func.func @transform_2(%arg0: i32) -> (i32, i32) {
    %c0_i32 = arith.constant 0 : i32
    %c0_i32_0 = arith.constant 0 : i32
    return %arg0, %c0_i32 : i32, i32
  }
  func.func @transform_3(%arg0: i32) -> (i32, i32) {
    %c0_i32 = arith.constant 0 : i32
    %c0_i32_0 = arith.constant 0 : i32
    return %arg0, %c0_i32 : i32, i32
  }
  func.func @transform_4(%arg0: i32) -> (i32, i32) {
    %c0_i32 = arith.constant 0 : i32
    %c0_i32_0 = arith.constant 0 : i32
    return %arg0, %c0_i32 : i32, i32
  }
  func.func @transform_5(%arg0: i32) -> (i32, i32) {
    %c0_i32 = arith.constant 0 : i32
    %c0_i32_0 = arith.constant 0 : i32
    %c0_i32_1 = arith.constant 0 : i32
    return %c0_i32, %c0_i32_0 : i32, i32
  }
  func.func @transform_6(%arg0: i32) -> (i32, i32) {
    %c0_i32 = arith.constant 0 : i32
    %c0_i32_0 = arith.constant 0 : i32
    %c0_i32_1 = arith.constant 0 : i32
    return %c0_i32, %c0_i32_0 : i32, i32
  }
  func.func @transform_7(%arg0: i32) -> (i32, i32) {
    %c0_i32 = arith.constant 0 : i32
    %c0_i32_0 = arith.constant 0 : i32
    %c0_i32_1 = arith.constant 0 : i32
    return %c0_i32, %c0_i32_0 : i32, i32
  }
  func.func @transform_8(%arg0: i32) -> (i32, i32) {
    %c0_i32 = arith.constant 0 : i32
    %c0_i32_0 = arith.constant 0 : i32
    %c0_i32_1 = arith.constant 0 : i32
    return %c0_i32, %c0_i32_0 : i32, i32
  }
  func.func @transform_9(%arg0: i32) -> (i32, i32) {
    %c0_i32 = arith.constant 0 : i32
    %c0_i32_0 = arith.constant 0 : i32
    %c0_i32_1 = arith.constant 0 : i32
    return %c0_i32, %c0_i32_0 : i32, i32
  }
  func.func @transform_10(%arg0: i32) -> (i32, i32) {
    %c0_i32 = arith.constant 0 : i32
    %c0_i32_0 = arith.constant 0 : i32
    %c0_i32_1 = arith.constant 0 : i32
    return %c0_i32, %c0_i32_0 : i32, i32
  }
  func.func @transform_11(%arg0: i32) -> (i32, i32) {
    %c0_i32 = arith.constant 0 : i32
    %c0_i32_0 = arith.constant 0 : i32
    %c0_i32_1 = arith.constant 0 : i32
    return %c0_i32, %c0_i32_0 : i32, i32
  }
  func.func @transform_12(%arg0: i32) -> (i32, i32) {
    %c0_i32 = arith.constant 0 : i32
    %c0_i32_0 = arith.constant 0 : i32
    %c0_i32_1 = arith.constant 0 : i32
    return %c0_i32, %c0_i32_0 : i32, i32
  }
  func.func @transform_13(%arg0: i32) -> (i32, i32) {
    %c0_i32 = arith.constant 0 : i32
    %c0_i32_0 = arith.constant 0 : i32
    %c0_i32_1 = arith.constant 0 : i32
    return %c0_i32, %c0_i32_0 : i32, i32
  }
  func.func @transform_14(%arg0: i32) -> (i32, i32) {
    %c0_i32 = arith.constant 0 : i32
    %c0_i32_0 = arith.constant 0 : i32
    %c0_i32_1 = arith.constant 0 : i32
    return %c0_i32, %c0_i32_0 : i32, i32
  }
  func.func @transform_15(%arg0: i32) -> (i32, i32) {
    %c0_i32 = arith.constant 0 : i32
    %c0_i32_0 = arith.constant 0 : i32
    return %arg0, %c0_i32 : i32, i32
  }
}

</mosaic_0001>

<sc_bundles>
// kernel: kernel.10.cloned.1.call-start
scs
__scs_entry_jumppad:
0x0: {  	(pc) =	sbr.rel $0x88, $3  }
0x1: {  	(tag) =	ssettag $0x0;
	lr =	simm.s32 $0x1  }
0x2: {  	[smem:$0x3F8E] =	sst lr;
	_ =	strace $0xD0000000  }
0x3: {  	_ = 	snop  }
0x4: {  	_ = 	snop  }
0x5: {  	_ = 	snop  }
0x6: {  	_ = 	snop  }
0x7: {  	_ = 	snop  }
__scs_overlays_trampoline_lowered:
0x8: {  	[smem:$0x3F9D] =	sst s0  }
0x9: {  	[smem:$0x3F9E] =	sst s1  }
0xa: {  	[smem:$0x3F9F] =	sst s2  }
0xb: {  	[smem:$0x3FA0] =	sst s3  }
0xc: {  	[smem:$0x3FA1] =	sst s4  }
0xd: {  	[smem:$0x3FA2] =	sst s5  }
0xe: {  	[smem:$0x3FA3] =	sst s6  }
0xf: {  	[smem:$0x3FA4] =	sst s7  }
0x10: {  	[smem:$0x3FA5] =	sst s8  }
0x11: {  	[smem:$0x3FA6] =	sst s9;
	s0 =	simm.s32 @!p0 $0x0  }
0x12: {  	s1 =	sld [smem:$0x3F8C];
	s0 =	simm.s32 @p0 $0x1  }
0x13: {  	[smem:$0x3FA7] =	sst s0;
	s0 =	simm.s32 @!p1 $0x0  }
0x14: {  	s2 =	sld [smem:$0x3F8B];
	s0 =	simm.s32 @p1 $0x1  }
0x15: {  	[smem:$0x3FA8] =	sst s0;
	s0 =	simm.s32 @!p2 $0x0  }
0x16: {  	s3 =	sld [smem:$0x3FDB];
	s0 =	simm.s32 @p2 $0x1  }
0x17: {  	s4 =	simm.s32 $0x1BF5;
	[smem:$0x3FAA] =	sst s0  }
0x18: {  	s0 =	sld [smem:$0x3F8D];
	_ =	swait.ge [sflag:s4], $0x0  }
0x19: {  	s7 =	sld [smem:$0x3F8E]  }
0x1a: {  	s8 =	sadd.s32 $0xFFFFE003, lr  }
0x1b: {  	s9 =	sadd.s32 $0xFFFFFEF7, lr;
	s5 =	simm.s32 $0xFFFFFFFF;
	p2 =	slt.u32 s8, $0xFFFFF086  }
0x1c: {  	p1 =	slt.u32 s9, $0xF7A;
	s5 =	simm.s32 @!p2 $0x0  }
0x1d: {  	s5 =	simm.s32 @p1 $0x1;
	p0 =	seq.s32 s7, s2  }
0x1e: {  	s7 =	smul.u32 @!p0 $0xF7A, s2;
	p2 =	seq.s32 @!p0 s5, $0x0  }
0x1f: {  	s9 =	smul.u32 $0xF7A, s1;
	s8 =	simm.s32 @!p0 $0x1BF5;
	p2 =	por !p2, p0  }
0x20: {  	[sflag:s8] =	ssyncset.s32 @!p0 $0xFFFFF086;
	s6 =	sadd.s32 @!p0 s3, s7;
	s7 =	simm.s32 @!p0 $0x108  }
0x21: {  	s3 =	sadd.s32 s3, s9;
	s6 =	sadd.s32 @!p0 $0x88, s6;
	s7 =	simm.s32 @p2 $0x1082  }
0x22: {  	[simem:s7], [sflag:s8] =	dma.local @!p0 [hbm:s6], $0xF7A  }
0x23: {  	s9 =	sor.u32 $0xD0000000, s2;
	s6 =	simm.s32 $0x108;
	_ =	swait.ge @!p0 [sflag:s8], $0x0  }
0x24: {  	s3 =	sadd.s32 $0x88, s3;
	s6 =	simm.s32 @!p1 $0x1082;
	[sflag:s4] =	ssyncset.s32 $0xFFFFF086  }
0x25: {  	[simem:s6], [sflag:s4] =	dma.local [hbm:s3], $0xF7A  }
0x26: {  	[smem:$0x3F8E] =	sst s1;
	(tag) =	ssettag s2;
	_ =	strace s9  }
0x27: {  	s1 =	sld [smem:$0x3F9E]  }
0x28: {  	s2 =	sld [smem:$0x3F9F]  }
0x29: {  	s4 =	sld [smem:$0x3FA1]  }
0x2a: {  	p0 =	seq.s32 s5, $0x0;
	s5 =	sld [smem:$0x3FA2]  }
0x2b: {  	s6 =	sld [smem:$0x3FA3]  }
0x2c: {  	s7 =	sld [smem:$0x3FA4]  }
0x2d: {  	s3 =	simm.s32 $0x108;
	s8 =	sld [smem:$0x3FA5]  }
0x2e: {  	s3 =	simm.s32 @!p0 $0x1082;
	s9 =	sld [smem:$0x3FA6]  }
0x2f: {  	lr =	sadd.s32 s0, s3;
	s0 =	sld [smem:$0x3F9D]  }
0x30: {  	s3 =	sld [smem:$0x3FA0]  }
0x31: {  	[smem:$0x3FA9] =	sst s10  }
0x32: {  	s10 =	sld [smem:$0x3FA7];
	_ =	sdelay $0x3  }
0x33: {  	p0 =	seq.s32 s10, $0x1;
	s10 =	sld [smem:$0x3FA9];
	_ =	sdelay $0x3  }
0x34: {  	[smem:$0x3FA9] =	sst s10  }
0x35: {  	s10 =	sld [smem:$0x3FA8];
	_ =	sdelay $0x3  }
0x36: {  	p1 =	seq.s32 s10, $0x1;
	s10 =	sld [smem:$0x3FA9];
	_ =	sdelay $0x3  }
0x37: {  	[smem:$0x3FA9] =	sst s10  }
0x38: {  	s10 =	sld [smem:$0x3FAA]  }
0x39: {  	_ = 	snop;
	(pc) =	sbr.ind lr, $3  }
0x3a: {  	_ = 	snop  }
0x3b: {  	_ = 	snop  }
0x3c: {  	p2 =	seq.s32 s10, $0x1;
	s10 =	sld [smem:$0x3FA9]  }
0x3d: {  	_ =	shalt  }
0x3e: {  	_ =	shalt  }
0x3f: {  	_ =	shalt  }
0x40: {  	_ =	shalt  }
0x41: {  	_ =	shalt  }
0x42: {  	_ =	shalt  }
0x43: {  	_ =	shalt  }
0x44: {  	_ =	shalt  }
0x45: {  	_ =	shalt  }
0x46: {  	_ =	shalt  }
0x47: {  	_ =	shalt  }
0x48: {  	_ =	shalt  }
0x49: {  	_ =	shalt  }
0x4a: {  	_ =	shalt  }
0x4b: {  	_ =	shalt  }
0x4c: {  	_ =	shalt  }
0x4d: {  	_ =	shalt  }
0x4e: {  	_ =	shalt  }
0x4f: {  	_ =	shalt  }
0x50: {  	_ =	shalt  }
0x51: {  	_ =	shalt  }
0x52: {  	_ =	shalt  }
0x53: {  	_ =	shalt  }
0x54: {  	_ =	shalt  }
0x55: {  	_ =	shalt  }
0x56: {  	_ =	shalt  }
0x57: {  	_ =	shalt  }
0x58: {  	_ =	shalt  }
0x59: {  	_ =	shalt  }
0x5a: {  	_ =	shalt  }
0x5b: {  	_ =	shalt  }
0x5c: {  	_ =	shalt  }
0x5d: {  	_ =	shalt  }
0x5e: {  	_ =	shalt  }
0x5f: {  	_ =	shalt  }
0x60: {  	_ =	shalt  }
0x61: {  	_ =	shalt  }
0x62: {  	_ =	shalt  }
0x63: {  	_ =	shalt  }
0x64: {  	_ =	shalt  }
0x65: {  	_ =	shalt  }
0x66: {  	_ =	shalt  }
0x67: {  	_ =	shalt  }
0x68: {  	_ =	shalt  }
0x69: {  	_ =	shalt  }
0x6a: {  	_ =	shalt  }
0x6b: {  	_ =	shalt  }
0x6c: {  	_ =	shalt  }
0x6d: {  	_ =	shalt  }
0x6e: {  	_ =	shalt  }
0x6f: {  	_ =	shalt  }
0x70: {  	_ =	shalt  }
0x71: {  	_ =	shalt  }
0x72: {  	_ =	shalt  }
0x73: {  	_ =	shalt  }
0x74: {  	_ =	shalt  }
0x75: {  	_ =	shalt  }
0x76: {  	_ =	shalt  }
0x77: {  	_ =	shalt  }
0x78: {  	_ =	shalt  }
0x79: {  	_ =	shalt  }
0x7a: {  	_ =	shalt  }
0x7b: {  	_ =	shalt  }
0x7c: {  	_ =	shalt  }
0x7d: {  	_ =	shalt  }
0x7e: {  	_ =	shalt  }
0x7f: {  	_ =	shalt  }
0x80: {  	_ =	shalt  }
0x81: {  	_ =	shalt  }
0x82: {  	_ =	shalt  }
0x83: {  	_ =	shalt  }
0x84: {  	_ =	shalt  }
0x85: {  	_ =	shalt  }
0x86: {  	_ =	shalt  }
0x87: {  	_ =	shalt  }
.Lfunc_end0:
.L_simem_size_0:
called_computation_lowered:
.L_overlay_start_0:
0x88: {  	s2 =	sld [smem:$0x3FD9]  }
0x89: {  	s3 =	sld [smem:$0x3FFE];
	_ =	sdelay $0x1  }
0x8a: {  	s1 =	srdreg.scid  }
0x8b: {  	s0 =	sand.u32 $0x1, s1  }
0x8c: {  	s14 =	sshll.u32 s0, $0xA;
	s2 =	sadd.s32 s3, s2  }
0x8d: {  	s2 =	sadd.s32 s2, s14  }
0x8e: {  	[smem:$0x3FB5] =	sst s2  }
0x8f: {  	_ = 	snop  }
0x90: {  	s2 =	sld [smem:$0x3FD0];
	_ =	sdelay $0x2  }
0x91: {  	s15 =	simm.s32 $0xB;
	s4 =	simm.s32 $0x10  }
0x92: {  	[smem:s4], [sflag:s15] =	dma.local [hbm:s2], $0x1  }
0x93: {  	_ =	swait.eq [sflag:s15], $0x1  }
0x94: {  	[sflag:s15] =	ssyncset.done $0x0  }
0x95: {  	[sflag:s15] =	ssyncadd.s32 $0xFFFFFFFF  }
0x96: {  	s16 =	sld [smem:$0x10];
	(tm) =	ssettm $0x1  }
0x97: {  	s17 =	sld [smem:$0x3FFB];
	_ =	sdelay $0x3  }
0x98: {  	_ =	strace s17  }
0x99: {  	s3 =	sld [smem:$0x3FFC];
	_ =	sdelay $0x3  }
0x9a: {  	_ =	strace s3  }
0x9b: {  	s3 =	sld [smem:$0x3FFD];
	_ =	sdelay $0x3  }
0x9c: {  	_ =	strace s3  }
0x9d: {  	_ =	strace $0x8FFFFFFF  }
0x9e: {  	s18 =	sld [smem:$0x3FDB];
	_ =	sdelay $0x1  }
0x9f: {  	s19 =	simm.s32 $_scs_section_size  }
0xa0: {  	s5 =	simm.s32 $_size__tile_overlayer_lowered;
	s6 =	simm.s32 $_tile_overlayer_lowered  }
0xa1: {  	s22 =	simm.s32 $0x1BFF;
	s21 =	sshll.u32 s6, $0x1;
	s3 =	sadd.s32 s19, s18  }
0xa2: {  	s7 =	simm.s32 $0x0;
	s20 =	sshll.u32 s5, $0x1;
	s5 =	sadd.s32 s21, s3  }
0xa3: {  	[timem:s7], [sflag:s22] =	dma.local [hbm:s5], s20  }
0xa4: {  	_ =	swait.ge [sflag:s22], s20  }
0xa5: {  	s4 =	ssub.s32 $0x0, s20;
	[sflag:s22] =	ssyncset.done $0x0  }
0xa6: {  	[sflag:s22] =	ssyncadd.s32 s4;
	_ =	sdelay $0x1  }
0xa7: {  	s23 =	simm.s32 $0x1B8B  }
0xa8: {  	_ =	swait.ge [sflag:s23], $0x1  }
0xa9: {  	[sflag:s23] =	ssyncset.done $0x0  }
0xaa: {  	s25 =	simm.s32 $0x1B8E;
	s24 =	sld [smem:$0x3FFE];
	[sflag:s23] =	ssyncadd.s32 $0xFFFFFFFF  }
0xab: {  	s26 =	simm.s32 $execute0_lowered;
	[smem:$0x3FD2] =	sst s25  }
0xac: {  	s5 =	sshll.u32 s26, $0x1;
	_ =	strace $0x80000046;
	[dreg:$0x1] =	wrdreg $0xFFFFFFFF  }
0xad: {  	s28 =	simm.s32 $_size_execute0_lowered;
	s3 =	sadd.s32 s3, s5;
	[dreg:$0x0] =	wrdreg $0x0  }
0xae: {  	s5 =	sshll.u32 s28, $0x1;
	[dreg:$0x2] =	wrdreg s3  }
0xaf: {  	[dreg:$0x3] =	wrdreg s5  }
0xb0: {  	[dreg:$0x4] =	wrdreg $0xC0  }
0xb1: {  	_ =	task [dreg:s7], $0x5FFFF  }
0xb2: {  	[dreg:$0x1] =	wrdreg $0xFFFFFFFF  }
0xb3: {  	[dreg:$0x0] =	wrdreg $0x60  }
0xb4: {  	[dreg:$0x2] =	wrdreg s16  }
0xb5: {  	[dreg:$0x3] =	wrdreg s24  }
0xb6: {  	[dreg:$0x4] =	wrdreg $0xA  }
0xb7: {  	_ =	task.clear_ibuf [dreg:s7], $0x5FFFF;
	_ =	strace $0x90000046  }
0xb8: {  	s29 =	simm.s32 $0xA;
	_ =	strace $0x80000048  }
0xb9: {  	_ =	swait.ge [sflag:s29], $0x1  }
0xba: {  	[sflag:s29] =	ssyncadd.s32 $0xFFFFFFFF  }
0xbb: {  	_ =	strace $0x90000048  }
0xbc: {  	_ =	sfence  }
0xbd: {  	s30 =	sld [smem:$0x0];
	_ =	sdelay $0x2  }
0xbe: {  	s31 =	sshll.u32 s1, $0xD;
	s1 =	sshrl.u32 s1, $0x2  }
0xbf: {  	s3 =	sand.u32 $0x4000, s31;
	s1 =	sadd.s32 s1, s30  }
0xc0: {  	s0 =	sor.u32 s3, s0;
	s1 =	sshll.u32 s1, $0x11  }
0xc1: {  	s0 =	sor.u32 s1, s0  }
0xc2: {  	s0 =	sadd.s32 $0x8F2B, s0  }
0xc3: {  	[sflag:s0] =	ssyncadd.remote.s32 $0x1  }
0xc4: {  	_ =	sfence.sel $0xFFFF  }
0xc5: {  	[dreg:$0x0] =	wrdreg $0xFFFFFFFF;
	(pc) =	sbr.abs _section_cstart, $3  }
0xc6: {  	[dreg:$0x1] =	wrdreg $0xFFFFFFFF  }
0xc7: {  	_ =	task.clear_ibuf [dreg:s7], $0x2FFFF;
	_ =	strace $0x9FFFFFFF  }
0xc8: {  	(tm) =	ssettm $0x7FFFFFFF  }
0xc9: {  	_ =	shalt  }
tec
execute0_lowered:
.L_overlay_start_1:
0x0: {  	(tag) =	ssettag $0x1  }
0x1: {  	s2 =	rddreg [dreg:$0x0];
	s0 =	srdreg.scid  }
0x2: {  	s3 =	stileid.u32;
	s1 =	rddreg [dreg:$0x1];
	s12 =	simm.s32 $0x7  }
0x3: {  	s13 =	simm.s32 $0x1400;
	s14 =	simm.s32 $0x80;
	s15 =	simm.s32 $0x2800  }
0x4: {  	s16 =	simm.s32 $0xA800;
	s17 =	simm.s32 $0x6800;
	s18 =	simm.s32 $0xE800  }
0x5: {  	s19 =	simm.s32 $0x1;
	s20 =	simm.s32 $0x3;
	s21 =	simm.s32 $0x5  }
0x6: {  	s22 =	simm.s32 $0x2;
	s23 =	simm.s32 $0x4;
	s24 =	simm.s32 $0x6  }
0x7: {  	s26 =	simm.s32 $0x2708;
	s0 =	sand.u32 $0x1, s0;
	s4 =	sshll.u32 s3, $0x1  }
0x8: {  	s28 =	simm.s32 $0x0;
	s3 =	simm.s32 $0x0;
	s5 =	sor.u32 s0, s4  }
0x9: {  	s6 =	sadd.s32 $0x35000, s1;
	[smem:$0x7FF] =	sst s3;
	s4 =	smul.u32 $0x1388, s5  }
0xa: {  	s0 =	ssub.s32 $0x2, s0;
	_ =	strace $0x80000047;
	s7 =	smul.u32 $0x9C400, s5  }
0xb: {  	s5 =	sadd.s32 $0xDE00, s1;
	s9 =	sshrl.u32 s0, $0x1;
	s8 =	sshrl.u32 s4, $0x3  }
0xc: {  	s0 =	ssub.s32 s0, s9;
	s7 =	sshrl.u32 s7, $0x3;
	s1 =	sadd.s32 s8, s1  }
0xd: {  	s11 =	smax.u32 s0, $0x1;
	s10 =	sadd.s32 s6, s7;
	s7 =	sadd.s32 $0x8E00, s1  }
0xe: {  	s8 =	sadd.s32 $0x3E00, s1;
	s9 =	sadd.s32 $0x13000, s10;
	s10 =	sadd.s32 $0x13080, s10  }
.LBB2_1:
0xf: {  	[tilespmem:s3], [sflag:$0x7] =	stream.linear.gather [hbm4b:s7+s3], $0x1388, $0x38;
	[tilespmem:$0x12800] =	vst v63  }
0x10: {  	_ =	swait.ge [sflag:s12], $0x1388  }
0x11: {  	[sflag:s12] =	ssyncset.done $0x0  }
0x12: {  	[sflag:s12] =	ssyncadd.s32 $0xFFFFEC78  }
0x13: {  	[tilespmem:s13], [sflag:$0x7] =	stream.linear.gather [hbm4b:s8+s3], $0x1388, $0x38;
	[tilespmem:$0x12800] =	vst v63  }
0x14: {  	_ =	swait.ge [sflag:s12], $0x1388  }
0x15: {  	[sflag:s12] =	ssyncset.done $0x0  }
0x16: {  	[sflag:s12] =	ssyncadd.s32 $0xFFFFEC78  }
0x17: {  	[tilespmem:s15], [sflag:$0x1] =	stream.indirect.gather [hbm4b:s2+s14], $0x80, s3, s14, $0xb8;
	[tilespmem:$0x12800] =	vst v63  }
0x18: {  	s29 =	simm.s32 $0x0  }
0x19: {  	[tilespmem:s16], [sflag:$0x3] =	stream.indirect.gather [hbm4b:s5+s14], $0x80, s13, s14, $0xb8;
	[tilespmem:$0x12800] =	vst v63  }
.LBB2_2:
0x1a: {  	p0 =	seq.s32 s29, $0x0  }
0x1b: {  	s0 =	simm.s32 @!p0 $0x6  }
0x1c: {  	_ =	swait.ge @!p0 [sflag:s0], $0x4000  }
0x1d: {  	s31 =	sshll.u32 s29, $0x8;
	[sflag:s0] =	ssyncset.done @!p0 $0x0  }
0x1e: {  	s30 =	sor.u32 $0x80, s31;
	[sflag:s0] =	ssyncadd.s32 @!p0 $0xFFFFC000  }
0x1f: {  	[tilespmem:s17], [sflag:$0x2] =	stream.indirect.gather [hbm4b:s2+s14], $0x80, s30, s14, $0xb8;
	[tilespmem:$0x12800] =	vst v63  }
0x20: {  	s25 =	sadd.s32 $0x1480, s31  }
0x21: {  	[tilespmem:s18], [sflag:$0x4] =	stream.indirect.gather [hbm4b:s5+s14], $0x80, s25, s14, $0xb8;
	[tilespmem:$0x12800] =	vst v63  }
0x22: {  	_ =	swait.ge [sflag:s19], $0x4000  }
0x23: {  	[sflag:s19] =	ssyncset.done $0x0  }
0x24: {  	[sflag:s19] =	ssyncadd.s32 $0xFFFFC000  }
0x25: {  	_ =	swait.ge [sflag:s20], $0x4000  }
0x26: {  	[sflag:s20] =	ssyncset.done $0x0  }
0x27: {  	s1 =	simm.s32 $0x0;
	[sflag:s20] =	ssyncadd.s32 $0xFFFFC000  }
0x28: {  	v7 =	vld [tilespmem:s1+$0xA800]  }
0x29: {  	v11 =	vld [tilespmem:s1+$0xA810]  }
0x2a: {  	v5 =	vld [tilespmem:s1+$0xA820]  }
0x2b: {  	v4 =	vld [tilespmem:s1+$0xA830]  }
0x2c: {  	v3 =	vld [tilespmem:s1+$0xA840]  }
0x2d: {  	v2 =	vld [tilespmem:s1+$0xA850]  }
0x2e: {  	v1 =	vld [tilespmem:s1+$0xA860]  }
0x2f: {  	v0 =	vld [tilespmem:s1+$0xA870]  }
0x30: {  	v12 =	vld [tilespmem:s1+$0x2800]  }
0x31: {  	v13 =	vld [tilespmem:s1+$0x2810]  }
0x32: {  	v10 =	vld [tilespmem:s1+$0x2820]  }
0x33: {  	v9 =	vld [tilespmem:s1+$0x2830]  }
0x34: {  	v8 =	vld [tilespmem:s1+$0x2840]  }
0x35: {  	v6 =	vld [tilespmem:s1+$0x2850];
	v12 =	vadd.f32 v7, v12  }
0x36: {  	s0 =	simm.s32 $0x200;
	v11 =	vadd.f32 v11, v13;
	v7 =	vld [tilespmem:s1+$0x2860]  }
.LBB2_3:
0x37: {  	s25 =	sshra.s32 s0, $0x2;
	p0 =	sne.s32 s0, $0xFE00;
	[tilespmem:s1+$0x2800] =	vst v12;
	v5 =	vadd.f32 v5, v10;
	v10 =	vld [tilespmem:s1+$0x2870]  }
0x38: {  	v12 =	vld [tilespmem:s25+$0xA800];
	[tilespmem:s1+$0x2810] =	vst v11;
	v4 =	vadd.f32 v4, v9  }
0x39: {  	v11 =	vld [tilespmem:s25+$0xA810];
	[tilespmem:s1+$0x2820] =	vst v5;
	v3 =	vadd.f32 v3, v8  }
0x3a: {  	v5 =	vld [tilespmem:s25+$0xA820];
	[tilespmem:s1+$0x2830] =	vst v4;
	v2 =	vadd.f32 v2, v6  }
0x3b: {  	v4 =	vld [tilespmem:s25+$0xA830];
	[tilespmem:s1+$0x2840] =	vst v3;
	v1 =	vadd.f32 v1, v7  }
0x3c: {  	v3 =	vld [tilespmem:s25+$0xA840];
	[tilespmem:s1+$0x2850] =	vst v2;
	v0 =	vadd.f32 v0, v10  }
0x3d: {  	v2 =	vld [tilespmem:s25+$0xA850];
	[tilespmem:s1+$0x2860] =	vst v1  }
0x3e: {  	v1 =	vld [tilespmem:s25+$0xA860];
	[tilespmem:s1+$0x2870] =	vst v0;
	s1 =	smov.u32 s25  }
0x3f: {  	v0 =	vld [tilespmem:s1+$0xA870]  }
0x40: {  	v6 =	vld [tilespmem:s1+$0x2800]  }
0x41: {  	v7 =	vld [tilespmem:s1+$0x2810]  }
.Ltmp0:
0x42: {  	v10 =	vld [tilespmem:s1+$0x2820];
	(pc) =	sbr.rel @p0 .LBB2_3-.Ltmp0, $4  }
0x43: {  	v9 =	vld [tilespmem:s1+$0x2830]  }
0x44: {  	v8 =	vld [tilespmem:s1+$0x2840]  }
0x45: {  	v12 =	vadd.f32 v12, v6;
	v6 =	vld [tilespmem:s1+$0x2850]  }
0x46: {  	s0 =	sadd.s32 $0x200, s0;
	v11 =	vadd.f32 v11, v7;
	v7 =	vld [tilespmem:s1+$0x2860]  }
0x47: {  	[tilespmem:s1+$0x2800] =	vst v12;
	v5 =	vadd.f32 v5, v10;
	v10 =	vld [tilespmem:s1+$0x2870]  }
0x48: {  	[tilespmem:s1+$0x2810] =	vst v11;
	v4 =	vadd.f32 v4, v9  }
0x49: {  	[tilespmem:s1+$0x2820] =	vst v5;
	v3 =	vadd.f32 v3, v8  }
0x4a: {  	[tilespmem:s1+$0x2830] =	vst v4;
	v2 =	vadd.f32 v2, v6  }
0x4b: {  	[tilespmem:s1+$0x2840] =	vst v3;
	v1 =	vadd.f32 v1, v7  }
0x4c: {  	s0 =	sadd.s32 s4, s31;
	[tilespmem:s1+$0x2850] =	vst v2;
	v0 =	vadd.f32 v0, v10  }
0x4d: {  	s0 =	sshll.u32 s0, $0x4;
	[tilespmem:s1+$0x2860] =	vst v1  }
0x4e: {  	s25 =	simm.s32 $0x0;
	s0 =	sadd.s32 s6, s0;
	[tilespmem:s1+$0x2870] =	vst v0  }
0x4f: {  	[hbm4b:s0+s25] =	stream.linear.scatter [tilespmem:s15], [sflag:$0x5], $0x4000, $0x38;
	[tilespmem:$0x12800] =	vst v63  }
0x50: {  	_ =	swait.ge [sflag:s21], $0x4000  }
0x51: {  	[sflag:s21] =	ssyncset.done $0x0  }
0x52: {  	s25 =	sadd.s32 $0x100, s31;
	[sflag:s21] =	ssyncadd.s32 $0xFFFFC000  }
0x53: {  	[tilespmem:s15], [sflag:$0x1] =	stream.indirect.gather [hbm4b:s2+s14], $0x80, s25, s14, $0xb8;
	[tilespmem:$0x12800] =	vst v63  }
0x54: {  	s31 =	sadd.s32 $0x1500, s31  }
0x55: {  	[tilespmem:s16], [sflag:$0x3] =	stream.indirect.gather [hbm4b:s5+s14], $0x80, s31, s14, $0xb8;
	[tilespmem:$0x12800] =	vst v63  }
0x56: {  	_ =	swait.ge [sflag:s22], $0x4000  }
0x57: {  	[sflag:s22] =	ssyncset.done $0x0  }
0x58: {  	[sflag:s22] =	ssyncadd.s32 $0xFFFFC000  }
0x59: {  	_ =	swait.ge [sflag:s23], $0x4000  }
0x5a: {  	[sflag:s23] =	ssyncset.done $0x0  }
0x5b: {  	s1 =	simm.s32 $0x0;
	[sflag:s23] =	ssyncadd.s32 $0xFFFFC000  }
0x5c: {  	v7 =	vld [tilespmem:s1+$0xE800]  }
0x5d: {  	v11 =	vld [tilespmem:s1+$0xE810]  }
0x5e: {  	v5 =	vld [tilespmem:s1+$0xE820]  }
0x5f: {  	v4 =	vld [tilespmem:s1+$0xE830]  }
0x60: {  	v3 =	vld [tilespmem:s1+$0xE840]  }
0x61: {  	v2 =	vld [tilespmem:s1+$0xE850]  }
0x62: {  	v1 =	vld [tilespmem:s1+$0xE860]  }
0x63: {  	v0 =	vld [tilespmem:s1+$0xE870]  }
0x64: {  	v12 =	vld [tilespmem:s1+$0x6800]  }
0x65: {  	v13 =	vld [tilespmem:s1+$0x6810]  }
0x66: {  	v10 =	vld [tilespmem:s1+$0x6820]  }
0x67: {  	v9 =	vld [tilespmem:s1+$0x6830]  }
0x68: {  	v8 =	vld [tilespmem:s1+$0x6840]  }
0x69: {  	v6 =	vld [tilespmem:s1+$0x6850];
	v12 =	vadd.f32 v7, v12  }
0x6a: {  	s0 =	simm.s32 $0x200;
	v11 =	vadd.f32 v11, v13;
	v7 =	vld [tilespmem:s1+$0x6860]  }
.LBB2_5:
0x6b: {  	s25 =	sshra.s32 s0, $0x2;
	p0 =	sne.s32 s0, $0xFE00;
	[tilespmem:s1+$0x6800] =	vst v12;
	v5 =	vadd.f32 v5, v10;
	v10 =	vld [tilespmem:s1+$0x6870]  }
0x6c: {  	v12 =	vld [tilespmem:s25+$0xE800];
	[tilespmem:s1+$0x6810] =	vst v11;
	v4 =	vadd.f32 v4, v9  }
0x6d: {  	v11 =	vld [tilespmem:s25+$0xE810];
	[tilespmem:s1+$0x6820] =	vst v5;
	v3 =	vadd.f32 v3, v8  }
0x6e: {  	v5 =	vld [tilespmem:s25+$0xE820];
	[tilespmem:s1+$0x6830] =	vst v4;
	v2 =	vadd.f32 v2, v6  }
0x6f: {  	v4 =	vld [tilespmem:s25+$0xE830];
	[tilespmem:s1+$0x6840] =	vst v3;
	v1 =	vadd.f32 v1, v7  }
0x70: {  	v3 =	vld [tilespmem:s25+$0xE840];
	[tilespmem:s1+$0x6850] =	vst v2;
	v0 =	vadd.f32 v0, v10  }
0x71: {  	v2 =	vld [tilespmem:s25+$0xE850];
	[tilespmem:s1+$0x6860] =	vst v1  }
0x72: {  	v1 =	vld [tilespmem:s25+$0xE860];
	[tilespmem:s1+$0x6870] =	vst v0;
	s1 =	smov.u32 s25  }
0x73: {  	v0 =	vld [tilespmem:s1+$0xE870]  }
0x74: {  	v6 =	vld [tilespmem:s1+$0x6800]  }
0x75: {  	v7 =	vld [tilespmem:s1+$0x6810]  }
.Ltmp1:
0x76: {  	v10 =	vld [tilespmem:s1+$0x6820];
	(pc) =	sbr.rel @p0 .LBB2_5-.Ltmp1, $4  }
0x77: {  	v9 =	vld [tilespmem:s1+$0x6830]  }
0x78: {  	v8 =	vld [tilespmem:s1+$0x6840]  }
0x79: {  	v12 =	vadd.f32 v12, v6;
	v6 =	vld [tilespmem:s1+$0x6850]  }
0x7a: {  	s0 =	sadd.s32 $0x200, s0;
	v11 =	vadd.f32 v11, v7;
	v7 =	vld [tilespmem:s1+$0x6860]  }
0x7b: {  	[tilespmem:s1+$0x6800] =	vst v12;
	v5 =	vadd.f32 v5, v10;
	v63 =	vld [tilespmem:s1+$0x6870]  }
0x7c: {  	[tilespmem:s1+$0x6810] =	vst v11;
	v4 =	vadd.f32 v4, v9  }
0x7d: {  	s29 =	sadd.s32 $0x1, s29;
	[tilespmem:s1+$0x6820] =	vst v5;
	v3 =	vadd.f32 v3, v8  }
0x7e: {  	p0 =	sne.s32 s29, $0x13;
	[tilespmem:s1+$0x6830] =	vst v4;
	v2 =	vadd.f32 v2, v6  }
.Ltmp2:
0x7f: {  	[tilespmem:s1+$0x6840] =	vst v3;
	v1 =	vadd.f32 v1, v7;
	(pc) =	sbr.rel @p0 .LBB2_2-.Ltmp2, $4  }
0x80: {  	s0 =	sadd.s32 s4, s30;
	[tilespmem:s1+$0x6850] =	vst v2;
	v0 =	vadd.f32 v0, v63  }
0x81: {  	s0 =	sshll.u32 s0, $0x4;
	[tilespmem:s1+$0x6860] =	vst v1  }
0x82: {  	s0 =	sadd.s32 s6, s0;
	[tilespmem:s1+$0x6870] =	vst v0  }
0x83: {  	[hbm4b:s0+s3] =	stream.linear.scatter [tilespmem:s17], [sflag:$0x6], $0x4000, $0x38;
	[tilespmem:$0x12800] =	vst v63  }
0x84: {  	_ =	swait.ge [sflag:s24], $0x4000  }
0x85: {  	[sflag:s24] =	ssyncset.done $0x0  }
0x86: {  	s0 =	simm.s32 $0x1308;
	[sflag:s24] =	ssyncadd.s32 $0xFFFFC000  }
0x87: {  	[tilespmem:s17], [sflag:$0x2] =	stream.indirect.gather [hbm4b:s2+s14], $0x80, s0, s14, $0xb8;
	[tilespmem:$0x12800] =	vst v63  }
0x88: {  	_ = 	snop  }
0x89: {  	[tilespmem:s18], [sflag:$0x4] =	stream.indirect.gather [hbm4b:s5+s14], $0x80, s26, s14, $0xb8;
	[tilespmem:$0x12800] =	vst v63  }
0x8a: {  	_ =	swait.ge [sflag:s19], $0x4000  }
0x8b: {  	[sflag:s19] =	ssyncset.done $0x0  }
0x8c: {  	[sflag:s19] =	ssyncadd.s32 $0xFFFFC000  }
0x8d: {  	_ =	swait.ge [sflag:s20], $0x4000  }
0x8e: {  	[sflag:s20] =	ssyncset.done $0x0  }
0x8f: {  	s1 =	simm.s32 $0x0;
	[sflag:s20] =	ssyncadd.s32 $0xFFFFC000  }
0x90: {  	v7 =	vld [tilespmem:s1+$0xA800]  }
0x91: {  	v11 =	vld [tilespmem:s1+$0xA810]  }
0x92: {  	v5 =	vld [tilespmem:s1+$0xA820]  }
0x93: {  	v4 =	vld [tilespmem:s1+$0xA830]  }
0x94: {  	v3 =	vld [tilespmem:s1+$0xA840]  }
0x95: {  	v2 =	vld [tilespmem:s1+$0xA850]  }
0x96: {  	v1 =	vld [tilespmem:s1+$0xA860]  }
0x97: {  	v0 =	vld [tilespmem:s1+$0xA870]  }
0x98: {  	v12 =	vld [tilespmem:s1+$0x2800]  }
0x99: {  	v13 =	vld [tilespmem:s1+$0x2810]  }
0x9a: {  	v10 =	vld [tilespmem:s1+$0x2820]  }
0x9b: {  	v9 =	vld [tilespmem:s1+$0x2830]  }
0x9c: {  	v8 =	vld [tilespmem:s1+$0x2840]  }
0x9d: {  	v6 =	vld [tilespmem:s1+$0x2850];
	v12 =	vadd.f32 v7, v12  }
0x9e: {  	s0 =	simm.s32 $0x200;
	v11 =	vadd.f32 v11, v13;
	v7 =	vld [tilespmem:s1+$0x2860]  }
.LBB2_8:
0x9f: {  	s25 =	sshra.s32 s0, $0x2;
	p0 =	sne.s32 s0, $0xFE00;
	[tilespmem:s1+$0x2800] =	vst v12;
	v5 =	vadd.f32 v5, v10;
	v10 =	vld [tilespmem:s1+$0x2870]  }
0xa0: {  	v12 =	vld [tilespmem:s25+$0xA800];
	[tilespmem:s1+$0x2810] =	vst v11;
	v4 =	vadd.f32 v4, v9  }
0xa1: {  	v11 =	vld [tilespmem:s25+$0xA810];
	[tilespmem:s1+$0x2820] =	vst v5;
	v3 =	vadd.f32 v3, v8  }
0xa2: {  	v5 =	vld [tilespmem:s25+$0xA820];
	[tilespmem:s1+$0x2830] =	vst v4;
	v2 =	vadd.f32 v2, v6  }
0xa3: {  	v4 =	vld [tilespmem:s25+$0xA830];
	[tilespmem:s1+$0x2840] =	vst v3;
	v1 =	vadd.f32 v1, v7  }
0xa4: {  	v3 =	vld [tilespmem:s25+$0xA840];
	[tilespmem:s1+$0x2850] =	vst v2;
	v0 =	vadd.f32 v0, v10  }
0xa5: {  	v2 =	vld [tilespmem:s25+$0xA850];
	[tilespmem:s1+$0x2860] =	vst v1  }
0xa6: {  	v1 =	vld [tilespmem:s25+$0xA860];
	[tilespmem:s1+$0x2870] =	vst v0;
	s1 =	smov.u32 s25  }
0xa7: {  	v0 =	vld [tilespmem:s1+$0xA870]  }
0xa8: {  	v6 =	vld [tilespmem:s1+$0x2800]  }
0xa9: {  	v7 =	vld [tilespmem:s1+$0x2810]  }
.Ltmp3:
0xaa: {  	v10 =	vld [tilespmem:s1+$0x2820];
	(pc) =	sbr.rel @p0 .LBB2_8-.Ltmp3, $4  }
0xab: {  	v9 =	vld [tilespmem:s1+$0x2830]  }
0xac: {  	v8 =	vld [tilespmem:s1+$0x2840]  }
0xad: {  	v12 =	vadd.f32 v12, v6;
	v6 =	vld [tilespmem:s1+$0x2850]  }
0xae: {  	s0 =	sadd.s32 $0x200, s0;
	v11 =	vadd.f32 v11, v7;
	v7 =	vld [tilespmem:s1+$0x2860]  }
0xaf: {  	[tilespmem:s1+$0x2800] =	vst v12;
	v5 =	vadd.f32 v5, v10;
	v10 =	vld [tilespmem:s1+$0x2870]  }
0xb0: {  	[tilespmem:s1+$0x2810] =	vst v11;
	v4 =	vadd.f32 v4, v9  }
0xb1: {  	[tilespmem:s1+$0x2820] =	vst v5;
	v3 =	vadd.f32 v3, v8  }
0xb2: {  	[tilespmem:s1+$0x2830] =	vst v4;
	v2 =	vadd.f32 v2, v6  }
0xb3: {  	[tilespmem:s1+$0x2840] =	vst v3;
	v1 =	vadd.f32 v1, v7  }
0xb4: {  	[tilespmem:s1+$0x2850] =	vst v2;
	v0 =	vadd.f32 v0, v10  }
0xb5: {  	[tilespmem:s1+$0x2860] =	vst v1  }
0xb6: {  	s0 =	simm.s32 $0x0;
	[tilespmem:s1+$0x2870] =	vst v0  }
0xb7: {  	[hbm4b:s9+s0] =	stream.linear.scatter [tilespmem:s15], [sflag:$0x5], $0x4000, $0x38;
	[tilespmem:$0x12800] =	vst v63  }
0xb8: {  	_ =	swait.ge [sflag:s21], $0x4000  }
0xb9: {  	[sflag:s21] =	ssyncset.done $0x0  }
0xba: {  	[sflag:s21] =	ssyncadd.s32 $0xFFFFC000  }
0xbb: {  	_ =	swait.ge [sflag:s22], $0x4000  }
0xbc: {  	[sflag:s22] =	ssyncset.done $0x0  }
0xbd: {  	[sflag:s22] =	ssyncadd.s32 $0xFFFFC000  }
0xbe: {  	_ =	swait.ge [sflag:s23], $0x4000  }
0xbf: {  	[sflag:s23] =	ssyncset.done $0x0  }
0xc0: {  	s1 =	simm.s32 $0x0;
	[sflag:s23] =	ssyncadd.s32 $0xFFFFC000  }
0xc1: {  	v7 =	vld [tilespmem:s1+$0xE800]  }
0xc2: {  	v11 =	vld [tilespmem:s1+$0xE810]  }
0xc3: {  	v5 =	vld [tilespmem:s1+$0xE820]  }
0xc4: {  	v4 =	vld [tilespmem:s1+$0xE830]  }
0xc5: {  	v3 =	vld [tilespmem:s1+$0xE840]  }
0xc6: {  	v2 =	vld [tilespmem:s1+$0xE850]  }
0xc7: {  	v1 =	vld [tilespmem:s1+$0xE860]  }
0xc8: {  	v0 =	vld [tilespmem:s1+$0xE870]  }
0xc9: {  	v12 =	vld [tilespmem:s1+$0x6800]  }
0xca: {  	v13 =	vld [tilespmem:s1+$0x6810]  }
0xcb: {  	v10 =	vld [tilespmem:s1+$0x6820]  }
0xcc: {  	v9 =	vld [tilespmem:s1+$0x6830]  }
0xcd: {  	v8 =	vld [tilespmem:s1+$0x6840]  }
0xce: {  	v6 =	vld [tilespmem:s1+$0x6850];
	v12 =	vadd.f32 v7, v12  }
0xcf: {  	s0 =	simm.s32 $0x200;
	v11 =	vadd.f32 v11, v13;
	v7 =	vld [tilespmem:s1+$0x6860]  }
.LBB2_10:
0xd0: {  	s25 =	sshra.s32 s0, $0x2;
	p0 =	sne.s32 s0, $0xFE00;
	[tilespmem:s1+$0x6800] =	vst v12;
	v5 =	vadd.f32 v5, v10;
	v10 =	vld [tilespmem:s1+$0x6870]  }
0xd1: {  	v12 =	vld [tilespmem:s25+$0xE800];
	[tilespmem:s1+$0x6810] =	vst v11;
	v4 =	vadd.f32 v4, v9  }
0xd2: {  	v11 =	vld [tilespmem:s25+$0xE810];
	[tilespmem:s1+$0x6820] =	vst v5;
	v3 =	vadd.f32 v3, v8  }
0xd3: {  	v5 =	vld [tilespmem:s25+$0xE820];
	[tilespmem:s1+$0x6830] =	vst v4;
	v2 =	vadd.f32 v2, v6  }
0xd4: {  	v4 =	vld [tilespmem:s25+$0xE830];
	[tilespmem:s1+$0x6840] =	vst v3;
	v1 =	vadd.f32 v1, v7  }
0xd5: {  	v3 =	vld [tilespmem:s25+$0xE840];
	[tilespmem:s1+$0x6850] =	vst v2;
	v0 =	vadd.f32 v0, v10  }
0xd6: {  	v2 =	vld [tilespmem:s25+$0xE850];
	[tilespmem:s1+$0x6860] =	vst v1  }
0xd7: {  	v1 =	vld [tilespmem:s25+$0xE860];
	[tilespmem:s1+$0x6870] =	vst v0;
	s1 =	smov.u32 s25  }
0xd8: {  	v0 =	vld [tilespmem:s1+$0xE870]  }
0xd9: {  	v6 =	vld [tilespmem:s1+$0x6800]  }
0xda: {  	v7 =	vld [tilespmem:s1+$0x6810]  }
.Ltmp4:
0xdb: {  	v10 =	vld [tilespmem:s1+$0x6820];
	(pc) =	sbr.rel @p0 .LBB2_10-.Ltmp4, $4  }
0xdc: {  	v9 =	vld [tilespmem:s1+$0x6830]  }
0xdd: {  	v8 =	vld [tilespmem:s1+$0x6840]  }
0xde: {  	v12 =	vadd.f32 v12, v6;
	v6 =	vld [tilespmem:s1+$0x6850]  }
0xdf: {  	s0 =	sadd.s32 $0x200, s0;
	v11 =	vadd.f32 v11, v7;
	v7 =	vld [tilespmem:s1+$0x6860]  }
0xe0: {  	[tilespmem:s1+$0x6800] =	vst v12;
	v5 =	vadd.f32 v5, v10;
	v63 =	vld [tilespmem:s1+$0x6870]  }
0xe1: {  	[tilespmem:s1+$0x6810] =	vst v11;
	v4 =	vadd.f32 v4, v9  }
0xe2: {  	[tilespmem:s1+$0x6820] =	vst v5;
	v3 =	vadd.f32 v3, v8  }
0xe3: {  	[tilespmem:s1+$0x6830] =	vst v4;
	v2 =	vadd.f32 v2, v6  }
0xe4: {  	[tilespmem:s1+$0x6840] =	vst v3;
	v1 =	vadd.f32 v1, v7  }
0xe5: {  	s28 =	sadd.s32 $0x1, s28;
	[tilespmem:s1+$0x6850] =	vst v2;
	v0 =	vadd.f32 v0, v63  }
0xe6: {  	p0 =	sne.s32 s28, s11;
	[tilespmem:s1+$0x6860] =	vst v1  }
.Ltmp5:
0xe7: {  	[tilespmem:s1+$0x6870] =	vst v0;
	(pc) =	sbr.rel @p0 .LBB2_1-.Ltmp5, $4  }
0xe8: {  	[hbm4b:s10+s3] =	stream.linear.scatter [tilespmem:s17], [sflag:$0x6], $0x4000, $0x38;
	[tilespmem:$0x12800] =	vst v63  }
0xe9: {  	_ =	swait.ge [sflag:s24], $0x4000  }
0xea: {  	[sflag:s24] =	ssyncset.done $0x0  }
0xeb: {  	[sflag:s24] =	ssyncadd.s32 $0xFFFFC000  }
0xec: {  	_ =	sfence.sel $0x180000  }
0xed: {  	[bflag:$0x0] =	sbarrier.arrive $0xFFFF  }
0xee: {  	_ =	strace $0x90000047  }
0xef: {  	s0 =	stileid.u32;
	[bflag:$0x2] =	sbarrier.arrive $0xFFFF  }
0xf0: {  	p0 =	sne.s32 s0, $0x0;
	s0 =	rddreg [dreg:$0x2]  }
0xf1: {  	s0 =	sadd.s32 @!p0 $0x100000, s0  }
0xf2: {  	[sflag:s0] =	ssyncadd.tile.s32 @!p0 $0x1;
	_ =	shalt  }
.Lfunc_end2:
_tile_overlayer_lowered:
.L_overlay_start_2:
0xf3: {  	(tag) =	ssettag $0x2  }
0xf4: {  	s0 =	rddreg [dreg:$0x0];
	s2 =	stileid.u32  }
0xf5: {  	s1 =	rddreg [dreg:$0x1];
	p0 =	sne.s32 s2, $0x0  }
0xf6: {  	s3 =	rddreg [dreg:$0x2];
	[bflag:$0x3] =	sbarrier.arrive $0xFFFF;
	s2 =	simm.s32 @!p0 $0x1C07  }
0xf7: {  	[timem:s3], [sflag:s2] =	dma.local @!p0 [hbm:s0], s1  }
0xf8: {  	s0 =	simm.s32 @!p0 $0x7  }
0xf9: {  	_ =	swait.ge @!p0 [sflag:s0], s1  }
0xfa: {  	s1 =	ssub.s32 @!p0 $0x0, s1;
	[sflag:s0] =	ssyncset.done @!p0 $0x0  }
0xfb: {  	[sflag:s0] =	ssyncadd.s32 @!p0 s1  }
0xfc: {  	[bflag:$0x3] =	sbarrier.arrive $0xFFFF  }
0xfd: {  	_ =	shalt  }

// kernel: kernel.13.cloned.1.call-start
scs
__scs_entry_jumppad:
0x0: {  	(pc) =	sbr.rel $0x88, $3  }
0x1: {  	(tag) =	ssettag $0x0;
	lr =	simm.s32 $0x1  }
0x2: {  	[smem:$0x3F8E] =	sst lr;
	_ =	strace $0xD0000000  }
0x3: {  	_ = 	snop  }
0x4: {  	_ = 	snop  }
0x5: {  	_ = 	snop  }
0x6: {  	_ = 	snop  }
0x7: {  	_ = 	snop  }
__scs_overlays_trampoline_lowered:
0x8: {  	[smem:$0x3F9D] =	sst s0  }
0x9: {  	[smem:$0x3F9E] =	sst s1  }
0xa: {  	[smem:$0x3F9F] =	sst s2  }
0xb: {  	[smem:$0x3FA0] =	sst s3  }
0xc: {  	[smem:$0x3FA1] =	sst s4  }
0xd: {  	[smem:$0x3FA2] =	sst s5  }
0xe: {  	[smem:$0x3FA3] =	sst s6  }
0xf: {  	[smem:$0x3FA4] =	sst s7  }
0x10: {  	[smem:$0x3FA5] =	sst s8  }
0x11: {  	[smem:$0x3FA6] =	sst s9;
	s0 =	simm.s32 @!p0 $0x0  }
0x12: {  	s1 =	sld [smem:$0x3F8C];
	s0 =	simm.s32 @p0 $0x1  }
0x13: {  	[smem:$0x3FA7] =	sst s0;
	s0 =	simm.s32 @!p1 $0x0  }
0x14: {  	s2 =	sld [smem:$0x3F8B];
	s0 =	simm.s32 @p1 $0x1  }
0x15: {  	[smem:$0x3FA8] =	sst s0;
	s0 =	simm.s32 @!p2 $0x0  }
0x16: {  	s3 =	sld [smem:$0x3FDB];
	s0 =	simm.s32 @p2 $0x1  }
0x17: {  	s4 =	simm.s32 $0x1BF5;
	[smem:$0x3FAA] =	sst s0  }
0x18: {  	s0 =	sld [smem:$0x3F8D];
	_ =	swait.ge [sflag:s4], $0x0  }
0x19: {  	s7 =	sld [smem:$0x3F8E]  }
0x1a: {  	s8 =	sadd.s32 $0xFFFFE003, lr  }
0x1b: {  	s9 =	sadd.s32 $0xFFFFFEF7, lr;
	s5 =	simm.s32 $0xFFFFFFFF;
	p2 =	slt.u32 s8, $0xFFFFF086  }
0x1c: {  	p1 =	slt.u32 s9, $0xF7A;
	s5 =	simm.s32 @!p2 $0x0  }
0x1d: {  	s5 =	simm.s32 @p1 $0x1;
	p0 =	seq.s32 s7, s2  }
0x1e: {  	s7 =	smul.u32 @!p0 $0xF7A, s2;
	p2 =	seq.s32 @!p0 s5, $0x0  }
0x1f: {  	s9 =	smul.u32 $0xF7A, s1;
	s8 =	simm.s32 @!p0 $0x1BF5;
	p2 =	por !p2, p0  }
0x20: {  	[sflag:s8] =	ssyncset.s32 @!p0 $0xFFFFF086;
	s6 =	sadd.s32 @!p0 s3, s7;
	s7 =	simm.s32 @!p0 $0x108  }
0x21: {  	s3 =	sadd.s32 s3, s9;
	s6 =	sadd.s32 @!p0 $0x88, s6;
	s7 =	simm.s32 @p2 $0x1082  }
0x22: {  	[simem:s7], [sflag:s8] =	dma.local @!p0 [hbm:s6], $0xF7A  }
0x23: {  	s9 =	sor.u32 $0xD0000000, s2;
	s6 =	simm.s32 $0x108;
	_ =	swait.ge @!p0 [sflag:s8], $0x0  }
0x24: {  	s3 =	sadd.s32 $0x88, s3;
	s6 =	simm.s32 @!p1 $0x1082;
	[sflag:s4] =	ssyncset.s32 $0xFFFFF086  }
0x25: {  	[simem:s6], [sflag:s4] =	dma.local [hbm:s3], $0xF7A  }
0x26: {  	[smem:$0x3F8E] =	sst s1;
	(tag) =	ssettag s2;
	_ =	strace s9  }
0x27: {  	s1 =	sld [smem:$0x3F9E]  }
0x28: {  	s2 =	sld [smem:$0x3F9F]  }
0x29: {  	s4 =	sld [smem:$0x3FA1]  }
0x2a: {  	p0 =	seq.s32 s5, $0x0;
	s5 =	sld [smem:$0x3FA2]  }
0x2b: {  	s6 =	sld [smem:$0x3FA3]  }
0x2c: {  	s7 =	sld [smem:$0x3FA4]  }
0x2d: {  	s3 =	simm.s32 $0x108;
	s8 =	sld [smem:$0x3FA5]  }
0x2e: {  	s3 =	simm.s32 @!p0 $0x1082;
	s9 =	sld [smem:$0x3FA6]  }
0x2f: {  	lr =	sadd.s32 s0, s3;
	s0 =	sld [smem:$0x3F9D]  }
0x30: {  	s3 =	sld [smem:$0x3FA0]  }
0x31: {  	[smem:$0x3FA9] =	sst s10  }
0x32: {  	s10 =	sld [smem:$0x3FA7];
	_ =	sdelay $0x3  }
0x33: {  	p0 =	seq.s32 s10, $0x1;
	s10 =	sld [smem:$0x3FA9];
	_ =	sdelay $0x3  }
0x34: {  	[smem:$0x3FA9] =	sst s10  }
0x35: {  	s10 =	sld [smem:$0x3FA8];
	_ =	sdelay $0x3  }
0x36: {  	p1 =	seq.s32 s10, $0x1;
	s10 =	sld [smem:$0x3FA9];
	_ =	sdelay $0x3  }
0x37: {  	[smem:$0x3FA9] =	sst s10  }
0x38: {  	s10 =	sld [smem:$0x3FAA]  }
0x39: {  	_ = 	snop;
	(pc) =	sbr.ind lr, $3  }
0x3a: {  	_ = 	snop  }
0x3b: {  	_ = 	snop  }
0x3c: {  	p2 =	seq.s32 s10, $0x1;
	s10 =	sld [smem:$0x3FA9]  }
0x3d: {  	_ =	shalt  }
0x3e: {  	_ =	shalt  }
0x3f: {  	_ =	shalt  }
0x40: {  	_ =	shalt  }
0x41: {  	_ =	shalt  }
0x42: {  	_ =	shalt  }
0x43: {  	_ =	shalt  }
0x44: {  	_ =	shalt  }
0x45: {  	_ =	shalt  }
0x46: {  	_ =	shalt  }
0x47: {  	_ =	shalt  }
0x48: {  	_ =	shalt  }
0x49: {  	_ =	shalt  }
0x4a: {  	_ =	shalt  }
0x4b: {  	_ =	shalt  }
0x4c: {  	_ =	shalt  }
0x4d: {  	_ =	shalt  }
0x4e: {  	_ =	shalt  }
0x4f: {  	_ =	shalt  }
0x50: {  	_ =	shalt  }
0x51: {  	_ =	shalt  }
0x52: {  	_ =	shalt  }
0x53: {  	_ =	shalt  }
0x54: {  	_ =	shalt  }
0x55: {  	_ =	shalt  }
0x56: {  	_ =	shalt  }
0x57: {  	_ =	shalt  }
0x58: {  	_ =	shalt  }
0x59: {  	_ =	shalt  }
0x5a: {  	_ =	shalt  }
0x5b: {  	_ =	shalt  }
0x5c: {  	_ =	shalt  }
0x5d: {  	_ =	shalt  }
0x5e: {  	_ =	shalt  }
0x5f: {  	_ =	shalt  }
0x60: {  	_ =	shalt  }
0x61: {  	_ =	shalt  }
0x62: {  	_ =	shalt  }
0x63: {  	_ =	shalt  }
0x64: {  	_ =	shalt  }
0x65: {  	_ =	shalt  }
0x66: {  	_ =	shalt  }
0x67: {  	_ =	shalt  }
0x68: {  	_ =	shalt  }
0x69: {  	_ =	shalt  }
0x6a: {  	_ =	shalt  }
0x6b: {  	_ =	shalt  }
0x6c: {  	_ =	shalt  }
0x6d: {  	_ =	shalt  }
0x6e: {  	_ =	shalt  }
0x6f: {  	_ =	shalt  }
0x70: {  	_ =	shalt  }
0x71: {  	_ =	shalt  }
0x72: {  	_ =	shalt  }
0x73: {  	_ =	shalt  }
0x74: {  	_ =	shalt  }
0x75: {  	_ =	shalt  }
0x76: {  	_ =	shalt  }
0x77: {  	_ =	shalt  }
0x78: {  	_ =	shalt  }
0x79: {  	_ =	shalt  }
0x7a: {  	_ =	shalt  }
0x7b: {  	_ =	shalt  }
0x7c: {  	_ =	shalt  }
0x7d: {  	_ =	shalt  }
0x7e: {  	_ =	shalt  }
0x7f: {  	_ =	shalt  }
0x80: {  	_ =	shalt  }
0x81: {  	_ =	shalt  }
0x82: {  	_ =	shalt  }
0x83: {  	_ =	shalt  }
0x84: {  	_ =	shalt  }
0x85: {  	_ =	shalt  }
0x86: {  	_ =	shalt  }
0x87: {  	_ =	shalt  }
.Lfunc_end0:
.L_simem_size_0:
called_computation.1_lowered:
.L_overlay_start_0:
0x88: {  	s2 =	sld [smem:$0x3FD9]  }
0x89: {  	s3 =	sld [smem:$0x3FFE];
	_ =	sdelay $0x1  }
0x8a: {  	s1 =	srdreg.scid  }
0x8b: {  	s0 =	sand.u32 $0x1, s1  }
0x8c: {  	s15 =	sshll.u32 s0, $0xA;
	s2 =	sadd.s32 s3, s2  }
0x8d: {  	s2 =	sadd.s32 s2, s15  }
0x8e: {  	[smem:$0x3FB5] =	sst s2  }
0x8f: {  	_ = 	snop  }
0x90: {  	s2 =	sld [smem:$0x3FD0];
	_ =	sdelay $0x2  }
0x91: {  	s16 =	simm.s32 $0xB;
	s4 =	simm.s32 $0x10  }
0x92: {  	[smem:s4], [sflag:s16] =	dma.local [hbm:s2], $0x1  }
0x93: {  	_ =	swait.eq [sflag:s16], $0x1  }
0x94: {  	[sflag:s16] =	ssyncset.done $0x0  }
0x95: {  	[sflag:s16] =	ssyncadd.s32 $0xFFFFFFFF  }
0x96: {  	s17 =	sld [smem:$0x10];
	(tm) =	ssettm $0x1  }
0x97: {  	s18 =	sld [smem:$0x3FFB];
	_ =	sdelay $0x3  }
0x98: {  	_ =	strace s18  }
0x99: {  	s2 =	sld [smem:$0x3FFC];
	_ =	sdelay $0x3  }
0x9a: {  	_ =	strace s2  }
0x9b: {  	s2 =	sld [smem:$0x3FFD];
	_ =	sdelay $0x3  }
0x9c: {  	_ =	strace s2  }
0x9d: {  	_ =	strace $0x8FFFFFFF  }
0x9e: {  	s19 =	sld [smem:$0x3FDB];
	_ =	sdelay $0x1  }
0x9f: {  	s20 =	simm.s32 $_scs_section_size  }
0xa0: {  	s5 =	simm.s32 $_size__tile_overlayer_lowered;
	s6 =	simm.s32 $_tile_overlayer_lowered  }
0xa1: {  	s7 =	simm.s32 $0x1BFF;
	s21 =	sshll.u32 s6, $0x1;
	s4 =	sadd.s32 s20, s19  }
0xa2: {  	s22 =	simm.s32 $0x0;
	s5 =	sshll.u32 s5, $0x1;
	s6 =	sadd.s32 s21, s4  }
0xa3: {  	[timem:s22], [sflag:s7] =	dma.local [hbm:s6], s5  }
0xa4: {  	_ =	swait.ge [sflag:s7], s5  }
0xa5: {  	s5 =	ssub.s32 $0x0, s5;
	[sflag:s7] =	ssyncset.done $0x0  }
0xa6: {  	[sflag:s7] =	ssyncadd.s32 s5;
	_ =	sdelay $0x1  }
0xa7: {  	s23 =	simm.s32 $0x1B8B  }
0xa8: {  	_ =	swait.ge [sflag:s23], $0x1  }
0xa9: {  	[sflag:s23] =	ssyncset.done $0x0  }
0xaa: {  	[sflag:s23] =	ssyncadd.s32 $0xFFFFFFFF  }
0xab: {  	s5 =	sld [smem:$0x0]  }
0xac: {  	s6 =	sand.u32 $0xFFFFFFFE, s1  }
0xad: {  	p0 =	sne.s32 s1, s6  }
0xae: {  	s6 =	sshll.u32 @p0 s6, $0xE  }
0xaf: {  	s6 =	sadd.s32 @p0 $0x11B8D, s6;
	s7 =	sshll.u32 @p0 s5, $0x11  }
0xb0: {  	s6 =	sor.u32 @p0 s7, s6  }
0xb1: {  	[sflag:s6] =	ssyncadd.remote.s32 @p0 $0x1;
	_ =	sdelay $0x1  }
0xb2: {  	s6 =	simm.s32 @p0 $0x1B8D  }
0xb3: {  	_ =	swait.eq @p0 [sflag:s6], $0x1  }
0xb4: {  	[sflag:s6] =	ssyncadd.s32 @p0 $0xFFFFFFFF  }
0xb5: {  	s7 =	sshll.u32 @!p0 s1, $0xE  }
0xb6: {  	s7 =	sor.u32 @!p0 $0x4000, s7;
	s6 =	simm.s32 @!p0 $0x1B8D  }
0xb7: {  	s5 =	sshll.u32 @!p0 s5, $0x11;
	s7 =	sadd.s32 @!p0 $0x11B8D, s7;
	_ =	swait.eq @!p0 [sflag:s6], $0x1  }
0xb8: {  	s5 =	sor.u32 @!p0 s5, s7;
	[sflag:s6] =	ssyncadd.s32 @!p0 $0xFFFFFFFF  }
0xb9: {  	s25 =	simm.s32 $0x1B8E;
	s24 =	sld [smem:$0x3FFE];
	[sflag:s5] =	ssyncadd.remote.s32 @!p0 $0x1  }
0xba: {  	s26 =	simm.s32 $execute0_lowered;
	[smem:$0x3FD2] =	sst s25  }
0xbb: {  	s6 =	sshll.u32 s26, $0x1;
	_ =	strace $0x80000049;
	[dreg:$0x1] =	wrdreg $0xFFFFFFFF  }
0xbc: {  	s28 =	simm.s32 $_size_execute0_lowered;
	s4 =	sadd.s32 s4, s6;
	[dreg:$0x0] =	wrdreg $0x0  }
0xbd: {  	s6 =	sshll.u32 s28, $0x1;
	[dreg:$0x2] =	wrdreg s4  }
0xbe: {  	[dreg:$0x3] =	wrdreg s6  }
0xbf: {  	[dreg:$0x4] =	wrdreg $0xC0  }
0xc0: {  	_ =	task [dreg:s22], $0x5FFFF  }
0xc1: {  	[dreg:$0x1] =	wrdreg $0xFFFFFFFF  }
0xc2: {  	[dreg:$0x0] =	wrdreg $0x60  }
0xc3: {  	[dreg:$0x2] =	wrdreg s17  }
0xc4: {  	[dreg:$0x3] =	wrdreg s24  }
0xc5: {  	[dreg:$0x4] =	wrdreg $0x9  }
0xc6: {  	_ =	task.clear_ibuf [dreg:s22], $0x5FFFF;
	_ =	strace $0x90000049  }
0xc7: {  	s29 =	simm.s32 $0x9;
	_ =	strace $0x8000004B  }
0xc8: {  	_ =	swait.ge [sflag:s29], $0x1  }
0xc9: {  	[sflag:s29] =	ssyncadd.s32 $0xFFFFFFFF  }
0xca: {  	_ =	strace $0x9000004B  }
0xcb: {  	_ =	sfence  }
0xcc: {  	s30 =	sld [smem:$0x0];
	_ =	sdelay $0x2  }
0xcd: {  	s31 =	sshll.u32 s1, $0xD;
	s1 =	sshrl.u32 s1, $0x2  }
0xce: {  	s4 =	sand.u32 $0x4000, s31;
	s1 =	sadd.s32 s1, s30  }
0xcf: {  	s0 =	sor.u32 s4, s0;
	s1 =	sshll.u32 s1, $0x11  }
0xd0: {  	s0 =	sor.u32 s1, s0  }
0xd1: {  	s0 =	sadd.s32 $0x8F2B, s0  }
0xd2: {  	[sflag:s0] =	ssyncadd.remote.s32 $0x1  }
0xd3: {  	_ =	sfence.sel $0xFFFF  }
0xd4: {  	[dreg:$0x0] =	wrdreg $0xFFFFFFFF;
	(pc) =	sbr.abs _section_cstart, $3  }
0xd5: {  	[dreg:$0x1] =	wrdreg $0xFFFFFFFF  }
0xd6: {  	_ =	task.clear_ibuf [dreg:s22], $0x2FFFF;
	_ =	strace $0x9FFFFFFF  }
0xd7: {  	(tm) =	ssettm $0x7FFFFFFF  }
tec
execute0_lowered:
.L_overlay_start_1:
0x0: {  	(tag) =	ssettag $0x1  }
0x1: {  	s2 =	rddreg [dreg:$0x0];
	s0 =	srdreg.scid  }
0x2: {  	s3 =	stileid.u32;
	s1 =	rddreg [dreg:$0x1];
	s12 =	simm.s32 $0x7  }
0x3: {  	s13 =	simm.s32 $0x1400;
	s14 =	simm.s32 $0x80;
	s15 =	simm.s32 $0x2800  }
0x4: {  	s16 =	simm.s32 $0xA800;
	s17 =	simm.s32 $0x6800;
	s18 =	simm.s32 $0xE800  }
0x5: {  	s19 =	simm.s32 $0x1;
	s20 =	simm.s32 $0x3;
	s21 =	simm.s32 $0x5  }
0x6: {  	s22 =	simm.s32 $0x2;
	s23 =	simm.s32 $0x4;
	s24 =	simm.s32 $0x6  }
0x7: {  	s26 =	simm.s32 $0x2708;
	s0 =	sand.u32 $0x1, s0;
	s4 =	sshll.u32 s3, $0x1  }
0x8: {  	s28 =	simm.s32 $0x0;
	s3 =	simm.s32 $0x0;
	s5 =	sor.u32 s0, s4  }
0x9: {  	s6 =	sadd.s32 $0x2B0000, s1;
	[smem:$0x7FF] =	sst s3;
	s4 =	smul.u32 $0x1388, s5  }
0xa: {  	s0 =	ssub.s32 $0x2, s0;
	_ =	strace $0x8000004A;
	s7 =	smul.u32 $0x9C400, s5  }
0xb: {  	s5 =	sadd.s32 $0xDE00, s1;
	s9 =	sshrl.u32 s0, $0x1;
	s8 =	sshrl.u32 s4, $0x3  }
0xc: {  	s0 =	ssub.s32 s0, s9;
	s7 =	sshrl.u32 s7, $0x3;
	s1 =	sadd.s32 s8, s1  }
0xd: {  	s11 =	smax.u32 s0, $0x1;
	s10 =	sadd.s32 s6, s7;
	s7 =	sadd.s32 $0x2AB000, s1  }
0xe: {  	s8 =	sadd.s32 $0x2A6000, s1;
	s9 =	sadd.s32 $0x13000, s10;
	s10 =	sadd.s32 $0x13080, s10  }
.LBB2_1:
0xf: {  	[tilespmem:s3], [sflag:$0x7] =	stream.linear.gather [hbm4b:s7+s3], $0x1388, $0x38;
	[tilespmem:$0x12800] =	vst v63  }
0x10: {  	_ =	swait.ge [sflag:s12], $0x1388  }
0x11: {  	[sflag:s12] =	ssyncset.done $0x0  }
0x12: {  	[sflag:s12] =	ssyncadd.s32 $0xFFFFEC78  }
0x13: {  	[tilespmem:s13], [sflag:$0x7] =	stream.linear.gather [hbm4b:s8+s3], $0x1388, $0x38;
	[tilespmem:$0x12800] =	vst v63  }
0x14: {  	_ =	swait.ge [sflag:s12], $0x1388  }
0x15: {  	[sflag:s12] =	ssyncset.done $0x0  }
0x16: {  	[sflag:s12] =	ssyncadd.s32 $0xFFFFEC78  }
0x17: {  	[tilespmem:s15], [sflag:$0x1] =	stream.indirect.gather [hbm4b:s2+s14], $0x80, s3, s14, $0xb8;
	[tilespmem:$0x12800] =	vst v63  }
0x18: {  	s29 =	simm.s32 $0x0  }
0x19: {  	[tilespmem:s16], [sflag:$0x3] =	stream.indirect.gather [hbm4b:s5+s14], $0x80, s13, s14, $0xb8;
	[tilespmem:$0x12800] =	vst v63  }
.LBB2_2:
0x1a: {  	p0 =	seq.s32 s29, $0x0  }
0x1b: {  	s0 =	simm.s32 @!p0 $0x6  }
0x1c: {  	_ =	swait.ge @!p0 [sflag:s0], $0x4000  }
0x1d: {  	s31 =	sshll.u32 s29, $0x8;
	[sflag:s0] =	ssyncset.done @!p0 $0x0  }
0x1e: {  	s30 =	sor.u32 $0x80, s31;
	[sflag:s0] =	ssyncadd.s32 @!p0 $0xFFFFC000  }
0x1f: {  	[tilespmem:s17], [sflag:$0x2] =	stream.indirect.gather [hbm4b:s2+s14], $0x80, s30, s14, $0xb8;
	[tilespmem:$0x12800] =	vst v63  }
0x20: {  	s25 =	sadd.s32 $0x1480, s31  }
0x21: {  	[tilespmem:s18], [sflag:$0x4] =	stream.indirect.gather [hbm4b:s5+s14], $0x80, s25, s14, $0xb8;
	[tilespmem:$0x12800] =	vst v63  }
0x22: {  	_ =	swait.ge [sflag:s19], $0x4000  }
0x23: {  	[sflag:s19] =	ssyncset.done $0x0  }
0x24: {  	[sflag:s19] =	ssyncadd.s32 $0xFFFFC000  }
0x25: {  	_ =	swait.ge [sflag:s20], $0x4000  }
0x26: {  	[sflag:s20] =	ssyncset.done $0x0  }
0x27: {  	s1 =	simm.s32 $0x0;
	[sflag:s20] =	ssyncadd.s32 $0xFFFFC000  }
0x28: {  	v7 =	vld [tilespmem:s1+$0xA800]  }
0x29: {  	v11 =	vld [tilespmem:s1+$0xA810]  }
0x2a: {  	v5 =	vld [tilespmem:s1+$0xA820]  }
0x2b: {  	v4 =	vld [tilespmem:s1+$0xA830]  }
0x2c: {  	v3 =	vld [tilespmem:s1+$0xA840]  }
0x2d: {  	v2 =	vld [tilespmem:s1+$0xA850]  }
0x2e: {  	v1 =	vld [tilespmem:s1+$0xA860]  }
0x2f: {  	v0 =	vld [tilespmem:s1+$0xA870]  }
0x30: {  	v12 =	vld [tilespmem:s1+$0x2800]  }
0x31: {  	v13 =	vld [tilespmem:s1+$0x2810]  }
0x32: {  	v10 =	vld [tilespmem:s1+$0x2820]  }
0x33: {  	v9 =	vld [tilespmem:s1+$0x2830]  }
0x34: {  	v8 =	vld [tilespmem:s1+$0x2840]  }
0x35: {  	v6 =	vld [tilespmem:s1+$0x2850];
	v12 =	vadd.f32 v7, v12  }
0x36: {  	s0 =	simm.s32 $0x200;
	v11 =	vadd.f32 v11, v13;
	v7 =	vld [tilespmem:s1+$0x2860]  }
.LBB2_3:
0x37: {  	s25 =	sshra.s32 s0, $0x2;
	p0 =	sne.s32 s0, $0xFE00;
	[tilespmem:s1+$0x2800] =	vst v12;
	v5 =	vadd.f32 v5, v10;
	v10 =	vld [tilespmem:s1+$0x2870]  }
0x38: {  	v12 =	vld [tilespmem:s25+$0xA800];
	[tilespmem:s1+$0x2810] =	vst v11;
	v4 =	vadd.f32 v4, v9  }
0x39: {  	v11 =	vld [tilespmem:s25+$0xA810];
	[tilespmem:s1+$0x2820] =	vst v5;
	v3 =	vadd.f32 v3, v8  }
0x3a: {  	v5 =	vld [tilespmem:s25+$0xA820];
	[tilespmem:s1+$0x2830] =	vst v4;
	v2 =	vadd.f32 v2, v6  }
0x3b: {  	v4 =	vld [tilespmem:s25+$0xA830];
	[tilespmem:s1+$0x2840] =	vst v3;
	v1 =	vadd.f32 v1, v7  }
0x3c: {  	v3 =	vld [tilespmem:s25+$0xA840];
	[tilespmem:s1+$0x2850] =	vst v2;
	v0 =	vadd.f32 v0, v10  }
0x3d: {  	v2 =	vld [tilespmem:s25+$0xA850];
	[tilespmem:s1+$0x2860] =	vst v1  }
0x3e: {  	v1 =	vld [tilespmem:s25+$0xA860];
	[tilespmem:s1+$0x2870] =	vst v0;
	s1 =	smov.u32 s25  }
0x3f: {  	v0 =	vld [tilespmem:s1+$0xA870]  }
0x40: {  	v6 =	vld [tilespmem:s1+$0x2800]  }
0x41: {  	v7 =	vld [tilespmem:s1+$0x2810]  }
.Ltmp0:
0x42: {  	v10 =	vld [tilespmem:s1+$0x2820];
	(pc) =	sbr.rel @p0 .LBB2_3-.Ltmp0, $4  }
0x43: {  	v9 =	vld [tilespmem:s1+$0x2830]  }
0x44: {  	v8 =	vld [tilespmem:s1+$0x2840]  }
0x45: {  	v12 =	vadd.f32 v12, v6;
	v6 =	vld [tilespmem:s1+$0x2850]  }
0x46: {  	s0 =	sadd.s32 $0x200, s0;
	v11 =	vadd.f32 v11, v7;
	v7 =	vld [tilespmem:s1+$0x2860]  }
0x47: {  	[tilespmem:s1+$0x2800] =	vst v12;
	v5 =	vadd.f32 v5, v10;
	v10 =	vld [tilespmem:s1+$0x2870]  }
0x48: {  	[tilespmem:s1+$0x2810] =	vst v11;
	v4 =	vadd.f32 v4, v9  }
0x49: {  	[tilespmem:s1+$0x2820] =	vst v5;
	v3 =	vadd.f32 v3, v8  }
0x4a: {  	[tilespmem:s1+$0x2830] =	vst v4;
	v2 =	vadd.f32 v2, v6  }
0x4b: {  	[tilespmem:s1+$0x2840] =	vst v3;
	v1 =	vadd.f32 v1, v7  }
0x4c: {  	s0 =	sadd.s32 s4, s31;
	[tilespmem:s1+$0x2850] =	vst v2;
	v0 =	vadd.f32 v0, v10  }
0x4d: {  	s0 =	sshll.u32 s0, $0x4;
	[tilespmem:s1+$0x2860] =	vst v1  }
0x4e: {  	s25 =	simm.s32 $0x0;
	s0 =	sadd.s32 s6, s0;
	[tilespmem:s1+$0x2870] =	vst v0  }
0x4f: {  	[hbm4b:s0+s25] =	stream.linear.scatter [tilespmem:s15], [sflag:$0x5], $0x4000, $0x38;
	[tilespmem:$0x12800] =	vst v63  }
0x50: {  	_ =	swait.ge [sflag:s21], $0x4000  }
0x51: {  	[sflag:s21] =	ssyncset.done $0x0  }
0x52: {  	s25 =	sadd.s32 $0x100, s31;
	[sflag:s21] =	ssyncadd.s32 $0xFFFFC000  }
0x53: {  	[tilespmem:s15], [sflag:$0x1] =	stream.indirect.gather [hbm4b:s2+s14], $0x80, s25, s14, $0xb8;
	[tilespmem:$0x12800] =	vst v63  }
0x54: {  	s31 =	sadd.s32 $0x1500, s31  }
0x55: {  	[tilespmem:s16], [sflag:$0x3] =	stream.indirect.gather [hbm4b:s5+s14], $0x80, s31, s14, $0xb8;
	[tilespmem:$0x12800] =	vst v63  }
0x56: {  	_ =	swait.ge [sflag:s22], $0x4000  }
0x57: {  	[sflag:s22] =	ssyncset.done $0x0  }
0x58: {  	[sflag:s22] =	ssyncadd.s32 $0xFFFFC000  }
0x59: {  	_ =	swait.ge [sflag:s23], $0x4000  }
0x5a: {  	[sflag:s23] =	ssyncset.done $0x0  }
0x5b: {  	s1 =	simm.s32 $0x0;
	[sflag:s23] =	ssyncadd.s32 $0xFFFFC000  }
0x5c: {  	v7 =	vld [tilespmem:s1+$0xE800]  }
0x5d: {  	v11 =	vld [tilespmem:s1+$0xE810]  }
0x5e: {  	v5 =	vld [tilespmem:s1+$0xE820]  }
0x5f: {  	v4 =	vld [tilespmem:s1+$0xE830]  }
0x60: {  	v3 =	vld [tilespmem:s1+$0xE840]  }
0x61: {  	v2 =	vld [tilespmem:s1+$0xE850]  }
0x62: {  	v1 =	vld [tilespmem:s1+$0xE860]  }
0x63: {  	v0 =	vld [tilespmem:s1+$0xE870]  }
0x64: {  	v12 =	vld [tilespmem:s1+$0x6800]  }
0x65: {  	v13 =	vld [tilespmem:s1+$0x6810]  }
0x66: {  	v10 =	vld [tilespmem:s1+$0x6820]  }
0x67: {  	v9 =	vld [tilespmem:s1+$0x6830]  }
0x68: {  	v8 =	vld [tilespmem:s1+$0x6840]  }
0x69: {  	v6 =	vld [tilespmem:s1+$0x6850];
	v12 =	vadd.f32 v7, v12  }
0x6a: {  	s0 =	simm.s32 $0x200;
	v11 =	vadd.f32 v11, v13;
	v7 =	vld [tilespmem:s1+$0x6860]  }
.LBB2_5:
0x6b: {  	s25 =	sshra.s32 s0, $0x2;
	p0 =	sne.s32 s0, $0xFE00;
	[tilespmem:s1+$0x6800] =	vst v12;
	v5 =	vadd.f32 v5, v10;
	v10 =	vld [tilespmem:s1+$0x6870]  }
0x6c: {  	v12 =	vld [tilespmem:s25+$0xE800];
	[tilespmem:s1+$0x6810] =	vst v11;
	v4 =	vadd.f32 v4, v9  }
0x6d: {  	v11 =	vld [tilespmem:s25+$0xE810];
	[tilespmem:s1+$0x6820] =	vst v5;
	v3 =	vadd.f32 v3, v8  }
0x6e: {  	v5 =	vld [tilespmem:s25+$0xE820];
	[tilespmem:s1+$0x6830] =	vst v4;
	v2 =	vadd.f32 v2, v6  }
0x6f: {  	v4 =	vld [tilespmem:s25+$0xE830];
	[tilespmem:s1+$0x6840] =	vst v3;
	v1 =	vadd.f32 v1, v7  }
0x70: {  	v3 =	vld [tilespmem:s25+$0xE840];
	[tilespmem:s1+$0x6850] =	vst v2;
	v0 =	vadd.f32 v0, v10  }
0x71: {  	v2 =	vld [tilespmem:s25+$0xE850];
	[tilespmem:s1+$0x6860] =	vst v1  }
0x72: {  	v1 =	vld [tilespmem:s25+$0xE860];
	[tilespmem:s1+$0x6870] =	vst v0;
	s1 =	smov.u32 s25  }
0x73: {  	v0 =	vld [tilespmem:s1+$0xE870]  }
0x74: {  	v6 =	vld [tilespmem:s1+$0x6800]  }
0x75: {  	v7 =	vld [tilespmem:s1+$0x6810]  }
.Ltmp1:
0x76: {  	v10 =	vld [tilespmem:s1+$0x6820];
	(pc) =	sbr.rel @p0 .LBB2_5-.Ltmp1, $4  }
0x77: {  	v9 =	vld [tilespmem:s1+$0x6830]  }
0x78: {  	v8 =	vld [tilespmem:s1+$0x6840]  }
0x79: {  	v12 =	vadd.f32 v12, v6;
	v6 =	vld [tilespmem:s1+$0x6850]  }
0x7a: {  	s0 =	sadd.s32 $0x200, s0;
	v11 =	vadd.f32 v11, v7;
	v7 =	vld [tilespmem:s1+$0x6860]  }
0x7b: {  	[tilespmem:s1+$0x6800] =	vst v12;
	v5 =	vadd.f32 v5, v10;
	v63 =	vld [tilespmem:s1+$0x6870]  }
0x7c: {  	[tilespmem:s1+$0x6810] =	vst v11;
	v4 =	vadd.f32 v4, v9  }
0x7d: {  	s29 =	sadd.s32 $0x1, s29;
	[tilespmem:s1+$0x6820] =	vst v5;
	v3 =	vadd.f32 v3, v8  }
0x7e: {  	p0 =	sne.s32 s29, $0x13;
	[tilespmem:s1+$0x6830] =	vst v4;
	v2 =	vadd.f32 v2, v6  }
.Ltmp2:
0x7f: {  	[tilespmem:s1+$0x6840] =	vst v3;
	v1 =	vadd.f32 v1, v7;
	(pc) =	sbr.rel @p0 .LBB2_2-.Ltmp2, $4  }
0x80: {  	s0 =	sadd.s32 s4, s30;
	[tilespmem:s1+$0x6850] =	vst v2;
	v0 =	vadd.f32 v0, v63  }
0x81: {  	s0 =	sshll.u32 s0, $0x4;
	[tilespmem:s1+$0x6860] =	vst v1  }
0x82: {  	s0 =	sadd.s32 s6, s0;
	[tilespmem:s1+$0x6870] =	vst v0  }
0x83: {  	[hbm4b:s0+s3] =	stream.linear.scatter [tilespmem:s17], [sflag:$0x6], $0x4000, $0x38;
	[tilespmem:$0x12800] =	vst v63  }
0x84: {  	_ =	swait.ge [sflag:s24], $0x4000  }
0x85: {  	[sflag:s24] =	ssyncset.done $0x0  }
0x86: {  	s0 =	simm.s32 $0x1308;
	[sflag:s24] =	ssyncadd.s32 $0xFFFFC000  }
0x87: {  	[tilespmem:s17], [sflag:$0x2] =	stream.indirect.gather [hbm4b:s2+s14], $0x80, s0, s14, $0xb8;
	[tilespmem:$0x12800] =	vst v63  }
0x88: {  	_ = 	snop  }
0x89: {  	[tilespmem:s18], [sflag:$0x4] =	stream.indirect.gather [hbm4b:s5+s14], $0x80, s26, s14, $0xb8;
	[tilespmem:$0x12800] =	vst v63  }
0x8a: {  	_ =	swait.ge [sflag:s19], $0x4000  }
0x8b: {  	[sflag:s19] =	ssyncset.done $0x0  }
0x8c: {  	[sflag:s19] =	ssyncadd.s32 $0xFFFFC000  }
0x8d: {  	_ =	swait.ge [sflag:s20], $0x4000  }
0x8e: {  	[sflag:s20] =	ssyncset.done $0x0  }
0x8f: {  	s1 =	simm.s32 $0x0;
	[sflag:s20] =	ssyncadd.s32 $0xFFFFC000  }
0x90: {  	v7 =	vld [tilespmem:s1+$0xA800]  }
0x91: {  	v11 =	vld [tilespmem:s1+$0xA810]  }
0x92: {  	v5 =	vld [tilespmem:s1+$0xA820]  }
0x93: {  	v4 =	vld [tilespmem:s1+$0xA830]  }
0x94: {  	v3 =	vld [tilespmem:s1+$0xA840]  }
0x95: {  	v2 =	vld [tilespmem:s1+$0xA850]  }
0x96: {  	v1 =	vld [tilespmem:s1+$0xA860]  }
0x97: {  	v0 =	vld [tilespmem:s1+$0xA870]  }
0x98: {  	v12 =	vld [tilespmem:s1+$0x2800]  }
0x99: {  	v13 =	vld [tilespmem:s1+$0x2810]  }
0x9a: {  	v10 =	vld [tilespmem:s1+$0x2820]  }
0x9b: {  	v9 =	vld [tilespmem:s1+$0x2830]  }
0x9c: {  	v8 =	vld [tilespmem:s1+$0x2840]  }
0x9d: {  	v6 =	vld [tilespmem:s1+$0x2850];
	v12 =	vadd.f32 v7, v12  }
0x9e: {  	s0 =	simm.s32 $0x200;
	v11 =	vadd.f32 v11, v13;
	v7 =	vld [tilespmem:s1+$0x2860]  }
.LBB2_8:
0x9f: {  	s25 =	sshra.s32 s0, $0x2;
	p0 =	sne.s32 s0, $0xFE00;
	[tilespmem:s1+$0x2800] =	vst v12;
	v5 =	vadd.f32 v5, v10;
	v10 =	vld [tilespmem:s1+$0x2870]  }
0xa0: {  	v12 =	vld [tilespmem:s25+$0xA800];
	[tilespmem:s1+$0x2810] =	vst v11;
	v4 =	vadd.f32 v4, v9  }
0xa1: {  	v11 =	vld [tilespmem:s25+$0xA810];
	[tilespmem:s1+$0x2820] =	vst v5;
	v3 =	vadd.f32 v3, v8  }
0xa2: {  	v5 =	vld [tilespmem:s25+$0xA820];
	[tilespmem:s1+$0x2830] =	vst v4;
	v2 =	vadd.f32 v2, v6  }
0xa3: {  	v4 =	vld [tilespmem:s25+$0xA830];
	[tilespmem:s1+$0x2840] =	vst v3;
	v1 =	vadd.f32 v1, v7  }
0xa4: {  	v3 =	vld [tilespmem:s25+$0xA840];
	[tilespmem:s1+$0x2850] =	vst v2;
	v0 =	vadd.f32 v0, v10  }
0xa5: {  	v2 =	vld [tilespmem:s25+$0xA850];
	[tilespmem:s1+$0x2860] =	vst v1  }
0xa6: {  	v1 =	vld [tilespmem:s25+$0xA860];
	[tilespmem:s1+$0x2870] =	vst v0;
	s1 =	smov.u32 s25  }
0xa7: {  	v0 =	vld [tilespmem:s1+$0xA870]  }
0xa8: {  	v6 =	vld [tilespmem:s1+$0x2800]  }
0xa9: {  	v7 =	vld [tilespmem:s1+$0x2810]  }
.Ltmp3:
0xaa: {  	v10 =	vld [tilespmem:s1+$0x2820];
	(pc) =	sbr.rel @p0 .LBB2_8-.Ltmp3, $4  }
0xab: {  	v9 =	vld [tilespmem:s1+$0x2830]  }
0xac: {  	v8 =	vld [tilespmem:s1+$0x2840]  }
0xad: {  	v12 =	vadd.f32 v12, v6;
	v6 =	vld [tilespmem:s1+$0x2850]  }
0xae: {  	s0 =	sadd.s32 $0x200, s0;
	v11 =	vadd.f32 v11, v7;
	v7 =	vld [tilespmem:s1+$0x2860]  }
0xaf: {  	[tilespmem:s1+$0x2800] =	vst v12;
	v5 =	vadd.f32 v5, v10;
	v10 =	vld [tilespmem:s1+$0x2870]  }
0xb0: {  	[tilespmem:s1+$0x2810] =	vst v11;
	v4 =	vadd.f32 v4, v9  }
0xb1: {  	[tilespmem:s1+$0x2820] =	vst v5;
	v3 =	vadd.f32 v3, v8  }
0xb2: {  	[tilespmem:s1+$0x2830] =	vst v4;
	v2 =	vadd.f32 v2, v6  }
0xb3: {  	[tilespmem:s1+$0x2840] =	vst v3;
	v1 =	vadd.f32 v1, v7  }
0xb4: {  	[tilespmem:s1+$0x2850] =	vst v2;
	v0 =	vadd.f32 v0, v10  }
0xb5: {  	[tilespmem:s1+$0x2860] =	vst v1  }
0xb6: {  	s0 =	simm.s32 $0x0;
	[tilespmem:s1+$0x2870] =	vst v0  }
0xb7: {  	[hbm4b:s9+s0] =	stream.linear.scatter [tilespmem:s15], [sflag:$0x5], $0x4000, $0x38;
	[tilespmem:$0x12800] =	vst v63  }
0xb8: {  	_ =	swait.ge [sflag:s21], $0x4000  }
0xb9: {  	[sflag:s21] =	ssyncset.done $0x0  }
0xba: {  	[sflag:s21] =	ssyncadd.s32 $0xFFFFC000  }
0xbb: {  	_ =	swait.ge [sflag:s22], $0x4000  }
0xbc: {  	[sflag:s22] =	ssyncset.done $0x0  }
0xbd: {  	[sflag:s22] =	ssyncadd.s32 $0xFFFFC000  }
0xbe: {  	_ =	swait.ge [sflag:s23], $0x4000  }
0xbf: {  	[sflag:s23] =	ssyncset.done $0x0  }
0xc0: {  	s1 =	simm.s32 $0x0;
	[sflag:s23] =	ssyncadd.s32 $0xFFFFC000  }
0xc1: {  	v7 =	vld [tilespmem:s1+$0xE800]  }
0xc2: {  	v11 =	vld [tilespmem:s1+$0xE810]  }
0xc3: {  	v5 =	vld [tilespmem:s1+$0xE820]  }
0xc4: {  	v4 =	vld [tilespmem:s1+$0xE830]  }
0xc5: {  	v3 =	vld [tilespmem:s1+$0xE840]  }
0xc6: {  	v2 =	vld [tilespmem:s1+$0xE850]  }
0xc7: {  	v1 =	vld [tilespmem:s1+$0xE860]  }
0xc8: {  	v0 =	vld [tilespmem:s1+$0xE870]  }
0xc9: {  	v12 =	vld [tilespmem:s1+$0x6800]  }
0xca: {  	v13 =	vld [tilespmem:s1+$0x6810]  }
0xcb: {  	v10 =	vld [tilespmem:s1+$0x6820]  }
0xcc: {  	v9 =	vld [tilespmem:s1+$0x6830]  }
0xcd: {  	v8 =	vld [tilespmem:s1+$0x6840]  }
0xce: {  	v6 =	vld [tilespmem:s1+$0x6850];
	v12 =	vadd.f32 v7, v12  }
0xcf: {  	s0 =	simm.s32 $0x200;
	v11 =	vadd.f32 v11, v13;
	v7 =	vld [tilespmem:s1+$0x6860]  }
.LBB2_10:
0xd0: {  	s25 =	sshra.s32 s0, $0x2;
	p0 =	sne.s32 s0, $0xFE00;
	[tilespmem:s1+$0x6800] =	vst v12;
	v5 =	vadd.f32 v5, v10;
	v10 =	vld [tilespmem:s1+$0x6870]  }
0xd1: {  	v12 =	vld [tilespmem:s25+$0xE800];
	[tilespmem:s1+$0x6810] =	vst v11;
	v4 =	vadd.f32 v4, v9  }
0xd2: {  	v11 =	vld [tilespmem:s25+$0xE810];
	[tilespmem:s1+$0x6820] =	vst v5;
	v3 =	vadd.f32 v3, v8  }
0xd3: {  	v5 =	vld [tilespmem:s25+$0xE820];
	[tilespmem:s1+$0x6830] =	vst v4;
	v2 =	vadd.f32 v2, v6  }
0xd4: {  	v4 =	vld [tilespmem:s25+$0xE830];
	[tilespmem:s1+$0x6840] =	vst v3;
	v1 =	vadd.f32 v1, v7  }
0xd5: {  	v3 =	vld [tilespmem:s25+$0xE840];
	[tilespmem:s1+$0x6850] =	vst v2;
	v0 =	vadd.f32 v0, v10  }
0xd6: {  	v2 =	vld [tilespmem:s25+$0xE850];
	[tilespmem:s1+$0x6860] =	vst v1  }
0xd7: {  	v1 =	vld [tilespmem:s25+$0xE860];
	[tilespmem:s1+$0x6870] =	vst v0;
	s1 =	smov.u32 s25  }
0xd8: {  	v0 =	vld [tilespmem:s1+$0xE870]  }
0xd9: {  	v6 =	vld [tilespmem:s1+$0x6800]  }
0xda: {  	v7 =	vld [tilespmem:s1+$0x6810]  }
.Ltmp4:
0xdb: {  	v10 =	vld [tilespmem:s1+$0x6820];
	(pc) =	sbr.rel @p0 .LBB2_10-.Ltmp4, $4  }
0xdc: {  	v9 =	vld [tilespmem:s1+$0x6830]  }
0xdd: {  	v8 =	vld [tilespmem:s1+$0x6840]  }
0xde: {  	v12 =	vadd.f32 v12, v6;
	v6 =	vld [tilespmem:s1+$0x6850]  }
0xdf: {  	s0 =	sadd.s32 $0x200, s0;
	v11 =	vadd.f32 v11, v7;
	v7 =	vld [tilespmem:s1+$0x6860]  }
0xe0: {  	[tilespmem:s1+$0x6800] =	vst v12;
	v5 =	vadd.f32 v5, v10;
	v63 =	vld [tilespmem:s1+$0x6870]  }
0xe1: {  	[tilespmem:s1+$0x6810] =	vst v11;
	v4 =	vadd.f32 v4, v9  }
0xe2: {  	[tilespmem:s1+$0x6820] =	vst v5;
	v3 =	vadd.f32 v3, v8  }
0xe3: {  	[tilespmem:s1+$0x6830] =	vst v4;
	v2 =	vadd.f32 v2, v6  }
0xe4: {  	[tilespmem:s1+$0x6840] =	vst v3;
	v1 =	vadd.f32 v1, v7  }
0xe5: {  	s28 =	sadd.s32 $0x1, s28;
	[tilespmem:s1+$0x6850] =	vst v2;
	v0 =	vadd.f32 v0, v63  }
0xe6: {  	p0 =	sne.s32 s28, s11;
	[tilespmem:s1+$0x6860] =	vst v1  }
.Ltmp5:
0xe7: {  	[tilespmem:s1+$0x6870] =	vst v0;
	(pc) =	sbr.rel @p0 .LBB2_1-.Ltmp5, $4  }
0xe8: {  	[hbm4b:s10+s3] =	stream.linear.scatter [tilespmem:s17], [sflag:$0x6], $0x4000, $0x38;
	[tilespmem:$0x12800] =	vst v63  }
0xe9: {  	_ =	swait.ge [sflag:s24], $0x4000  }
0xea: {  	[sflag:s24] =	ssyncset.done $0x0  }
0xeb: {  	[sflag:s24] =	ssyncadd.s32 $0xFFFFC000  }
0xec: {  	_ =	sfence.sel $0x180000  }
0xed: {  	[bflag:$0x0] =	sbarrier.arrive $0xFFFF  }
0xee: {  	_ =	strace $0x9000004A  }
0xef: {  	s0 =	stileid.u32;
	[bflag:$0x2] =	sbarrier.arrive $0xFFFF  }
0xf0: {  	p0 =	sne.s32 s0, $0x0;
	s0 =	rddreg [dreg:$0x2]  }
0xf1: {  	s0 =	sadd.s32 @!p0 $0x100000, s0  }
0xf2: {  	[sflag:s0] =	ssyncadd.tile.s32 @!p0 $0x1;
	_ =	shalt  }
.Lfunc_end2:
_tile_overlayer_lowered:
.L_overlay_start_2:
0xf3: {  	(tag) =	ssettag $0x2  }
0xf4: {  	s0 =	rddreg [dreg:$0x0];
	s2 =	stileid.u32  }
0xf5: {  	s1 =	rddreg [dreg:$0x1];
	p0 =	sne.s32 s2, $0x0  }
0xf6: {  	s3 =	rddreg [dreg:$0x2];
	[bflag:$0x3] =	sbarrier.arrive $0xFFFF;
	s2 =	simm.s32 @!p0 $0x1C07  }
0xf7: {  	[timem:s3], [sflag:s2] =	dma.local @!p0 [hbm:s0], s1  }
0xf8: {  	s0 =	simm.s32 @!p0 $0x7  }
0xf9: {  	_ =	swait.ge @!p0 [sflag:s0], s1  }
0xfa: {  	s1 =	ssub.s32 @!p0 $0x0, s1;
	[sflag:s0] =	ssyncset.done @!p0 $0x0  }
0xfb: {  	[sflag:s0] =	ssyncadd.s32 @!p0 s1  }
0xfc: {  	[bflag:$0x3] =	sbarrier.arrive $0xFFFF  }
0xfd: {  	_ =	shalt  }

// kernel: kernel.16.cloned.1.call-start
scs
__scs_entry_jumppad:
0x0: {  	(pc) =	sbr.rel $0x88, $3  }
0x1: {  	(tag) =	ssettag $0x0;
	lr =	simm.s32 $0x1  }
0x2: {  	[smem:$0x3F8E] =	sst lr;
	_ =	strace $0xD0000000  }
0x3: {  	_ = 	snop  }
0x4: {  	_ = 	snop  }
0x5: {  	_ = 	snop  }
0x6: {  	_ = 	snop  }
0x7: {  	_ = 	snop  }
__scs_overlays_trampoline_lowered:
0x8: {  	[smem:$0x3F9D] =	sst s0  }
0x9: {  	[smem:$0x3F9E] =	sst s1  }
0xa: {  	[smem:$0x3F9F] =	sst s2  }
0xb: {  	[smem:$0x3FA0] =	sst s3  }
0xc: {  	[smem:$0x3FA1] =	sst s4  }
0xd: {  	[smem:$0x3FA2] =	sst s5  }
0xe: {  	[smem:$0x3FA3] =	sst s6  }
0xf: {  	[smem:$0x3FA4] =	sst s7  }
0x10: {  	[smem:$0x3FA5] =	sst s8  }
0x11: {  	[smem:$0x3FA6] =	sst s9;
	s0 =	simm.s32 @!p0 $0x0  }
0x12: {  	s1 =	sld [smem:$0x3F8C];
	s0 =	simm.s32 @p0 $0x1  }
0x13: {  	[smem:$0x3FA7] =	sst s0;
	s0 =	simm.s32 @!p1 $0x0  }
0x14: {  	s2 =	sld [smem:$0x3F8B];
	s0 =	simm.s32 @p1 $0x1  }
0x15: {  	[smem:$0x3FA8] =	sst s0;
	s0 =	simm.s32 @!p2 $0x0  }
0x16: {  	s3 =	sld [smem:$0x3FDB];
	s0 =	simm.s32 @p2 $0x1  }
0x17: {  	s4 =	simm.s32 $0x1BF5;
	[smem:$0x3FAA] =	sst s0  }
0x18: {  	s0 =	sld [smem:$0x3F8D];
	_ =	swait.ge [sflag:s4], $0x0  }
0x19: {  	s7 =	sld [smem:$0x3F8E]  }
0x1a: {  	s8 =	sadd.s32 $0xFFFFE003, lr  }
0x1b: {  	s9 =	sadd.s32 $0xFFFFFEF7, lr;
	s5 =	simm.s32 $0xFFFFFFFF;
	p2 =	slt.u32 s8, $0xFFFFF086  }
0x1c: {  	p1 =	slt.u32 s9, $0xF7A;
	s5 =	simm.s32 @!p2 $0x0  }
0x1d: {  	s5 =	simm.s32 @p1 $0x1;
	p0 =	seq.s32 s7, s2  }
0x1e: {  	s7 =	smul.u32 @!p0 $0xF7A, s2;
	p2 =	seq.s32 @!p0 s5, $0x0  }
0x1f: {  	s9 =	smul.u32 $0xF7A, s1;
	s8 =	simm.s32 @!p0 $0x1BF5;
	p2 =	por !p2, p0  }
0x20: {  	[sflag:s8] =	ssyncset.s32 @!p0 $0xFFFFF086;
	s6 =	sadd.s32 @!p0 s3, s7;
	s7 =	simm.s32 @!p0 $0x108  }
0x21: {  	s3 =	sadd.s32 s3, s9;
	s6 =	sadd.s32 @!p0 $0x88, s6;
	s7 =	simm.s32 @p2 $0x1082  }
0x22: {  	[simem:s7], [sflag:s8] =	dma.local @!p0 [hbm:s6], $0xF7A  }
0x23: {  	s9 =	sor.u32 $0xD0000000, s2;
	s6 =	simm.s32 $0x108;
	_ =	swait.ge @!p0 [sflag:s8], $0x0  }
0x24: {  	s3 =	sadd.s32 $0x88, s3;
	s6 =	simm.s32 @!p1 $0x1082;
	[sflag:s4] =	ssyncset.s32 $0xFFFFF086  }
0x25: {  	[simem:s6], [sflag:s4] =	dma.local [hbm:s3], $0xF7A  }
0x26: {  	[smem:$0x3F8E] =	sst s1;
	(tag) =	ssettag s2;
	_ =	strace s9  }
0x27: {  	s1 =	sld [smem:$0x3F9E]  }
0x28: {  	s2 =	sld [smem:$0x3F9F]  }
0x29: {  	s4 =	sld [smem:$0x3FA1]  }
0x2a: {  	p0 =	seq.s32 s5, $0x0;
	s5 =	sld [smem:$0x3FA2]  }
0x2b: {  	s6 =	sld [smem:$0x3FA3]  }
0x2c: {  	s7 =	sld [smem:$0x3FA4]  }
0x2d: {  	s3 =	simm.s32 $0x108;
	s8 =	sld [smem:$0x3FA5]  }
0x2e: {  	s3 =	simm.s32 @!p0 $0x1082;
	s9 =	sld [smem:$0x3FA6]  }
0x2f: {  	lr =	sadd.s32 s0, s3;
	s0 =	sld [smem:$0x3F9D]  }
0x30: {  	s3 =	sld [smem:$0x3FA0]  }
0x31: {  	[smem:$0x3FA9] =	sst s10  }
0x32: {  	s10 =	sld [smem:$0x3FA7];
	_ =	sdelay $0x3  }
0x33: {  	p0 =	seq.s32 s10, $0x1;
	s10 =	sld [smem:$0x3FA9];
	_ =	sdelay $0x3  }
0x34: {  	[smem:$0x3FA9] =	sst s10  }
0x35: {  	s10 =	sld [smem:$0x3FA8];
	_ =	sdelay $0x3  }
0x36: {  	p1 =	seq.s32 s10, $0x1;
	s10 =	sld [smem:$0x3FA9];
	_ =	sdelay $0x3  }
0x37: {  	[smem:$0x3FA9] =	sst s10  }
0x38: {  	s10 =	sld [smem:$0x3FAA]  }
0x39: {  	_ = 	snop;
	(pc) =	sbr.ind lr, $3  }
0x3a: {  	_ = 	snop  }
0x3b: {  	_ = 	snop  }
0x3c: {  	p2 =	seq.s32 s10, $0x1;
	s10 =	sld [smem:$0x3FA9]  }
0x3d: {  	_ =	shalt  }
0x3e: {  	_ =	shalt  }
0x3f: {  	_ =	shalt  }
0x40: {  	_ =	shalt  }
0x41: {  	_ =	shalt  }
0x42: {  	_ =	shalt  }
0x43: {  	_ =	shalt  }
0x44: {  	_ =	shalt  }
0x45: {  	_ =	shalt  }
0x46: {  	_ =	shalt  }
0x47: {  	_ =	shalt  }
0x48: {  	_ =	shalt  }
0x49: {  	_ =	shalt  }
0x4a: {  	_ =	shalt  }
0x4b: {  	_ =	shalt  }
0x4c: {  	_ =	shalt  }
0x4d: {  	_ =	shalt  }
0x4e: {  	_ =	shalt  }
0x4f: {  	_ =	shalt  }
0x50: {  	_ =	shalt  }
0x51: {  	_ =	shalt  }
0x52: {  	_ =	shalt  }
0x53: {  	_ =	shalt  }
0x54: {  	_ =	shalt  }
0x55: {  	_ =	shalt  }
0x56: {  	_ =	shalt  }
0x57: {  	_ =	shalt  }
0x58: {  	_ =	shalt  }
0x59: {  	_ =	shalt  }
0x5a: {  	_ =	shalt  }
0x5b: {  	_ =	shalt  }
0x5c: {  	_ =	shalt  }
0x5d: {  	_ =	shalt  }
0x5e: {  	_ =	shalt  }
0x5f: {  	_ =	shalt  }
0x60: {  	_ =	shalt  }
0x61: {  	_ =	shalt  }
0x62: {  	_ =	shalt  }
0x63: {  	_ =	shalt  }
0x64: {  	_ =	shalt  }
0x65: {  	_ =	shalt  }
0x66: {  	_ =	shalt  }
0x67: {  	_ =	shalt  }
0x68: {  	_ =	shalt  }
0x69: {  	_ =	shalt  }
0x6a: {  	_ =	shalt  }
0x6b: {  	_ =	shalt  }
0x6c: {  	_ =	shalt  }
0x6d: {  	_ =	shalt  }
0x6e: {  	_ =	shalt  }
0x6f: {  	_ =	shalt  }
0x70: {  	_ =	shalt  }
0x71: {  	_ =	shalt  }
0x72: {  	_ =	shalt  }
0x73: {  	_ =	shalt  }
0x74: {  	_ =	shalt  }
0x75: {  	_ =	shalt  }
0x76: {  	_ =	shalt  }
0x77: {  	_ =	shalt  }
0x78: {  	_ =	shalt  }
0x79: {  	_ =	shalt  }
0x7a: {  	_ =	shalt  }
0x7b: {  	_ =	shalt  }
0x7c: {  	_ =	shalt  }
0x7d: {  	_ =	shalt  }
0x7e: {  	_ =	shalt  }
0x7f: {  	_ =	shalt  }
0x80: {  	_ =	shalt  }
0x81: {  	_ =	shalt  }
0x82: {  	_ =	shalt  }
0x83: {  	_ =	shalt  }
0x84: {  	_ =	shalt  }
0x85: {  	_ =	shalt  }
0x86: {  	_ =	shalt  }
0x87: {  	_ =	shalt  }
.Lfunc_end0:
.L_simem_size_0:
called_computation.2_lowered:
.L_overlay_start_0:
0x88: {  	s2 =	sld [smem:$0x3FD9]  }
0x89: {  	s3 =	sld [smem:$0x3FFE];
	_ =	sdelay $0x1  }
0x8a: {  	s1 =	srdreg.scid  }
0x8b: {  	s0 =	sand.u32 $0x1, s1  }
0x8c: {  	s17 =	sshll.u32 s0, $0xA;
	s2 =	sadd.s32 s3, s2  }
0x8d: {  	s2 =	sadd.s32 s2, s17  }
0x8e: {  	[smem:$0x3FB5] =	sst s2  }
0x8f: {  	_ = 	snop  }
0x90: {  	(tm) =	ssettm $0x1  }
0x91: {  	s18 =	sld [smem:$0x3FFB];
	_ =	sdelay $0x3  }
0x92: {  	_ =	strace s18  }
0x93: {  	s2 =	sld [smem:$0x3FFC];
	_ =	sdelay $0x3  }
0x94: {  	_ =	strace s2  }
0x95: {  	s2 =	sld [smem:$0x3FFD];
	_ =	sdelay $0x3  }
0x96: {  	_ =	strace s2  }
0x97: {  	_ =	strace $0x8FFFFFFF  }
0x98: {  	s19 =	sld [smem:$0x3FDB];
	_ =	sdelay $0x1  }
0x99: {  	s20 =	simm.s32 $_scs_section_size  }
0x9a: {  	s4 =	simm.s32 $_size__tile_overlayer_lowered;
	s5 =	simm.s32 $_tile_overlayer_lowered  }
0x9b: {  	s6 =	simm.s32 $0x1BFF;
	s21 =	sshll.u32 s5, $0x1;
	s3 =	sadd.s32 s20, s19  }
0x9c: {  	s22 =	simm.s32 $0x0;
	s4 =	sshll.u32 s4, $0x1;
	s5 =	sadd.s32 s21, s3  }
0x9d: {  	[timem:s22], [sflag:s6] =	dma.local [hbm:s5], s4  }
0x9e: {  	_ =	swait.ge [sflag:s6], s4  }
0x9f: {  	s4 =	ssub.s32 $0x0, s4;
	[sflag:s6] =	ssyncset.done $0x0  }
0xa0: {  	[sflag:s6] =	ssyncadd.s32 s4;
	_ =	sdelay $0x1  }
0xa1: {  	s23 =	simm.s32 $0x1B8B  }
0xa2: {  	_ =	swait.ge [sflag:s23], $0x1  }
0xa3: {  	[sflag:s23] =	ssyncset.done $0x0  }
0xa4: {  	[sflag:s23] =	ssyncadd.s32 $0xFFFFFFFF  }
0xa5: {  	s4 =	sld [smem:$0x0]  }
0xa6: {  	s5 =	sand.u32 $0xFFFFFFFE, s1  }
0xa7: {  	p0 =	sne.s32 s1, s5  }
0xa8: {  	s5 =	sshll.u32 @p0 s5, $0xE  }
0xa9: {  	s5 =	sadd.s32 @p0 $0x11B8D, s5;
	s6 =	sshll.u32 @p0 s4, $0x11  }
0xaa: {  	s5 =	sor.u32 @p0 s6, s5  }
0xab: {  	[sflag:s5] =	ssyncadd.remote.s32 @p0 $0x1;
	_ =	sdelay $0x1  }
0xac: {  	s5 =	simm.s32 @p0 $0x1B8D  }
0xad: {  	_ =	swait.eq @p0 [sflag:s5], $0x1  }
0xae: {  	[sflag:s5] =	ssyncadd.s32 @p0 $0xFFFFFFFF  }
0xaf: {  	s6 =	sshll.u32 @!p0 s1, $0xE  }
0xb0: {  	s6 =	sor.u32 @!p0 $0x4000, s6;
	s5 =	simm.s32 @!p0 $0x1B8D  }
0xb1: {  	s4 =	sshll.u32 @!p0 s4, $0x11;
	s6 =	sadd.s32 @!p0 $0x11B8D, s6;
	_ =	swait.eq @!p0 [sflag:s5], $0x1  }
0xb2: {  	s4 =	sor.u32 @!p0 s4, s6;
	[sflag:s5] =	ssyncadd.s32 @!p0 $0xFFFFFFFF  }
0xb3: {  	s25 =	simm.s32 $0x1B8E;
	s24 =	sld [smem:$0x3FFE];
	[sflag:s4] =	ssyncadd.remote.s32 @!p0 $0x1  }
0xb4: {  	s26 =	simm.s32 $execute0_lowered;
	[smem:$0x3FD2] =	sst s25  }
0xb5: {  	s5 =	sshll.u32 s26, $0x1;
	_ =	strace $0x8000004C;
	[dreg:$0x1] =	wrdreg $0xFFFFFFFF  }
0xb6: {  	s28 =	simm.s32 $_size_execute0_lowered;
	s3 =	sadd.s32 s3, s5;
	[dreg:$0x0] =	wrdreg $0x0  }
0xb7: {  	s5 =	sshll.u32 s28, $0x1;
	[dreg:$0x2] =	wrdreg s3  }
0xb8: {  	[dreg:$0x3] =	wrdreg s5  }
0xb9: {  	[dreg:$0x4] =	wrdreg $0xC0  }
0xba: {  	_ =	task [dreg:s22], $0x5FFFF  }
0xbb: {  	[dreg:$0x1] =	wrdreg $0xFFFFFFFF  }
0xbc: {  	[dreg:$0x0] =	wrdreg $0x60  }
0xbd: {  	[dreg:$0x2] =	wrdreg s24  }
0xbe: {  	[dreg:$0x3] =	wrdreg $0x99800  }
0xbf: {  	[dreg:$0x4] =	wrdreg $0xA  }
0xc0: {  	_ =	task.clear_ibuf [dreg:s22], $0x5FFFF;
	_ =	strace $0x9000004C  }
0xc1: {  	s29 =	simm.s32 $0xA;
	_ =	strace $0x8000004E  }
0xc2: {  	_ =	swait.ge [sflag:s29], $0x1  }
0xc3: {  	[sflag:s29] =	ssyncadd.s32 $0xFFFFFFFF  }
0xc4: {  	_ =	strace $0x9000004E  }
0xc5: {  	_ =	sfence  }
0xc6: {  	s30 =	sld [smem:$0x0];
	_ =	sdelay $0x2  }
0xc7: {  	s31 =	sshll.u32 s1, $0xD;
	s1 =	sshrl.u32 s1, $0x2  }
0xc8: {  	s4 =	sand.u32 $0x4000, s31;
	s1 =	sadd.s32 s1, s30  }
0xc9: {  	s0 =	sor.u32 s4, s0;
	s1 =	sshll.u32 s1, $0x11  }
0xca: {  	s0 =	sor.u32 s1, s0  }
0xcb: {  	s0 =	sadd.s32 $0x8F2B, s0  }
0xcc: {  	[sflag:s0] =	ssyncadd.remote.s32 $0x1  }
0xcd: {  	_ =	sfence.sel $0xFFFF  }
0xce: {  	[dreg:$0x0] =	wrdreg $0xFFFFFFFF;
	(pc) =	sbr.abs _section_cstart, $3  }
0xcf: {  	[dreg:$0x1] =	wrdreg $0xFFFFFFFF  }
0xd0: {  	_ =	task.clear_ibuf [dreg:s22], $0x2FFFF;
	_ =	strace $0x9FFFFFFF  }
0xd1: {  	(tm) =	ssettm $0x7FFFFFFF  }
tec
execute0_lowered:
.L_overlay_start_1:
0x0: {  	(tag) =	ssettag $0x1  }
0x1: {  	s15 =	stileid.u32  }
0x2: {  	s0 =	rddreg [dreg:$0x0];
	s5 =	smul.u32 $0x1F400, s15  }
0x3: {  	s1 =	rddreg [dreg:$0x1];
	s6 =	smul.u32 $0x4E200, s15  }
0x4: {  	s2 =	srdreg.scid;
	s14 =	smul.u32 $0x2710, s15  }
0x5: {  	s3 =	simm.s32 $0x0;
	s28 =	simm.s32 $0x6;
	s18 =	smul.u32 $0x27100, s15  }
0x6: {  	s29 =	simm.s32 $0x8100;
	s30 =	simm.s32 $0x8180;
	s24 =	smul.u32 $0x7D000, s15  }
0x7: {  	s31 =	simm.s32 $0x0;
	s2 =	sand.u32 $0x1, s2;
	s25 =	smul.u32 $0x4E2, s15  }
0x8: {  	[smem:$0x7FF] =	sst s3;
	s7 =	sadd.s32 $0x521000, s0;
	s4 =	smul.u32 $0x138800, s2  }
0x9: {  	_ =	strace $0x8000004D;
	s12 =	ssub.s32 $0x2, s2;
	p0 =	seq.s32 s2, $0x0  }
0xa: {  	s8 =	sshrl.u32 s12, $0x1;
	s6 =	sshrl.u32 s6, $0x2;
	s20 =	sshrl.u32 s14, $0x3  }
0xb: {  	s21 =	sadd.s32 $0x2680, s14;
	s4 =	sadd.s32 s5, s4;
	s5 =	ssub.s32 s12, s8  }
0xc: {  	s11 =	sshll.u32 s21, $0x4;
	s12 =	sadd.s32 $0x2700, s14;
	s4 =	sshrl.u32 s4, $0x3  }
0xd: {  	s11 =	sadd.s32 s7, s11;
	s23 =	sshll.u32 s12, $0x4;
	s9 =	sadd.s32 s4, s0  }
0xe: {  	s4 =	sadd.s32 s6, s1;
	[dreg:$0x9] =	wrdreg s11;
	s11 =	sadd.s32 s7, s23  }
0xf: {  	s22 =	sadd.s32 $0x100, s14;
	s6 =	sadd.s32 $0xC80, s4;
	[dreg:$0xa] =	wrdreg s11  }
0x10: {  	s8 =	sshrl.u32 s21, $0x3;
	s13 =	sadd.s32 $0x1900, s4;
	[dreg:$0x3] =	wrdreg s6  }
0x11: {  	s12 =	sshrl.u32 s12, $0x3;
	s16 =	sadd.s32 $0x2580, s4;
	[dreg:$0x4] =	wrdreg s13  }
0x12: {  	s17 =	sadd.s32 $0x3200, s4;
	s10 =	sadd.s32 $0x3E80, s4;
	[dreg:$0x5] =	wrdreg s16  }
0x13: {  	s19 =	sadd.s32 $0x4B00, s4;
	s11 =	sshrl.u32 s24, $0x2;
	[dreg:$0x6] =	wrdreg s17  }
0x14: {  	s23 =	sadd.s32 $0xAF00, s4;
	s24 =	sadd.s32 $0xBB80, s4;
	[dreg:$0x7] =	wrdreg s10  }
0x15: {  	[dreg:$0x8] =	wrdreg s19;
	s16 =	sadd.s32 s7, s18;
	s6 =	sadd.s32 $0x80, s14  }
0x16: {  	s14 =	sshll.u32 s22, $0x4;
	s10 =	sshrl.u32 s22, $0x3;
	[dreg:$0x1c] =	wrdreg s23  }
0x17: {  	s17 =	sadd.s32 $0x7080, s4;
	s18 =	sadd.s32 $0x7D00, s4;
	[dreg:$0x1d] =	wrdreg s24  }
0x18: {  	s19 =	sadd.s32 $0x8980, s4;
	s22 =	sadd.s32 $0xA280, s4;
	[dreg:$0x17] =	wrdreg s17  }
0x19: {  	s23 =	simm.s32 $0x3;
	s24 =	simm.s32 $0x5;
	[dreg:$0x18] =	wrdreg s18  }
0x1a: {  	s13 =	sshll.u32 s6, $0x4;
	s6 =	sshrl.u32 s6, $0x3;
	[dreg:$0x19] =	wrdreg s19  }
0x1b: {  	[dreg:$0x1b] =	wrdreg s22;
	s17 =	simm.s32 $0x7;
	s18 =	simm.s32 $0x100  }
0x1c: {  	s19 =	simm.s32 $0x80;
	s22 =	simm.s32 $0x1;
	s13 =	sadd.s32 s7, s13  }
0x1d: {  	s7 =	sadd.s32 s7, s14;
	s14 =	smax.u32 s5, $0x1;
	[dreg:$0xb] =	wrdreg s13  }
0x1e: {  	[dreg:$0xc] =	wrdreg s7;
	s7 =	simm.s32 $0x3E00;
	s13 =	sadd.s32 $0x35000, s9  }
0x1f: {  	[dreg:$0x14] =	wrdreg s14;
	s7 =	simm.s32 @!p0 $0x8E00;
	p0 =	sgt.u32 s15, $0x9  }
0x20: {  	[dreg:$0x13] =	wrdreg s13;
	s15 =	sadd.s32 $0x6400, s4;
	s0 =	sadd.s32 s7, s0  }
0x21: {  	s9 =	sadd.s32 $0xED80, s4;
	[dreg:$0x16] =	wrdreg s15;
	s2 =	sadd.s32 s0, s20  }
0x22: {  	s14 =	sadd.s32 $0x12C00, s4;
	s26 =	sadd.s32 s0, s6;
	[dreg:$0xd] =	wrdreg s2  }
0x23: {  	s13 =	sadd.s32 $0x11300, s4;
	s6 =	sadd.s32 s0, s10;
	[dreg:$0xe] =	wrdreg s26  }
0x24: {  	s7 =	smov.u32 s16;
	s8 =	sadd.s32 s0, s8;
	[dreg:$0xf] =	wrdreg s6  }
0x25: {  	s15 =	sadd.s32 $0x2000, s16;
	s10 =	sadd.s32 s0, s12;
	[dreg:$0x10] =	wrdreg s8  }
0x26: {  	s16 =	simm.s32 $0x8980;
	s12 =	sadd.s32 $0x5780, s4;
	[dreg:$0x11] =	wrdreg s10  }
0x27: {  	s21 =	sadd.s32 s25, s0;
	s20 =	sadd.s32 $0x9600, s4;
	[dreg:$0x12] =	wrdreg s12  }
0x28: {  	s0 =	sadd.s32 s11, s1;
	s25 =	sadd.s32 $0xC800, s4;
	[dreg:$0x1a] =	wrdreg s20  }
0x29: {  	s11 =	sadd.s32 $0x11F80, s4;
	s0 =	sshrl.u32 @!p0 s0, $0x3;
	[dreg:$0x1e] =	wrdreg s25  }
0x2a: {  	s26 =	sadd.s32 $0xD480, s4;
	s8 =	sadd.s32 $0xE100, s4;
	s10 =	sadd.s32 $0xFA00, s4  }
0x2b: {  	s12 =	sadd.s32 $0x10680, s4;
	s20 =	simm.s32 $0x4100;
	[dreg:$0x15] =	wrdreg s0  }
0x2c: {  	v0 =	vimm.f32 $0.0e+00;
	s25 =	simm.s32 $0x2;
	[dreg:$0x1f] =	wrdreg s26;
	s26 =	simm.s32 $0x4  }
.LBB2_1:
0x2d: {  	s0 =	simm.s32 $0x0;
	s2 =	simm.s32 $0x200  }
.LBB2_2:
0x2e: {  	p1 =	sne.s32 s2, $0x3000;
	[tilespmem:s0+$0x89F0] =	vst v0  }
0x2f: {  	[tilespmem:s0+$0x8980] =	vst v0  }
0x30: {  	[tilespmem:s0+$0x8990] =	vst v0  }
.Ltmp0:
0x31: {  	[tilespmem:s0+$0x89A0] =	vst v0;
	(pc) =	sbr.rel @p1 .LBB2_2-.Ltmp0, $4  }
0x32: {  	[tilespmem:s0+$0x89B0] =	vst v0  }
0x33: {  	[tilespmem:s0+$0x89C0] =	vst v0  }
0x34: {  	[tilespmem:s0+$0x89D0] =	vst v0  }
0x35: {  	[tilespmem:s0+$0x89E0] =	vst v0;
	s0 =	sshra.s32 s2, $0x2;
	s2 =	sadd.s32 $0x200, s2  }
0x36: {  	[tilespmem:s0+$0x89F0] =	vst v0  }
0x37: {  	[tilespmem:s0+$0x8980] =	vst v0  }
0x38: {  	[tilespmem:s0+$0x8990] =	vst v0  }
0x39: {  	[tilespmem:s0+$0x89A0] =	vst v0  }
0x3a: {  	[tilespmem:s0+$0x89B0] =	vst v0  }
0x3b: {  	[tilespmem:s0+$0x89C0] =	vst v0  }
0x3c: {  	[tilespmem:s0+$0x89D0] =	vst v0  }
0x3d: {  	[tilespmem:s0+$0x89E0] =	vst v0  }
0x3e: {  	[spmem:s4] =	stream.linear.scatter [tilespmem:s16], [sflag:$0x7], $0xC80, $0x38;
	[tilespmem:$0x1D200] =	vst v63  }
0x3f: {  	_ =	swait.ge [sflag:s17], $0xC80  }
0x40: {  	[sflag:s17] =	ssyncset.done $0x0  }
0x41: {  	s6 =	rddreg [dreg:$0x3];
	[sflag:s17] =	ssyncadd.s32 $0xFFFFF380  }
0x42: {  	[spmem:s6] =	stream.linear.scatter [tilespmem:s16], [sflag:$0x7], $0xC80, $0x38;
	[tilespmem:$0x1D200] =	vst v63  }
0x43: {  	_ =	swait.ge [sflag:s17], $0xC80  }
0x44: {  	[sflag:s17] =	ssyncset.done $0x0  }
0x45: {  	s2 =	rddreg [dreg:$0x4];
	[sflag:s17] =	ssyncadd.s32 $0xFFFFF380  }
0x46: {  	[spmem:s2] =	stream.linear.scatter [tilespmem:s16], [sflag:$0x7], $0xC80, $0x38;
	[tilespmem:$0x1D200] =	vst v63  }
0x47: {  	_ =	swait.ge [sflag:s17], $0xC80  }
0x48: {  	[sflag:s17] =	ssyncset.done $0x0  }
0x49: {  	s5 =	rddreg [dreg:$0x5];
	[sflag:s17] =	ssyncadd.s32 $0xFFFFF380  }
0x4a: {  	[spmem:s5] =	stream.linear.scatter [tilespmem:s16], [sflag:$0x7], $0xC80, $0x38;
	[tilespmem:$0x1D200] =	vst v63  }
0x4b: {  	_ =	swait.ge [sflag:s17], $0xC80  }
0x4c: {  	[sflag:s17] =	ssyncset.done $0x0  }
0x4d: {  	s6 =	rddreg [dreg:$0x6];
	[sflag:s17] =	ssyncadd.s32 $0xFFFFF380  }
0x4e: {  	[spmem:s6] =	stream.linear.scatter [tilespmem:s16], [sflag:$0x7], $0xC80, $0x38;
	[tilespmem:$0x1D200] =	vst v63  }
0x4f: {  	_ =	swait.ge [sflag:s17], $0xC80  }
0x50: {  	[sflag:s17] =	ssyncset.done $0x0  }
0x51: {  	s2 =	rddreg [dreg:$0x7];
	[sflag:s17] =	ssyncadd.s32 $0xFFFFF380  }
0x52: {  	[spmem:s2] =	stream.linear.scatter [tilespmem:s16], [sflag:$0x7], $0xC80, $0x38;
	[tilespmem:$0x1D200] =	vst v63  }
0x53: {  	_ =	swait.ge [sflag:s17], $0xC80  }
0x54: {  	[sflag:s17] =	ssyncset.done $0x0  }
0x55: {  	s5 =	rddreg [dreg:$0x8];
	[sflag:s17] =	ssyncadd.s32 $0xFFFFF380  }
0x56: {  	[spmem:s5] =	stream.linear.scatter [tilespmem:s16], [sflag:$0x7], $0xC80, $0x38;
	[tilespmem:$0x1D200] =	vst v63  }
0x57: {  	_ =	swait.ge [sflag:s17], $0xC80  }
0x58: {  	[sflag:s17] =	ssyncset.done $0x0  }
0x59: {  	s6 =	rddreg [dreg:$0x12];
	[sflag:s17] =	ssyncadd.s32 $0xFFFFF380  }
0x5a: {  	[spmem:s6] =	stream.linear.scatter [tilespmem:s16], [sflag:$0x7], $0xC80, $0x38;
	[tilespmem:$0x1D200] =	vst v63  }
0x5b: {  	_ =	swait.ge [sflag:s17], $0xC80  }
0x5c: {  	[sflag:s17] =	ssyncset.done $0x0  }
0x5d: {  	s2 =	rddreg [dreg:$0x16];
	[sflag:s17] =	ssyncadd.s32 $0xFFFFF380  }
0x5e: {  	[spmem:s2] =	stream.linear.scatter [tilespmem:s16], [sflag:$0x7], $0xC80, $0x38;
	[tilespmem:$0x1D200] =	vst v63  }
0x5f: {  	_ =	swait.ge [sflag:s17], $0xC80  }
0x60: {  	[sflag:s17] =	ssyncset.done $0x0  }
0x61: {  	s5 =	rddreg [dreg:$0x17];
	[sflag:s17] =	ssyncadd.s32 $0xFFFFF380  }
0x62: {  	[spmem:s5] =	stream.linear.scatter [tilespmem:s16], [sflag:$0x7], $0xC80, $0x38;
	[tilespmem:$0x1D200] =	vst v63  }
0x63: {  	_ =	swait.ge [sflag:s17], $0xC80  }
0x64: {  	[sflag:s17] =	ssyncset.done $0x0  }
0x65: {  	s6 =	rddreg [dreg:$0x18];
	[sflag:s17] =	ssyncadd.s32 $0xFFFFF380  }
0x66: {  	[spmem:s6] =	stream.linear.scatter [tilespmem:s16], [sflag:$0x7], $0xC80, $0x38;
	[tilespmem:$0x1D200] =	vst v63  }
0x67: {  	_ =	swait.ge [sflag:s17], $0xC80  }
0x68: {  	[sflag:s17] =	ssyncset.done $0x0  }
0x69: {  	s2 =	rddreg [dreg:$0x19];
	[sflag:s17] =	ssyncadd.s32 $0xFFFFF380  }
0x6a: {  	[spmem:s2] =	stream.linear.scatter [tilespmem:s16], [sflag:$0x7], $0xC80, $0x38;
	[tilespmem:$0x1D200] =	vst v63  }
0x6b: {  	_ =	swait.ge [sflag:s17], $0xC80  }
0x6c: {  	[sflag:s17] =	ssyncset.done $0x0  }
0x6d: {  	s5 =	rddreg [dreg:$0x1a];
	[sflag:s17] =	ssyncadd.s32 $0xFFFFF380  }
0x6e: {  	[spmem:s5] =	stream.linear.scatter [tilespmem:s16], [sflag:$0x7], $0xC80, $0x38;
	[tilespmem:$0x1D200] =	vst v63  }
0x6f: {  	_ =	swait.ge [sflag:s17], $0xC80  }
0x70: {  	[sflag:s17] =	ssyncset.done $0x0  }
0x71: {  	s6 =	rddreg [dreg:$0x1b];
	[sflag:s17] =	ssyncadd.s32 $0xFFFFF380  }
0x72: {  	[spmem:s6] =	stream.linear.scatter [tilespmem:s16], [sflag:$0x7], $0xC80, $0x38;
	[tilespmem:$0x1D200] =	vst v63  }
0x73: {  	_ =	swait.ge [sflag:s17], $0xC80  }
0x74: {  	[sflag:s17] =	ssyncset.done $0x0  }
0x75: {  	s2 =	rddreg [dreg:$0x1c];
	[sflag:s17] =	ssyncadd.s32 $0xFFFFF380  }
0x76: {  	[spmem:s2] =	stream.linear.scatter [tilespmem:s16], [sflag:$0x7], $0xC80, $0x38;
	[tilespmem:$0x1D200] =	vst v63  }
0x77: {  	_ =	swait.ge [sflag:s17], $0xC80  }
0x78: {  	[sflag:s17] =	ssyncset.done $0x0  }
0x79: {  	s5 =	rddreg [dreg:$0x1d];
	[sflag:s17] =	ssyncadd.s32 $0xFFFFF380  }
0x7a: {  	[spmem:s5] =	stream.linear.scatter [tilespmem:s16], [sflag:$0x7], $0xC80, $0x38;
	[tilespmem:$0x1D200] =	vst v63  }
0x7b: {  	_ =	swait.ge [sflag:s17], $0xC80  }
0x7c: {  	[sflag:s17] =	ssyncset.done $0x0  }
0x7d: {  	s6 =	rddreg [dreg:$0x1e];
	[sflag:s17] =	ssyncadd.s32 $0xFFFFF380  }
0x7e: {  	[spmem:s6] =	stream.linear.scatter [tilespmem:s16], [sflag:$0x7], $0xC80, $0x38;
	[tilespmem:$0x1D200] =	vst v63  }
0x7f: {  	_ =	swait.ge [sflag:s17], $0xC80  }
0x80: {  	[sflag:s17] =	ssyncset.done $0x0  }
0x81: {  	s2 =	rddreg [dreg:$0x1f];
	[sflag:s17] =	ssyncadd.s32 $0xFFFFF380  }
0x82: {  	[spmem:s2] =	stream.linear.scatter [tilespmem:s16], [sflag:$0x7], $0xC80, $0x38;
	[tilespmem:$0x1D200] =	vst v63  }
0x83: {  	_ =	swait.ge [sflag:s17], $0xC80  }
0x84: {  	[sflag:s17] =	ssyncset.done $0x0  }
0x85: {  	[sflag:s17] =	ssyncadd.s32 $0xFFFFF380  }
0x86: {  	[spmem:s8] =	stream.linear.scatter [tilespmem:s16], [sflag:$0x7], $0xC80, $0x38;
	[tilespmem:$0x1D200] =	vst v63  }
0x87: {  	_ =	swait.ge [sflag:s17], $0xC80  }
0x88: {  	[sflag:s17] =	ssyncset.done $0x0  }
0x89: {  	[sflag:s17] =	ssyncadd.s32 $0xFFFFF380  }
0x8a: {  	[spmem:s9] =	stream.linear.scatter [tilespmem:s16], [sflag:$0x7], $0xC80, $0x38;
	[tilespmem:$0x1D200] =	vst v63  }
0x8b: {  	_ =	swait.ge [sflag:s17], $0xC80  }
0x8c: {  	[sflag:s17] =	ssyncset.done $0x0  }
0x8d: {  	[sflag:s17] =	ssyncadd.s32 $0xFFFFF380  }
0x8e: {  	[spmem:s10] =	stream.linear.scatter [tilespmem:s16], [sflag:$0x7], $0xC80, $0x38;
	[tilespmem:$0x1D200] =	vst v63  }
0x8f: {  	_ =	swait.ge [sflag:s17], $0xC80  }
0x90: {  	[sflag:s17] =	ssyncset.done $0x0  }
0x91: {  	[sflag:s17] =	ssyncadd.s32 $0xFFFFF380  }
0x92: {  	[spmem:s12] =	stream.linear.scatter [tilespmem:s16], [sflag:$0x7], $0xC80, $0x38;
	[tilespmem:$0x1D200] =	vst v63  }
0x93: {  	_ =	swait.ge [sflag:s17], $0xC80  }
0x94: {  	[sflag:s17] =	ssyncset.done $0x0  }
0x95: {  	[sflag:s17] =	ssyncadd.s32 $0xFFFFF380  }
0x96: {  	[spmem:s13] =	stream.linear.scatter [tilespmem:s16], [sflag:$0x7], $0xC80, $0x38;
	[tilespmem:$0x1D200] =	vst v63  }
0x97: {  	_ =	swait.ge [sflag:s17], $0xC80  }
0x98: {  	[sflag:s17] =	ssyncset.done $0x0  }
0x99: {  	[sflag:s17] =	ssyncadd.s32 $0xFFFFF380  }
0x9a: {  	[spmem:s11] =	stream.linear.scatter [tilespmem:s16], [sflag:$0x7], $0xC80, $0x38;
	[tilespmem:$0x1D200] =	vst v63  }
0x9b: {  	_ =	swait.ge [sflag:s17], $0xC80  }
0x9c: {  	[sflag:s17] =	ssyncset.done $0x0  }
0x9d: {  	[sflag:s17] =	ssyncadd.s32 $0xFFFFF380  }
0x9e: {  	[spmem:s14] =	stream.linear.scatter [tilespmem:s16], [sflag:$0x7], $0xC80, $0x38;
	[tilespmem:$0x1D200] =	vst v63  }
0x9f: {  	_ =	swait.ge [sflag:s17], $0xC80  }
0xa0: {  	[sflag:s17] =	ssyncset.done $0x0  }
0xa1: {  	[sflag:s17] =	ssyncadd.s32 $0xFFFFF380  }
0xa2: {  	[bflag:$0x0] =	sbarrier.arrive $0xFFFF  }
0xa3: {  	s0 =	simm.s32 $0x0;
	s2 =	rddreg [dreg:$0xd]  }
0xa4: {  	[tilespmem:s0], [sflag:$0x1] =	stream.linear.gather [hbm4b:s2+s0], $0x80, $0x38;
	[tilespmem:$0x1D200] =	vst v63  }
0xa5: {  	_ = 	snop  }
0xa6: {  	[tilespmem:s18], [sflag:$0x3] =	stream.linear.gather [hbm4b:s7+s0], $0x4000, $0x38;
	[tilespmem:$0x1D200] =	vst v63  }
0xa7: {  	s5 =	rddreg [dreg:$0xe]  }
0xa8: {  	[tilespmem:s19], [sflag:$0x2] =	stream.linear.gather [hbm4b:s5+s0], $0x80, $0x38;
	[tilespmem:$0x1D200] =	vst v63  }
0xa9: {  	s6 =	rddreg [dreg:$0xb]  }
0xaa: {  	[tilespmem:s20], [sflag:$0x4] =	stream.linear.gather [hbm4b:s6+s0], $0x4000, $0x38;
	[tilespmem:$0x1D200] =	vst v63  }
0xab: {  	_ =	swait.ge [sflag:s22], $0x80  }
0xac: {  	[sflag:s22] =	ssyncset.done $0x0  }
0xad: {  	[sflag:s22] =	ssyncadd.s32 $0xFFFFFF80  }
0xae: {  	_ =	swait.ge [sflag:s23], $0x4000  }
0xaf: {  	[sflag:s23] =	ssyncset.done $0x0  }
0xb0: {  	[sflag:s23] =	ssyncadd.s32 $0xFFFFC000  }
0xb1: {  	[spmem:s1] =	stream.indirect.scatter.add.f32 [tilespmem:s18], [sflag:$0x5], $0x80, s0, s19, $0xb8;
	[tilespmem:$0x1D200] =	vst v63  }
0xb2: {  	_ =	swait.ge [sflag:s24], $0x4000  }
0xb3: {  	[sflag:s24] =	ssyncset.done $0x0  }
0xb4: {  	s5 =	rddreg [dreg:$0xf];
	[sflag:s24] =	ssyncadd.s32 $0xFFFFC000  }
0xb5: {  	[tilespmem:s0], [sflag:$0x1] =	stream.linear.gather [hbm4b:s5+s0], $0x80, $0x38;
	[tilespmem:$0x1D200] =	vst v63  }
0xb6: {  	s6 =	rddreg [dreg:$0xc]  }
0xb7: {  	[tilespmem:s18], [sflag:$0x3] =	stream.linear.gather [hbm4b:s6+s0], $0x4000, $0x38;
	[tilespmem:$0x1D200] =	vst v63  }
0xb8: {  	_ =	swait.ge [sflag:s25], $0x80  }
0xb9: {  	[sflag:s25] =	ssyncset.done $0x0  }
0xba: {  	[sflag:s25] =	ssyncadd.s32 $0xFFFFFF80  }
0xbb: {  	_ =	swait.ge [sflag:s26], $0x4000  }
0xbc: {  	[sflag:s26] =	ssyncset.done $0x0  }
0xbd: {  	[sflag:s26] =	ssyncadd.s32 $0xFFFFC000  }
0xbe: {  	[spmem:s1] =	stream.indirect.scatter.add.f32 [tilespmem:s20], [sflag:$0x6], $0x80, s19, s19, $0xb8;
	[tilespmem:$0x1D200] =	vst v63  }
0xbf: {  	_ =	swait.ge [sflag:s28], $0x4000  }
0xc0: {  	s0 =	sadd.s32 $0x0, s21;
	[sflag:s28] =	ssyncset.done $0x0  }
0xc1: {  	s5 =	sadd.s32 $0x30, s0;
	[sflag:s28] =	ssyncadd.s32 $0xFFFFC000  }
0xc2: {  	[tilespmem:s19], [sflag:$0x2] =	stream.linear.gather [hbm4b:s5+s3], $0x80, $0x38;
	[tilespmem:$0x1D200] =	vst v63  }
0xc3: {  	s6 =	sadd.s32 $0xFFFFF800, s15  }
0xc4: {  	[tilespmem:s20], [sflag:$0x4] =	stream.linear.gather [hbm4b:s6+s3], $0x4000, $0x38;
	[tilespmem:$0x1D200] =	vst v63  }
0xc5: {  	_ =	swait.ge [sflag:s22], $0x80  }
0xc6: {  	[sflag:s22] =	ssyncset.done $0x0  }
0xc7: {  	[sflag:s22] =	ssyncadd.s32 $0xFFFFFF80  }
0xc8: {  	_ =	swait.ge [sflag:s23], $0x4000  }
0xc9: {  	[sflag:s23] =	ssyncset.done $0x0  }
0xca: {  	[sflag:s23] =	ssyncadd.s32 $0xFFFFC000  }
0xcb: {  	[spmem:s1] =	stream.indirect.scatter.add.f32 [tilespmem:s18], [sflag:$0x5], $0x80, s3, s19, $0xb8;
	[tilespmem:$0x1D200] =	vst v63  }
0xcc: {  	_ =	swait.ge [sflag:s24], $0x4000  }
0xcd: {  	[sflag:s24] =	ssyncset.done $0x0  }
0xce: {  	s0 =	sadd.s32 $0x40, s0;
	[sflag:s24] =	ssyncadd.s32 $0xFFFFC000  }
0xcf: {  	[tilespmem:s3], [sflag:$0x1] =	stream.linear.gather [hbm4b:s0+s3], $0x80, $0x38;
	[tilespmem:$0x1D200] =	vst v63  }
0xd0: {  	_ = 	snop  }
0xd1: {  	[tilespmem:s18], [sflag:$0x3] =	stream.linear.gather [hbm4b:s15+s3], $0x4000, $0x38;
	[tilespmem:$0x1D200] =	vst v63  }
0xd2: {  	_ =	swait.ge [sflag:s25], $0x80  }
0xd3: {  	[sflag:s25] =	ssyncset.done $0x0  }
0xd4: {  	[sflag:s25] =	ssyncadd.s32 $0xFFFFFF80  }
0xd5: {  	_ =	swait.ge [sflag:s26], $0x4000  }
0xd6: {  	[sflag:s26] =	ssyncset.done $0x0  }
0xd7: {  	s2 =	sadd.s32 $0x1000, s15;
	s0 =	simm.s32 $0x20;
	[sflag:s26] =	ssyncadd.s32 $0xFFFFC000  }
.LBB2_4:
0xd8: {  	[spmem:s1] =	stream.indirect.scatter.add.f32 [tilespmem:s20], [sflag:$0x6], $0x80, s19, s19, $0xb8;
	[tilespmem:$0x1D200] =	vst v63  }
0xd9: {  	s5 =	smov.u32 s0  }
0xda: {  	p1 =	sne.s32 s0, $0x480;
	s0 =	sadd.s32 $0x20, s0;
	_ =	swait.ge [sflag:s28], $0x4000  }
0xdb: {  	s5 =	sadd.s32 s5, s21;
	[sflag:s28] =	ssyncset.done $0x0  }
0xdc: {  	s6 =	sadd.s32 $0x30, s5;
	[sflag:s28] =	ssyncadd.s32 $0xFFFFC000  }
0xdd: {  	[tilespmem:s19], [sflag:$0x2] =	stream.linear.gather [hbm4b:s6+s3], $0x80, $0x38;
	[tilespmem:$0x1D200] =	vst v63  }
0xde: {  	s6 =	sadd.s32 $0xFFFFF800, s2  }
0xdf: {  	[tilespmem:s20], [sflag:$0x4] =	stream.linear.gather [hbm4b:s6+s3], $0x4000, $0x38;
	[tilespmem:$0x1D200] =	vst v63  }
0xe0: {  	_ =	swait.ge [sflag:s22], $0x80  }
0xe1: {  	[sflag:s22] =	ssyncset.done $0x0  }
0xe2: {  	[sflag:s22] =	ssyncadd.s32 $0xFFFFFF80  }
0xe3: {  	_ =	swait.ge [sflag:s23], $0x4000  }
0xe4: {  	[sflag:s23] =	ssyncset.done $0x0  }
0xe5: {  	[sflag:s23] =	ssyncadd.s32 $0xFFFFC000  }
0xe6: {  	[spmem:s1] =	stream.indirect.scatter.add.f32 [tilespmem:s18], [sflag:$0x5], $0x80, s3, s19, $0xb8;
	[tilespmem:$0x1D200] =	vst v63  }
0xe7: {  	_ =	swait.ge [sflag:s24], $0x4000  }
0xe8: {  	[sflag:s24] =	ssyncset.done $0x0  }
0xe9: {  	s5 =	sadd.s32 $0x40, s5;
	[sflag:s24] =	ssyncadd.s32 $0xFFFFC000  }
0xea: {  	[tilespmem:s3], [sflag:$0x1] =	stream.linear.gather [hbm4b:s5+s3], $0x80, $0x38;
	[tilespmem:$0x1D200] =	vst v63  }
0xeb: {  	_ = 	snop  }
0xec: {  	[tilespmem:s18], [sflag:$0x3] =	stream.linear.gather [hbm4b:s2+s3], $0x4000, $0x38;
	[tilespmem:$0x1D200] =	vst v63  }
0xed: {  	_ =	swait.ge [sflag:s25], $0x80  }
.Ltmp1:
0xee: {  	[sflag:s25] =	ssyncset.done $0x0;
	(pc) =	sbr.rel @p1 .LBB2_4-.Ltmp1, $4  }
0xef: {  	[sflag:s25] =	ssyncadd.s32 $0xFFFFFF80  }
0xf0: {  	_ =	swait.ge [sflag:s26], $0x4000  }
0xf1: {  	[sflag:s26] =	ssyncset.done $0x0  }
0xf2: {  	s2 =	sadd.s32 $0x1000, s2;
	[sflag:s26] =	ssyncadd.s32 $0xFFFFC000  }
0xf3: {  	[spmem:s1] =	stream.indirect.scatter.add.f32 [tilespmem:s20], [sflag:$0x6], $0x80, s19, s19, $0xb8;
	[tilespmem:$0x1D200] =	vst v63  }
0xf4: {  	_ =	swait.ge [sflag:s28], $0x4000  }
0xf5: {  	[sflag:s28] =	ssyncset.done $0x0  }
0xf6: {  	s0 =	rddreg [dreg:$0x10];
	[sflag:s28] =	ssyncadd.s32 $0xFFFFC000  }
0xf7: {  	[tilespmem:s19], [sflag:$0x2] =	stream.linear.gather [hbm4b:s0+s3], $0x80, $0x38;
	[tilespmem:$0x1D200] =	vst v63  }
0xf8: {  	s5 =	rddreg [dreg:$0x9]  }
0xf9: {  	[tilespmem:s20], [sflag:$0x4] =	stream.linear.gather [hbm4b:s5+s3], $0x4000, $0x38;
	[tilespmem:$0x1D200] =	vst v63  }
0xfa: {  	_ =	swait.ge [sflag:s22], $0x80  }
0xfb: {  	[sflag:s22] =	ssyncset.done $0x0  }
0xfc: {  	[sflag:s22] =	ssyncadd.s32 $0xFFFFFF80  }
0xfd: {  	_ =	swait.ge [sflag:s23], $0x4000  }
0xfe: {  	[sflag:s23] =	ssyncset.done $0x0  }
0xff: {  	[sflag:s23] =	ssyncadd.s32 $0xFFFFC000  }
0x100: {  	[spmem:s1] =	stream.indirect.scatter.add.f32 [tilespmem:s18], [sflag:$0x5], $0x80, s3, s19, $0xb8;
	[tilespmem:$0x1D200] =	vst v63  }
0x101: {  	_ =	swait.ge [sflag:s24], $0x4000  }
0x102: {  	[sflag:s24] =	ssyncset.done $0x0  }
0x103: {  	[sflag:s24] =	ssyncadd.s32 $0xFFFFC000  }
0x104: {  	_ =	swait.ge [sflag:s25], $0x80  }
0x105: {  	[sflag:s25] =	ssyncset.done $0x0  }
0x106: {  	[sflag:s25] =	ssyncadd.s32 $0xFFFFFF80  }
0x107: {  	_ =	swait.ge [sflag:s26], $0x4000  }
0x108: {  	[sflag:s26] =	ssyncset.done $0x0  }
0x109: {  	[sflag:s26] =	ssyncadd.s32 $0xFFFFC000  }
0x10a: {  	[spmem:s1] =	stream.indirect.scatter.add.f32 [tilespmem:s20], [sflag:$0x6], $0x80, s19, s19, $0xb8;
	[tilespmem:$0x1D200] =	vst v63  }
0x10b: {  	_ =	swait.ge [sflag:s28], $0x4000  }
0x10c: {  	[sflag:s28] =	ssyncset.done $0x0  }
0x10d: {  	s6 =	rddreg [dreg:$0x11];
	[sflag:s28] =	ssyncadd.s32 $0xFFFFC000  }
0x10e: {  	[tilespmem:s29], [sflag:$0x7] =	stream.linear.gather [hbm4b:s6+s3], $0x10, $0x38;
	[tilespmem:$0x1D200] =	vst v63  }
0x10f: {  	_ =	swait.ge [sflag:s17], $0x10  }
0x110: {  	[sflag:s17] =	ssyncset.done $0x0  }
0x111: {  	s2 =	rddreg [dreg:$0xa];
	[sflag:s17] =	ssyncadd.s32 $0xFFFFFFF0  }
0x112: {  	[tilespmem:s30], [sflag:$0x7] =	stream.linear.gather [hbm4b:s2+s3], $0x800, $0x38;
	[tilespmem:$0x1D200] =	vst v63  }
0x113: {  	_ =	swait.ge [sflag:s17], $0x800  }
0x114: {  	[sflag:s17] =	ssyncset.done $0x0  }
0x115: {  	s5 =	simm.s32 $0x10;
	[sflag:s17] =	ssyncadd.s32 $0xFFFFF800  }
0x116: {  	[spmem:s1] =	stream.indirect.scatter.add.f32 [tilespmem:s30], [sflag:$0x7], $0x80, s29, s5, $0xb8;
	[tilespmem:$0x1D200] =	vst v63  }
0x117: {  	_ =	swait.ge [sflag:s17], $0x800  }
0x118: {  	[sflag:s17] =	ssyncset.done $0x0  }
0x119: {  	[sflag:s17] =	ssyncadd.s32 $0xFFFFF800  }
0x11a: {  	s0 =	stileid.u32;
	[bflag:$0x0] =	sbarrier.arrive $0xFFFF  }
0x11b: {  	s0 =	sshll.u32 @!p0 s0, $0x6;
	s2 =	rddreg [dreg:$0x13]  }
0x11c: {  	s0 =	sor.u32 @!p0 $0x1C07, s0;
	s5 =	rddreg [dreg:$0x15]  }
0x11d: {  	[hbm:s2], [sflag:s0] =	dma.local @!p0 [spmem:s5], $0x3E80  }
0x11e: {  	s0 =	simm.s32 @!p0 $0x7  }
0x11f: {  	_ =	swait.ge @!p0 [sflag:s0], $0x3E80  }
0x120: {  	s31 =	sadd.s32 $0x1, s31;
	s6 =	rddreg [dreg:$0x14]  }
0x121: {  	p1 =	sne.s32 s31, s6  }
.Ltmp2:
0x122: {  	_ = 	snop;
	(pc) =	sbr.rel @p1 .LBB2_1-.Ltmp2, $3  }
0x123: {  	_ =	sdelay $0x1  }
0x124: {  	[sflag:s0] =	ssyncset.done @!p0 $0x0  }
0x125: {  	[sflag:s0] =	ssyncadd.s32 @!p0 $0xFFFFC180  }
0x126: {  	_ =	sfence.sel $0x180000  }
0x127: {  	[bflag:$0x0] =	sbarrier.arrive $0xFFFF  }
0x128: {  	_ =	strace $0x9000004D  }
0x129: {  	s0 =	stileid.u32;
	[bflag:$0x2] =	sbarrier.arrive $0xFFFF  }
0x12a: {  	p0 =	sne.s32 s0, $0x0;
	s0 =	rddreg [dreg:$0x2]  }
0x12b: {  	s0 =	sadd.s32 @!p0 $0x100000, s0  }
0x12c: {  	[sflag:s0] =	ssyncadd.tile.s32 @!p0 $0x1;
	_ =	shalt  }
.Lfunc_end2:
_tile_overlayer_lowered:
.L_overlay_start_2:
0x12d: {  	(tag) =	ssettag $0x2  }
0x12e: {  	s0 =	rddreg [dreg:$0x0];
	s2 =	stileid.u32  }
0x12f: {  	s1 =	rddreg [dreg:$0x1];
	p0 =	sne.s32 s2, $0x0  }
0x130: {  	s3 =	rddreg [dreg:$0x2];
	[bflag:$0x3] =	sbarrier.arrive $0xFFFF;
	s2 =	simm.s32 @!p0 $0x1C07  }
0x131: {  	[timem:s3], [sflag:s2] =	dma.local @!p0 [hbm:s0], s1  }
0x132: {  	s0 =	simm.s32 @!p0 $0x7  }
0x133: {  	_ =	swait.ge @!p0 [sflag:s0], s1  }
0x134: {  	s1 =	ssub.s32 @!p0 $0x0, s1;
	[sflag:s0] =	ssyncset.done @!p0 $0x0  }
0x135: {  	[sflag:s0] =	ssyncadd.s32 @!p0 s1  }
0x136: {  	[bflag:$0x3] =	sbarrier.arrive $0xFFFF  }
0x137: {  	_ =	shalt  }

// kernel: kernel.19.cloned.1.call-start
scs
__scs_entry_jumppad:
0x0: {  	(pc) =	sbr.rel $0x88, $3  }
0x1: {  	(tag) =	ssettag $0x0;
	lr =	simm.s32 $0x1  }
0x2: {  	[smem:$0x3F8E] =	sst lr;
	_ =	strace $0xD0000000  }
0x3: {  	_ = 	snop  }
0x4: {  	_ = 	snop  }
0x5: {  	_ = 	snop  }
0x6: {  	_ = 	snop  }
0x7: {  	_ = 	snop  }
__scs_overlays_trampoline_lowered:
0x8: {  	[smem:$0x3F9D] =	sst s0  }
0x9: {  	[smem:$0x3F9E] =	sst s1  }
0xa: {  	[smem:$0x3F9F] =	sst s2  }
0xb: {  	[smem:$0x3FA0] =	sst s3  }
0xc: {  	[smem:$0x3FA1] =	sst s4  }
0xd: {  	[smem:$0x3FA2] =	sst s5  }
0xe: {  	[smem:$0x3FA3] =	sst s6  }
0xf: {  	[smem:$0x3FA4] =	sst s7  }
0x10: {  	[smem:$0x3FA5] =	sst s8  }
0x11: {  	[smem:$0x3FA6] =	sst s9;
	s0 =	simm.s32 @!p0 $0x0  }
0x12: {  	s1 =	sld [smem:$0x3F8C];
	s0 =	simm.s32 @p0 $0x1  }
0x13: {  	[smem:$0x3FA7] =	sst s0;
	s0 =	simm.s32 @!p1 $0x0  }
0x14: {  	s2 =	sld [smem:$0x3F8B];
	s0 =	simm.s32 @p1 $0x1  }
0x15: {  	[smem:$0x3FA8] =	sst s0;
	s0 =	simm.s32 @!p2 $0x0  }
0x16: {  	s3 =	sld [smem:$0x3FDB];
	s0 =	simm.s32 @p2 $0x1  }
0x17: {  	s4 =	simm.s32 $0x1BF5;
	[smem:$0x3FAA] =	sst s0  }
0x18: {  	s0 =	sld [smem:$0x3F8D];
	_ =	swait.ge [sflag:s4], $0x0  }
0x19: {  	s7 =	sld [smem:$0x3F8E]  }
0x1a: {  	s8 =	sadd.s32 $0xFFFFE003, lr  }
0x1b: {  	s9 =	sadd.s32 $0xFFFFFEF7, lr;
	s5 =	simm.s32 $0xFFFFFFFF;
	p2 =	slt.u32 s8, $0xFFFFF086  }
0x1c: {  	p1 =	slt.u32 s9, $0xF7A;
	s5 =	simm.s32 @!p2 $0x0  }
0x1d: {  	s5 =	simm.s32 @p1 $0x1;
	p0 =	seq.s32 s7, s2  }
0x1e: {  	s7 =	smul.u32 @!p0 $0xF7A, s2;
	p2 =	seq.s32 @!p0 s5, $0x0  }
0x1f: {  	s9 =	smul.u32 $0xF7A, s1;
	s8 =	simm.s32 @!p0 $0x1BF5;
	p2 =	por !p2, p0  }
0x20: {  	[sflag:s8] =	ssyncset.s32 @!p0 $0xFFFFF086;
	s6 =	sadd.s32 @!p0 s3, s7;
	s7 =	simm.s32 @!p0 $0x108  }
0x21: {  	s3 =	sadd.s32 s3, s9;
	s6 =	sadd.s32 @!p0 $0x88, s6;
	s7 =	simm.s32 @p2 $0x1082  }
0x22: {  	[simem:s7], [sflag:s8] =	dma.local @!p0 [hbm:s6], $0xF7A  }
0x23: {  	s9 =	sor.u32 $0xD0000000, s2;
	s6 =	simm.s32 $0x108;
	_ =	swait.ge @!p0 [sflag:s8], $0x0  }
0x24: {  	s3 =	sadd.s32 $0x88, s3;
	s6 =	simm.s32 @!p1 $0x1082;
	[sflag:s4] =	ssyncset.s32 $0xFFFFF086  }
0x25: {  	[simem:s6], [sflag:s4] =	dma.local [hbm:s3], $0xF7A  }
0x26: {  	[smem:$0x3F8E] =	sst s1;
	(tag) =	ssettag s2;
	_ =	strace s9  }
0x27: {  	s1 =	sld [smem:$0x3F9E]  }
0x28: {  	s2 =	sld [smem:$0x3F9F]  }
0x29: {  	s4 =	sld [smem:$0x3FA1]  }
0x2a: {  	p0 =	seq.s32 s5, $0x0;
	s5 =	sld [smem:$0x3FA2]  }
0x2b: {  	s6 =	sld [smem:$0x3FA3]  }
0x2c: {  	s7 =	sld [smem:$0x3FA4]  }
0x2d: {  	s3 =	simm.s32 $0x108;
	s8 =	sld [smem:$0x3FA5]  }
0x2e: {  	s3 =	simm.s32 @!p0 $0x1082;
	s9 =	sld [smem:$0x3FA6]  }
0x2f: {  	lr =	sadd.s32 s0, s3;
	s0 =	sld [smem:$0x3F9D]  }
0x30: {  	s3 =	sld [smem:$0x3FA0]  }
0x31: {  	[smem:$0x3FA9] =	sst s10  }
0x32: {  	s10 =	sld [smem:$0x3FA7];
	_ =	sdelay $0x3  }
0x33: {  	p0 =	seq.s32 s10, $0x1;
	s10 =	sld [smem:$0x3FA9];
	_ =	sdelay $0x3  }
0x34: {  	[smem:$0x3FA9] =	sst s10  }
0x35: {  	s10 =	sld [smem:$0x3FA8];
	_ =	sdelay $0x3  }
0x36: {  	p1 =	seq.s32 s10, $0x1;
	s10 =	sld [smem:$0x3FA9];
	_ =	sdelay $0x3  }
0x37: {  	[smem:$0x3FA9] =	sst s10  }
0x38: {  	s10 =	sld [smem:$0x3FAA]  }
0x39: {  	_ = 	snop;
	(pc) =	sbr.ind lr, $3  }
0x3a: {  	_ = 	snop  }
0x3b: {  	_ = 	snop  }
0x3c: {  	p2 =	seq.s32 s10, $0x1;
	s10 =	sld [smem:$0x3FA9]  }
0x3d: {  	_ =	shalt  }
0x3e: {  	_ =	shalt  }
0x3f: {  	_ =	shalt  }
0x40: {  	_ =	shalt  }
0x41: {  	_ =	shalt  }
0x42: {  	_ =	shalt  }
0x43: {  	_ =	shalt  }
0x44: {  	_ =	shalt  }
0x45: {  	_ =	shalt  }
0x46: {  	_ =	shalt  }
0x47: {  	_ =	shalt  }
0x48: {  	_ =	shalt  }
0x49: {  	_ =	shalt  }
0x4a: {  	_ =	shalt  }
0x4b: {  	_ =	shalt  }
0x4c: {  	_ =	shalt  }
0x4d: {  	_ =	shalt  }
0x4e: {  	_ =	shalt  }
0x4f: {  	_ =	shalt  }
0x50: {  	_ =	shalt  }
0x51: {  	_ =	shalt  }
0x52: {  	_ =	shalt  }
0x53: {  	_ =	shalt  }
0x54: {  	_ =	shalt  }
0x55: {  	_ =	shalt  }
0x56: {  	_ =	shalt  }
0x57: {  	_ =	shalt  }
0x58: {  	_ =	shalt  }
0x59: {  	_ =	shalt  }
0x5a: {  	_ =	shalt  }
0x5b: {  	_ =	shalt  }
0x5c: {  	_ =	shalt  }
0x5d: {  	_ =	shalt  }
0x5e: {  	_ =	shalt  }
0x5f: {  	_ =	shalt  }
0x60: {  	_ =	shalt  }
0x61: {  	_ =	shalt  }
0x62: {  	_ =	shalt  }
0x63: {  	_ =	shalt  }
0x64: {  	_ =	shalt  }
0x65: {  	_ =	shalt  }
0x66: {  	_ =	shalt  }
0x67: {  	_ =	shalt  }
0x68: {  	_ =	shalt  }
0x69: {  	_ =	shalt  }
0x6a: {  	_ =	shalt  }
0x6b: {  	_ =	shalt  }
0x6c: {  	_ =	shalt  }
0x6d: {  	_ =	shalt  }
0x6e: {  	_ =	shalt  }
0x6f: {  	_ =	shalt  }
0x70: {  	_ =	shalt  }
0x71: {  	_ =	shalt  }
0x72: {  	_ =	shalt  }
0x73: {  	_ =	shalt  }
0x74: {  	_ =	shalt  }
0x75: {  	_ =	shalt  }
0x76: {  	_ =	shalt  }
0x77: {  	_ =	shalt  }
0x78: {  	_ =	shalt  }
0x79: {  	_ =	shalt  }
0x7a: {  	_ =	shalt  }
0x7b: {  	_ =	shalt  }
0x7c: {  	_ =	shalt  }
0x7d: {  	_ =	shalt  }
0x7e: {  	_ =	shalt  }
0x7f: {  	_ =	shalt  }
0x80: {  	_ =	shalt  }
0x81: {  	_ =	shalt  }
0x82: {  	_ =	shalt  }
0x83: {  	_ =	shalt  }
0x84: {  	_ =	shalt  }
0x85: {  	_ =	shalt  }
0x86: {  	_ =	shalt  }
0x87: {  	_ =	shalt  }
.Lfunc_end0:
.L_simem_size_0:
called_computation.3_lowered:
.L_overlay_start_0:
0x88: {  	s2 =	sld [smem:$0x3FD9]  }
0x89: {  	s3 =	sld [smem:$0x3FFE];
	_ =	sdelay $0x1  }
0x8a: {  	s1 =	srdreg.scid  }
0x8b: {  	s0 =	sand.u32 $0x1, s1  }
0x8c: {  	s17 =	sshll.u32 s0, $0xA;
	s2 =	sadd.s32 s3, s2  }
0x8d: {  	s2 =	sadd.s32 s2, s17  }
0x8e: {  	[smem:$0x3FB5] =	sst s2  }
0x8f: {  	_ = 	snop  }
0x90: {  	(tm) =	ssettm $0x1  }
0x91: {  	s18 =	sld [smem:$0x3FFB];
	_ =	sdelay $0x3  }
0x92: {  	_ =	strace s18  }
0x93: {  	s2 =	sld [smem:$0x3FFC];
	_ =	sdelay $0x3  }
0x94: {  	_ =	strace s2  }
0x95: {  	s2 =	sld [smem:$0x3FFD];
	_ =	sdelay $0x3  }
0x96: {  	_ =	strace s2  }
0x97: {  	_ =	strace $0x8FFFFFFF  }
0x98: {  	s19 =	sld [smem:$0x3FDB];
	_ =	sdelay $0x1  }
0x99: {  	s20 =	simm.s32 $_scs_section_size  }
0x9a: {  	s4 =	simm.s32 $_size__tile_overlayer_lowered;
	s5 =	simm.s32 $_tile_overlayer_lowered  }
0x9b: {  	s6 =	simm.s32 $0x1BFF;
	s21 =	sshll.u32 s5, $0x1;
	s3 =	sadd.s32 s20, s19  }
0x9c: {  	s22 =	simm.s32 $0x0;
	s4 =	sshll.u32 s4, $0x1;
	s5 =	sadd.s32 s21, s3  }
0x9d: {  	[timem:s22], [sflag:s6] =	dma.local [hbm:s5], s4  }
0x9e: {  	_ =	swait.ge [sflag:s6], s4  }
0x9f: {  	s4 =	ssub.s32 $0x0, s4;
	[sflag:s6] =	ssyncset.done $0x0  }
0xa0: {  	[sflag:s6] =	ssyncadd.s32 s4;
	_ =	sdelay $0x1  }
0xa1: {  	s23 =	simm.s32 $0x1B8B  }
0xa2: {  	_ =	swait.ge [sflag:s23], $0x1  }
0xa3: {  	[sflag:s23] =	ssyncset.done $0x0  }
0xa4: {  	[sflag:s23] =	ssyncadd.s32 $0xFFFFFFFF  }
0xa5: {  	s4 =	sld [smem:$0x0]  }
0xa6: {  	s5 =	sand.u32 $0xFFFFFFFE, s1  }
0xa7: {  	p0 =	sne.s32 s1, s5  }
0xa8: {  	s5 =	sshll.u32 @p0 s5, $0xE  }
0xa9: {  	s5 =	sadd.s32 @p0 $0x11B8D, s5;
	s6 =	sshll.u32 @p0 s4, $0x11  }
0xaa: {  	s5 =	sor.u32 @p0 s6, s5  }
0xab: {  	[sflag:s5] =	ssyncadd.remote.s32 @p0 $0x1;
	_ =	sdelay $0x1  }
0xac: {  	s5 =	simm.s32 @p0 $0x1B8D  }
0xad: {  	_ =	swait.eq @p0 [sflag:s5], $0x1  }
0xae: {  	[sflag:s5] =	ssyncadd.s32 @p0 $0xFFFFFFFF  }
0xaf: {  	s6 =	sshll.u32 @!p0 s1, $0xE  }
0xb0: {  	s6 =	sor.u32 @!p0 $0x4000, s6;
	s5 =	simm.s32 @!p0 $0x1B8D  }
0xb1: {  	s4 =	sshll.u32 @!p0 s4, $0x11;
	s6 =	sadd.s32 @!p0 $0x11B8D, s6;
	_ =	swait.eq @!p0 [sflag:s5], $0x1  }
0xb2: {  	s4 =	sor.u32 @!p0 s4, s6;
	[sflag:s5] =	ssyncadd.s32 @!p0 $0xFFFFFFFF  }
0xb3: {  	s25 =	simm.s32 $0x1B8E;
	s24 =	sld [smem:$0x3FFE];
	[sflag:s4] =	ssyncadd.remote.s32 @!p0 $0x1  }
0xb4: {  	s26 =	simm.s32 $execute0_lowered;
	[smem:$0x3FD2] =	sst s25  }
0xb5: {  	s5 =	sshll.u32 s26, $0x1;
	_ =	strace $0x8000004F;
	[dreg:$0x1] =	wrdreg $0xFFFFFFFF  }
0xb6: {  	s28 =	simm.s32 $_size_execute0_lowered;
	s3 =	sadd.s32 s3, s5;
	[dreg:$0x0] =	wrdreg $0x0  }
0xb7: {  	s5 =	sshll.u32 s28, $0x1;
	[dreg:$0x2] =	wrdreg s3  }
0xb8: {  	[dreg:$0x3] =	wrdreg s5  }
0xb9: {  	[dreg:$0x4] =	wrdreg $0xC0  }
0xba: {  	_ =	task [dreg:s22], $0x5FFFF  }
0xbb: {  	[dreg:$0x1] =	wrdreg $0xFFFFFFFF  }
0xbc: {  	[dreg:$0x0] =	wrdreg $0x60  }
0xbd: {  	[dreg:$0x2] =	wrdreg s24  }
0xbe: {  	[dreg:$0x3] =	wrdreg $0x99800  }
0xbf: {  	[dreg:$0x4] =	wrdreg $0x9  }
0xc0: {  	_ =	task.clear_ibuf [dreg:s22], $0x5FFFF;
	_ =	strace $0x9000004F  }
0xc1: {  	s29 =	simm.s32 $0x9;
	_ =	strace $0x80000051  }
0xc2: {  	_ =	swait.ge [sflag:s29], $0x1  }
0xc3: {  	[sflag:s29] =	ssyncadd.s32 $0xFFFFFFFF  }
0xc4: {  	_ =	strace $0x90000051  }
0xc5: {  	_ =	sfence  }
0xc6: {  	s30 =	sld [smem:$0x0];
	_ =	sdelay $0x2  }
0xc7: {  	s31 =	sshll.u32 s1, $0xD;
	s1 =	sshrl.u32 s1, $0x2  }
0xc8: {  	s4 =	sand.u32 $0x4000, s31;
	s1 =	sadd.s32 s1, s30  }
0xc9: {  	s0 =	sor.u32 s4, s0;
	s1 =	sshll.u32 s1, $0x11  }
0xca: {  	s0 =	sor.u32 s1, s0  }
0xcb: {  	s0 =	sadd.s32 $0x8F2B, s0  }
0xcc: {  	[sflag:s0] =	ssyncadd.remote.s32 $0x1  }
0xcd: {  	_ =	sfence.sel $0xFFFF  }
0xce: {  	[dreg:$0x0] =	wrdreg $0xFFFFFFFF;
	(pc) =	sbr.abs _section_cstart, $3  }
0xcf: {  	[dreg:$0x1] =	wrdreg $0xFFFFFFFF  }
0xd0: {  	_ =	task.clear_ibuf [dreg:s22], $0x2FFFF;
	_ =	strace $0x9FFFFFFF  }
0xd1: {  	(tm) =	ssettm $0x7FFFFFFF  }
tec
execute0_lowered:
.L_overlay_start_1:
0x0: {  	(tag) =	ssettag $0x1  }
0x1: {  	s15 =	stileid.u32  }
0x2: {  	s0 =	rddreg [dreg:$0x0];
	s5 =	smul.u32 $0x1F400, s15  }
0x3: {  	s1 =	rddreg [dreg:$0x1];
	s6 =	smul.u32 $0x4E200, s15  }
0x4: {  	s2 =	srdreg.scid;
	s14 =	smul.u32 $0x2710, s15  }
0x5: {  	s3 =	simm.s32 $0x0;
	s28 =	simm.s32 $0x6;
	s18 =	smul.u32 $0x27100, s15  }
0x6: {  	s29 =	simm.s32 $0x8100;
	s30 =	simm.s32 $0x8180;
	s24 =	smul.u32 $0x7D000, s15  }
0x7: {  	s31 =	simm.s32 $0x0;
	s2 =	sand.u32 $0x1, s2;
	s25 =	smul.u32 $0x4E2, s15  }
0x8: {  	[smem:$0x7FF] =	sst s3;
	s7 =	sadd.s32 $0x792000, s0;
	s4 =	smul.u32 $0x138800, s2  }
0x9: {  	_ =	strace $0x80000050;
	s12 =	ssub.s32 $0x2, s2;
	p0 =	seq.s32 s2, $0x0  }
0xa: {  	s8 =	sshrl.u32 s12, $0x1;
	s6 =	sshrl.u32 s6, $0x2;
	s20 =	sshrl.u32 s14, $0x3  }
0xb: {  	s21 =	sadd.s32 $0x2680, s14;
	s4 =	sadd.s32 s5, s4;
	s5 =	ssub.s32 s12, s8  }
0xc: {  	s11 =	sshll.u32 s21, $0x4;
	s12 =	sadd.s32 $0x2700, s14;
	s4 =	sshrl.u32 s4, $0x3  }
0xd: {  	s11 =	sadd.s32 s7, s11;
	s23 =	sshll.u32 s12, $0x4;
	s9 =	sadd.s32 s4, s0  }
0xe: {  	s4 =	sadd.s32 s6, s1;
	[dreg:$0x9] =	wrdreg s11;
	s11 =	sadd.s32 s7, s23  }
0xf: {  	s22 =	sadd.s32 $0x100, s14;
	s6 =	sadd.s32 $0xC80, s4;
	[dreg:$0xa] =	wrdreg s11  }
0x10: {  	s8 =	sshrl.u32 s21, $0x3;
	s13 =	sadd.s32 $0x1900, s4;
	[dreg:$0x3] =	wrdreg s6  }
0x11: {  	s12 =	sshrl.u32 s12, $0x3;
	s16 =	sadd.s32 $0x2580, s4;
	[dreg:$0x4] =	wrdreg s13  }
0x12: {  	s17 =	sadd.s32 $0x3200, s4;
	s10 =	sadd.s32 $0x3E80, s4;
	[dreg:$0x5] =	wrdreg s16  }
0x13: {  	s19 =	sadd.s32 $0x4B00, s4;
	s11 =	sshrl.u32 s24, $0x2;
	[dreg:$0x6] =	wrdreg s17  }
0x14: {  	s23 =	sadd.s32 $0xAF00, s4;
	s24 =	sadd.s32 $0xBB80, s4;
	[dreg:$0x7] =	wrdreg s10  }
0x15: {  	[dreg:$0x8] =	wrdreg s19;
	s16 =	sadd.s32 s7, s18;
	s6 =	sadd.s32 $0x80, s14  }
0x16: {  	s14 =	sshll.u32 s22, $0x4;
	s10 =	sshrl.u32 s22, $0x3;
	[dreg:$0x1c] =	wrdreg s23  }
0x17: {  	s17 =	sadd.s32 $0x7080, s4;
	s18 =	sadd.s32 $0x7D00, s4;
	[dreg:$0x1d] =	wrdreg s24  }
0x18: {  	s19 =	sadd.s32 $0x8980, s4;
	s22 =	sadd.s32 $0xA280, s4;
	[dreg:$0x17] =	wrdreg s17  }
0x19: {  	s23 =	simm.s32 $0x3;
	s24 =	simm.s32 $0x5;
	[dreg:$0x18] =	wrdreg s18  }
0x1a: {  	s13 =	sshll.u32 s6, $0x4;
	s6 =	sshrl.u32 s6, $0x3;
	[dreg:$0x19] =	wrdreg s19  }
0x1b: {  	[dreg:$0x1b] =	wrdreg s22;
	s17 =	simm.s32 $0x7;
	s18 =	simm.s32 $0x100  }
0x1c: {  	s19 =	simm.s32 $0x80;
	s22 =	simm.s32 $0x1;
	s13 =	sadd.s32 s7, s13  }
0x1d: {  	s7 =	sadd.s32 s7, s14;
	s14 =	smax.u32 s5, $0x1;
	[dreg:$0xb] =	wrdreg s13  }
0x1e: {  	[dreg:$0xc] =	wrdreg s7;
	s7 =	simm.s32 $0x2A6000;
	s13 =	sadd.s32 $0x83200, s9  }
0x1f: {  	[dreg:$0x14] =	wrdreg s14;
	s7 =	simm.s32 @!p0 $0x2AB000;
	p0 =	sgt.u32 s15, $0x9  }
0x20: {  	[dreg:$0x13] =	wrdreg s13;
	s15 =	sadd.s32 $0x6400, s4;
	s0 =	sadd.s32 s7, s0  }
0x21: {  	s9 =	sadd.s32 $0xED80, s4;
	[dreg:$0x16] =	wrdreg s15;
	s2 =	sadd.s32 s0, s20  }
0x22: {  	s14 =	sadd.s32 $0x12C00, s4;
	s26 =	sadd.s32 s0, s6;
	[dreg:$0xd] =	wrdreg s2  }
0x23: {  	s13 =	sadd.s32 $0x11300, s4;
	s6 =	sadd.s32 s0, s10;
	[dreg:$0xe] =	wrdreg s26  }
0x24: {  	s7 =	smov.u32 s16;
	s8 =	sadd.s32 s0, s8;
	[dreg:$0xf] =	wrdreg s6  }
0x25: {  	s15 =	sadd.s32 $0x2000, s16;
	s10 =	sadd.s32 s0, s12;
	[dreg:$0x10] =	wrdreg s8  }
0x26: {  	s16 =	simm.s32 $0x8980;
	s12 =	sadd.s32 $0x5780, s4;
	[dreg:$0x11] =	wrdreg s10  }
0x27: {  	s21 =	sadd.s32 s25, s0;
	s20 =	sadd.s32 $0x9600, s4;
	[dreg:$0x12] =	wrdreg s12  }
0x28: {  	s0 =	sadd.s32 s11, s1;
	s25 =	sadd.s32 $0xC800, s4;
	[dreg:$0x1a] =	wrdreg s20  }
0x29: {  	s11 =	sadd.s32 $0x11F80, s4;
	s0 =	sshrl.u32 @!p0 s0, $0x3;
	[dreg:$0x1e] =	wrdreg s25  }
0x2a: {  	s26 =	sadd.s32 $0xD480, s4;
	s8 =	sadd.s32 $0xE100, s4;
	s10 =	sadd.s32 $0xFA00, s4  }
0x2b: {  	s12 =	sadd.s32 $0x10680, s4;
	s20 =	simm.s32 $0x4100;
	[dreg:$0x15] =	wrdreg s0  }
0x2c: {  	v0 =	vimm.f32 $0.0e+00;
	s25 =	simm.s32 $0x2;
	[dreg:$0x1f] =	wrdreg s26;
	s26 =	simm.s32 $0x4  }
.LBB2_1:
0x2d: {  	s0 =	simm.s32 $0x0;
	s2 =	simm.s32 $0x200  }
.LBB2_2:
0x2e: {  	p1 =	sne.s32 s2, $0x3000;
	[tilespmem:s0+$0x89F0] =	vst v0  }
0x2f: {  	[tilespmem:s0+$0x8980] =	vst v0  }
0x30: {  	[tilespmem:s0+$0x8990] =	vst v0  }
.Ltmp0:
0x31: {  	[tilespmem:s0+$0x89A0] =	vst v0;
	(pc) =	sbr.rel @p1 .LBB2_2-.Ltmp0, $4  }
0x32: {  	[tilespmem:s0+$0x89B0] =	vst v0  }
0x33: {  	[tilespmem:s0+$0x89C0] =	vst v0  }
0x34: {  	[tilespmem:s0+$0x89D0] =	vst v0  }
0x35: {  	[tilespmem:s0+$0x89E0] =	vst v0;
	s0 =	sshra.s32 s2, $0x2;
	s2 =	sadd.s32 $0x200, s2  }
0x36: {  	[tilespmem:s0+$0x89F0] =	vst v0  }
0x37: {  	[tilespmem:s0+$0x8980] =	vst v0  }
0x38: {  	[tilespmem:s0+$0x8990] =	vst v0  }
0x39: {  	[tilespmem:s0+$0x89A0] =	vst v0  }
0x3a: {  	[tilespmem:s0+$0x89B0] =	vst v0  }
0x3b: {  	[tilespmem:s0+$0x89C0] =	vst v0  }
0x3c: {  	[tilespmem:s0+$0x89D0] =	vst v0  }
0x3d: {  	[tilespmem:s0+$0x89E0] =	vst v0  }
0x3e: {  	[spmem:s4] =	stream.linear.scatter [tilespmem:s16], [sflag:$0x7], $0xC80, $0x38;
	[tilespmem:$0x1D200] =	vst v63  }
0x3f: {  	_ =	swait.ge [sflag:s17], $0xC80  }
0x40: {  	[sflag:s17] =	ssyncset.done $0x0  }
0x41: {  	s6 =	rddreg [dreg:$0x3];
	[sflag:s17] =	ssyncadd.s32 $0xFFFFF380  }
0x42: {  	[spmem:s6] =	stream.linear.scatter [tilespmem:s16], [sflag:$0x7], $0xC80, $0x38;
	[tilespmem:$0x1D200] =	vst v63  }
0x43: {  	_ =	swait.ge [sflag:s17], $0xC80  }
0x44: {  	[sflag:s17] =	ssyncset.done $0x0  }
0x45: {  	s2 =	rddreg [dreg:$0x4];
	[sflag:s17] =	ssyncadd.s32 $0xFFFFF380  }
0x46: {  	[spmem:s2] =	stream.linear.scatter [tilespmem:s16], [sflag:$0x7], $0xC80, $0x38;
	[tilespmem:$0x1D200] =	vst v63  }
0x47: {  	_ =	swait.ge [sflag:s17], $0xC80  }
0x48: {  	[sflag:s17] =	ssyncset.done $0x0  }
0x49: {  	s5 =	rddreg [dreg:$0x5];
	[sflag:s17] =	ssyncadd.s32 $0xFFFFF380  }
0x4a: {  	[spmem:s5] =	stream.linear.scatter [tilespmem:s16], [sflag:$0x7], $0xC80, $0x38;
	[tilespmem:$0x1D200] =	vst v63  }
0x4b: {  	_ =	swait.ge [sflag:s17], $0xC80  }
0x4c: {  	[sflag:s17] =	ssyncset.done $0x0  }
0x4d: {  	s6 =	rddreg [dreg:$0x6];
	[sflag:s17] =	ssyncadd.s32 $0xFFFFF380  }
0x4e: {  	[spmem:s6] =	stream.linear.scatter [tilespmem:s16], [sflag:$0x7], $0xC80, $0x38;
	[tilespmem:$0x1D200] =	vst v63  }
0x4f: {  	_ =	swait.ge [sflag:s17], $0xC80  }
0x50: {  	[sflag:s17] =	ssyncset.done $0x0  }
0x51: {  	s2 =	rddreg [dreg:$0x7];
	[sflag:s17] =	ssyncadd.s32 $0xFFFFF380  }
0x52: {  	[spmem:s2] =	stream.linear.scatter [tilespmem:s16], [sflag:$0x7], $0xC80, $0x38;
	[tilespmem:$0x1D200] =	vst v63  }
0x53: {  	_ =	swait.ge [sflag:s17], $0xC80  }
0x54: {  	[sflag:s17] =	ssyncset.done $0x0  }
0x55: {  	s5 =	rddreg [dreg:$0x8];
	[sflag:s17] =	ssyncadd.s32 $0xFFFFF380  }
0x56: {  	[spmem:s5] =	stream.linear.scatter [tilespmem:s16], [sflag:$0x7], $0xC80, $0x38;
	[tilespmem:$0x1D200] =	vst v63  }
0x57: {  	_ =	swait.ge [sflag:s17], $0xC80  }
0x58: {  	[sflag:s17] =	ssyncset.done $0x0  }
0x59: {  	s6 =	rddreg [dreg:$0x12];
	[sflag:s17] =	ssyncadd.s32 $0xFFFFF380  }
0x5a: {  	[spmem:s6] =	stream.linear.scatter [tilespmem:s16], [sflag:$0x7], $0xC80, $0x38;
	[tilespmem:$0x1D200] =	vst v63  }
0x5b: {  	_ =	swait.ge [sflag:s17], $0xC80  }
0x5c: {  	[sflag:s17] =	ssyncset.done $0x0  }
0x5d: {  	s2 =	rddreg [dreg:$0x16];
	[sflag:s17] =	ssyncadd.s32 $0xFFFFF380  }
0x5e: {  	[spmem:s2] =	stream.linear.scatter [tilespmem:s16], [sflag:$0x7], $0xC80, $0x38;
	[tilespmem:$0x1D200] =	vst v63  }
0x5f: {  	_ =	swait.ge [sflag:s17], $0xC80  }
0x60: {  	[sflag:s17] =	ssyncset.done $0x0  }
0x61: {  	s5 =	rddreg [dreg:$0x17];
	[sflag:s17] =	ssyncadd.s32 $0xFFFFF380  }
0x62: {  	[spmem:s5] =	stream.linear.scatter [tilespmem:s16], [sflag:$0x7], $0xC80, $0x38;
	[tilespmem:$0x1D200] =	vst v63  }
0x63: {  	_ =	swait.ge [sflag:s17], $0xC80  }
0x64: {  	[sflag:s17] =	ssyncset.done $0x0  }
0x65: {  	s6 =	rddreg [dreg:$0x18];
	[sflag:s17] =	ssyncadd.s32 $0xFFFFF380  }
0x66: {  	[spmem:s6] =	stream.linear.scatter [tilespmem:s16], [sflag:$0x7], $0xC80, $0x38;
	[tilespmem:$0x1D200] =	vst v63  }
0x67: {  	_ =	swait.ge [sflag:s17], $0xC80  }
0x68: {  	[sflag:s17] =	ssyncset.done $0x0  }
0x69: {  	s2 =	rddreg [dreg:$0x19];
	[sflag:s17] =	ssyncadd.s32 $0xFFFFF380  }
0x6a: {  	[spmem:s2] =	stream.linear.scatter [tilespmem:s16], [sflag:$0x7], $0xC80, $0x38;
	[tilespmem:$0x1D200] =	vst v63  }
0x6b: {  	_ =	swait.ge [sflag:s17], $0xC80  }
0x6c: {  	[sflag:s17] =	ssyncset.done $0x0  }
0x6d: {  	s5 =	rddreg [dreg:$0x1a];
	[sflag:s17] =	ssyncadd.s32 $0xFFFFF380  }
0x6e: {  	[spmem:s5] =	stream.linear.scatter [tilespmem:s16], [sflag:$0x7], $0xC80, $0x38;
	[tilespmem:$0x1D200] =	vst v63  }
0x6f: {  	_ =	swait.ge [sflag:s17], $0xC80  }
0x70: {  	[sflag:s17] =	ssyncset.done $0x0  }
0x71: {  	s6 =	rddreg [dreg:$0x1b];
	[sflag:s17] =	ssyncadd.s32 $0xFFFFF380  }
0x72: {  	[spmem:s6] =	stream.linear.scatter [tilespmem:s16], [sflag:$0x7], $0xC80, $0x38;
	[tilespmem:$0x1D200] =	vst v63  }
0x73: {  	_ =	swait.ge [sflag:s17], $0xC80  }
0x74: {  	[sflag:s17] =	ssyncset.done $0x0  }
0x75: {  	s2 =	rddreg [dreg:$0x1c];
	[sflag:s17] =	ssyncadd.s32 $0xFFFFF380  }
0x76: {  	[spmem:s2] =	stream.linear.scatter [tilespmem:s16], [sflag:$0x7], $0xC80, $0x38;
	[tilespmem:$0x1D200] =	vst v63  }
0x77: {  	_ =	swait.ge [sflag:s17], $0xC80  }
0x78: {  	[sflag:s17] =	ssyncset.done $0x0  }
0x79: {  	s5 =	rddreg [dreg:$0x1d];
	[sflag:s17] =	ssyncadd.s32 $0xFFFFF380  }
0x7a: {  	[spmem:s5] =	stream.linear.scatter [tilespmem:s16], [sflag:$0x7], $0xC80, $0x38;
	[tilespmem:$0x1D200] =	vst v63  }
0x7b: {  	_ =	swait.ge [sflag:s17], $0xC80  }
0x7c: {  	[sflag:s17] =	ssyncset.done $0x0  }
0x7d: {  	s6 =	rddreg [dreg:$0x1e];
	[sflag:s17] =	ssyncadd.s32 $0xFFFFF380  }
0x7e: {  	[spmem:s6] =	stream.linear.scatter [tilespmem:s16], [sflag:$0x7], $0xC80, $0x38;
	[tilespmem:$0x1D200] =	vst v63  }
0x7f: {  	_ =	swait.ge [sflag:s17], $0xC80  }
0x80: {  	[sflag:s17] =	ssyncset.done $0x0  }
0x81: {  	s2 =	rddreg [dreg:$0x1f];
	[sflag:s17] =	ssyncadd.s32 $0xFFFFF380  }
0x82: {  	[spmem:s2] =	stream.linear.scatter [tilespmem:s16], [sflag:$0x7], $0xC80, $0x38;
	[tilespmem:$0x1D200] =	vst v63  }
0x83: {  	_ =	swait.ge [sflag:s17], $0xC80  }
0x84: {  	[sflag:s17] =	ssyncset.done $0x0  }
0x85: {  	[sflag:s17] =	ssyncadd.s32 $0xFFFFF380  }
0x86: {  	[spmem:s8] =	stream.linear.scatter [tilespmem:s16], [sflag:$0x7], $0xC80, $0x38;
	[tilespmem:$0x1D200] =	vst v63  }
0x87: {  	_ =	swait.ge [sflag:s17], $0xC80  }
0x88: {  	[sflag:s17] =	ssyncset.done $0x0  }
0x89: {  	[sflag:s17] =	ssyncadd.s32 $0xFFFFF380  }
0x8a: {  	[spmem:s9] =	stream.linear.scatter [tilespmem:s16], [sflag:$0x7], $0xC80, $0x38;
	[tilespmem:$0x1D200] =	vst v63  }
0x8b: {  	_ =	swait.ge [sflag:s17], $0xC80  }
0x8c: {  	[sflag:s17] =	ssyncset.done $0x0  }
0x8d: {  	[sflag:s17] =	ssyncadd.s32 $0xFFFFF380  }
0x8e: {  	[spmem:s10] =	stream.linear.scatter [tilespmem:s16], [sflag:$0x7], $0xC80, $0x38;
	[tilespmem:$0x1D200] =	vst v63  }
0x8f: {  	_ =	swait.ge [sflag:s17], $0xC80  }
0x90: {  	[sflag:s17] =	ssyncset.done $0x0  }
0x91: {  	[sflag:s17] =	ssyncadd.s32 $0xFFFFF380  }
0x92: {  	[spmem:s12] =	stream.linear.scatter [tilespmem:s16], [sflag:$0x7], $0xC80, $0x38;
	[tilespmem:$0x1D200] =	vst v63  }
0x93: {  	_ =	swait.ge [sflag:s17], $0xC80  }
0x94: {  	[sflag:s17] =	ssyncset.done $0x0  }
0x95: {  	[sflag:s17] =	ssyncadd.s32 $0xFFFFF380  }
0x96: {  	[spmem:s13] =	stream.linear.scatter [tilespmem:s16], [sflag:$0x7], $0xC80, $0x38;
	[tilespmem:$0x1D200] =	vst v63  }
0x97: {  	_ =	swait.ge [sflag:s17], $0xC80  }
0x98: {  	[sflag:s17] =	ssyncset.done $0x0  }
0x99: {  	[sflag:s17] =	ssyncadd.s32 $0xFFFFF380  }
0x9a: {  	[spmem:s11] =	stream.linear.scatter [tilespmem:s16], [sflag:$0x7], $0xC80, $0x38;
	[tilespmem:$0x1D200] =	vst v63  }
0x9b: {  	_ =	swait.ge [sflag:s17], $0xC80  }
0x9c: {  	[sflag:s17] =	ssyncset.done $0x0  }
0x9d: {  	[sflag:s17] =	ssyncadd.s32 $0xFFFFF380  }
0x9e: {  	[spmem:s14] =	stream.linear.scatter [tilespmem:s16], [sflag:$0x7], $0xC80, $0x38;
	[tilespmem:$0x1D200] =	vst v63  }
0x9f: {  	_ =	swait.ge [sflag:s17], $0xC80  }
0xa0: {  	[sflag:s17] =	ssyncset.done $0x0  }
0xa1: {  	[sflag:s17] =	ssyncadd.s32 $0xFFFFF380  }
0xa2: {  	[bflag:$0x0] =	sbarrier.arrive $0xFFFF  }
0xa3: {  	s0 =	simm.s32 $0x0;
	s2 =	rddreg [dreg:$0xd]  }
0xa4: {  	[tilespmem:s0], [sflag:$0x1] =	stream.linear.gather [hbm4b:s2+s0], $0x80, $0x38;
	[tilespmem:$0x1D200] =	vst v63  }
0xa5: {  	_ = 	snop  }
0xa6: {  	[tilespmem:s18], [sflag:$0x3] =	stream.linear.gather [hbm4b:s7+s0], $0x4000, $0x38;
	[tilespmem:$0x1D200] =	vst v63  }
0xa7: {  	s5 =	rddreg [dreg:$0xe]  }
0xa8: {  	[tilespmem:s19], [sflag:$0x2] =	stream.linear.gather [hbm4b:s5+s0], $0x80, $0x38;
	[tilespmem:$0x1D200] =	vst v63  }
0xa9: {  	s6 =	rddreg [dreg:$0xb]  }
0xaa: {  	[tilespmem:s20], [sflag:$0x4] =	stream.linear.gather [hbm4b:s6+s0], $0x4000, $0x38;
	[tilespmem:$0x1D200] =	vst v63  }
0xab: {  	_ =	swait.ge [sflag:s22], $0x80  }
0xac: {  	[sflag:s22] =	ssyncset.done $0x0  }
0xad: {  	[sflag:s22] =	ssyncadd.s32 $0xFFFFFF80  }
0xae: {  	_ =	swait.ge [sflag:s23], $0x4000  }
0xaf: {  	[sflag:s23] =	ssyncset.done $0x0  }
0xb0: {  	[sflag:s23] =	ssyncadd.s32 $0xFFFFC000  }
0xb1: {  	[spmem:s1] =	stream.indirect.scatter.add.f32 [tilespmem:s18], [sflag:$0x5], $0x80, s0, s19, $0xb8;
	[tilespmem:$0x1D200] =	vst v63  }
0xb2: {  	_ =	swait.ge [sflag:s24], $0x4000  }
0xb3: {  	[sflag:s24] =	ssyncset.done $0x0  }
0xb4: {  	s5 =	rddreg [dreg:$0xf];
	[sflag:s24] =	ssyncadd.s32 $0xFFFFC000  }
0xb5: {  	[tilespmem:s0], [sflag:$0x1] =	stream.linear.gather [hbm4b:s5+s0], $0x80, $0x38;
	[tilespmem:$0x1D200] =	vst v63  }
0xb6: {  	s6 =	rddreg [dreg:$0xc]  }
0xb7: {  	[tilespmem:s18], [sflag:$0x3] =	stream.linear.gather [hbm4b:s6+s0], $0x4000, $0x38;
	[tilespmem:$0x1D200] =	vst v63  }
0xb8: {  	_ =	swait.ge [sflag:s25], $0x80  }
0xb9: {  	[sflag:s25] =	ssyncset.done $0x0  }
0xba: {  	[sflag:s25] =	ssyncadd.s32 $0xFFFFFF80  }
0xbb: {  	_ =	swait.ge [sflag:s26], $0x4000  }
0xbc: {  	[sflag:s26] =	ssyncset.done $0x0  }
0xbd: {  	[sflag:s26] =	ssyncadd.s32 $0xFFFFC000  }
0xbe: {  	[spmem:s1] =	stream.indirect.scatter.add.f32 [tilespmem:s20], [sflag:$0x6], $0x80, s19, s19, $0xb8;
	[tilespmem:$0x1D200] =	vst v63  }
0xbf: {  	_ =	swait.ge [sflag:s28], $0x4000  }
0xc0: {  	s0 =	sadd.s32 $0x0, s21;
	[sflag:s28] =	ssyncset.done $0x0  }
0xc1: {  	s5 =	sadd.s32 $0x30, s0;
	[sflag:s28] =	ssyncadd.s32 $0xFFFFC000  }
0xc2: {  	[tilespmem:s19], [sflag:$0x2] =	stream.linear.gather [hbm4b:s5+s3], $0x80, $0x38;
	[tilespmem:$0x1D200] =	vst v63  }
0xc3: {  	s6 =	sadd.s32 $0xFFFFF800, s15  }
0xc4: {  	[tilespmem:s20], [sflag:$0x4] =	stream.linear.gather [hbm4b:s6+s3], $0x4000, $0x38;
	[tilespmem:$0x1D200] =	vst v63  }
0xc5: {  	_ =	swait.ge [sflag:s22], $0x80  }
0xc6: {  	[sflag:s22] =	ssyncset.done $0x0  }
0xc7: {  	[sflag:s22] =	ssyncadd.s32 $0xFFFFFF80  }
0xc8: {  	_ =	swait.ge [sflag:s23], $0x4000  }
0xc9: {  	[sflag:s23] =	ssyncset.done $0x0  }
0xca: {  	[sflag:s23] =	ssyncadd.s32 $0xFFFFC000  }
0xcb: {  	[spmem:s1] =	stream.indirect.scatter.add.f32 [tilespmem:s18], [sflag:$0x5], $0x80, s3, s19, $0xb8;
	[tilespmem:$0x1D200] =	vst v63  }
0xcc: {  	_ =	swait.ge [sflag:s24], $0x4000  }
0xcd: {  	[sflag:s24] =	ssyncset.done $0x0  }
0xce: {  	s0 =	sadd.s32 $0x40, s0;
	[sflag:s24] =	ssyncadd.s32 $0xFFFFC000  }
0xcf: {  	[tilespmem:s3], [sflag:$0x1] =	stream.linear.gather [hbm4b:s0+s3], $0x80, $0x38;
	[tilespmem:$0x1D200] =	vst v63  }
0xd0: {  	_ = 	snop  }
0xd1: {  	[tilespmem:s18], [sflag:$0x3] =	stream.linear.gather [hbm4b:s15+s3], $0x4000, $0x38;
	[tilespmem:$0x1D200] =	vst v63  }
0xd2: {  	_ =	swait.ge [sflag:s25], $0x80  }
0xd3: {  	[sflag:s25] =	ssyncset.done $0x0  }
0xd4: {  	[sflag:s25] =	ssyncadd.s32 $0xFFFFFF80  }
0xd5: {  	_ =	swait.ge [sflag:s26], $0x4000  }
0xd6: {  	[sflag:s26] =	ssyncset.done $0x0  }
0xd7: {  	s2 =	sadd.s32 $0x1000, s15;
	s0 =	simm.s32 $0x20;
	[sflag:s26] =	ssyncadd.s32 $0xFFFFC000  }
.LBB2_4:
0xd8: {  	[spmem:s1] =	stream.indirect.scatter.add.f32 [tilespmem:s20], [sflag:$0x6], $0x80, s19, s19, $0xb8;
	[tilespmem:$0x1D200] =	vst v63  }
0xd9: {  	s5 =	smov.u32 s0  }
0xda: {  	p1 =	sne.s32 s0, $0x480;
	s0 =	sadd.s32 $0x20, s0;
	_ =	swait.ge [sflag:s28], $0x4000  }
0xdb: {  	s5 =	sadd.s32 s5, s21;
	[sflag:s28] =	ssyncset.done $0x0  }
0xdc: {  	s6 =	sadd.s32 $0x30, s5;
	[sflag:s28] =	ssyncadd.s32 $0xFFFFC000  }
0xdd: {  	[tilespmem:s19], [sflag:$0x2] =	stream.linear.gather [hbm4b:s6+s3], $0x80, $0x38;
	[tilespmem:$0x1D200] =	vst v63  }
0xde: {  	s6 =	sadd.s32 $0xFFFFF800, s2  }
0xdf: {  	[tilespmem:s20], [sflag:$0x4] =	stream.linear.gather [hbm4b:s6+s3], $0x4000, $0x38;
	[tilespmem:$0x1D200] =	vst v63  }
0xe0: {  	_ =	swait.ge [sflag:s22], $0x80  }
0xe1: {  	[sflag:s22] =	ssyncset.done $0x0  }
0xe2: {  	[sflag:s22] =	ssyncadd.s32 $0xFFFFFF80  }
0xe3: {  	_ =	swait.ge [sflag:s23], $0x4000  }
0xe4: {  	[sflag:s23] =	ssyncset.done $0x0  }
0xe5: {  	[sflag:s23] =	ssyncadd.s32 $0xFFFFC000  }
0xe6: {  	[spmem:s1] =	stream.indirect.scatter.add.f32 [tilespmem:s18], [sflag:$0x5], $0x80, s3, s19, $0xb8;
	[tilespmem:$0x1D200] =	vst v63  }
0xe7: {  	_ =	swait.ge [sflag:s24], $0x4000  }
0xe8: {  	[sflag:s24] =	ssyncset.done $0x0  }
0xe9: {  	s5 =	sadd.s32 $0x40, s5;
	[sflag:s24] =	ssyncadd.s32 $0xFFFFC000  }
0xea: {  	[tilespmem:s3], [sflag:$0x1] =	stream.linear.gather [hbm4b:s5+s3], $0x80, $0x38;
	[tilespmem:$0x1D200] =	vst v63  }
0xeb: {  	_ = 	snop  }
0xec: {  	[tilespmem:s18], [sflag:$0x3] =	stream.linear.gather [hbm4b:s2+s3], $0x4000, $0x38;
	[tilespmem:$0x1D200] =	vst v63  }
0xed: {  	_ =	swait.ge [sflag:s25], $0x80  }
.Ltmp1:
0xee: {  	[sflag:s25] =	ssyncset.done $0x0;
	(pc) =	sbr.rel @p1 .LBB2_4-.Ltmp1, $4  }
0xef: {  	[sflag:s25] =	ssyncadd.s32 $0xFFFFFF80  }
0xf0: {  	_ =	swait.ge [sflag:s26], $0x4000  }
0xf1: {  	[sflag:s26] =	ssyncset.done $0x0  }
0xf2: {  	s2 =	sadd.s32 $0x1000, s2;
	[sflag:s26] =	ssyncadd.s32 $0xFFFFC000  }
0xf3: {  	[spmem:s1] =	stream.indirect.scatter.add.f32 [tilespmem:s20], [sflag:$0x6], $0x80, s19, s19, $0xb8;
	[tilespmem:$0x1D200] =	vst v63  }
0xf4: {  	_ =	swait.ge [sflag:s28], $0x4000  }
0xf5: {  	[sflag:s28] =	ssyncset.done $0x0  }
0xf6: {  	s0 =	rddreg [dreg:$0x10];
	[sflag:s28] =	ssyncadd.s32 $0xFFFFC000  }
0xf7: {  	[tilespmem:s19], [sflag:$0x2] =	stream.linear.gather [hbm4b:s0+s3], $0x80, $0x38;
	[tilespmem:$0x1D200] =	vst v63  }
0xf8: {  	s5 =	rddreg [dreg:$0x9]  }
0xf9: {  	[tilespmem:s20], [sflag:$0x4] =	stream.linear.gather [hbm4b:s5+s3], $0x4000, $0x38;
	[tilespmem:$0x1D200] =	vst v63  }
0xfa: {  	_ =	swait.ge [sflag:s22], $0x80  }
0xfb: {  	[sflag:s22] =	ssyncset.done $0x0  }
0xfc: {  	[sflag:s22] =	ssyncadd.s32 $0xFFFFFF80  }
0xfd: {  	_ =	swait.ge [sflag:s23], $0x4000  }
0xfe: {  	[sflag:s23] =	ssyncset.done $0x0  }
0xff: {  	[sflag:s23] =	ssyncadd.s32 $0xFFFFC000  }
0x100: {  	[spmem:s1] =	stream.indirect.scatter.add.f32 [tilespmem:s18], [sflag:$0x5], $0x80, s3, s19, $0xb8;
	[tilespmem:$0x1D200] =	vst v63  }
0x101: {  	_ =	swait.ge [sflag:s24], $0x4000  }
0x102: {  	[sflag:s24] =	ssyncset.done $0x0  }
0x103: {  	[sflag:s24] =	ssyncadd.s32 $0xFFFFC000  }
0x104: {  	_ =	swait.ge [sflag:s25], $0x80  }
0x105: {  	[sflag:s25] =	ssyncset.done $0x0  }
0x106: {  	[sflag:s25] =	ssyncadd.s32 $0xFFFFFF80  }
0x107: {  	_ =	swait.ge [sflag:s26], $0x4000  }
0x108: {  	[sflag:s26] =	ssyncset.done $0x0  }
0x109: {  	[sflag:s26] =	ssyncadd.s32 $0xFFFFC000  }
0x10a: {  	[spmem:s1] =	stream.indirect.scatter.add.f32 [tilespmem:s20], [sflag:$0x6], $0x80, s19, s19, $0xb8;
	[tilespmem:$0x1D200] =	vst v63  }
0x10b: {  	_ =	swait.ge [sflag:s28], $0x4000  }
0x10c: {  	[sflag:s28] =	ssyncset.done $0x0  }
0x10d: {  	s6 =	rddreg [dreg:$0x11];
	[sflag:s28] =	ssyncadd.s32 $0xFFFFC000  }
0x10e: {  	[tilespmem:s29], [sflag:$0x7] =	stream.linear.gather [hbm4b:s6+s3], $0x10, $0x38;
	[tilespmem:$0x1D200] =	vst v63  }
0x10f: {  	_ =	swait.ge [sflag:s17], $0x10  }
0x110: {  	[sflag:s17] =	ssyncset.done $0x0  }
0x111: {  	s2 =	rddreg [dreg:$0xa];
	[sflag:s17] =	ssyncadd.s32 $0xFFFFFFF0  }
0x112: {  	[tilespmem:s30], [sflag:$0x7] =	stream.linear.gather [hbm4b:s2+s3], $0x800, $0x38;
	[tilespmem:$0x1D200] =	vst v63  }
0x113: {  	_ =	swait.ge [sflag:s17], $0x800  }
0x114: {  	[sflag:s17] =	ssyncset.done $0x0  }
0x115: {  	s5 =	simm.s32 $0x10;
	[sflag:s17] =	ssyncadd.s32 $0xFFFFF800  }
0x116: {  	[spmem:s1] =	stream.indirect.scatter.add.f32 [tilespmem:s30], [sflag:$0x7], $0x80, s29, s5, $0xb8;
	[tilespmem:$0x1D200] =	vst v63  }
0x117: {  	_ =	swait.ge [sflag:s17], $0x800  }
0x118: {  	[sflag:s17] =	ssyncset.done $0x0  }
0x119: {  	[sflag:s17] =	ssyncadd.s32 $0xFFFFF800  }
0x11a: {  	s0 =	stileid.u32;
	[bflag:$0x0] =	sbarrier.arrive $0xFFFF  }
0x11b: {  	s0 =	sshll.u32 @!p0 s0, $0x6;
	s2 =	rddreg [dreg:$0x13]  }
0x11c: {  	s0 =	sor.u32 @!p0 $0x1C07, s0;
	s5 =	rddreg [dreg:$0x15]  }
0x11d: {  	[hbm:s2], [sflag:s0] =	dma.local @!p0 [spmem:s5], $0x3E80  }
0x11e: {  	s0 =	simm.s32 @!p0 $0x7  }
0x11f: {  	_ =	swait.ge @!p0 [sflag:s0], $0x3E80  }
0x120: {  	s31 =	sadd.s32 $0x1, s31;
	s6 =	rddreg [dreg:$0x14]  }
0x121: {  	p1 =	sne.s32 s31, s6  }
.Ltmp2:
0x122: {  	_ = 	snop;
	(pc) =	sbr.rel @p1 .LBB2_1-.Ltmp2, $3  }
0x123: {  	_ =	sdelay $0x1  }
0x124: {  	[sflag:s0] =	ssyncset.done @!p0 $0x0  }
0x125: {  	[sflag:s0] =	ssyncadd.s32 @!p0 $0xFFFFC180  }
0x126: {  	_ =	sfence.sel $0x180000  }
0x127: {  	[bflag:$0x0] =	sbarrier.arrive $0xFFFF  }
0x128: {  	_ =	strace $0x90000050  }
0x129: {  	s0 =	stileid.u32;
	[bflag:$0x2] =	sbarrier.arrive $0xFFFF  }
0x12a: {  	p0 =	sne.s32 s0, $0x0;
	s0 =	rddreg [dreg:$0x2]  }
0x12b: {  	s0 =	sadd.s32 @!p0 $0x100000, s0  }
0x12c: {  	[sflag:s0] =	ssyncadd.tile.s32 @!p0 $0x1;
	_ =	shalt  }
.Lfunc_end2:
_tile_overlayer_lowered:
.L_overlay_start_2:
0x12d: {  	(tag) =	ssettag $0x2  }
0x12e: {  	s0 =	rddreg [dreg:$0x0];
	s2 =	stileid.u32  }
0x12f: {  	s1 =	rddreg [dreg:$0x1];
	p0 =	sne.s32 s2, $0x0  }
0x130: {  	s3 =	rddreg [dreg:$0x2];
	[bflag:$0x3] =	sbarrier.arrive $0xFFFF;
	s2 =	simm.s32 @!p0 $0x1C07  }
0x131: {  	[timem:s3], [sflag:s2] =	dma.local @!p0 [hbm:s0], s1  }
0x132: {  	s0 =	simm.s32 @!p0 $0x7  }
0x133: {  	_ =	swait.ge @!p0 [sflag:s0], s1  }
0x134: {  	s1 =	ssub.s32 @!p0 $0x0, s1;
	[sflag:s0] =	ssyncset.done @!p0 $0x0  }
0x135: {  	[sflag:s0] =	ssyncadd.s32 @!p0 s1  }
0x136: {  	[bflag:$0x3] =	sbarrier.arrive $0xFFFF  }
0x137: {  	_ =	shalt  }

</sc_bundles>
